<compile_context>
chip_gen: v7x
topology: tpu7x:2x2x1
jax: 0.10.2.dev20260603
libtpu: 0.0.44.dev20260713+nightly
codegen_flags: <defaults>
</compile_context>

<pallas_src>
import functools

import jax
import jax.numpy as jnp
from jax import lax
from jax.experimental import pallas as pl
from jax.experimental.pallas import tpu as pltpu
from jax.experimental.pallas import tpu_sc as plsc

N = 64
L = 16
NV = N // L
NW = 16
RB = 4
PROW = 80
INF = float("inf")

_mesh = plsc.VectorSubcoreMesh(
    core_axis_name="c", subcore_axis_name="s", num_cores=1
)


@functools.partial(
    pl.kernel,
    out_type=[
        jax.ShapeDtypeStruct((L,), jnp.float32),
        jax.ShapeDtypeStruct((N * N,), jnp.float32),
    ],
    mesh=_mesh,
    compiler_params=pltpu.CompilerParams(needs_layout_passes=False),
    scratch_types=[
        pltpu.VMEM((N * N,), jnp.float32),
        pltpu.VMEM((5 * N,), jnp.float32),
        pltpu.VMEM((L,), jnp.float32),
    ],
)
def _sdtw_sc(d_hbm, cost_hbm, grad_hbm, dmat, growflat, cbuf):
    wid = lax.axis_index("s")
    iota = lax.iota(jnp.int32, L)
    jv = [iota + (L * c) for c in range(NV)]
    lanem1 = jnp.maximum(iota - 1, 0)
    lane15 = jnp.full((L,), L - 1, jnp.int32)
    is0 = iota == 0
    inf_vec = jnp.full((L,), INF, jnp.float32)
    zero_vec = jnp.zeros((L,), jnp.float32)

    pltpu.sync_copy(d_hbm, dmat)

    lanep1 = jnp.minimum(iota + 1, L - 1)
    lane0 = jnp.zeros((L,), jnp.int32)
    is15 = iota == L - 1

    def grad_rows(r0, nrows, last):
        t = [[None] * NV for _ in range(nrows + 1)]
        for r in range(nrows + 1):
            for c in range(NV):
                if last and r == nrows:
                    t[r][c] = None
                else:
                    g = plsc.load_gather(dmat, [jv[c] + (r0 + r) * N])
                    t[r][c] = jnp.exp(-g)
        dl = [
            [zero_vec if v is None else jnp.exp(-v) for v in row] for row in t
        ]
        sh = []
        for r in range(nrows + 1):
            shr = []
            for c in range(NV):
                s = jnp.take_along_axis(dl[r][c], lanep1, axis=0)
                nxt = (
                    jnp.take_along_axis(dl[r][c + 1], lane0, axis=0)
                    if c + 1 < NV
                    else zero_vec
                )
                shr.append(jnp.where(is15, nxt, s))
            sh.append(shr)
        for r in range(nrows):
            for c in range(NV):
                growflat[pl.ds(r * N + c * L, L)] = (
                    sh[r][c] + dl[r + 1][c] + sh[r + 1][c] - dl[r][c]
                )
        pltpu.sync_copy(
            growflat.at[pl.ds(0, nrows * N)],
            grad_hbm.at[pl.ds(r0 * N, nrows * N)],
        )

    @pl.when(wid >= 1)
    def _grad_main():
        grad_rows((wid - 1) * RB, RB, last=False)

    @pl.when((wid >= 1) & (wid <= 3))
    def _grad_tail_a():
        grad_rows(N - RB + wid - 1, 1, last=False)

    @pl.when(wid == 4)
    def _grad_tail_b():
        grad_rows(N - 1, 1, last=True)

    @pl.when(wid == 0)
    def _dp():
        def shift1(vs, first_lane0):
            out = []
            carry = first_lane0
            for c in range(NV):
                sh = jnp.take_along_axis(vs[c], lanem1, axis=0)
                out.append(jnp.where(is0, carry, sh))
                carry = jnp.take_along_axis(vs[c], lane15, axis=0)
            return out

        def d2_diag(d):
            out = []
            for c in range(NV):
                row = d - jv[c]
                fidx = jnp.clip(row * N + jv[c], 0, N * N - 1)
                g = plsc.load_gather(dmat, [fidx])
                valid = (row >= 0) & (row <= N - 1)
                out.append(jnp.where(valid, jnp.exp(-g), INF))
            return out

        def dp_step_dv(prev, prev2, dv, seed0):
            ps = shift1(prev, seed0)
            p2 = shift1(prev2, inf_vec)
            return [
                jnp.minimum(jnp.minimum(prev[c], ps[c]), p2[c]) + dv[c]
                for c in range(NV)
            ]

        def dp_step(d, prev, prev2, seed0):
            return dp_step_dv(prev, prev2, d2_diag(d), seed0)

        infs = [inf_vec] * NV
        prev = dp_step(jnp.int32(0), infs, infs, jnp.where(is0, 0.0, INF))
        prev2 = infs
        cur = dp_step(jnp.int32(1), prev, prev2, inf_vec)
        prev, prev2 = dp_step(jnp.int32(2), cur, prev, inf_vec), cur

        def body(t, carry):
            p = list(carry[:NV])
            q = list(carry[NV:])
            d0 = 4 * t + 3
            dvs = [d2_diag(d0 + k) for k in range(4)]
            for k in range(4):
                p, q = dp_step_dv(p, q, dvs[k], inf_vec), p
            return tuple(p) + tuple(q)

        fin = lax.fori_loop(0, (2 * N - 2 - 2) // 4, body, tuple(prev) + tuple(prev2))
        cbuf[pl.ds(0, L)] = fin[NV - 1]
        pltpu.sync_copy(cbuf, cost_hbm)


def kernel(D):
    cost16, grad = _sdtw_sc(D.reshape(N * N))
    return cost16[L - 1], grad.reshape(N, N)

# --- scband reference (transcript-rebuilt; emitter-appended) ---
"""Pipeline reference for scband-soft-dtw-22127671509409 (READ-ONLY COPY).

The authoritative reference and input builder live on the scoring server;
editing this copy changes nothing except your own understanding.
"""

import jax, jax.numpy as jnp
import numpy as np

GAMMA = 1.0
N, M = 64, 64


def setup_inputs(seed: int = 0) -> dict:
    key = jax.random.key(seed)
    D = jax.random.normal(key, (N, M), dtype=jnp.float32)
    return {"D": D}


def _soft_dtw(D, gamma):
    n, m = D.shape
    # Torch code reassigns D = exp(-D / gamma) and then uses it everywhere below.
    D2 = jnp.exp(-D / gamma)
    acc_cost0 = jnp.zeros((n, m), dtype=jnp.float32)
    acc_grad0 = jnp.zeros((n, m), dtype=jnp.float32)

    def body(carry, k):
        acc_cost, acc_grad = carry
        i = k // m
        j = k % m
        im1 = jnp.maximum(i - 1, 0)
        jm1 = jnp.maximum(j - 1, 0)
        Dij = D2[i, j]
        up = acc_cost[im1, j]
        left = acc_cost[i, jm1]
        diag = acc_cost[im1, jm1]
        both = jnp.logical_and(i > 0, j > 0)
        min_val = jnp.minimum(jnp.minimum(up, left), diag)
        val = jnp.where(
            both,
            min_val + Dij,
            jnp.where(i > 0, up + Dij, jnp.where(j > 0, left + Dij, Dij)),
        )
        acc_cost = acc_cost.at[i, j].set(val)
        # Faithful to torch: d = exp(-D[i, j] / gamma) on the ALREADY exponentiated D.
        d = jnp.exp(-Dij / gamma)
        delta = (acc_grad[i, j] + d) / gamma
        acc_grad = acc_grad.at[im1, jm1].add(jnp.where(both, delta, 0.0))
        acc_grad = acc_grad.at[im1, j].add(jnp.where(i > 0, delta, 0.0))
        acc_grad = acc_grad.at[i, jm1].add(jnp.where(j > 0, delta, 0.0))
        acc_grad = acc_grad.at[i, j].add(-delta)
        return (acc_cost, acc_grad), None

    (acc_cost, acc_grad), _ = jax.lax.scan(body, (acc_cost0, acc_grad0), jnp.arange(n * m))
    return acc_cost[n - 1, m - 1], acc_grad


def reference(D):
    return _soft_dtw(D, GAMMA)

if __name__ == "__main__":
    import jax
    _d = setup_inputs()
    print(jax.jit(kernel)(*tuple(_d.values())))

</pallas_src>

<mosaic_0001>
#map = affine_map<(d0, d1) -> (0)>
module attributes {stable_mosaic.version = 14 : i64} {
  func.func @_sdtw_sc(%arg0: i32, %arg1: i32, %arg2: memref<4096xf32, #tpu.memory_space<hbm>>, %arg3: memref<16xf32, #tpu.memory_space<hbm>>, %arg4: memref<4096xf32, #tpu.memory_space<hbm>>, %arg5: memref<4096xf32, #tpu.memory_space<vmem>>, %arg6: memref<320xf32, #tpu.memory_space<vmem>>, %arg7: memref<16xf32, #tpu.memory_space<vmem>>) attributes {dimension_semantics = [#tpu.dimension_semantics<core_parallel>, #tpu.dimension_semantics<subcore_parallel>], iteration_bounds = array<i64: 1, 16>, scalar_prefetch = 0 : i64, scratch_operands = 3 : i64, tpu.core_type = #tpu.core_type<sc_vector_subcore>, window_params = [{transform_indices = #map}, {transform_indices = #map}, {transform_indices = #map}]} {
    %iota3A = tpu.iota {dimensions = array<i32: 0>} : vector<16xi32>
    %add3A = arith.constant 0 : i32
    %add3A_0 = vector.broadcast %add3A : i32 to vector<16xi32>
    %add3A_1 = arith.addi %iota3A, %add3A_0 : vector<16xi32>
    %add3A_2 = arith.constant 16 : i32
    %add3A_3 = vector.broadcast %add3A_2 : i32 to vector<16xi32>
    %add3A_4 = arith.addi %iota3A, %add3A_3 : vector<16xi32>
    %add3A_5 = arith.constant 32 : i32
    %add3A_6 = vector.broadcast %add3A_5 : i32 to vector<16xi32>
    %add3A_7 = arith.addi %iota3A, %add3A_6 : vector<16xi32>
    %add3A_8 = arith.constant 48 : i32
    %add3A_9 = vector.broadcast %add3A_8 : i32 to vector<16xi32>
    %add3A_10 = arith.addi %iota3A, %add3A_9 : vector<16xi32>
    %sub3A = arith.constant 1 : i32
    %sub3A_11 = vector.broadcast %sub3A : i32 to vector<16xi32>
    %sub3A_12 = arith.subi %iota3A, %sub3A_11 : vector<16xi32>
    %max3A = arith.constant 0 : i32
    %max3A_13 = vector.broadcast %max3A : i32 to vector<16xi32>
    %max3A_14 = arith.maxsi %sub3A_12, %max3A_13 : vector<16xi32>
    %broadcast_in_dim3A = arith.constant 15 : i32
    %broadcast_in_dim3A_15 = vector.broadcast %broadcast_in_dim3A : i32 to vector<16xi32>
    %eq3A = arith.constant 0 : i32
    %eq3A_16 = vector.broadcast %eq3A : i32 to vector<16xi32>
    %eq3A_17 = arith.cmpi eq, %iota3A, %eq3A_16 : vector<16xi32>
    %broadcast_in_dim3A_18 = arith.constant 0x7F800000 : f32
    %broadcast_in_dim3A_19 = vector.broadcast %broadcast_in_dim3A_18 : f32 to vector<16xf32>
    %broadcast_in_dim3A_20 = arith.constant 0.000000e+00 : f32
    %broadcast_in_dim3A_21 = vector.broadcast %broadcast_in_dim3A_20 : f32 to vector<16xf32>
    "tpu.region"() ({
      %run_scoped3A = tpu.sem_alloc : memref<!tpu.dma_semaphore, #tpu.memory_space<semaphore_mem>>
      tpu.enqueue_dma source(%arg2 : memref<4096xf32, #tpu.memory_space<hbm>>) target(%arg5 : memref<4096xf32, #tpu.memory_space<vmem>>) target_semaphore(%run_scoped3A : memref<!tpu.dma_semaphore, #tpu.memory_space<semaphore_mem>>)
      tpu.wait_dma2 semaphore(%run_scoped3A : memref<!tpu.dma_semaphore, #tpu.memory_space<semaphore_mem>>) src(%arg2 : memref<4096xf32, #tpu.memory_space<hbm>>) dst(%arg5 : memref<4096xf32, #tpu.memory_space<vmem>>)
      tpu.yield
    }) : () -> ()
    %add3A_22 = arith.constant 1 : i32
    %add3A_23 = vector.broadcast %add3A_22 : i32 to vector<16xi32>
    %add3A_24 = arith.addi %iota3A, %add3A_23 : vector<16xi32>
    %min3A = arith.constant 15 : i32
    %min3A_25 = vector.broadcast %min3A : i32 to vector<16xi32>
    %min3A_26 = arith.minsi %add3A_24, %min3A_25 : vector<16xi32>
    %broadcast_in_dim3A_27 = arith.constant 0 : i32
    %broadcast_in_dim3A_28 = vector.broadcast %broadcast_in_dim3A_27 : i32 to vector<16xi32>
    %eq3A_29 = arith.constant 15 : i32
    %eq3A_30 = vector.broadcast %eq3A_29 : i32 to vector<16xi32>
    %eq3A_31 = arith.cmpi eq, %iota3A, %eq3A_30 : vector<16xi32>
    %ge3A = arith.constant 1 : i32
    %ge3A_32 = arith.cmpi sge, %arg1, %ge3A : i32
    %convert_element_type3A = arith.extui %ge3A_32 : i1 to i32
    %cond3A = arith.constant 0 : i32
    %cond3A_33 = arith.cmpi ne, %convert_element_type3A, %cond3A : i32
    scf.if %cond3A_33 {
      %sub3A_50 = arith.constant 1 : i32
      %sub3A_51 = arith.subi %arg1, %sub3A_50 : i32
      %mul3A = arith.constant 4 : i32
      %mul3A_52 = arith.muli %sub3A_51, %mul3A : i32
      %add3A_53 = arith.constant 0 : i32
      %add3A_54 = arith.addi %mul3A_52, %add3A_53 : i32
      %mul3A_55 = arith.constant 64 : i32
      %mul3A_56 = arith.muli %add3A_54, %mul3A_55 : i32
      %add3A_57 = vector.broadcast %mul3A_56 : i32 to vector<16xi32>
      %add3A_58 = arith.addi %add3A_1, %add3A_57 : vector<16xi32>
      %gather3A = tpu.vector_load_idx %arg5[%add3A_58] : memref<4096xf32, #tpu.memory_space<vmem>>[vector<16xi32>], vector<16xf32>,
      %neg3A = arith.constant 0.000000e+00 : f32
      %neg3A_59 = vector.broadcast %neg3A : f32 to vector<16xf32>
      %neg3A_60 = arith.subf %neg3A_59, %gather3A : vector<16xf32>
      %exp3A = math.exp %neg3A_60 : vector<16xf32>
      %add3A_61 = arith.constant 0 : i32
      %add3A_62 = arith.addi %mul3A_52, %add3A_61 : i32
      %mul3A_63 = arith.constant 64 : i32
      %mul3A_64 = arith.muli %add3A_62, %mul3A_63 : i32
      %add3A_65 = vector.broadcast %mul3A_64 : i32 to vector<16xi32>
      %add3A_66 = arith.addi %add3A_4, %add3A_65 : vector<16xi32>
      %gather3A_67 = tpu.vector_load_idx %arg5[%add3A_66] : memref<4096xf32, #tpu.memory_space<vmem>>[vector<16xi32>], vector<16xf32>,
      %neg3A_68 = arith.constant 0.000000e+00 : f32
      %neg3A_69 = vector.broadcast %neg3A_68 : f32 to vector<16xf32>
      %neg3A_70 = arith.subf %neg3A_69, %gather3A_67 : vector<16xf32>
      %exp3A_71 = math.exp %neg3A_70 : vector<16xf32>
      %add3A_72 = arith.constant 0 : i32
      %add3A_73 = arith.addi %mul3A_52, %add3A_72 : i32
      %mul3A_74 = arith.constant 64 : i32
      %mul3A_75 = arith.muli %add3A_73, %mul3A_74 : i32
      %add3A_76 = vector.broadcast %mul3A_75 : i32 to vector<16xi32>
      %add3A_77 = arith.addi %add3A_7, %add3A_76 : vector<16xi32>
      %gather3A_78 = tpu.vector_load_idx %arg5[%add3A_77] : memref<4096xf32, #tpu.memory_space<vmem>>[vector<16xi32>], vector<16xf32>,
      %neg3A_79 = arith.constant 0.000000e+00 : f32
      %neg3A_80 = vector.broadcast %neg3A_79 : f32 to vector<16xf32>
      %neg3A_81 = arith.subf %neg3A_80, %gather3A_78 : vector<16xf32>
      %exp3A_82 = math.exp %neg3A_81 : vector<16xf32>
      %add3A_83 = arith.constant 0 : i32
      %add3A_84 = arith.addi %mul3A_52, %add3A_83 : i32
      %mul3A_85 = arith.constant 64 : i32
      %mul3A_86 = arith.muli %add3A_84, %mul3A_85 : i32
      %add3A_87 = vector.broadcast %mul3A_86 : i32 to vector<16xi32>
      %add3A_88 = arith.addi %add3A_10, %add3A_87 : vector<16xi32>
      %gather3A_89 = tpu.vector_load_idx %arg5[%add3A_88] : memref<4096xf32, #tpu.memory_space<vmem>>[vector<16xi32>], vector<16xf32>,
      %neg3A_90 = arith.constant 0.000000e+00 : f32
      %neg3A_91 = vector.broadcast %neg3A_90 : f32 to vector<16xf32>
      %neg3A_92 = arith.subf %neg3A_91, %gather3A_89 : vector<16xf32>
      %exp3A_93 = math.exp %neg3A_92 : vector<16xf32>
      %add3A_94 = arith.constant 1 : i32
      %add3A_95 = arith.addi %mul3A_52, %add3A_94 : i32
      %mul3A_96 = arith.constant 64 : i32
      %mul3A_97 = arith.muli %add3A_95, %mul3A_96 : i32
      %add3A_98 = vector.broadcast %mul3A_97 : i32 to vector<16xi32>
      %add3A_99 = arith.addi %add3A_1, %add3A_98 : vector<16xi32>
      %gather3A_100 = tpu.vector_load_idx %arg5[%add3A_99] : memref<4096xf32, #tpu.memory_space<vmem>>[vector<16xi32>], vector<16xf32>,
      %neg3A_101 = arith.constant 0.000000e+00 : f32
      %neg3A_102 = vector.broadcast %neg3A_101 : f32 to vector<16xf32>
      %neg3A_103 = arith.subf %neg3A_102, %gather3A_100 : vector<16xf32>
      %exp3A_104 = math.exp %neg3A_103 : vector<16xf32>
      %add3A_105 = arith.constant 1 : i32
      %add3A_106 = arith.addi %mul3A_52, %add3A_105 : i32
      %mul3A_107 = arith.constant 64 : i32
      %mul3A_108 = arith.muli %add3A_106, %mul3A_107 : i32
      %add3A_109 = vector.broadcast %mul3A_108 : i32 to vector<16xi32>
      %add3A_110 = arith.addi %add3A_4, %add3A_109 : vector<16xi32>
      %gather3A_111 = tpu.vector_load_idx %arg5[%add3A_110] : memref<4096xf32, #tpu.memory_space<vmem>>[vector<16xi32>], vector<16xf32>,
      %neg3A_112 = arith.constant 0.000000e+00 : f32
      %neg3A_113 = vector.broadcast %neg3A_112 : f32 to vector<16xf32>
      %neg3A_114 = arith.subf %neg3A_113, %gather3A_111 : vector<16xf32>
      %exp3A_115 = math.exp %neg3A_114 : vector<16xf32>
      %add3A_116 = arith.constant 1 : i32
      %add3A_117 = arith.addi %mul3A_52, %add3A_116 : i32
      %mul3A_118 = arith.constant 64 : i32
      %mul3A_119 = arith.muli %add3A_117, %mul3A_118 : i32
      %add3A_120 = vector.broadcast %mul3A_119 : i32 to vector<16xi32>
      %add3A_121 = arith.addi %add3A_7, %add3A_120 : vector<16xi32>
      %gather3A_122 = tpu.vector_load_idx %arg5[%add3A_121] : memref<4096xf32, #tpu.memory_space<vmem>>[vector<16xi32>], vector<16xf32>,
      %neg3A_123 = arith.constant 0.000000e+00 : f32
      %neg3A_124 = vector.broadcast %neg3A_123 : f32 to vector<16xf32>
      %neg3A_125 = arith.subf %neg3A_124, %gather3A_122 : vector<16xf32>
      %exp3A_126 = math.exp %neg3A_125 : vector<16xf32>
      %add3A_127 = arith.constant 1 : i32
      %add3A_128 = arith.addi %mul3A_52, %add3A_127 : i32
      %mul3A_129 = arith.constant 64 : i32
      %mul3A_130 = arith.muli %add3A_128, %mul3A_129 : i32
      %add3A_131 = vector.broadcast %mul3A_130 : i32 to vector<16xi32>
      %add3A_132 = arith.addi %add3A_10, %add3A_131 : vector<16xi32>
      %gather3A_133 = tpu.vector_load_idx %arg5[%add3A_132] : memref<4096xf32, #tpu.memory_space<vmem>>[vector<16xi32>], vector<16xf32>,
      %neg3A_134 = arith.constant 0.000000e+00 : f32
      %neg3A_135 = vector.broadcast %neg3A_134 : f32 to vector<16xf32>
      %neg3A_136 = arith.subf %neg3A_135, %gather3A_133 : vector<16xf32>
      %exp3A_137 = math.exp %neg3A_136 : vector<16xf32>
      %add3A_138 = arith.constant 2 : i32
      %add3A_139 = arith.addi %mul3A_52, %add3A_138 : i32
      %mul3A_140 = arith.constant 64 : i32
      %mul3A_141 = arith.muli %add3A_139, %mul3A_140 : i32
      %add3A_142 = vector.broadcast %mul3A_141 : i32 to vector<16xi32>
      %add3A_143 = arith.addi %add3A_1, %add3A_142 : vector<16xi32>
      %gather3A_144 = tpu.vector_load_idx %arg5[%add3A_143] : memref<4096xf32, #tpu.memory_space<vmem>>[vector<16xi32>], vector<16xf32>,
      %neg3A_145 = arith.constant 0.000000e+00 : f32
      %neg3A_146 = vector.broadcast %neg3A_145 : f32 to vector<16xf32>
      %neg3A_147 = arith.subf %neg3A_146, %gather3A_144 : vector<16xf32>
      %exp3A_148 = math.exp %neg3A_147 : vector<16xf32>
      %add3A_149 = arith.constant 2 : i32
      %add3A_150 = arith.addi %mul3A_52, %add3A_149 : i32
      %mul3A_151 = arith.constant 64 : i32
      %mul3A_152 = arith.muli %add3A_150, %mul3A_151 : i32
      %add3A_153 = vector.broadcast %mul3A_152 : i32 to vector<16xi32>
      %add3A_154 = arith.addi %add3A_4, %add3A_153 : vector<16xi32>
      %gather3A_155 = tpu.vector_load_idx %arg5[%add3A_154] : memref<4096xf32, #tpu.memory_space<vmem>>[vector<16xi32>], vector<16xf32>,
      %neg3A_156 = arith.constant 0.000000e+00 : f32
      %neg3A_157 = vector.broadcast %neg3A_156 : f32 to vector<16xf32>
      %neg3A_158 = arith.subf %neg3A_157, %gather3A_155 : vector<16xf32>
      %exp3A_159 = math.exp %neg3A_158 : vector<16xf32>
      %add3A_160 = arith.constant 2 : i32
      %add3A_161 = arith.addi %mul3A_52, %add3A_160 : i32
      %mul3A_162 = arith.constant 64 : i32
      %mul3A_163 = arith.muli %add3A_161, %mul3A_162 : i32
      %add3A_164 = vector.broadcast %mul3A_163 : i32 to vector<16xi32>
      %add3A_165 = arith.addi %add3A_7, %add3A_164 : vector<16xi32>
      %gather3A_166 = tpu.vector_load_idx %arg5[%add3A_165] : memref<4096xf32, #tpu.memory_space<vmem>>[vector<16xi32>], vector<16xf32>,
      %neg3A_167 = arith.constant 0.000000e+00 : f32
      %neg3A_168 = vector.broadcast %neg3A_167 : f32 to vector<16xf32>
      %neg3A_169 = arith.subf %neg3A_168, %gather3A_166 : vector<16xf32>
      %exp3A_170 = math.exp %neg3A_169 : vector<16xf32>
      %add3A_171 = arith.constant 2 : i32
      %add3A_172 = arith.addi %mul3A_52, %add3A_171 : i32
      %mul3A_173 = arith.constant 64 : i32
      %mul3A_174 = arith.muli %add3A_172, %mul3A_173 : i32
      %add3A_175 = vector.broadcast %mul3A_174 : i32 to vector<16xi32>
      %add3A_176 = arith.addi %add3A_10, %add3A_175 : vector<16xi32>
      %gather3A_177 = tpu.vector_load_idx %arg5[%add3A_176] : memref<4096xf32, #tpu.memory_space<vmem>>[vector<16xi32>], vector<16xf32>,
      %neg3A_178 = arith.constant 0.000000e+00 : f32
      %neg3A_179 = vector.broadcast %neg3A_178 : f32 to vector<16xf32>
      %neg3A_180 = arith.subf %neg3A_179, %gather3A_177 : vector<16xf32>
      %exp3A_181 = math.exp %neg3A_180 : vector<16xf32>
      %add3A_182 = arith.constant 3 : i32
      %add3A_183 = arith.addi %mul3A_52, %add3A_182 : i32
      %mul3A_184 = arith.constant 64 : i32
      %mul3A_185 = arith.muli %add3A_183, %mul3A_184 : i32
      %add3A_186 = vector.broadcast %mul3A_185 : i32 to vector<16xi32>
      %add3A_187 = arith.addi %add3A_1, %add3A_186 : vector<16xi32>
      %gather3A_188 = tpu.vector_load_idx %arg5[%add3A_187] : memref<4096xf32, #tpu.memory_space<vmem>>[vector<16xi32>], vector<16xf32>,
      %neg3A_189 = arith.constant 0.000000e+00 : f32
      %neg3A_190 = vector.broadcast %neg3A_189 : f32 to vector<16xf32>
      %neg3A_191 = arith.subf %neg3A_190, %gather3A_188 : vector<16xf32>
      %exp3A_192 = math.exp %neg3A_191 : vector<16xf32>
      %add3A_193 = arith.constant 3 : i32
      %add3A_194 = arith.addi %mul3A_52, %add3A_193 : i32
      %mul3A_195 = arith.constant 64 : i32
      %mul3A_196 = arith.muli %add3A_194, %mul3A_195 : i32
      %add3A_197 = vector.broadcast %mul3A_196 : i32 to vector<16xi32>
      %add3A_198 = arith.addi %add3A_4, %add3A_197 : vector<16xi32>
      %gather3A_199 = tpu.vector_load_idx %arg5[%add3A_198] : memref<4096xf32, #tpu.memory_space<vmem>>[vector<16xi32>], vector<16xf32>,
      %neg3A_200 = arith.constant 0.000000e+00 : f32
      %neg3A_201 = vector.broadcast %neg3A_200 : f32 to vector<16xf32>
      %neg3A_202 = arith.subf %neg3A_201, %gather3A_199 : vector<16xf32>
      %exp3A_203 = math.exp %neg3A_202 : vector<16xf32>
      %add3A_204 = arith.constant 3 : i32
      %add3A_205 = arith.addi %mul3A_52, %add3A_204 : i32
      %mul3A_206 = arith.constant 64 : i32
      %mul3A_207 = arith.muli %add3A_205, %mul3A_206 : i32
      %add3A_208 = vector.broadcast %mul3A_207 : i32 to vector<16xi32>
      %add3A_209 = arith.addi %add3A_7, %add3A_208 : vector<16xi32>
      %gather3A_210 = tpu.vector_load_idx %arg5[%add3A_209] : memref<4096xf32, #tpu.memory_space<vmem>>[vector<16xi32>], vector<16xf32>,
      %neg3A_211 = arith.constant 0.000000e+00 : f32
      %neg3A_212 = vector.broadcast %neg3A_211 : f32 to vector<16xf32>
      %neg3A_213 = arith.subf %neg3A_212, %gather3A_210 : vector<16xf32>
      %exp3A_214 = math.exp %neg3A_213 : vector<16xf32>
      %add3A_215 = arith.constant 3 : i32
      %add3A_216 = arith.addi %mul3A_52, %add3A_215 : i32
      %mul3A_217 = arith.constant 64 : i32
      %mul3A_218 = arith.muli %add3A_216, %mul3A_217 : i32
      %add3A_219 = vector.broadcast %mul3A_218 : i32 to vector<16xi32>
      %add3A_220 = arith.addi %add3A_10, %add3A_219 : vector<16xi32>
      %gather3A_221 = tpu.vector_load_idx %arg5[%add3A_220] : memref<4096xf32, #tpu.memory_space<vmem>>[vector<16xi32>], vector<16xf32>,
      %neg3A_222 = arith.constant 0.000000e+00 : f32
      %neg3A_223 = vector.broadcast %neg3A_222 : f32 to vector<16xf32>
      %neg3A_224 = arith.subf %neg3A_223, %gather3A_221 : vector<16xf32>
      %exp3A_225 = math.exp %neg3A_224 : vector<16xf32>
      %add3A_226 = arith.constant 4 : i32
      %add3A_227 = arith.addi %mul3A_52, %add3A_226 : i32
      %mul3A_228 = arith.constant 64 : i32
      %mul3A_229 = arith.muli %add3A_227, %mul3A_228 : i32
      %add3A_230 = vector.broadcast %mul3A_229 : i32 to vector<16xi32>
      %add3A_231 = arith.addi %add3A_1, %add3A_230 : vector<16xi32>
      %gather3A_232 = tpu.vector_load_idx %arg5[%add3A_231] : memref<4096xf32, #tpu.memory_space<vmem>>[vector<16xi32>], vector<16xf32>,
      %neg3A_233 = arith.constant 0.000000e+00 : f32
      %neg3A_234 = vector.broadcast %neg3A_233 : f32 to vector<16xf32>
      %neg3A_235 = arith.subf %neg3A_234, %gather3A_232 : vector<16xf32>
      %exp3A_236 = math.exp %neg3A_235 : vector<16xf32>
      %add3A_237 = arith.constant 4 : i32
      %add3A_238 = arith.addi %mul3A_52, %add3A_237 : i32
      %mul3A_239 = arith.constant 64 : i32
      %mul3A_240 = arith.muli %add3A_238, %mul3A_239 : i32
      %add3A_241 = vector.broadcast %mul3A_240 : i32 to vector<16xi32>
      %add3A_242 = arith.addi %add3A_4, %add3A_241 : vector<16xi32>
      %gather3A_243 = tpu.vector_load_idx %arg5[%add3A_242] : memref<4096xf32, #tpu.memory_space<vmem>>[vector<16xi32>], vector<16xf32>,
      %neg3A_244 = arith.constant 0.000000e+00 : f32
      %neg3A_245 = vector.broadcast %neg3A_244 : f32 to vector<16xf32>
      %neg3A_246 = arith.subf %neg3A_245, %gather3A_243 : vector<16xf32>
      %exp3A_247 = math.exp %neg3A_246 : vector<16xf32>
      %add3A_248 = arith.constant 4 : i32
      %add3A_249 = arith.addi %mul3A_52, %add3A_248 : i32
      %mul3A_250 = arith.constant 64 : i32
      %mul3A_251 = arith.muli %add3A_249, %mul3A_250 : i32
      %add3A_252 = vector.broadcast %mul3A_251 : i32 to vector<16xi32>
      %add3A_253 = arith.addi %add3A_7, %add3A_252 : vector<16xi32>
      %gather3A_254 = tpu.vector_load_idx %arg5[%add3A_253] : memref<4096xf32, #tpu.memory_space<vmem>>[vector<16xi32>], vector<16xf32>,
      %neg3A_255 = arith.constant 0.000000e+00 : f32
      %neg3A_256 = vector.broadcast %neg3A_255 : f32 to vector<16xf32>
      %neg3A_257 = arith.subf %neg3A_256, %gather3A_254 : vector<16xf32>
      %exp3A_258 = math.exp %neg3A_257 : vector<16xf32>
      %add3A_259 = arith.constant 4 : i32
      %add3A_260 = arith.addi %mul3A_52, %add3A_259 : i32
      %mul3A_261 = arith.constant 64 : i32
      %mul3A_262 = arith.muli %add3A_260, %mul3A_261 : i32
      %add3A_263 = vector.broadcast %mul3A_262 : i32 to vector<16xi32>
      %add3A_264 = arith.addi %add3A_10, %add3A_263 : vector<16xi32>
      %gather3A_265 = tpu.vector_load_idx %arg5[%add3A_264] : memref<4096xf32, #tpu.memory_space<vmem>>[vector<16xi32>], vector<16xf32>,
      %neg3A_266 = arith.constant 0.000000e+00 : f32
      %neg3A_267 = vector.broadcast %neg3A_266 : f32 to vector<16xf32>
      %neg3A_268 = arith.subf %neg3A_267, %gather3A_265 : vector<16xf32>
      %exp3A_269 = math.exp %neg3A_268 : vector<16xf32>
      %neg3A_270 = arith.constant 0.000000e+00 : f32
      %neg3A_271 = vector.broadcast %neg3A_270 : f32 to vector<16xf32>
      %neg3A_272 = arith.subf %neg3A_271, %exp3A : vector<16xf32>
      %exp3A_273 = math.exp %neg3A_272 : vector<16xf32>
      %neg3A_274 = arith.constant 0.000000e+00 : f32
      %neg3A_275 = vector.broadcast %neg3A_274 : f32 to vector<16xf32>
      %neg3A_276 = arith.subf %neg3A_275, %exp3A_71 : vector<16xf32>
      %exp3A_277 = math.exp %neg3A_276 : vector<16xf32>
      %neg3A_278 = arith.constant 0.000000e+00 : f32
      %neg3A_279 = vector.broadcast %neg3A_278 : f32 to vector<16xf32>
      %neg3A_280 = arith.subf %neg3A_279, %exp3A_82 : vector<16xf32>
      %exp3A_281 = math.exp %neg3A_280 : vector<16xf32>
      %neg3A_282 = arith.constant 0.000000e+00 : f32
      %neg3A_283 = vector.broadcast %neg3A_282 : f32 to vector<16xf32>
      %neg3A_284 = arith.subf %neg3A_283, %exp3A_93 : vector<16xf32>
      %exp3A_285 = math.exp %neg3A_284 : vector<16xf32>
      %neg3A_286 = arith.constant 0.000000e+00 : f32
      %neg3A_287 = vector.broadcast %neg3A_286 : f32 to vector<16xf32>
      %neg3A_288 = arith.subf %neg3A_287, %exp3A_104 : vector<16xf32>
      %exp3A_289 = math.exp %neg3A_288 : vector<16xf32>
      %neg3A_290 = arith.constant 0.000000e+00 : f32
      %neg3A_291 = vector.broadcast %neg3A_290 : f32 to vector<16xf32>
      %neg3A_292 = arith.subf %neg3A_291, %exp3A_115 : vector<16xf32>
      %exp3A_293 = math.exp %neg3A_292 : vector<16xf32>
      %neg3A_294 = arith.constant 0.000000e+00 : f32
      %neg3A_295 = vector.broadcast %neg3A_294 : f32 to vector<16xf32>
      %neg3A_296 = arith.subf %neg3A_295, %exp3A_126 : vector<16xf32>
      %exp3A_297 = math.exp %neg3A_296 : vector<16xf32>
      %neg3A_298 = arith.constant 0.000000e+00 : f32
      %neg3A_299 = vector.broadcast %neg3A_298 : f32 to vector<16xf32>
      %neg3A_300 = arith.subf %neg3A_299, %exp3A_137 : vector<16xf32>
      %exp3A_301 = math.exp %neg3A_300 : vector<16xf32>
      %neg3A_302 = arith.constant 0.000000e+00 : f32
      %neg3A_303 = vector.broadcast %neg3A_302 : f32 to vector<16xf32>
      %neg3A_304 = arith.subf %neg3A_303, %exp3A_148 : vector<16xf32>
      %exp3A_305 = math.exp %neg3A_304 : vector<16xf32>
      %neg3A_306 = arith.constant 0.000000e+00 : f32
      %neg3A_307 = vector.broadcast %neg3A_306 : f32 to vector<16xf32>
      %neg3A_308 = arith.subf %neg3A_307, %exp3A_159 : vector<16xf32>
      %exp3A_309 = math.exp %neg3A_308 : vector<16xf32>
      %neg3A_310 = arith.constant 0.000000e+00 : f32
      %neg3A_311 = vector.broadcast %neg3A_310 : f32 to vector<16xf32>
      %neg3A_312 = arith.subf %neg3A_311, %exp3A_170 : vector<16xf32>
      %exp3A_313 = math.exp %neg3A_312 : vector<16xf32>
      %neg3A_314 = arith.constant 0.000000e+00 : f32
      %neg3A_315 = vector.broadcast %neg3A_314 : f32 to vector<16xf32>
      %neg3A_316 = arith.subf %neg3A_315, %exp3A_181 : vector<16xf32>
      %exp3A_317 = math.exp %neg3A_316 : vector<16xf32>
      %neg3A_318 = arith.constant 0.000000e+00 : f32
      %neg3A_319 = vector.broadcast %neg3A_318 : f32 to vector<16xf32>
      %neg3A_320 = arith.subf %neg3A_319, %exp3A_192 : vector<16xf32>
      %exp3A_321 = math.exp %neg3A_320 : vector<16xf32>
      %neg3A_322 = arith.constant 0.000000e+00 : f32
      %neg3A_323 = vector.broadcast %neg3A_322 : f32 to vector<16xf32>
      %neg3A_324 = arith.subf %neg3A_323, %exp3A_203 : vector<16xf32>
      %exp3A_325 = math.exp %neg3A_324 : vector<16xf32>
      %neg3A_326 = arith.constant 0.000000e+00 : f32
      %neg3A_327 = vector.broadcast %neg3A_326 : f32 to vector<16xf32>
      %neg3A_328 = arith.subf %neg3A_327, %exp3A_214 : vector<16xf32>
      %exp3A_329 = math.exp %neg3A_328 : vector<16xf32>
      %neg3A_330 = arith.constant 0.000000e+00 : f32
      %neg3A_331 = vector.broadcast %neg3A_330 : f32 to vector<16xf32>
      %neg3A_332 = arith.subf %neg3A_331, %exp3A_225 : vector<16xf32>
      %exp3A_333 = math.exp %neg3A_332 : vector<16xf32>
      %neg3A_334 = arith.constant 0.000000e+00 : f32
      %neg3A_335 = vector.broadcast %neg3A_334 : f32 to vector<16xf32>
      %neg3A_336 = arith.subf %neg3A_335, %exp3A_236 : vector<16xf32>
      %exp3A_337 = math.exp %neg3A_336 : vector<16xf32>
      %neg3A_338 = arith.constant 0.000000e+00 : f32
      %neg3A_339 = vector.broadcast %neg3A_338 : f32 to vector<16xf32>
      %neg3A_340 = arith.subf %neg3A_339, %exp3A_247 : vector<16xf32>
      %exp3A_341 = math.exp %neg3A_340 : vector<16xf32>
      %neg3A_342 = arith.constant 0.000000e+00 : f32
      %neg3A_343 = vector.broadcast %neg3A_342 : f32 to vector<16xf32>
      %neg3A_344 = arith.subf %neg3A_343, %exp3A_258 : vector<16xf32>
      %exp3A_345 = math.exp %neg3A_344 : vector<16xf32>
      %neg3A_346 = arith.constant 0.000000e+00 : f32
      %neg3A_347 = vector.broadcast %neg3A_346 : f32 to vector<16xf32>
      %neg3A_348 = arith.subf %neg3A_347, %exp3A_269 : vector<16xf32>
      %exp3A_349 = math.exp %neg3A_348 : vector<16xf32>
      %lt3A = arith.constant 0 : i32
      %lt3A_350 = vector.broadcast %lt3A : i32 to vector<16xi32>
      %lt3A_351 = arith.cmpi slt, %min3A_26, %lt3A_350 : vector<16xi32>
      %add3A_352 = arith.constant 16 : i32
      %add3A_353 = vector.broadcast %add3A_352 : i32 to vector<16xi32>
      %add3A_354 = arith.addi %min3A_26, %add3A_353 : vector<16xi32>
      %select_n3A = arith.select %lt3A_351, %add3A_354, %min3A_26 : vector<16xi1>, vector<16xi32>
      %reshape3A = vector.shape_cast %select_n3A : vector<16xi32> to vector<16x1xi32>
      %gather3A_355 = vector.shape_cast %reshape3A : vector<16x1xi32> to vector<16xi32>
      %gather3A_356 = tpu.dynamic_gather %exp3A_273[%gather3A_355] in [0] : vector<16xf32>, vector<16xi32> -> vector<16xf32>
      %lt3A_357 = arith.constant 0 : i32
      %lt3A_358 = vector.broadcast %lt3A_357 : i32 to vector<16xi32>
      %lt3A_359 = arith.cmpi slt, %broadcast_in_dim3A_28, %lt3A_358 : vector<16xi32>
      %add3A_360 = arith.constant 16 : i32
      %add3A_361 = vector.broadcast %add3A_360 : i32 to vector<16xi32>
      %add3A_362 = arith.addi %broadcast_in_dim3A_28, %add3A_361 : vector<16xi32>
      %select_n3A_363 = arith.select %lt3A_359, %add3A_362, %broadcast_in_dim3A_28 : vector<16xi1>, vector<16xi32>
      %reshape3A_364 = vector.shape_cast %select_n3A_363 : vector<16xi32> to vector<16x1xi32>
      %gather3A_365 = vector.shape_cast %reshape3A_364 : vector<16x1xi32> to vector<16xi32>
      %gather3A_366 = tpu.dynamic_gather %exp3A_277[%gather3A_365] in [0] : vector<16xf32>, vector<16xi32> -> vector<16xf32>
      %select_n3A_367 = arith.select %eq3A_31, %gather3A_366, %gather3A_356 : vector<16xi1>, vector<16xf32>
      %lt3A_368 = arith.constant 0 : i32
      %lt3A_369 = vector.broadcast %lt3A_368 : i32 to vector<16xi32>
      %lt3A_370 = arith.cmpi slt, %min3A_26, %lt3A_369 : vector<16xi32>
      %add3A_371 = arith.constant 16 : i32
      %add3A_372 = vector.broadcast %add3A_371 : i32 to vector<16xi32>
      %add3A_373 = arith.addi %min3A_26, %add3A_372 : vector<16xi32>
      %select_n3A_374 = arith.select %lt3A_370, %add3A_373, %min3A_26 : vector<16xi1>, vector<16xi32>
      %reshape3A_375 = vector.shape_cast %select_n3A_374 : vector<16xi32> to vector<16x1xi32>
      %gather3A_376 = vector.shape_cast %reshape3A_375 : vector<16x1xi32> to vector<16xi32>
      %gather3A_377 = tpu.dynamic_gather %exp3A_277[%gather3A_376] in [0] : vector<16xf32>, vector<16xi32> -> vector<16xf32>
      %lt3A_378 = arith.constant 0 : i32
      %lt3A_379 = vector.broadcast %lt3A_378 : i32 to vector<16xi32>
      %lt3A_380 = arith.cmpi slt, %broadcast_in_dim3A_28, %lt3A_379 : vector<16xi32>
      %add3A_381 = arith.constant 16 : i32
      %add3A_382 = vector.broadcast %add3A_381 : i32 to vector<16xi32>
      %add3A_383 = arith.addi %broadcast_in_dim3A_28, %add3A_382 : vector<16xi32>
      %select_n3A_384 = arith.select %lt3A_380, %add3A_383, %broadcast_in_dim3A_28 : vector<16xi1>, vector<16xi32>
      %reshape3A_385 = vector.shape_cast %select_n3A_384 : vector<16xi32> to vector<16x1xi32>
      %gather3A_386 = vector.shape_cast %reshape3A_385 : vector<16x1xi32> to vector<16xi32>
      %gather3A_387 = tpu.dynamic_gather %exp3A_281[%gather3A_386] in [0] : vector<16xf32>, vector<16xi32> -> vector<16xf32>
      %select_n3A_388 = arith.select %eq3A_31, %gather3A_387, %gather3A_377 : vector<16xi1>, vector<16xf32>
      %lt3A_389 = arith.constant 0 : i32
      %lt3A_390 = vector.broadcast %lt3A_389 : i32 to vector<16xi32>
      %lt3A_391 = arith.cmpi slt, %min3A_26, %lt3A_390 : vector<16xi32>
      %add3A_392 = arith.constant 16 : i32
      %add3A_393 = vector.broadcast %add3A_392 : i32 to vector<16xi32>
      %add3A_394 = arith.addi %min3A_26, %add3A_393 : vector<16xi32>
      %select_n3A_395 = arith.select %lt3A_391, %add3A_394, %min3A_26 : vector<16xi1>, vector<16xi32>
      %reshape3A_396 = vector.shape_cast %select_n3A_395 : vector<16xi32> to vector<16x1xi32>
      %gather3A_397 = vector.shape_cast %reshape3A_396 : vector<16x1xi32> to vector<16xi32>
      %gather3A_398 = tpu.dynamic_gather %exp3A_281[%gather3A_397] in [0] : vector<16xf32>, vector<16xi32> -> vector<16xf32>
      %lt3A_399 = arith.constant 0 : i32
      %lt3A_400 = vector.broadcast %lt3A_399 : i32 to vector<16xi32>
      %lt3A_401 = arith.cmpi slt, %broadcast_in_dim3A_28, %lt3A_400 : vector<16xi32>
      %add3A_402 = arith.constant 16 : i32
      %add3A_403 = vector.broadcast %add3A_402 : i32 to vector<16xi32>
      %add3A_404 = arith.addi %broadcast_in_dim3A_28, %add3A_403 : vector<16xi32>
      %select_n3A_405 = arith.select %lt3A_401, %add3A_404, %broadcast_in_dim3A_28 : vector<16xi1>, vector<16xi32>
      %reshape3A_406 = vector.shape_cast %select_n3A_405 : vector<16xi32> to vector<16x1xi32>
      %gather3A_407 = vector.shape_cast %reshape3A_406 : vector<16x1xi32> to vector<16xi32>
      %gather3A_408 = tpu.dynamic_gather %exp3A_285[%gather3A_407] in [0] : vector<16xf32>, vector<16xi32> -> vector<16xf32>
      %select_n3A_409 = arith.select %eq3A_31, %gather3A_408, %gather3A_398 : vector<16xi1>, vector<16xf32>
      %lt3A_410 = arith.constant 0 : i32
      %lt3A_411 = vector.broadcast %lt3A_410 : i32 to vector<16xi32>
      %lt3A_412 = arith.cmpi slt, %min3A_26, %lt3A_411 : vector<16xi32>
      %add3A_413 = arith.constant 16 : i32
      %add3A_414 = vector.broadcast %add3A_413 : i32 to vector<16xi32>
      %add3A_415 = arith.addi %min3A_26, %add3A_414 : vector<16xi32>
      %select_n3A_416 = arith.select %lt3A_412, %add3A_415, %min3A_26 : vector<16xi1>, vector<16xi32>
      %reshape3A_417 = vector.shape_cast %select_n3A_416 : vector<16xi32> to vector<16x1xi32>
      %gather3A_418 = vector.shape_cast %reshape3A_417 : vector<16x1xi32> to vector<16xi32>
      %gather3A_419 = tpu.dynamic_gather %exp3A_285[%gather3A_418] in [0] : vector<16xf32>, vector<16xi32> -> vector<16xf32>
      %select_n3A_420 = arith.select %eq3A_31, %broadcast_in_dim3A_21, %gather3A_419 : vector<16xi1>, vector<16xf32>
      %lt3A_421 = arith.constant 0 : i32
      %lt3A_422 = vector.broadcast %lt3A_421 : i32 to vector<16xi32>
      %lt3A_423 = arith.cmpi slt, %min3A_26, %lt3A_422 : vector<16xi32>
      %add3A_424 = arith.constant 16 : i32
      %add3A_425 = vector.broadcast %add3A_424 : i32 to vector<16xi32>
      %add3A_426 = arith.addi %min3A_26, %add3A_425 : vector<16xi32>
      %select_n3A_427 = arith.select %lt3A_423, %add3A_426, %min3A_26 : vector<16xi1>, vector<16xi32>
      %reshape3A_428 = vector.shape_cast %select_n3A_427 : vector<16xi32> to vector<16x1xi32>
      %gather3A_429 = vector.shape_cast %reshape3A_428 : vector<16x1xi32> to vector<16xi32>
      %gather3A_430 = tpu.dynamic_gather %exp3A_289[%gather3A_429] in [0] : vector<16xf32>, vector<16xi32> -> vector<16xf32>
      %lt3A_431 = arith.constant 0 : i32
      %lt3A_432 = vector.broadcast %lt3A_431 : i32 to vector<16xi32>
      %lt3A_433 = arith.cmpi slt, %broadcast_in_dim3A_28, %lt3A_432 : vector<16xi32>
      %add3A_434 = arith.constant 16 : i32
      %add3A_435 = vector.broadcast %add3A_434 : i32 to vector<16xi32>
      %add3A_436 = arith.addi %broadcast_in_dim3A_28, %add3A_435 : vector<16xi32>
      %select_n3A_437 = arith.select %lt3A_433, %add3A_436, %broadcast_in_dim3A_28 : vector<16xi1>, vector<16xi32>
      %reshape3A_438 = vector.shape_cast %select_n3A_437 : vector<16xi32> to vector<16x1xi32>
      %gather3A_439 = vector.shape_cast %reshape3A_438 : vector<16x1xi32> to vector<16xi32>
      %gather3A_440 = tpu.dynamic_gather %exp3A_293[%gather3A_439] in [0] : vector<16xf32>, vector<16xi32> -> vector<16xf32>
      %select_n3A_441 = arith.select %eq3A_31, %gather3A_440, %gather3A_430 : vector<16xi1>, vector<16xf32>
      %lt3A_442 = arith.constant 0 : i32
      %lt3A_443 = vector.broadcast %lt3A_442 : i32 to vector<16xi32>
      %lt3A_444 = arith.cmpi slt, %min3A_26, %lt3A_443 : vector<16xi32>
      %add3A_445 = arith.constant 16 : i32
      %add3A_446 = vector.broadcast %add3A_445 : i32 to vector<16xi32>
      %add3A_447 = arith.addi %min3A_26, %add3A_446 : vector<16xi32>
      %select_n3A_448 = arith.select %lt3A_444, %add3A_447, %min3A_26 : vector<16xi1>, vector<16xi32>
      %reshape3A_449 = vector.shape_cast %select_n3A_448 : vector<16xi32> to vector<16x1xi32>
      %gather3A_450 = vector.shape_cast %reshape3A_449 : vector<16x1xi32> to vector<16xi32>
      %gather3A_451 = tpu.dynamic_gather %exp3A_293[%gather3A_450] in [0] : vector<16xf32>, vector<16xi32> -> vector<16xf32>
      %lt3A_452 = arith.constant 0 : i32
      %lt3A_453 = vector.broadcast %lt3A_452 : i32 to vector<16xi32>
      %lt3A_454 = arith.cmpi slt, %broadcast_in_dim3A_28, %lt3A_453 : vector<16xi32>
      %add3A_455 = arith.constant 16 : i32
      %add3A_456 = vector.broadcast %add3A_455 : i32 to vector<16xi32>
      %add3A_457 = arith.addi %broadcast_in_dim3A_28, %add3A_456 : vector<16xi32>
      %select_n3A_458 = arith.select %lt3A_454, %add3A_457, %broadcast_in_dim3A_28 : vector<16xi1>, vector<16xi32>
      %reshape3A_459 = vector.shape_cast %select_n3A_458 : vector<16xi32> to vector<16x1xi32>
      %gather3A_460 = vector.shape_cast %reshape3A_459 : vector<16x1xi32> to vector<16xi32>
      %gather3A_461 = tpu.dynamic_gather %exp3A_297[%gather3A_460] in [0] : vector<16xf32>, vector<16xi32> -> vector<16xf32>
      %select_n3A_462 = arith.select %eq3A_31, %gather3A_461, %gather3A_451 : vector<16xi1>, vector<16xf32>
      %lt3A_463 = arith.constant 0 : i32
      %lt3A_464 = vector.broadcast %lt3A_463 : i32 to vector<16xi32>
      %lt3A_465 = arith.cmpi slt, %min3A_26, %lt3A_464 : vector<16xi32>
      %add3A_466 = arith.constant 16 : i32
      %add3A_467 = vector.broadcast %add3A_466 : i32 to vector<16xi32>
      %add3A_468 = arith.addi %min3A_26, %add3A_467 : vector<16xi32>
      %select_n3A_469 = arith.select %lt3A_465, %add3A_468, %min3A_26 : vector<16xi1>, vector<16xi32>
      %reshape3A_470 = vector.shape_cast %select_n3A_469 : vector<16xi32> to vector<16x1xi32>
      %gather3A_471 = vector.shape_cast %reshape3A_470 : vector<16x1xi32> to vector<16xi32>
      %gather3A_472 = tpu.dynamic_gather %exp3A_297[%gather3A_471] in [0] : vector<16xf32>, vector<16xi32> -> vector<16xf32>
      %lt3A_473 = arith.constant 0 : i32
      %lt3A_474 = vector.broadcast %lt3A_473 : i32 to vector<16xi32>
      %lt3A_475 = arith.cmpi slt, %broadcast_in_dim3A_28, %lt3A_474 : vector<16xi32>
      %add3A_476 = arith.constant 16 : i32
      %add3A_477 = vector.broadcast %add3A_476 : i32 to vector<16xi32>
      %add3A_478 = arith.addi %broadcast_in_dim3A_28, %add3A_477 : vector<16xi32>
      %select_n3A_479 = arith.select %lt3A_475, %add3A_478, %broadcast_in_dim3A_28 : vector<16xi1>, vector<16xi32>
      %reshape3A_480 = vector.shape_cast %select_n3A_479 : vector<16xi32> to vector<16x1xi32>
      %gather3A_481 = vector.shape_cast %reshape3A_480 : vector<16x1xi32> to vector<16xi32>
      %gather3A_482 = tpu.dynamic_gather %exp3A_301[%gather3A_481] in [0] : vector<16xf32>, vector<16xi32> -> vector<16xf32>
      %select_n3A_483 = arith.select %eq3A_31, %gather3A_482, %gather3A_472 : vector<16xi1>, vector<16xf32>
      %lt3A_484 = arith.constant 0 : i32
      %lt3A_485 = vector.broadcast %lt3A_484 : i32 to vector<16xi32>
      %lt3A_486 = arith.cmpi slt, %min3A_26, %lt3A_485 : vector<16xi32>
      %add3A_487 = arith.constant 16 : i32
      %add3A_488 = vector.broadcast %add3A_487 : i32 to vector<16xi32>
      %add3A_489 = arith.addi %min3A_26, %add3A_488 : vector<16xi32>
      %select_n3A_490 = arith.select %lt3A_486, %add3A_489, %min3A_26 : vector<16xi1>, vector<16xi32>
      %reshape3A_491 = vector.shape_cast %select_n3A_490 : vector<16xi32> to vector<16x1xi32>
      %gather3A_492 = vector.shape_cast %reshape3A_491 : vector<16x1xi32> to vector<16xi32>
      %gather3A_493 = tpu.dynamic_gather %exp3A_301[%gather3A_492] in [0] : vector<16xf32>, vector<16xi32> -> vector<16xf32>
      %select_n3A_494 = arith.select %eq3A_31, %broadcast_in_dim3A_21, %gather3A_493 : vector<16xi1>, vector<16xf32>
      %lt3A_495 = arith.constant 0 : i32
      %lt3A_496 = vector.broadcast %lt3A_495 : i32 to vector<16xi32>
      %lt3A_497 = arith.cmpi slt, %min3A_26, %lt3A_496 : vector<16xi32>
      %add3A_498 = arith.constant 16 : i32
      %add3A_499 = vector.broadcast %add3A_498 : i32 to vector<16xi32>
      %add3A_500 = arith.addi %min3A_26, %add3A_499 : vector<16xi32>
      %select_n3A_501 = arith.select %lt3A_497, %add3A_500, %min3A_26 : vector<16xi1>, vector<16xi32>
      %reshape3A_502 = vector.shape_cast %select_n3A_501 : vector<16xi32> to vector<16x1xi32>
      %gather3A_503 = vector.shape_cast %reshape3A_502 : vector<16x1xi32> to vector<16xi32>
      %gather3A_504 = tpu.dynamic_gather %exp3A_305[%gather3A_503] in [0] : vector<16xf32>, vector<16xi32> -> vector<16xf32>
      %lt3A_505 = arith.constant 0 : i32
      %lt3A_506 = vector.broadcast %lt3A_505 : i32 to vector<16xi32>
      %lt3A_507 = arith.cmpi slt, %broadcast_in_dim3A_28, %lt3A_506 : vector<16xi32>
      %add3A_508 = arith.constant 16 : i32
      %add3A_509 = vector.broadcast %add3A_508 : i32 to vector<16xi32>
      %add3A_510 = arith.addi %broadcast_in_dim3A_28, %add3A_509 : vector<16xi32>
      %select_n3A_511 = arith.select %lt3A_507, %add3A_510, %broadcast_in_dim3A_28 : vector<16xi1>, vector<16xi32>
      %reshape3A_512 = vector.shape_cast %select_n3A_511 : vector<16xi32> to vector<16x1xi32>
      %gather3A_513 = vector.shape_cast %reshape3A_512 : vector<16x1xi32> to vector<16xi32>
      %gather3A_514 = tpu.dynamic_gather %exp3A_309[%gather3A_513] in [0] : vector<16xf32>, vector<16xi32> -> vector<16xf32>
      %select_n3A_515 = arith.select %eq3A_31, %gather3A_514, %gather3A_504 : vector<16xi1>, vector<16xf32>
      %lt3A_516 = arith.constant 0 : i32
      %lt3A_517 = vector.broadcast %lt3A_516 : i32 to vector<16xi32>
      %lt3A_518 = arith.cmpi slt, %min3A_26, %lt3A_517 : vector<16xi32>
      %add3A_519 = arith.constant 16 : i32
      %add3A_520 = vector.broadcast %add3A_519 : i32 to vector<16xi32>
      %add3A_521 = arith.addi %min3A_26, %add3A_520 : vector<16xi32>
      %select_n3A_522 = arith.select %lt3A_518, %add3A_521, %min3A_26 : vector<16xi1>, vector<16xi32>
      %reshape3A_523 = vector.shape_cast %select_n3A_522 : vector<16xi32> to vector<16x1xi32>
      %gather3A_524 = vector.shape_cast %reshape3A_523 : vector<16x1xi32> to vector<16xi32>
      %gather3A_525 = tpu.dynamic_gather %exp3A_309[%gather3A_524] in [0] : vector<16xf32>, vector<16xi32> -> vector<16xf32>
      %lt3A_526 = arith.constant 0 : i32
      %lt3A_527 = vector.broadcast %lt3A_526 : i32 to vector<16xi32>
      %lt3A_528 = arith.cmpi slt, %broadcast_in_dim3A_28, %lt3A_527 : vector<16xi32>
      %add3A_529 = arith.constant 16 : i32
      %add3A_530 = vector.broadcast %add3A_529 : i32 to vector<16xi32>
      %add3A_531 = arith.addi %broadcast_in_dim3A_28, %add3A_530 : vector<16xi32>
      %select_n3A_532 = arith.select %lt3A_528, %add3A_531, %broadcast_in_dim3A_28 : vector<16xi1>, vector<16xi32>
      %reshape3A_533 = vector.shape_cast %select_n3A_532 : vector<16xi32> to vector<16x1xi32>
      %gather3A_534 = vector.shape_cast %reshape3A_533 : vector<16x1xi32> to vector<16xi32>
      %gather3A_535 = tpu.dynamic_gather %exp3A_313[%gather3A_534] in [0] : vector<16xf32>, vector<16xi32> -> vector<16xf32>
      %select_n3A_536 = arith.select %eq3A_31, %gather3A_535, %gather3A_525 : vector<16xi1>, vector<16xf32>
      %lt3A_537 = arith.constant 0 : i32
      %lt3A_538 = vector.broadcast %lt3A_537 : i32 to vector<16xi32>
      %lt3A_539 = arith.cmpi slt, %min3A_26, %lt3A_538 : vector<16xi32>
      %add3A_540 = arith.constant 16 : i32
      %add3A_541 = vector.broadcast %add3A_540 : i32 to vector<16xi32>
      %add3A_542 = arith.addi %min3A_26, %add3A_541 : vector<16xi32>
      %select_n3A_543 = arith.select %lt3A_539, %add3A_542, %min3A_26 : vector<16xi1>, vector<16xi32>
      %reshape3A_544 = vector.shape_cast %select_n3A_543 : vector<16xi32> to vector<16x1xi32>
      %gather3A_545 = vector.shape_cast %reshape3A_544 : vector<16x1xi32> to vector<16xi32>
      %gather3A_546 = tpu.dynamic_gather %exp3A_313[%gather3A_545] in [0] : vector<16xf32>, vector<16xi32> -> vector<16xf32>
      %lt3A_547 = arith.constant 0 : i32
      %lt3A_548 = vector.broadcast %lt3A_547 : i32 to vector<16xi32>
      %lt3A_549 = arith.cmpi slt, %broadcast_in_dim3A_28, %lt3A_548 : vector<16xi32>
      %add3A_550 = arith.constant 16 : i32
      %add3A_551 = vector.broadcast %add3A_550 : i32 to vector<16xi32>
      %add3A_552 = arith.addi %broadcast_in_dim3A_28, %add3A_551 : vector<16xi32>
      %select_n3A_553 = arith.select %lt3A_549, %add3A_552, %broadcast_in_dim3A_28 : vector<16xi1>, vector<16xi32>
      %reshape3A_554 = vector.shape_cast %select_n3A_553 : vector<16xi32> to vector<16x1xi32>
      %gather3A_555 = vector.shape_cast %reshape3A_554 : vector<16x1xi32> to vector<16xi32>
      %gather3A_556 = tpu.dynamic_gather %exp3A_317[%gather3A_555] in [0] : vector<16xf32>, vector<16xi32> -> vector<16xf32>
      %select_n3A_557 = arith.select %eq3A_31, %gather3A_556, %gather3A_546 : vector<16xi1>, vector<16xf32>
      %lt3A_558 = arith.constant 0 : i32
      %lt3A_559 = vector.broadcast %lt3A_558 : i32 to vector<16xi32>
      %lt3A_560 = arith.cmpi slt, %min3A_26, %lt3A_559 : vector<16xi32>
      %add3A_561 = arith.constant 16 : i32
      %add3A_562 = vector.broadcast %add3A_561 : i32 to vector<16xi32>
      %add3A_563 = arith.addi %min3A_26, %add3A_562 : vector<16xi32>
      %select_n3A_564 = arith.select %lt3A_560, %add3A_563, %min3A_26 : vector<16xi1>, vector<16xi32>
      %reshape3A_565 = vector.shape_cast %select_n3A_564 : vector<16xi32> to vector<16x1xi32>
      %gather3A_566 = vector.shape_cast %reshape3A_565 : vector<16x1xi32> to vector<16xi32>
      %gather3A_567 = tpu.dynamic_gather %exp3A_317[%gather3A_566] in [0] : vector<16xf32>, vector<16xi32> -> vector<16xf32>
      %select_n3A_568 = arith.select %eq3A_31, %broadcast_in_dim3A_21, %gather3A_567 : vector<16xi1>, vector<16xf32>
      %lt3A_569 = arith.constant 0 : i32
      %lt3A_570 = vector.broadcast %lt3A_569 : i32 to vector<16xi32>
      %lt3A_571 = arith.cmpi slt, %min3A_26, %lt3A_570 : vector<16xi32>
      %add3A_572 = arith.constant 16 : i32
      %add3A_573 = vector.broadcast %add3A_572 : i32 to vector<16xi32>
      %add3A_574 = arith.addi %min3A_26, %add3A_573 : vector<16xi32>
      %select_n3A_575 = arith.select %lt3A_571, %add3A_574, %min3A_26 : vector<16xi1>, vector<16xi32>
      %reshape3A_576 = vector.shape_cast %select_n3A_575 : vector<16xi32> to vector<16x1xi32>
      %gather3A_577 = vector.shape_cast %reshape3A_576 : vector<16x1xi32> to vector<16xi32>
      %gather3A_578 = tpu.dynamic_gather %exp3A_321[%gather3A_577] in [0] : vector<16xf32>, vector<16xi32> -> vector<16xf32>
      %lt3A_579 = arith.constant 0 : i32
      %lt3A_580 = vector.broadcast %lt3A_579 : i32 to vector<16xi32>
      %lt3A_581 = arith.cmpi slt, %broadcast_in_dim3A_28, %lt3A_580 : vector<16xi32>
      %add3A_582 = arith.constant 16 : i32
      %add3A_583 = vector.broadcast %add3A_582 : i32 to vector<16xi32>
      %add3A_584 = arith.addi %broadcast_in_dim3A_28, %add3A_583 : vector<16xi32>
      %select_n3A_585 = arith.select %lt3A_581, %add3A_584, %broadcast_in_dim3A_28 : vector<16xi1>, vector<16xi32>
      %reshape3A_586 = vector.shape_cast %select_n3A_585 : vector<16xi32> to vector<16x1xi32>
      %gather3A_587 = vector.shape_cast %reshape3A_586 : vector<16x1xi32> to vector<16xi32>
      %gather3A_588 = tpu.dynamic_gather %exp3A_325[%gather3A_587] in [0] : vector<16xf32>, vector<16xi32> -> vector<16xf32>
      %select_n3A_589 = arith.select %eq3A_31, %gather3A_588, %gather3A_578 : vector<16xi1>, vector<16xf32>
      %lt3A_590 = arith.constant 0 : i32
      %lt3A_591 = vector.broadcast %lt3A_590 : i32 to vector<16xi32>
      %lt3A_592 = arith.cmpi slt, %min3A_26, %lt3A_591 : vector<16xi32>
      %add3A_593 = arith.constant 16 : i32
      %add3A_594 = vector.broadcast %add3A_593 : i32 to vector<16xi32>
      %add3A_595 = arith.addi %min3A_26, %add3A_594 : vector<16xi32>
      %select_n3A_596 = arith.select %lt3A_592, %add3A_595, %min3A_26 : vector<16xi1>, vector<16xi32>
      %reshape3A_597 = vector.shape_cast %select_n3A_596 : vector<16xi32> to vector<16x1xi32>
      %gather3A_598 = vector.shape_cast %reshape3A_597 : vector<16x1xi32> to vector<16xi32>
      %gather3A_599 = tpu.dynamic_gather %exp3A_325[%gather3A_598] in [0] : vector<16xf32>, vector<16xi32> -> vector<16xf32>
      %lt3A_600 = arith.constant 0 : i32
      %lt3A_601 = vector.broadcast %lt3A_600 : i32 to vector<16xi32>
      %lt3A_602 = arith.cmpi slt, %broadcast_in_dim3A_28, %lt3A_601 : vector<16xi32>
      %add3A_603 = arith.constant 16 : i32
      %add3A_604 = vector.broadcast %add3A_603 : i32 to vector<16xi32>
      %add3A_605 = arith.addi %broadcast_in_dim3A_28, %add3A_604 : vector<16xi32>
      %select_n3A_606 = arith.select %lt3A_602, %add3A_605, %broadcast_in_dim3A_28 : vector<16xi1>, vector<16xi32>
      %reshape3A_607 = vector.shape_cast %select_n3A_606 : vector<16xi32> to vector<16x1xi32>
      %gather3A_608 = vector.shape_cast %reshape3A_607 : vector<16x1xi32> to vector<16xi32>
      %gather3A_609 = tpu.dynamic_gather %exp3A_329[%gather3A_608] in [0] : vector<16xf32>, vector<16xi32> -> vector<16xf32>
      %select_n3A_610 = arith.select %eq3A_31, %gather3A_609, %gather3A_599 : vector<16xi1>, vector<16xf32>
      %lt3A_611 = arith.constant 0 : i32
      %lt3A_612 = vector.broadcast %lt3A_611 : i32 to vector<16xi32>
      %lt3A_613 = arith.cmpi slt, %min3A_26, %lt3A_612 : vector<16xi32>
      %add3A_614 = arith.constant 16 : i32
      %add3A_615 = vector.broadcast %add3A_614 : i32 to vector<16xi32>
      %add3A_616 = arith.addi %min3A_26, %add3A_615 : vector<16xi32>
      %select_n3A_617 = arith.select %lt3A_613, %add3A_616, %min3A_26 : vector<16xi1>, vector<16xi32>
      %reshape3A_618 = vector.shape_cast %select_n3A_617 : vector<16xi32> to vector<16x1xi32>
      %gather3A_619 = vector.shape_cast %reshape3A_618 : vector<16x1xi32> to vector<16xi32>
      %gather3A_620 = tpu.dynamic_gather %exp3A_329[%gather3A_619] in [0] : vector<16xf32>, vector<16xi32> -> vector<16xf32>
      %lt3A_621 = arith.constant 0 : i32
      %lt3A_622 = vector.broadcast %lt3A_621 : i32 to vector<16xi32>
      %lt3A_623 = arith.cmpi slt, %broadcast_in_dim3A_28, %lt3A_622 : vector<16xi32>
      %add3A_624 = arith.constant 16 : i32
      %add3A_625 = vector.broadcast %add3A_624 : i32 to vector<16xi32>
      %add3A_626 = arith.addi %broadcast_in_dim3A_28, %add3A_625 : vector<16xi32>
      %select_n3A_627 = arith.select %lt3A_623, %add3A_626, %broadcast_in_dim3A_28 : vector<16xi1>, vector<16xi32>
      %reshape3A_628 = vector.shape_cast %select_n3A_627 : vector<16xi32> to vector<16x1xi32>
      %gather3A_629 = vector.shape_cast %reshape3A_628 : vector<16x1xi32> to vector<16xi32>
      %gather3A_630 = tpu.dynamic_gather %exp3A_333[%gather3A_629] in [0] : vector<16xf32>, vector<16xi32> -> vector<16xf32>
      %select_n3A_631 = arith.select %eq3A_31, %gather3A_630, %gather3A_620 : vector<16xi1>, vector<16xf32>
      %lt3A_632 = arith.constant 0 : i32
      %lt3A_633 = vector.broadcast %lt3A_632 : i32 to vector<16xi32>
      %lt3A_634 = arith.cmpi slt, %min3A_26, %lt3A_633 : vector<16xi32>
      %add3A_635 = arith.constant 16 : i32
      %add3A_636 = vector.broadcast %add3A_635 : i32 to vector<16xi32>
      %add3A_637 = arith.addi %min3A_26, %add3A_636 : vector<16xi32>
      %select_n3A_638 = arith.select %lt3A_634, %add3A_637, %min3A_26 : vector<16xi1>, vector<16xi32>
      %reshape3A_639 = vector.shape_cast %select_n3A_638 : vector<16xi32> to vector<16x1xi32>
      %gather3A_640 = vector.shape_cast %reshape3A_639 : vector<16x1xi32> to vector<16xi32>
      %gather3A_641 = tpu.dynamic_gather %exp3A_333[%gather3A_640] in [0] : vector<16xf32>, vector<16xi32> -> vector<16xf32>
      %select_n3A_642 = arith.select %eq3A_31, %broadcast_in_dim3A_21, %gather3A_641 : vector<16xi1>, vector<16xf32>
      %lt3A_643 = arith.constant 0 : i32
      %lt3A_644 = vector.broadcast %lt3A_643 : i32 to vector<16xi32>
      %lt3A_645 = arith.cmpi slt, %min3A_26, %lt3A_644 : vector<16xi32>
      %add3A_646 = arith.constant 16 : i32
      %add3A_647 = vector.broadcast %add3A_646 : i32 to vector<16xi32>
      %add3A_648 = arith.addi %min3A_26, %add3A_647 : vector<16xi32>
      %select_n3A_649 = arith.select %lt3A_645, %add3A_648, %min3A_26 : vector<16xi1>, vector<16xi32>
      %reshape3A_650 = vector.shape_cast %select_n3A_649 : vector<16xi32> to vector<16x1xi32>
      %gather3A_651 = vector.shape_cast %reshape3A_650 : vector<16x1xi32> to vector<16xi32>
      %gather3A_652 = tpu.dynamic_gather %exp3A_337[%gather3A_651] in [0] : vector<16xf32>, vector<16xi32> -> vector<16xf32>
      %lt3A_653 = arith.constant 0 : i32
      %lt3A_654 = vector.broadcast %lt3A_653 : i32 to vector<16xi32>
      %lt3A_655 = arith.cmpi slt, %broadcast_in_dim3A_28, %lt3A_654 : vector<16xi32>
      %add3A_656 = arith.constant 16 : i32
      %add3A_657 = vector.broadcast %add3A_656 : i32 to vector<16xi32>
      %add3A_658 = arith.addi %broadcast_in_dim3A_28, %add3A_657 : vector<16xi32>
      %select_n3A_659 = arith.select %lt3A_655, %add3A_658, %broadcast_in_dim3A_28 : vector<16xi1>, vector<16xi32>
      %reshape3A_660 = vector.shape_cast %select_n3A_659 : vector<16xi32> to vector<16x1xi32>
      %gather3A_661 = vector.shape_cast %reshape3A_660 : vector<16x1xi32> to vector<16xi32>
      %gather3A_662 = tpu.dynamic_gather %exp3A_341[%gather3A_661] in [0] : vector<16xf32>, vector<16xi32> -> vector<16xf32>
      %select_n3A_663 = arith.select %eq3A_31, %gather3A_662, %gather3A_652 : vector<16xi1>, vector<16xf32>
      %lt3A_664 = arith.constant 0 : i32
      %lt3A_665 = vector.broadcast %lt3A_664 : i32 to vector<16xi32>
      %lt3A_666 = arith.cmpi slt, %min3A_26, %lt3A_665 : vector<16xi32>
      %add3A_667 = arith.constant 16 : i32
      %add3A_668 = vector.broadcast %add3A_667 : i32 to vector<16xi32>
      %add3A_669 = arith.addi %min3A_26, %add3A_668 : vector<16xi32>
      %select_n3A_670 = arith.select %lt3A_666, %add3A_669, %min3A_26 : vector<16xi1>, vector<16xi32>
      %reshape3A_671 = vector.shape_cast %select_n3A_670 : vector<16xi32> to vector<16x1xi32>
      %gather3A_672 = vector.shape_cast %reshape3A_671 : vector<16x1xi32> to vector<16xi32>
      %gather3A_673 = tpu.dynamic_gather %exp3A_341[%gather3A_672] in [0] : vector<16xf32>, vector<16xi32> -> vector<16xf32>
      %lt3A_674 = arith.constant 0 : i32
      %lt3A_675 = vector.broadcast %lt3A_674 : i32 to vector<16xi32>
      %lt3A_676 = arith.cmpi slt, %broadcast_in_dim3A_28, %lt3A_675 : vector<16xi32>
      %add3A_677 = arith.constant 16 : i32
      %add3A_678 = vector.broadcast %add3A_677 : i32 to vector<16xi32>
      %add3A_679 = arith.addi %broadcast_in_dim3A_28, %add3A_678 : vector<16xi32>
      %select_n3A_680 = arith.select %lt3A_676, %add3A_679, %broadcast_in_dim3A_28 : vector<16xi1>, vector<16xi32>
      %reshape3A_681 = vector.shape_cast %select_n3A_680 : vector<16xi32> to vector<16x1xi32>
      %gather3A_682 = vector.shape_cast %reshape3A_681 : vector<16x1xi32> to vector<16xi32>
      %gather3A_683 = tpu.dynamic_gather %exp3A_345[%gather3A_682] in [0] : vector<16xf32>, vector<16xi32> -> vector<16xf32>
      %select_n3A_684 = arith.select %eq3A_31, %gather3A_683, %gather3A_673 : vector<16xi1>, vector<16xf32>
      %lt3A_685 = arith.constant 0 : i32
      %lt3A_686 = vector.broadcast %lt3A_685 : i32 to vector<16xi32>
      %lt3A_687 = arith.cmpi slt, %min3A_26, %lt3A_686 : vector<16xi32>
      %add3A_688 = arith.constant 16 : i32
      %add3A_689 = vector.broadcast %add3A_688 : i32 to vector<16xi32>
      %add3A_690 = arith.addi %min3A_26, %add3A_689 : vector<16xi32>
      %select_n3A_691 = arith.select %lt3A_687, %add3A_690, %min3A_26 : vector<16xi1>, vector<16xi32>
      %reshape3A_692 = vector.shape_cast %select_n3A_691 : vector<16xi32> to vector<16x1xi32>
      %gather3A_693 = vector.shape_cast %reshape3A_692 : vector<16x1xi32> to vector<16xi32>
      %gather3A_694 = tpu.dynamic_gather %exp3A_345[%gather3A_693] in [0] : vector<16xf32>, vector<16xi32> -> vector<16xf32>
      %lt3A_695 = arith.constant 0 : i32
      %lt3A_696 = vector.broadcast %lt3A_695 : i32 to vector<16xi32>
      %lt3A_697 = arith.cmpi slt, %broadcast_in_dim3A_28, %lt3A_696 : vector<16xi32>
      %add3A_698 = arith.constant 16 : i32
      %add3A_699 = vector.broadcast %add3A_698 : i32 to vector<16xi32>
      %add3A_700 = arith.addi %broadcast_in_dim3A_28, %add3A_699 : vector<16xi32>
      %select_n3A_701 = arith.select %lt3A_697, %add3A_700, %broadcast_in_dim3A_28 : vector<16xi1>, vector<16xi32>
      %reshape3A_702 = vector.shape_cast %select_n3A_701 : vector<16xi32> to vector<16x1xi32>
      %gather3A_703 = vector.shape_cast %reshape3A_702 : vector<16x1xi32> to vector<16xi32>
      %gather3A_704 = tpu.dynamic_gather %exp3A_349[%gather3A_703] in [0] : vector<16xf32>, vector<16xi32> -> vector<16xf32>
      %select_n3A_705 = arith.select %eq3A_31, %gather3A_704, %gather3A_694 : vector<16xi1>, vector<16xf32>
      %lt3A_706 = arith.constant 0 : i32
      %lt3A_707 = vector.broadcast %lt3A_706 : i32 to vector<16xi32>
      %lt3A_708 = arith.cmpi slt, %min3A_26, %lt3A_707 : vector<16xi32>
      %add3A_709 = arith.constant 16 : i32
      %add3A_710 = vector.broadcast %add3A_709 : i32 to vector<16xi32>
      %add3A_711 = arith.addi %min3A_26, %add3A_710 : vector<16xi32>
      %select_n3A_712 = arith.select %lt3A_708, %add3A_711, %min3A_26 : vector<16xi1>, vector<16xi32>
      %reshape3A_713 = vector.shape_cast %select_n3A_712 : vector<16xi32> to vector<16x1xi32>
      %gather3A_714 = vector.shape_cast %reshape3A_713 : vector<16x1xi32> to vector<16xi32>
      %gather3A_715 = tpu.dynamic_gather %exp3A_349[%gather3A_714] in [0] : vector<16xf32>, vector<16xi32> -> vector<16xf32>
      %select_n3A_716 = arith.select %eq3A_31, %broadcast_in_dim3A_21, %gather3A_715 : vector<16xi1>, vector<16xf32>
      %add3A_717 = arith.addf %select_n3A_367, %exp3A_289 : vector<16xf32>
      %add3A_718 = arith.addf %add3A_717, %select_n3A_441 : vector<16xf32>
      %sub3A_719 = arith.subf %add3A_718, %exp3A_273 : vector<16xf32>
      %swap3A = arith.constant 0 : index
      %swap3A_720 = tpu.vector_load %arg6[%swap3A] {strides = array<i32>} : memref<320xf32, #tpu.memory_space<vmem>>, vector<16xf32>,
      tpu.vector_store %arg6[%swap3A], %sub3A_719 {strides = array<i32>} : memref<320xf32, #tpu.memory_space<vmem>>, vector<16xf32>,
      %add3A_721 = arith.addf %select_n3A_388, %exp3A_293 : vector<16xf32>
      %add3A_722 = arith.addf %add3A_721, %select_n3A_462 : vector<16xf32>
      %sub3A_723 = arith.subf %add3A_722, %exp3A_277 : vector<16xf32>
      %swap3A_724 = arith.constant 16 : index
      %swap3A_725 = tpu.vector_load %arg6[%swap3A_724] {strides = array<i32>} : memref<320xf32, #tpu.memory_space<vmem>>, vector<16xf32>,
      tpu.vector_store %arg6[%swap3A_724], %sub3A_723 {strides = array<i32>} : memref<320xf32, #tpu.memory_space<vmem>>, vector<16xf32>,
      %add3A_726 = arith.addf %select_n3A_409, %exp3A_297 : vector<16xf32>
      %add3A_727 = arith.addf %add3A_726, %select_n3A_483 : vector<16xf32>
      %sub3A_728 = arith.subf %add3A_727, %exp3A_281 : vector<16xf32>
      %swap3A_729 = arith.constant 32 : index
      %swap3A_730 = tpu.vector_load %arg6[%swap3A_729] {strides = array<i32>} : memref<320xf32, #tpu.memory_space<vmem>>, vector<16xf32>,
      tpu.vector_store %arg6[%swap3A_729], %sub3A_728 {strides = array<i32>} : memref<320xf32, #tpu.memory_space<vmem>>, vector<16xf32>,
      %add3A_731 = arith.addf %select_n3A_420, %exp3A_301 : vector<16xf32>
      %add3A_732 = arith.addf %add3A_731, %select_n3A_494 : vector<16xf32>
      %sub3A_733 = arith.subf %add3A_732, %exp3A_285 : vector<16xf32>
      %swap3A_734 = arith.constant 48 : index
      %swap3A_735 = tpu.vector_load %arg6[%swap3A_734] {strides = array<i32>} : memref<320xf32, #tpu.memory_space<vmem>>, vector<16xf32>,
      tpu.vector_store %arg6[%swap3A_734], %sub3A_733 {strides = array<i32>} : memref<320xf32, #tpu.memory_space<vmem>>, vector<16xf32>,
      %add3A_736 = arith.addf %select_n3A_441, %exp3A_305 : vector<16xf32>
      %add3A_737 = arith.addf %add3A_736, %select_n3A_515 : vector<16xf32>
      %sub3A_738 = arith.subf %add3A_737, %exp3A_289 : vector<16xf32>
      %swap3A_739 = arith.constant 64 : index
      %swap3A_740 = tpu.vector_load %arg6[%swap3A_739] {strides = array<i32>} : memref<320xf32, #tpu.memory_space<vmem>>, vector<16xf32>,
      tpu.vector_store %arg6[%swap3A_739], %sub3A_738 {strides = array<i32>} : memref<320xf32, #tpu.memory_space<vmem>>, vector<16xf32>,
      %add3A_741 = arith.addf %select_n3A_462, %exp3A_309 : vector<16xf32>
      %add3A_742 = arith.addf %add3A_741, %select_n3A_536 : vector<16xf32>
      %sub3A_743 = arith.subf %add3A_742, %exp3A_293 : vector<16xf32>
      %swap3A_744 = arith.constant 80 : index
      %swap3A_745 = tpu.vector_load %arg6[%swap3A_744] {strides = array<i32>} : memref<320xf32, #tpu.memory_space<vmem>>, vector<16xf32>,
      tpu.vector_store %arg6[%swap3A_744], %sub3A_743 {strides = array<i32>} : memref<320xf32, #tpu.memory_space<vmem>>, vector<16xf32>,
      %add3A_746 = arith.addf %select_n3A_483, %exp3A_313 : vector<16xf32>
      %add3A_747 = arith.addf %add3A_746, %select_n3A_557 : vector<16xf32>
      %sub3A_748 = arith.subf %add3A_747, %exp3A_297 : vector<16xf32>
      %swap3A_749 = arith.constant 96 : index
      %swap3A_750 = tpu.vector_load %arg6[%swap3A_749] {strides = array<i32>} : memref<320xf32, #tpu.memory_space<vmem>>, vector<16xf32>,
      tpu.vector_store %arg6[%swap3A_749], %sub3A_748 {strides = array<i32>} : memref<320xf32, #tpu.memory_space<vmem>>, vector<16xf32>,
      %add3A_751 = arith.addf %select_n3A_494, %exp3A_317 : vector<16xf32>
      %add3A_752 = arith.addf %add3A_751, %select_n3A_568 : vector<16xf32>
      %sub3A_753 = arith.subf %add3A_752, %exp3A_301 : vector<16xf32>
      %swap3A_754 = arith.constant 112 : index
      %swap3A_755 = tpu.vector_load %arg6[%swap3A_754] {strides = array<i32>} : memref<320xf32, #tpu.memory_space<vmem>>, vector<16xf32>,
      tpu.vector_store %arg6[%swap3A_754], %sub3A_753 {strides = array<i32>} : memref<320xf32, #tpu.memory_space<vmem>>, vector<16xf32>,
      %add3A_756 = arith.addf %select_n3A_515, %exp3A_321 : vector<16xf32>
      %add3A_757 = arith.addf %add3A_756, %select_n3A_589 : vector<16xf32>
      %sub3A_758 = arith.subf %add3A_757, %exp3A_305 : vector<16xf32>
      %swap3A_759 = arith.constant 128 : index
      %swap3A_760 = tpu.vector_load %arg6[%swap3A_759] {strides = array<i32>} : memref<320xf32, #tpu.memory_space<vmem>>, vector<16xf32>,
      tpu.vector_store %arg6[%swap3A_759], %sub3A_758 {strides = array<i32>} : memref<320xf32, #tpu.memory_space<vmem>>, vector<16xf32>,
      %add3A_761 = arith.addf %select_n3A_536, %exp3A_325 : vector<16xf32>
      %add3A_762 = arith.addf %add3A_761, %select_n3A_610 : vector<16xf32>
      %sub3A_763 = arith.subf %add3A_762, %exp3A_309 : vector<16xf32>
      %swap3A_764 = arith.constant 144 : index
      %swap3A_765 = tpu.vector_load %arg6[%swap3A_764] {strides = array<i32>} : memref<320xf32, #tpu.memory_space<vmem>>, vector<16xf32>,
      tpu.vector_store %arg6[%swap3A_764], %sub3A_763 {strides = array<i32>} : memref<320xf32, #tpu.memory_space<vmem>>, vector<16xf32>,
      %add3A_766 = arith.addf %select_n3A_557, %exp3A_329 : vector<16xf32>
      %add3A_767 = arith.addf %add3A_766, %select_n3A_631 : vector<16xf32>
      %sub3A_768 = arith.subf %add3A_767, %exp3A_313 : vector<16xf32>
      %swap3A_769 = arith.constant 160 : index
      %swap3A_770 = tpu.vector_load %arg6[%swap3A_769] {strides = array<i32>} : memref<320xf32, #tpu.memory_space<vmem>>, vector<16xf32>,
      tpu.vector_store %arg6[%swap3A_769], %sub3A_768 {strides = array<i32>} : memref<320xf32, #tpu.memory_space<vmem>>, vector<16xf32>,
      %add3A_771 = arith.addf %select_n3A_568, %exp3A_333 : vector<16xf32>
      %add3A_772 = arith.addf %add3A_771, %select_n3A_642 : vector<16xf32>
      %sub3A_773 = arith.subf %add3A_772, %exp3A_317 : vector<16xf32>
      %swap3A_774 = arith.constant 176 : index
      %swap3A_775 = tpu.vector_load %arg6[%swap3A_774] {strides = array<i32>} : memref<320xf32, #tpu.memory_space<vmem>>, vector<16xf32>,
      tpu.vector_store %arg6[%swap3A_774], %sub3A_773 {strides = array<i32>} : memref<320xf32, #tpu.memory_space<vmem>>, vector<16xf32>,
      %add3A_776 = arith.addf %select_n3A_589, %exp3A_337 : vector<16xf32>
      %add3A_777 = arith.addf %add3A_776, %select_n3A_663 : vector<16xf32>
      %sub3A_778 = arith.subf %add3A_777, %exp3A_321 : vector<16xf32>
      %swap3A_779 = arith.constant 192 : index
      %swap3A_780 = tpu.vector_load %arg6[%swap3A_779] {strides = array<i32>} : memref<320xf32, #tpu.memory_space<vmem>>, vector<16xf32>,
      tpu.vector_store %arg6[%swap3A_779], %sub3A_778 {strides = array<i32>} : memref<320xf32, #tpu.memory_space<vmem>>, vector<16xf32>,
      %add3A_781 = arith.addf %select_n3A_610, %exp3A_341 : vector<16xf32>
      %add3A_782 = arith.addf %add3A_781, %select_n3A_684 : vector<16xf32>
      %sub3A_783 = arith.subf %add3A_782, %exp3A_325 : vector<16xf32>
      %swap3A_784 = arith.constant 208 : index
      %swap3A_785 = tpu.vector_load %arg6[%swap3A_784] {strides = array<i32>} : memref<320xf32, #tpu.memory_space<vmem>>, vector<16xf32>,
      tpu.vector_store %arg6[%swap3A_784], %sub3A_783 {strides = array<i32>} : memref<320xf32, #tpu.memory_space<vmem>>, vector<16xf32>,
      %add3A_786 = arith.addf %select_n3A_631, %exp3A_345 : vector<16xf32>
      %add3A_787 = arith.addf %add3A_786, %select_n3A_705 : vector<16xf32>
      %sub3A_788 = arith.subf %add3A_787, %exp3A_329 : vector<16xf32>
      %swap3A_789 = arith.constant 224 : index
      %swap3A_790 = tpu.vector_load %arg6[%swap3A_789] {strides = array<i32>} : memref<320xf32, #tpu.memory_space<vmem>>, vector<16xf32>,
      tpu.vector_store %arg6[%swap3A_789], %sub3A_788 {strides = array<i32>} : memref<320xf32, #tpu.memory_space<vmem>>, vector<16xf32>,
      %add3A_791 = arith.addf %select_n3A_642, %exp3A_349 : vector<16xf32>
      %add3A_792 = arith.addf %add3A_791, %select_n3A_716 : vector<16xf32>
      %sub3A_793 = arith.subf %add3A_792, %exp3A_333 : vector<16xf32>
      %swap3A_794 = arith.constant 240 : index
      %swap3A_795 = tpu.vector_load %arg6[%swap3A_794] {strides = array<i32>} : memref<320xf32, #tpu.memory_space<vmem>>, vector<16xf32>,
      tpu.vector_store %arg6[%swap3A_794], %sub3A_793 {strides = array<i32>} : memref<320xf32, #tpu.memory_space<vmem>>, vector<16xf32>,
      %mul3A_796 = arith.constant 64 : i32
      %mul3A_797 = arith.muli %mul3A_52, %mul3A_796 : i32
      "tpu.region"() ({
        %run_scoped3A = tpu.sem_alloc : memref<!tpu.dma_semaphore, #tpu.memory_space<semaphore_mem>>
        %dma_start3A = arith.constant 0 : i32
        %dma_start3A_798 = tpu.memref_slice %arg6[%dma_start3A] : memref<320xf32, #tpu.memory_space<vmem>> -> memref<256xf32, #tpu.memory_space<vmem>>
        %dma_start3A_799 = tpu.memref_slice %arg4[%mul3A_797] : memref<4096xf32, #tpu.memory_space<hbm>> -> memref<256xf32, #tpu.memory_space<hbm>>
        %dma_start3A_800 = tpu.memref_slice %arg4[%mul3A_797] : memref<4096xf32, #tpu.memory_space<hbm>> -> memref<256xf32, #tpu.memory_space<hbm>>
        %dma_start3A_801 = arith.constant 0 : i32
        %dma_start3A_802 = tpu.memref_slice %arg6[%dma_start3A_801] : memref<320xf32, #tpu.memory_space<vmem>> -> memref<256xf32, #tpu.memory_space<vmem>>
        tpu.enqueue_dma source(%dma_start3A_802 : memref<256xf32, #tpu.memory_space<vmem>>) target(%dma_start3A_800 : memref<256xf32, #tpu.memory_space<hbm>>) target_semaphore(%run_scoped3A : memref<!tpu.dma_semaphore, #tpu.memory_space<semaphore_mem>>)
        %dma_wait3A = arith.constant 0 : i32
        %dma_wait3A_803 = tpu.memref_slice %arg6[%dma_wait3A] : memref<320xf32, #tpu.memory_space<vmem>> -> memref<256xf32, #tpu.memory_space<vmem>>
        %dma_wait3A_804 = tpu.memref_slice %arg4[%mul3A_797] : memref<4096xf32, #tpu.memory_space<hbm>> -> memref<256xf32, #tpu.memory_space<hbm>>
        %dma_wait3A_805 = tpu.memref_slice %arg4[%mul3A_797] : memref<4096xf32, #tpu.memory_space<hbm>> -> memref<256xf32, #tpu.memory_space<hbm>>
        %dma_wait3A_806 = arith.constant 0 : i32
        %dma_wait3A_807 = tpu.memref_slice %arg6[%dma_wait3A_806] : memref<320xf32, #tpu.memory_space<vmem>> -> memref<256xf32, #tpu.memory_space<vmem>>
        tpu.wait_dma2 semaphore(%run_scoped3A : memref<!tpu.dma_semaphore, #tpu.memory_space<semaphore_mem>>) src(%dma_wait3A_807 : memref<256xf32, #tpu.memory_space<vmem>>) dst(%dma_wait3A_805 : memref<256xf32, #tpu.memory_space<hbm>>)
        tpu.yield
      }) : () -> ()
    } else {
    }
    %ge3A_34 = arith.constant 1 : i32
    %ge3A_35 = arith.cmpi sge, %arg1, %ge3A_34 : i32
    %le3A = arith.constant 3 : i32
    %le3A_36 = arith.cmpi sle, %arg1, %le3A : i32
    %and3A = arith.andi %ge3A_35, %le3A_36 : i1
    %convert_element_type3A_37 = arith.extui %and3A : i1 to i32
    %cond3A_38 = arith.constant 0 : i32
    %cond3A_39 = arith.cmpi ne, %convert_element_type3A_37, %cond3A_38 : i32
    scf.if %cond3A_39 {
      %add3A_50 = arith.constant 60 : i32
      %add3A_51 = arith.addi %add3A_50, %arg1 : i32
      %sub3A_52 = arith.constant 1 : i32
      %sub3A_53 = arith.subi %add3A_51, %sub3A_52 : i32
      %add3A_54 = arith.constant 0 : i32
      %add3A_55 = arith.addi %sub3A_53, %add3A_54 : i32
      %mul3A = arith.constant 64 : i32
      %mul3A_56 = arith.muli %add3A_55, %mul3A : i32
      %add3A_57 = vector.broadcast %mul3A_56 : i32 to vector<16xi32>
      %add3A_58 = arith.addi %add3A_1, %add3A_57 : vector<16xi32>
      %gather3A = tpu.vector_load_idx %arg5[%add3A_58] : memref<4096xf32, #tpu.memory_space<vmem>>[vector<16xi32>], vector<16xf32>,
      %neg3A = arith.constant 0.000000e+00 : f32
      %neg3A_59 = vector.broadcast %neg3A : f32 to vector<16xf32>
      %neg3A_60 = arith.subf %neg3A_59, %gather3A : vector<16xf32>
      %exp3A = math.exp %neg3A_60 : vector<16xf32>
      %add3A_61 = arith.constant 0 : i32
      %add3A_62 = arith.addi %sub3A_53, %add3A_61 : i32
      %mul3A_63 = arith.constant 64 : i32
      %mul3A_64 = arith.muli %add3A_62, %mul3A_63 : i32
      %add3A_65 = vector.broadcast %mul3A_64 : i32 to vector<16xi32>
      %add3A_66 = arith.addi %add3A_4, %add3A_65 : vector<16xi32>
      %gather3A_67 = tpu.vector_load_idx %arg5[%add3A_66] : memref<4096xf32, #tpu.memory_space<vmem>>[vector<16xi32>], vector<16xf32>,
      %neg3A_68 = arith.constant 0.000000e+00 : f32
      %neg3A_69 = vector.broadcast %neg3A_68 : f32 to vector<16xf32>
      %neg3A_70 = arith.subf %neg3A_69, %gather3A_67 : vector<16xf32>
      %exp3A_71 = math.exp %neg3A_70 : vector<16xf32>
      %add3A_72 = arith.constant 0 : i32
      %add3A_73 = arith.addi %sub3A_53, %add3A_72 : i32
      %mul3A_74 = arith.constant 64 : i32
      %mul3A_75 = arith.muli %add3A_73, %mul3A_74 : i32
      %add3A_76 = vector.broadcast %mul3A_75 : i32 to vector<16xi32>
      %add3A_77 = arith.addi %add3A_7, %add3A_76 : vector<16xi32>
      %gather3A_78 = tpu.vector_load_idx %arg5[%add3A_77] : memref<4096xf32, #tpu.memory_space<vmem>>[vector<16xi32>], vector<16xf32>,
      %neg3A_79 = arith.constant 0.000000e+00 : f32
      %neg3A_80 = vector.broadcast %neg3A_79 : f32 to vector<16xf32>
      %neg3A_81 = arith.subf %neg3A_80, %gather3A_78 : vector<16xf32>
      %exp3A_82 = math.exp %neg3A_81 : vector<16xf32>
      %add3A_83 = arith.constant 0 : i32
      %add3A_84 = arith.addi %sub3A_53, %add3A_83 : i32
      %mul3A_85 = arith.constant 64 : i32
      %mul3A_86 = arith.muli %add3A_84, %mul3A_85 : i32
      %add3A_87 = vector.broadcast %mul3A_86 : i32 to vector<16xi32>
      %add3A_88 = arith.addi %add3A_10, %add3A_87 : vector<16xi32>
      %gather3A_89 = tpu.vector_load_idx %arg5[%add3A_88] : memref<4096xf32, #tpu.memory_space<vmem>>[vector<16xi32>], vector<16xf32>,
      %neg3A_90 = arith.constant 0.000000e+00 : f32
      %neg3A_91 = vector.broadcast %neg3A_90 : f32 to vector<16xf32>
      %neg3A_92 = arith.subf %neg3A_91, %gather3A_89 : vector<16xf32>
      %exp3A_93 = math.exp %neg3A_92 : vector<16xf32>
      %add3A_94 = arith.constant 1 : i32
      %add3A_95 = arith.addi %sub3A_53, %add3A_94 : i32
      %mul3A_96 = arith.constant 64 : i32
      %mul3A_97 = arith.muli %add3A_95, %mul3A_96 : i32
      %add3A_98 = vector.broadcast %mul3A_97 : i32 to vector<16xi32>
      %add3A_99 = arith.addi %add3A_1, %add3A_98 : vector<16xi32>
      %gather3A_100 = tpu.vector_load_idx %arg5[%add3A_99] : memref<4096xf32, #tpu.memory_space<vmem>>[vector<16xi32>], vector<16xf32>,
      %neg3A_101 = arith.constant 0.000000e+00 : f32
      %neg3A_102 = vector.broadcast %neg3A_101 : f32 to vector<16xf32>
      %neg3A_103 = arith.subf %neg3A_102, %gather3A_100 : vector<16xf32>
      %exp3A_104 = math.exp %neg3A_103 : vector<16xf32>
      %add3A_105 = arith.constant 1 : i32
      %add3A_106 = arith.addi %sub3A_53, %add3A_105 : i32
      %mul3A_107 = arith.constant 64 : i32
      %mul3A_108 = arith.muli %add3A_106, %mul3A_107 : i32
      %add3A_109 = vector.broadcast %mul3A_108 : i32 to vector<16xi32>
      %add3A_110 = arith.addi %add3A_4, %add3A_109 : vector<16xi32>
      %gather3A_111 = tpu.vector_load_idx %arg5[%add3A_110] : memref<4096xf32, #tpu.memory_space<vmem>>[vector<16xi32>], vector<16xf32>,
      %neg3A_112 = arith.constant 0.000000e+00 : f32
      %neg3A_113 = vector.broadcast %neg3A_112 : f32 to vector<16xf32>
      %neg3A_114 = arith.subf %neg3A_113, %gather3A_111 : vector<16xf32>
      %exp3A_115 = math.exp %neg3A_114 : vector<16xf32>
      %add3A_116 = arith.constant 1 : i32
      %add3A_117 = arith.addi %sub3A_53, %add3A_116 : i32
      %mul3A_118 = arith.constant 64 : i32
      %mul3A_119 = arith.muli %add3A_117, %mul3A_118 : i32
      %add3A_120 = vector.broadcast %mul3A_119 : i32 to vector<16xi32>
      %add3A_121 = arith.addi %add3A_7, %add3A_120 : vector<16xi32>
      %gather3A_122 = tpu.vector_load_idx %arg5[%add3A_121] : memref<4096xf32, #tpu.memory_space<vmem>>[vector<16xi32>], vector<16xf32>,
      %neg3A_123 = arith.constant 0.000000e+00 : f32
      %neg3A_124 = vector.broadcast %neg3A_123 : f32 to vector<16xf32>
      %neg3A_125 = arith.subf %neg3A_124, %gather3A_122 : vector<16xf32>
      %exp3A_126 = math.exp %neg3A_125 : vector<16xf32>
      %add3A_127 = arith.constant 1 : i32
      %add3A_128 = arith.addi %sub3A_53, %add3A_127 : i32
      %mul3A_129 = arith.constant 64 : i32
      %mul3A_130 = arith.muli %add3A_128, %mul3A_129 : i32
      %add3A_131 = vector.broadcast %mul3A_130 : i32 to vector<16xi32>
      %add3A_132 = arith.addi %add3A_10, %add3A_131 : vector<16xi32>
      %gather3A_133 = tpu.vector_load_idx %arg5[%add3A_132] : memref<4096xf32, #tpu.memory_space<vmem>>[vector<16xi32>], vector<16xf32>,
      %neg3A_134 = arith.constant 0.000000e+00 : f32
      %neg3A_135 = vector.broadcast %neg3A_134 : f32 to vector<16xf32>
      %neg3A_136 = arith.subf %neg3A_135, %gather3A_133 : vector<16xf32>
      %exp3A_137 = math.exp %neg3A_136 : vector<16xf32>
      %neg3A_138 = arith.constant 0.000000e+00 : f32
      %neg3A_139 = vector.broadcast %neg3A_138 : f32 to vector<16xf32>
      %neg3A_140 = arith.subf %neg3A_139, %exp3A : vector<16xf32>
      %exp3A_141 = math.exp %neg3A_140 : vector<16xf32>
      %neg3A_142 = arith.constant 0.000000e+00 : f32
      %neg3A_143 = vector.broadcast %neg3A_142 : f32 to vector<16xf32>
      %neg3A_144 = arith.subf %neg3A_143, %exp3A_71 : vector<16xf32>
      %exp3A_145 = math.exp %neg3A_144 : vector<16xf32>
      %neg3A_146 = arith.constant 0.000000e+00 : f32
      %neg3A_147 = vector.broadcast %neg3A_146 : f32 to vector<16xf32>
      %neg3A_148 = arith.subf %neg3A_147, %exp3A_82 : vector<16xf32>
      %exp3A_149 = math.exp %neg3A_148 : vector<16xf32>
      %neg3A_150 = arith.constant 0.000000e+00 : f32
      %neg3A_151 = vector.broadcast %neg3A_150 : f32 to vector<16xf32>
      %neg3A_152 = arith.subf %neg3A_151, %exp3A_93 : vector<16xf32>
      %exp3A_153 = math.exp %neg3A_152 : vector<16xf32>
      %neg3A_154 = arith.constant 0.000000e+00 : f32
      %neg3A_155 = vector.broadcast %neg3A_154 : f32 to vector<16xf32>
      %neg3A_156 = arith.subf %neg3A_155, %exp3A_104 : vector<16xf32>
      %exp3A_157 = math.exp %neg3A_156 : vector<16xf32>
      %neg3A_158 = arith.constant 0.000000e+00 : f32
      %neg3A_159 = vector.broadcast %neg3A_158 : f32 to vector<16xf32>
      %neg3A_160 = arith.subf %neg3A_159, %exp3A_115 : vector<16xf32>
      %exp3A_161 = math.exp %neg3A_160 : vector<16xf32>
      %neg3A_162 = arith.constant 0.000000e+00 : f32
      %neg3A_163 = vector.broadcast %neg3A_162 : f32 to vector<16xf32>
      %neg3A_164 = arith.subf %neg3A_163, %exp3A_126 : vector<16xf32>
      %exp3A_165 = math.exp %neg3A_164 : vector<16xf32>
      %neg3A_166 = arith.constant 0.000000e+00 : f32
      %neg3A_167 = vector.broadcast %neg3A_166 : f32 to vector<16xf32>
      %neg3A_168 = arith.subf %neg3A_167, %exp3A_137 : vector<16xf32>
      %exp3A_169 = math.exp %neg3A_168 : vector<16xf32>
      %lt3A = arith.constant 0 : i32
      %lt3A_170 = vector.broadcast %lt3A : i32 to vector<16xi32>
      %lt3A_171 = arith.cmpi slt, %min3A_26, %lt3A_170 : vector<16xi32>
      %add3A_172 = arith.constant 16 : i32
      %add3A_173 = vector.broadcast %add3A_172 : i32 to vector<16xi32>
      %add3A_174 = arith.addi %min3A_26, %add3A_173 : vector<16xi32>
      %select_n3A = arith.select %lt3A_171, %add3A_174, %min3A_26 : vector<16xi1>, vector<16xi32>
      %reshape3A = vector.shape_cast %select_n3A : vector<16xi32> to vector<16x1xi32>
      %gather3A_175 = vector.shape_cast %reshape3A : vector<16x1xi32> to vector<16xi32>
      %gather3A_176 = tpu.dynamic_gather %exp3A_141[%gather3A_175] in [0] : vector<16xf32>, vector<16xi32> -> vector<16xf32>
      %lt3A_177 = arith.constant 0 : i32
      %lt3A_178 = vector.broadcast %lt3A_177 : i32 to vector<16xi32>
      %lt3A_179 = arith.cmpi slt, %broadcast_in_dim3A_28, %lt3A_178 : vector<16xi32>
      %add3A_180 = arith.constant 16 : i32
      %add3A_181 = vector.broadcast %add3A_180 : i32 to vector<16xi32>
      %add3A_182 = arith.addi %broadcast_in_dim3A_28, %add3A_181 : vector<16xi32>
      %select_n3A_183 = arith.select %lt3A_179, %add3A_182, %broadcast_in_dim3A_28 : vector<16xi1>, vector<16xi32>
      %reshape3A_184 = vector.shape_cast %select_n3A_183 : vector<16xi32> to vector<16x1xi32>
      %gather3A_185 = vector.shape_cast %reshape3A_184 : vector<16x1xi32> to vector<16xi32>
      %gather3A_186 = tpu.dynamic_gather %exp3A_145[%gather3A_185] in [0] : vector<16xf32>, vector<16xi32> -> vector<16xf32>
      %select_n3A_187 = arith.select %eq3A_31, %gather3A_186, %gather3A_176 : vector<16xi1>, vector<16xf32>
      %lt3A_188 = arith.constant 0 : i32
      %lt3A_189 = vector.broadcast %lt3A_188 : i32 to vector<16xi32>
      %lt3A_190 = arith.cmpi slt, %min3A_26, %lt3A_189 : vector<16xi32>
      %add3A_191 = arith.constant 16 : i32
      %add3A_192 = vector.broadcast %add3A_191 : i32 to vector<16xi32>
      %add3A_193 = arith.addi %min3A_26, %add3A_192 : vector<16xi32>
      %select_n3A_194 = arith.select %lt3A_190, %add3A_193, %min3A_26 : vector<16xi1>, vector<16xi32>
      %reshape3A_195 = vector.shape_cast %select_n3A_194 : vector<16xi32> to vector<16x1xi32>
      %gather3A_196 = vector.shape_cast %reshape3A_195 : vector<16x1xi32> to vector<16xi32>
      %gather3A_197 = tpu.dynamic_gather %exp3A_145[%gather3A_196] in [0] : vector<16xf32>, vector<16xi32> -> vector<16xf32>
      %lt3A_198 = arith.constant 0 : i32
      %lt3A_199 = vector.broadcast %lt3A_198 : i32 to vector<16xi32>
      %lt3A_200 = arith.cmpi slt, %broadcast_in_dim3A_28, %lt3A_199 : vector<16xi32>
      %add3A_201 = arith.constant 16 : i32
      %add3A_202 = vector.broadcast %add3A_201 : i32 to vector<16xi32>
      %add3A_203 = arith.addi %broadcast_in_dim3A_28, %add3A_202 : vector<16xi32>
      %select_n3A_204 = arith.select %lt3A_200, %add3A_203, %broadcast_in_dim3A_28 : vector<16xi1>, vector<16xi32>
      %reshape3A_205 = vector.shape_cast %select_n3A_204 : vector<16xi32> to vector<16x1xi32>
      %gather3A_206 = vector.shape_cast %reshape3A_205 : vector<16x1xi32> to vector<16xi32>
      %gather3A_207 = tpu.dynamic_gather %exp3A_149[%gather3A_206] in [0] : vector<16xf32>, vector<16xi32> -> vector<16xf32>
      %select_n3A_208 = arith.select %eq3A_31, %gather3A_207, %gather3A_197 : vector<16xi1>, vector<16xf32>
      %lt3A_209 = arith.constant 0 : i32
      %lt3A_210 = vector.broadcast %lt3A_209 : i32 to vector<16xi32>
      %lt3A_211 = arith.cmpi slt, %min3A_26, %lt3A_210 : vector<16xi32>
      %add3A_212 = arith.constant 16 : i32
      %add3A_213 = vector.broadcast %add3A_212 : i32 to vector<16xi32>
      %add3A_214 = arith.addi %min3A_26, %add3A_213 : vector<16xi32>
      %select_n3A_215 = arith.select %lt3A_211, %add3A_214, %min3A_26 : vector<16xi1>, vector<16xi32>
      %reshape3A_216 = vector.shape_cast %select_n3A_215 : vector<16xi32> to vector<16x1xi32>
      %gather3A_217 = vector.shape_cast %reshape3A_216 : vector<16x1xi32> to vector<16xi32>
      %gather3A_218 = tpu.dynamic_gather %exp3A_149[%gather3A_217] in [0] : vector<16xf32>, vector<16xi32> -> vector<16xf32>
      %lt3A_219 = arith.constant 0 : i32
      %lt3A_220 = vector.broadcast %lt3A_219 : i32 to vector<16xi32>
      %lt3A_221 = arith.cmpi slt, %broadcast_in_dim3A_28, %lt3A_220 : vector<16xi32>
      %add3A_222 = arith.constant 16 : i32
      %add3A_223 = vector.broadcast %add3A_222 : i32 to vector<16xi32>
      %add3A_224 = arith.addi %broadcast_in_dim3A_28, %add3A_223 : vector<16xi32>
      %select_n3A_225 = arith.select %lt3A_221, %add3A_224, %broadcast_in_dim3A_28 : vector<16xi1>, vector<16xi32>
      %reshape3A_226 = vector.shape_cast %select_n3A_225 : vector<16xi32> to vector<16x1xi32>
      %gather3A_227 = vector.shape_cast %reshape3A_226 : vector<16x1xi32> to vector<16xi32>
      %gather3A_228 = tpu.dynamic_gather %exp3A_153[%gather3A_227] in [0] : vector<16xf32>, vector<16xi32> -> vector<16xf32>
      %select_n3A_229 = arith.select %eq3A_31, %gather3A_228, %gather3A_218 : vector<16xi1>, vector<16xf32>
      %lt3A_230 = arith.constant 0 : i32
      %lt3A_231 = vector.broadcast %lt3A_230 : i32 to vector<16xi32>
      %lt3A_232 = arith.cmpi slt, %min3A_26, %lt3A_231 : vector<16xi32>
      %add3A_233 = arith.constant 16 : i32
      %add3A_234 = vector.broadcast %add3A_233 : i32 to vector<16xi32>
      %add3A_235 = arith.addi %min3A_26, %add3A_234 : vector<16xi32>
      %select_n3A_236 = arith.select %lt3A_232, %add3A_235, %min3A_26 : vector<16xi1>, vector<16xi32>
      %reshape3A_237 = vector.shape_cast %select_n3A_236 : vector<16xi32> to vector<16x1xi32>
      %gather3A_238 = vector.shape_cast %reshape3A_237 : vector<16x1xi32> to vector<16xi32>
      %gather3A_239 = tpu.dynamic_gather %exp3A_153[%gather3A_238] in [0] : vector<16xf32>, vector<16xi32> -> vector<16xf32>
      %select_n3A_240 = arith.select %eq3A_31, %broadcast_in_dim3A_21, %gather3A_239 : vector<16xi1>, vector<16xf32>
      %lt3A_241 = arith.constant 0 : i32
      %lt3A_242 = vector.broadcast %lt3A_241 : i32 to vector<16xi32>
      %lt3A_243 = arith.cmpi slt, %min3A_26, %lt3A_242 : vector<16xi32>
      %add3A_244 = arith.constant 16 : i32
      %add3A_245 = vector.broadcast %add3A_244 : i32 to vector<16xi32>
      %add3A_246 = arith.addi %min3A_26, %add3A_245 : vector<16xi32>
      %select_n3A_247 = arith.select %lt3A_243, %add3A_246, %min3A_26 : vector<16xi1>, vector<16xi32>
      %reshape3A_248 = vector.shape_cast %select_n3A_247 : vector<16xi32> to vector<16x1xi32>
      %gather3A_249 = vector.shape_cast %reshape3A_248 : vector<16x1xi32> to vector<16xi32>
      %gather3A_250 = tpu.dynamic_gather %exp3A_157[%gather3A_249] in [0] : vector<16xf32>, vector<16xi32> -> vector<16xf32>
      %lt3A_251 = arith.constant 0 : i32
      %lt3A_252 = vector.broadcast %lt3A_251 : i32 to vector<16xi32>
      %lt3A_253 = arith.cmpi slt, %broadcast_in_dim3A_28, %lt3A_252 : vector<16xi32>
      %add3A_254 = arith.constant 16 : i32
      %add3A_255 = vector.broadcast %add3A_254 : i32 to vector<16xi32>
      %add3A_256 = arith.addi %broadcast_in_dim3A_28, %add3A_255 : vector<16xi32>
      %select_n3A_257 = arith.select %lt3A_253, %add3A_256, %broadcast_in_dim3A_28 : vector<16xi1>, vector<16xi32>
      %reshape3A_258 = vector.shape_cast %select_n3A_257 : vector<16xi32> to vector<16x1xi32>
      %gather3A_259 = vector.shape_cast %reshape3A_258 : vector<16x1xi32> to vector<16xi32>
      %gather3A_260 = tpu.dynamic_gather %exp3A_161[%gather3A_259] in [0] : vector<16xf32>, vector<16xi32> -> vector<16xf32>
      %select_n3A_261 = arith.select %eq3A_31, %gather3A_260, %gather3A_250 : vector<16xi1>, vector<16xf32>
      %lt3A_262 = arith.constant 0 : i32
      %lt3A_263 = vector.broadcast %lt3A_262 : i32 to vector<16xi32>
      %lt3A_264 = arith.cmpi slt, %min3A_26, %lt3A_263 : vector<16xi32>
      %add3A_265 = arith.constant 16 : i32
      %add3A_266 = vector.broadcast %add3A_265 : i32 to vector<16xi32>
      %add3A_267 = arith.addi %min3A_26, %add3A_266 : vector<16xi32>
      %select_n3A_268 = arith.select %lt3A_264, %add3A_267, %min3A_26 : vector<16xi1>, vector<16xi32>
      %reshape3A_269 = vector.shape_cast %select_n3A_268 : vector<16xi32> to vector<16x1xi32>
      %gather3A_270 = vector.shape_cast %reshape3A_269 : vector<16x1xi32> to vector<16xi32>
      %gather3A_271 = tpu.dynamic_gather %exp3A_161[%gather3A_270] in [0] : vector<16xf32>, vector<16xi32> -> vector<16xf32>
      %lt3A_272 = arith.constant 0 : i32
      %lt3A_273 = vector.broadcast %lt3A_272 : i32 to vector<16xi32>
      %lt3A_274 = arith.cmpi slt, %broadcast_in_dim3A_28, %lt3A_273 : vector<16xi32>
      %add3A_275 = arith.constant 16 : i32
      %add3A_276 = vector.broadcast %add3A_275 : i32 to vector<16xi32>
      %add3A_277 = arith.addi %broadcast_in_dim3A_28, %add3A_276 : vector<16xi32>
      %select_n3A_278 = arith.select %lt3A_274, %add3A_277, %broadcast_in_dim3A_28 : vector<16xi1>, vector<16xi32>
      %reshape3A_279 = vector.shape_cast %select_n3A_278 : vector<16xi32> to vector<16x1xi32>
      %gather3A_280 = vector.shape_cast %reshape3A_279 : vector<16x1xi32> to vector<16xi32>
      %gather3A_281 = tpu.dynamic_gather %exp3A_165[%gather3A_280] in [0] : vector<16xf32>, vector<16xi32> -> vector<16xf32>
      %select_n3A_282 = arith.select %eq3A_31, %gather3A_281, %gather3A_271 : vector<16xi1>, vector<16xf32>
      %lt3A_283 = arith.constant 0 : i32
      %lt3A_284 = vector.broadcast %lt3A_283 : i32 to vector<16xi32>
      %lt3A_285 = arith.cmpi slt, %min3A_26, %lt3A_284 : vector<16xi32>
      %add3A_286 = arith.constant 16 : i32
      %add3A_287 = vector.broadcast %add3A_286 : i32 to vector<16xi32>
      %add3A_288 = arith.addi %min3A_26, %add3A_287 : vector<16xi32>
      %select_n3A_289 = arith.select %lt3A_285, %add3A_288, %min3A_26 : vector<16xi1>, vector<16xi32>
      %reshape3A_290 = vector.shape_cast %select_n3A_289 : vector<16xi32> to vector<16x1xi32>
      %gather3A_291 = vector.shape_cast %reshape3A_290 : vector<16x1xi32> to vector<16xi32>
      %gather3A_292 = tpu.dynamic_gather %exp3A_165[%gather3A_291] in [0] : vector<16xf32>, vector<16xi32> -> vector<16xf32>
      %lt3A_293 = arith.constant 0 : i32
      %lt3A_294 = vector.broadcast %lt3A_293 : i32 to vector<16xi32>
      %lt3A_295 = arith.cmpi slt, %broadcast_in_dim3A_28, %lt3A_294 : vector<16xi32>
      %add3A_296 = arith.constant 16 : i32
      %add3A_297 = vector.broadcast %add3A_296 : i32 to vector<16xi32>
      %add3A_298 = arith.addi %broadcast_in_dim3A_28, %add3A_297 : vector<16xi32>
      %select_n3A_299 = arith.select %lt3A_295, %add3A_298, %broadcast_in_dim3A_28 : vector<16xi1>, vector<16xi32>
      %reshape3A_300 = vector.shape_cast %select_n3A_299 : vector<16xi32> to vector<16x1xi32>
      %gather3A_301 = vector.shape_cast %reshape3A_300 : vector<16x1xi32> to vector<16xi32>
      %gather3A_302 = tpu.dynamic_gather %exp3A_169[%gather3A_301] in [0] : vector<16xf32>, vector<16xi32> -> vector<16xf32>
      %select_n3A_303 = arith.select %eq3A_31, %gather3A_302, %gather3A_292 : vector<16xi1>, vector<16xf32>
      %lt3A_304 = arith.constant 0 : i32
      %lt3A_305 = vector.broadcast %lt3A_304 : i32 to vector<16xi32>
      %lt3A_306 = arith.cmpi slt, %min3A_26, %lt3A_305 : vector<16xi32>
      %add3A_307 = arith.constant 16 : i32
      %add3A_308 = vector.broadcast %add3A_307 : i32 to vector<16xi32>
      %add3A_309 = arith.addi %min3A_26, %add3A_308 : vector<16xi32>
      %select_n3A_310 = arith.select %lt3A_306, %add3A_309, %min3A_26 : vector<16xi1>, vector<16xi32>
      %reshape3A_311 = vector.shape_cast %select_n3A_310 : vector<16xi32> to vector<16x1xi32>
      %gather3A_312 = vector.shape_cast %reshape3A_311 : vector<16x1xi32> to vector<16xi32>
      %gather3A_313 = tpu.dynamic_gather %exp3A_169[%gather3A_312] in [0] : vector<16xf32>, vector<16xi32> -> vector<16xf32>
      %select_n3A_314 = arith.select %eq3A_31, %broadcast_in_dim3A_21, %gather3A_313 : vector<16xi1>, vector<16xf32>
      %add3A_315 = arith.addf %select_n3A_187, %exp3A_157 : vector<16xf32>
      %add3A_316 = arith.addf %add3A_315, %select_n3A_261 : vector<16xf32>
      %sub3A_317 = arith.subf %add3A_316, %exp3A_141 : vector<16xf32>
      %swap3A = arith.constant 0 : index
      %swap3A_318 = tpu.vector_load %arg6[%swap3A] {strides = array<i32>} : memref<320xf32, #tpu.memory_space<vmem>>, vector<16xf32>,
      tpu.vector_store %arg6[%swap3A], %sub3A_317 {strides = array<i32>} : memref<320xf32, #tpu.memory_space<vmem>>, vector<16xf32>,
      %add3A_319 = arith.addf %select_n3A_208, %exp3A_161 : vector<16xf32>
      %add3A_320 = arith.addf %add3A_319, %select_n3A_282 : vector<16xf32>
      %sub3A_321 = arith.subf %add3A_320, %exp3A_145 : vector<16xf32>
      %swap3A_322 = arith.constant 16 : index
      %swap3A_323 = tpu.vector_load %arg6[%swap3A_322] {strides = array<i32>} : memref<320xf32, #tpu.memory_space<vmem>>, vector<16xf32>,
      tpu.vector_store %arg6[%swap3A_322], %sub3A_321 {strides = array<i32>} : memref<320xf32, #tpu.memory_space<vmem>>, vector<16xf32>,
      %add3A_324 = arith.addf %select_n3A_229, %exp3A_165 : vector<16xf32>
      %add3A_325 = arith.addf %add3A_324, %select_n3A_303 : vector<16xf32>
      %sub3A_326 = arith.subf %add3A_325, %exp3A_149 : vector<16xf32>
      %swap3A_327 = arith.constant 32 : index
      %swap3A_328 = tpu.vector_load %arg6[%swap3A_327] {strides = array<i32>} : memref<320xf32, #tpu.memory_space<vmem>>, vector<16xf32>,
      tpu.vector_store %arg6[%swap3A_327], %sub3A_326 {strides = array<i32>} : memref<320xf32, #tpu.memory_space<vmem>>, vector<16xf32>,
      %add3A_329 = arith.addf %select_n3A_240, %exp3A_169 : vector<16xf32>
      %add3A_330 = arith.addf %add3A_329, %select_n3A_314 : vector<16xf32>
      %sub3A_331 = arith.subf %add3A_330, %exp3A_153 : vector<16xf32>
      %swap3A_332 = arith.constant 48 : index
      %swap3A_333 = tpu.vector_load %arg6[%swap3A_332] {strides = array<i32>} : memref<320xf32, #tpu.memory_space<vmem>>, vector<16xf32>,
      tpu.vector_store %arg6[%swap3A_332], %sub3A_331 {strides = array<i32>} : memref<320xf32, #tpu.memory_space<vmem>>, vector<16xf32>,
      %mul3A_334 = arith.constant 64 : i32
      %mul3A_335 = arith.muli %sub3A_53, %mul3A_334 : i32
      "tpu.region"() ({
        %run_scoped3A = tpu.sem_alloc : memref<!tpu.dma_semaphore, #tpu.memory_space<semaphore_mem>>
        %dma_start3A = arith.constant 0 : i32
        %dma_start3A_336 = tpu.memref_slice %arg6[%dma_start3A] : memref<320xf32, #tpu.memory_space<vmem>> -> memref<64xf32, #tpu.memory_space<vmem>>
        %dma_start3A_337 = tpu.memref_slice %arg4[%mul3A_335] : memref<4096xf32, #tpu.memory_space<hbm>> -> memref<64xf32, #tpu.memory_space<hbm>>
        %dma_start3A_338 = tpu.memref_slice %arg4[%mul3A_335] : memref<4096xf32, #tpu.memory_space<hbm>> -> memref<64xf32, #tpu.memory_space<hbm>>
        %dma_start3A_339 = arith.constant 0 : i32
        %dma_start3A_340 = tpu.memref_slice %arg6[%dma_start3A_339] : memref<320xf32, #tpu.memory_space<vmem>> -> memref<64xf32, #tpu.memory_space<vmem>>
        tpu.enqueue_dma source(%dma_start3A_340 : memref<64xf32, #tpu.memory_space<vmem>>) target(%dma_start3A_338 : memref<64xf32, #tpu.memory_space<hbm>>) target_semaphore(%run_scoped3A : memref<!tpu.dma_semaphore, #tpu.memory_space<semaphore_mem>>)
        %dma_wait3A = arith.constant 0 : i32
        %dma_wait3A_341 = tpu.memref_slice %arg6[%dma_wait3A] : memref<320xf32, #tpu.memory_space<vmem>> -> memref<64xf32, #tpu.memory_space<vmem>>
        %dma_wait3A_342 = tpu.memref_slice %arg4[%mul3A_335] : memref<4096xf32, #tpu.memory_space<hbm>> -> memref<64xf32, #tpu.memory_space<hbm>>
        %dma_wait3A_343 = tpu.memref_slice %arg4[%mul3A_335] : memref<4096xf32, #tpu.memory_space<hbm>> -> memref<64xf32, #tpu.memory_space<hbm>>
        %dma_wait3A_344 = arith.constant 0 : i32
        %dma_wait3A_345 = tpu.memref_slice %arg6[%dma_wait3A_344] : memref<320xf32, #tpu.memory_space<vmem>> -> memref<64xf32, #tpu.memory_space<vmem>>
        tpu.wait_dma2 semaphore(%run_scoped3A : memref<!tpu.dma_semaphore, #tpu.memory_space<semaphore_mem>>) src(%dma_wait3A_345 : memref<64xf32, #tpu.memory_space<vmem>>) dst(%dma_wait3A_343 : memref<64xf32, #tpu.memory_space<hbm>>)
        tpu.yield
      }) : () -> ()
    } else {
    }
    %eq3A_40 = arith.constant 4 : i32
    %eq3A_41 = arith.cmpi eq, %arg1, %eq3A_40 : i32
    %convert_element_type3A_42 = arith.extui %eq3A_41 : i1 to i32
    %cond3A_43 = arith.constant 0 : i32
    %cond3A_44 = arith.cmpi ne, %convert_element_type3A_42, %cond3A_43 : i32
    scf.if %cond3A_44 {
      %add3A_50 = arith.constant 4032 : i32
      %add3A_51 = vector.broadcast %add3A_50 : i32 to vector<16xi32>
      %add3A_52 = arith.addi %add3A_1, %add3A_51 : vector<16xi32>
      %gather3A = tpu.vector_load_idx %arg5[%add3A_52] : memref<4096xf32, #tpu.memory_space<vmem>>[vector<16xi32>], vector<16xf32>,
      %neg3A = arith.constant 0.000000e+00 : f32
      %neg3A_53 = vector.broadcast %neg3A : f32 to vector<16xf32>
      %neg3A_54 = arith.subf %neg3A_53, %gather3A : vector<16xf32>
      %exp3A = math.exp %neg3A_54 : vector<16xf32>
      %add3A_55 = arith.constant 4032 : i32
      %add3A_56 = vector.broadcast %add3A_55 : i32 to vector<16xi32>
      %add3A_57 = arith.addi %add3A_4, %add3A_56 : vector<16xi32>
      %gather3A_58 = tpu.vector_load_idx %arg5[%add3A_57] : memref<4096xf32, #tpu.memory_space<vmem>>[vector<16xi32>], vector<16xf32>,
      %neg3A_59 = arith.constant 0.000000e+00 : f32
      %neg3A_60 = vector.broadcast %neg3A_59 : f32 to vector<16xf32>
      %neg3A_61 = arith.subf %neg3A_60, %gather3A_58 : vector<16xf32>
      %exp3A_62 = math.exp %neg3A_61 : vector<16xf32>
      %add3A_63 = arith.constant 4032 : i32
      %add3A_64 = vector.broadcast %add3A_63 : i32 to vector<16xi32>
      %add3A_65 = arith.addi %add3A_7, %add3A_64 : vector<16xi32>
      %gather3A_66 = tpu.vector_load_idx %arg5[%add3A_65] : memref<4096xf32, #tpu.memory_space<vmem>>[vector<16xi32>], vector<16xf32>,
      %neg3A_67 = arith.constant 0.000000e+00 : f32
      %neg3A_68 = vector.broadcast %neg3A_67 : f32 to vector<16xf32>
      %neg3A_69 = arith.subf %neg3A_68, %gather3A_66 : vector<16xf32>
      %exp3A_70 = math.exp %neg3A_69 : vector<16xf32>
      %add3A_71 = arith.constant 4032 : i32
      %add3A_72 = vector.broadcast %add3A_71 : i32 to vector<16xi32>
      %add3A_73 = arith.addi %add3A_10, %add3A_72 : vector<16xi32>
      %gather3A_74 = tpu.vector_load_idx %arg5[%add3A_73] : memref<4096xf32, #tpu.memory_space<vmem>>[vector<16xi32>], vector<16xf32>,
      %neg3A_75 = arith.constant 0.000000e+00 : f32
      %neg3A_76 = vector.broadcast %neg3A_75 : f32 to vector<16xf32>
      %neg3A_77 = arith.subf %neg3A_76, %gather3A_74 : vector<16xf32>
      %exp3A_78 = math.exp %neg3A_77 : vector<16xf32>
      %neg3A_79 = arith.constant 0.000000e+00 : f32
      %neg3A_80 = vector.broadcast %neg3A_79 : f32 to vector<16xf32>
      %neg3A_81 = arith.subf %neg3A_80, %exp3A : vector<16xf32>
      %exp3A_82 = math.exp %neg3A_81 : vector<16xf32>
      %neg3A_83 = arith.constant 0.000000e+00 : f32
      %neg3A_84 = vector.broadcast %neg3A_83 : f32 to vector<16xf32>
      %neg3A_85 = arith.subf %neg3A_84, %exp3A_62 : vector<16xf32>
      %exp3A_86 = math.exp %neg3A_85 : vector<16xf32>
      %neg3A_87 = arith.constant 0.000000e+00 : f32
      %neg3A_88 = vector.broadcast %neg3A_87 : f32 to vector<16xf32>
      %neg3A_89 = arith.subf %neg3A_88, %exp3A_70 : vector<16xf32>
      %exp3A_90 = math.exp %neg3A_89 : vector<16xf32>
      %neg3A_91 = arith.constant 0.000000e+00 : f32
      %neg3A_92 = vector.broadcast %neg3A_91 : f32 to vector<16xf32>
      %neg3A_93 = arith.subf %neg3A_92, %exp3A_78 : vector<16xf32>
      %exp3A_94 = math.exp %neg3A_93 : vector<16xf32>
      %lt3A = arith.constant 0 : i32
      %lt3A_95 = vector.broadcast %lt3A : i32 to vector<16xi32>
      %lt3A_96 = arith.cmpi slt, %min3A_26, %lt3A_95 : vector<16xi32>
      %add3A_97 = arith.constant 16 : i32
      %add3A_98 = vector.broadcast %add3A_97 : i32 to vector<16xi32>
      %add3A_99 = arith.addi %min3A_26, %add3A_98 : vector<16xi32>
      %select_n3A = arith.select %lt3A_96, %add3A_99, %min3A_26 : vector<16xi1>, vector<16xi32>
      %reshape3A = vector.shape_cast %select_n3A : vector<16xi32> to vector<16x1xi32>
      %gather3A_100 = vector.shape_cast %reshape3A : vector<16x1xi32> to vector<16xi32>
      %gather3A_101 = tpu.dynamic_gather %exp3A_82[%gather3A_100] in [0] : vector<16xf32>, vector<16xi32> -> vector<16xf32>
      %lt3A_102 = arith.constant 0 : i32
      %lt3A_103 = vector.broadcast %lt3A_102 : i32 to vector<16xi32>
      %lt3A_104 = arith.cmpi slt, %broadcast_in_dim3A_28, %lt3A_103 : vector<16xi32>
      %add3A_105 = arith.constant 16 : i32
      %add3A_106 = vector.broadcast %add3A_105 : i32 to vector<16xi32>
      %add3A_107 = arith.addi %broadcast_in_dim3A_28, %add3A_106 : vector<16xi32>
      %select_n3A_108 = arith.select %lt3A_104, %add3A_107, %broadcast_in_dim3A_28 : vector<16xi1>, vector<16xi32>
      %reshape3A_109 = vector.shape_cast %select_n3A_108 : vector<16xi32> to vector<16x1xi32>
      %gather3A_110 = vector.shape_cast %reshape3A_109 : vector<16x1xi32> to vector<16xi32>
      %gather3A_111 = tpu.dynamic_gather %exp3A_86[%gather3A_110] in [0] : vector<16xf32>, vector<16xi32> -> vector<16xf32>
      %select_n3A_112 = arith.select %eq3A_31, %gather3A_111, %gather3A_101 : vector<16xi1>, vector<16xf32>
      %lt3A_113 = arith.constant 0 : i32
      %lt3A_114 = vector.broadcast %lt3A_113 : i32 to vector<16xi32>
      %lt3A_115 = arith.cmpi slt, %min3A_26, %lt3A_114 : vector<16xi32>
      %add3A_116 = arith.constant 16 : i32
      %add3A_117 = vector.broadcast %add3A_116 : i32 to vector<16xi32>
      %add3A_118 = arith.addi %min3A_26, %add3A_117 : vector<16xi32>
      %select_n3A_119 = arith.select %lt3A_115, %add3A_118, %min3A_26 : vector<16xi1>, vector<16xi32>
      %reshape3A_120 = vector.shape_cast %select_n3A_119 : vector<16xi32> to vector<16x1xi32>
      %gather3A_121 = vector.shape_cast %reshape3A_120 : vector<16x1xi32> to vector<16xi32>
      %gather3A_122 = tpu.dynamic_gather %exp3A_86[%gather3A_121] in [0] : vector<16xf32>, vector<16xi32> -> vector<16xf32>
      %lt3A_123 = arith.constant 0 : i32
      %lt3A_124 = vector.broadcast %lt3A_123 : i32 to vector<16xi32>
      %lt3A_125 = arith.cmpi slt, %broadcast_in_dim3A_28, %lt3A_124 : vector<16xi32>
      %add3A_126 = arith.constant 16 : i32
      %add3A_127 = vector.broadcast %add3A_126 : i32 to vector<16xi32>
      %add3A_128 = arith.addi %broadcast_in_dim3A_28, %add3A_127 : vector<16xi32>
      %select_n3A_129 = arith.select %lt3A_125, %add3A_128, %broadcast_in_dim3A_28 : vector<16xi1>, vector<16xi32>
      %reshape3A_130 = vector.shape_cast %select_n3A_129 : vector<16xi32> to vector<16x1xi32>
      %gather3A_131 = vector.shape_cast %reshape3A_130 : vector<16x1xi32> to vector<16xi32>
      %gather3A_132 = tpu.dynamic_gather %exp3A_90[%gather3A_131] in [0] : vector<16xf32>, vector<16xi32> -> vector<16xf32>
      %select_n3A_133 = arith.select %eq3A_31, %gather3A_132, %gather3A_122 : vector<16xi1>, vector<16xf32>
      %lt3A_134 = arith.constant 0 : i32
      %lt3A_135 = vector.broadcast %lt3A_134 : i32 to vector<16xi32>
      %lt3A_136 = arith.cmpi slt, %min3A_26, %lt3A_135 : vector<16xi32>
      %add3A_137 = arith.constant 16 : i32
      %add3A_138 = vector.broadcast %add3A_137 : i32 to vector<16xi32>
      %add3A_139 = arith.addi %min3A_26, %add3A_138 : vector<16xi32>
      %select_n3A_140 = arith.select %lt3A_136, %add3A_139, %min3A_26 : vector<16xi1>, vector<16xi32>
      %reshape3A_141 = vector.shape_cast %select_n3A_140 : vector<16xi32> to vector<16x1xi32>
      %gather3A_142 = vector.shape_cast %reshape3A_141 : vector<16x1xi32> to vector<16xi32>
      %gather3A_143 = tpu.dynamic_gather %exp3A_90[%gather3A_142] in [0] : vector<16xf32>, vector<16xi32> -> vector<16xf32>
      %lt3A_144 = arith.constant 0 : i32
      %lt3A_145 = vector.broadcast %lt3A_144 : i32 to vector<16xi32>
      %lt3A_146 = arith.cmpi slt, %broadcast_in_dim3A_28, %lt3A_145 : vector<16xi32>
      %add3A_147 = arith.constant 16 : i32
      %add3A_148 = vector.broadcast %add3A_147 : i32 to vector<16xi32>
      %add3A_149 = arith.addi %broadcast_in_dim3A_28, %add3A_148 : vector<16xi32>
      %select_n3A_150 = arith.select %lt3A_146, %add3A_149, %broadcast_in_dim3A_28 : vector<16xi1>, vector<16xi32>
      %reshape3A_151 = vector.shape_cast %select_n3A_150 : vector<16xi32> to vector<16x1xi32>
      %gather3A_152 = vector.shape_cast %reshape3A_151 : vector<16x1xi32> to vector<16xi32>
      %gather3A_153 = tpu.dynamic_gather %exp3A_94[%gather3A_152] in [0] : vector<16xf32>, vector<16xi32> -> vector<16xf32>
      %select_n3A_154 = arith.select %eq3A_31, %gather3A_153, %gather3A_143 : vector<16xi1>, vector<16xf32>
      %lt3A_155 = arith.constant 0 : i32
      %lt3A_156 = vector.broadcast %lt3A_155 : i32 to vector<16xi32>
      %lt3A_157 = arith.cmpi slt, %min3A_26, %lt3A_156 : vector<16xi32>
      %add3A_158 = arith.constant 16 : i32
      %add3A_159 = vector.broadcast %add3A_158 : i32 to vector<16xi32>
      %add3A_160 = arith.addi %min3A_26, %add3A_159 : vector<16xi32>
      %select_n3A_161 = arith.select %lt3A_157, %add3A_160, %min3A_26 : vector<16xi1>, vector<16xi32>
      %reshape3A_162 = vector.shape_cast %select_n3A_161 : vector<16xi32> to vector<16x1xi32>
      %gather3A_163 = vector.shape_cast %reshape3A_162 : vector<16x1xi32> to vector<16xi32>
      %gather3A_164 = tpu.dynamic_gather %exp3A_94[%gather3A_163] in [0] : vector<16xf32>, vector<16xi32> -> vector<16xf32>
      %select_n3A_165 = arith.select %eq3A_31, %broadcast_in_dim3A_21, %gather3A_164 : vector<16xi1>, vector<16xf32>
      %lt3A_166 = arith.constant 0 : i32
      %lt3A_167 = vector.broadcast %lt3A_166 : i32 to vector<16xi32>
      %lt3A_168 = arith.cmpi slt, %min3A_26, %lt3A_167 : vector<16xi32>
      %add3A_169 = arith.constant 16 : i32
      %add3A_170 = vector.broadcast %add3A_169 : i32 to vector<16xi32>
      %add3A_171 = arith.addi %min3A_26, %add3A_170 : vector<16xi32>
      %select_n3A_172 = arith.select %lt3A_168, %add3A_171, %min3A_26 : vector<16xi1>, vector<16xi32>
      %reshape3A_173 = vector.shape_cast %select_n3A_172 : vector<16xi32> to vector<16x1xi32>
      %gather3A_174 = vector.shape_cast %reshape3A_173 : vector<16x1xi32> to vector<16xi32>
      %gather3A_175 = tpu.dynamic_gather %broadcast_in_dim3A_21[%gather3A_174] in [0] : vector<16xf32>, vector<16xi32> -> vector<16xf32>
      %lt3A_176 = arith.constant 0 : i32
      %lt3A_177 = vector.broadcast %lt3A_176 : i32 to vector<16xi32>
      %lt3A_178 = arith.cmpi slt, %broadcast_in_dim3A_28, %lt3A_177 : vector<16xi32>
      %add3A_179 = arith.constant 16 : i32
      %add3A_180 = vector.broadcast %add3A_179 : i32 to vector<16xi32>
      %add3A_181 = arith.addi %broadcast_in_dim3A_28, %add3A_180 : vector<16xi32>
      %select_n3A_182 = arith.select %lt3A_178, %add3A_181, %broadcast_in_dim3A_28 : vector<16xi1>, vector<16xi32>
      %reshape3A_183 = vector.shape_cast %select_n3A_182 : vector<16xi32> to vector<16x1xi32>
      %gather3A_184 = vector.shape_cast %reshape3A_183 : vector<16x1xi32> to vector<16xi32>
      %gather3A_185 = tpu.dynamic_gather %broadcast_in_dim3A_21[%gather3A_184] in [0] : vector<16xf32>, vector<16xi32> -> vector<16xf32>
      %select_n3A_186 = arith.select %eq3A_31, %gather3A_185, %gather3A_175 : vector<16xi1>, vector<16xf32>
      %lt3A_187 = arith.constant 0 : i32
      %lt3A_188 = vector.broadcast %lt3A_187 : i32 to vector<16xi32>
      %lt3A_189 = arith.cmpi slt, %min3A_26, %lt3A_188 : vector<16xi32>
      %add3A_190 = arith.constant 16 : i32
      %add3A_191 = vector.broadcast %add3A_190 : i32 to vector<16xi32>
      %add3A_192 = arith.addi %min3A_26, %add3A_191 : vector<16xi32>
      %select_n3A_193 = arith.select %lt3A_189, %add3A_192, %min3A_26 : vector<16xi1>, vector<16xi32>
      %reshape3A_194 = vector.shape_cast %select_n3A_193 : vector<16xi32> to vector<16x1xi32>
      %gather3A_195 = vector.shape_cast %reshape3A_194 : vector<16x1xi32> to vector<16xi32>
      %gather3A_196 = tpu.dynamic_gather %broadcast_in_dim3A_21[%gather3A_195] in [0] : vector<16xf32>, vector<16xi32> -> vector<16xf32>
      %lt3A_197 = arith.constant 0 : i32
      %lt3A_198 = vector.broadcast %lt3A_197 : i32 to vector<16xi32>
      %lt3A_199 = arith.cmpi slt, %broadcast_in_dim3A_28, %lt3A_198 : vector<16xi32>
      %add3A_200 = arith.constant 16 : i32
      %add3A_201 = vector.broadcast %add3A_200 : i32 to vector<16xi32>
      %add3A_202 = arith.addi %broadcast_in_dim3A_28, %add3A_201 : vector<16xi32>
      %select_n3A_203 = arith.select %lt3A_199, %add3A_202, %broadcast_in_dim3A_28 : vector<16xi1>, vector<16xi32>
      %reshape3A_204 = vector.shape_cast %select_n3A_203 : vector<16xi32> to vector<16x1xi32>
      %gather3A_205 = vector.shape_cast %reshape3A_204 : vector<16x1xi32> to vector<16xi32>
      %gather3A_206 = tpu.dynamic_gather %broadcast_in_dim3A_21[%gather3A_205] in [0] : vector<16xf32>, vector<16xi32> -> vector<16xf32>
      %select_n3A_207 = arith.select %eq3A_31, %gather3A_206, %gather3A_196 : vector<16xi1>, vector<16xf32>
      %lt3A_208 = arith.constant 0 : i32
      %lt3A_209 = vector.broadcast %lt3A_208 : i32 to vector<16xi32>
      %lt3A_210 = arith.cmpi slt, %min3A_26, %lt3A_209 : vector<16xi32>
      %add3A_211 = arith.constant 16 : i32
      %add3A_212 = vector.broadcast %add3A_211 : i32 to vector<16xi32>
      %add3A_213 = arith.addi %min3A_26, %add3A_212 : vector<16xi32>
      %select_n3A_214 = arith.select %lt3A_210, %add3A_213, %min3A_26 : vector<16xi1>, vector<16xi32>
      %reshape3A_215 = vector.shape_cast %select_n3A_214 : vector<16xi32> to vector<16x1xi32>
      %gather3A_216 = vector.shape_cast %reshape3A_215 : vector<16x1xi32> to vector<16xi32>
      %gather3A_217 = tpu.dynamic_gather %broadcast_in_dim3A_21[%gather3A_216] in [0] : vector<16xf32>, vector<16xi32> -> vector<16xf32>
      %lt3A_218 = arith.constant 0 : i32
      %lt3A_219 = vector.broadcast %lt3A_218 : i32 to vector<16xi32>
      %lt3A_220 = arith.cmpi slt, %broadcast_in_dim3A_28, %lt3A_219 : vector<16xi32>
      %add3A_221 = arith.constant 16 : i32
      %add3A_222 = vector.broadcast %add3A_221 : i32 to vector<16xi32>
      %add3A_223 = arith.addi %broadcast_in_dim3A_28, %add3A_222 : vector<16xi32>
      %select_n3A_224 = arith.select %lt3A_220, %add3A_223, %broadcast_in_dim3A_28 : vector<16xi1>, vector<16xi32>
      %reshape3A_225 = vector.shape_cast %select_n3A_224 : vector<16xi32> to vector<16x1xi32>
      %gather3A_226 = vector.shape_cast %reshape3A_225 : vector<16x1xi32> to vector<16xi32>
      %gather3A_227 = tpu.dynamic_gather %broadcast_in_dim3A_21[%gather3A_226] in [0] : vector<16xf32>, vector<16xi32> -> vector<16xf32>
      %select_n3A_228 = arith.select %eq3A_31, %gather3A_227, %gather3A_217 : vector<16xi1>, vector<16xf32>
      %lt3A_229 = arith.constant 0 : i32
      %lt3A_230 = vector.broadcast %lt3A_229 : i32 to vector<16xi32>
      %lt3A_231 = arith.cmpi slt, %min3A_26, %lt3A_230 : vector<16xi32>
      %add3A_232 = arith.constant 16 : i32
      %add3A_233 = vector.broadcast %add3A_232 : i32 to vector<16xi32>
      %add3A_234 = arith.addi %min3A_26, %add3A_233 : vector<16xi32>
      %select_n3A_235 = arith.select %lt3A_231, %add3A_234, %min3A_26 : vector<16xi1>, vector<16xi32>
      %reshape3A_236 = vector.shape_cast %select_n3A_235 : vector<16xi32> to vector<16x1xi32>
      %gather3A_237 = vector.shape_cast %reshape3A_236 : vector<16x1xi32> to vector<16xi32>
      %gather3A_238 = tpu.dynamic_gather %broadcast_in_dim3A_21[%gather3A_237] in [0] : vector<16xf32>, vector<16xi32> -> vector<16xf32>
      %select_n3A_239 = arith.select %eq3A_31, %broadcast_in_dim3A_21, %gather3A_238 : vector<16xi1>, vector<16xf32>
      %add3A_240 = arith.addf %select_n3A_112, %broadcast_in_dim3A_21 : vector<16xf32>
      %add3A_241 = arith.addf %add3A_240, %select_n3A_186 : vector<16xf32>
      %sub3A_242 = arith.subf %add3A_241, %exp3A_82 : vector<16xf32>
      %swap3A = arith.constant 0 : index
      %swap3A_243 = tpu.vector_load %arg6[%swap3A] {strides = array<i32>} : memref<320xf32, #tpu.memory_space<vmem>>, vector<16xf32>,
      tpu.vector_store %arg6[%swap3A], %sub3A_242 {strides = array<i32>} : memref<320xf32, #tpu.memory_space<vmem>>, vector<16xf32>,
      %add3A_244 = arith.addf %select_n3A_133, %broadcast_in_dim3A_21 : vector<16xf32>
      %add3A_245 = arith.addf %add3A_244, %select_n3A_207 : vector<16xf32>
      %sub3A_246 = arith.subf %add3A_245, %exp3A_86 : vector<16xf32>
      %swap3A_247 = arith.constant 16 : index
      %swap3A_248 = tpu.vector_load %arg6[%swap3A_247] {strides = array<i32>} : memref<320xf32, #tpu.memory_space<vmem>>, vector<16xf32>,
      tpu.vector_store %arg6[%swap3A_247], %sub3A_246 {strides = array<i32>} : memref<320xf32, #tpu.memory_space<vmem>>, vector<16xf32>,
      %add3A_249 = arith.addf %select_n3A_154, %broadcast_in_dim3A_21 : vector<16xf32>
      %add3A_250 = arith.addf %add3A_249, %select_n3A_228 : vector<16xf32>
      %sub3A_251 = arith.subf %add3A_250, %exp3A_90 : vector<16xf32>
      %swap3A_252 = arith.constant 32 : index
      %swap3A_253 = tpu.vector_load %arg6[%swap3A_252] {strides = array<i32>} : memref<320xf32, #tpu.memory_space<vmem>>, vector<16xf32>,
      tpu.vector_store %arg6[%swap3A_252], %sub3A_251 {strides = array<i32>} : memref<320xf32, #tpu.memory_space<vmem>>, vector<16xf32>,
      %add3A_254 = arith.addf %select_n3A_165, %broadcast_in_dim3A_21 : vector<16xf32>
      %add3A_255 = arith.addf %add3A_254, %select_n3A_239 : vector<16xf32>
      %sub3A_256 = arith.subf %add3A_255, %exp3A_94 : vector<16xf32>
      %swap3A_257 = arith.constant 48 : index
      %swap3A_258 = tpu.vector_load %arg6[%swap3A_257] {strides = array<i32>} : memref<320xf32, #tpu.memory_space<vmem>>, vector<16xf32>,
      tpu.vector_store %arg6[%swap3A_257], %sub3A_256 {strides = array<i32>} : memref<320xf32, #tpu.memory_space<vmem>>, vector<16xf32>,
      "tpu.region"() ({
        %run_scoped3A = tpu.sem_alloc : memref<!tpu.dma_semaphore, #tpu.memory_space<semaphore_mem>>
        %dma_start3A = arith.constant 0 : i32
        %dma_start3A_259 = tpu.memref_slice %arg6[%dma_start3A] : memref<320xf32, #tpu.memory_space<vmem>> -> memref<64xf32, #tpu.memory_space<vmem>>
        %dma_start3A_260 = arith.constant 4032 : i32
        %dma_start3A_261 = tpu.memref_slice %arg4[%dma_start3A_260] : memref<4096xf32, #tpu.memory_space<hbm>> -> memref<64xf32, #tpu.memory_space<hbm>>
        %dma_start3A_262 = arith.constant 4032 : i32
        %dma_start3A_263 = tpu.memref_slice %arg4[%dma_start3A_262] : memref<4096xf32, #tpu.memory_space<hbm>> -> memref<64xf32, #tpu.memory_space<hbm>>
        %dma_start3A_264 = arith.constant 0 : i32
        %dma_start3A_265 = tpu.memref_slice %arg6[%dma_start3A_264] : memref<320xf32, #tpu.memory_space<vmem>> -> memref<64xf32, #tpu.memory_space<vmem>>
        tpu.enqueue_dma source(%dma_start3A_265 : memref<64xf32, #tpu.memory_space<vmem>>) target(%dma_start3A_263 : memref<64xf32, #tpu.memory_space<hbm>>) target_semaphore(%run_scoped3A : memref<!tpu.dma_semaphore, #tpu.memory_space<semaphore_mem>>)
        %dma_wait3A = arith.constant 0 : i32
        %dma_wait3A_266 = tpu.memref_slice %arg6[%dma_wait3A] : memref<320xf32, #tpu.memory_space<vmem>> -> memref<64xf32, #tpu.memory_space<vmem>>
        %dma_wait3A_267 = arith.constant 4032 : i32
        %dma_wait3A_268 = tpu.memref_slice %arg4[%dma_wait3A_267] : memref<4096xf32, #tpu.memory_space<hbm>> -> memref<64xf32, #tpu.memory_space<hbm>>
        %dma_wait3A_269 = arith.constant 4032 : i32
        %dma_wait3A_270 = tpu.memref_slice %arg4[%dma_wait3A_269] : memref<4096xf32, #tpu.memory_space<hbm>> -> memref<64xf32, #tpu.memory_space<hbm>>
        %dma_wait3A_271 = arith.constant 0 : i32
        %dma_wait3A_272 = tpu.memref_slice %arg6[%dma_wait3A_271] : memref<320xf32, #tpu.memory_space<vmem>> -> memref<64xf32, #tpu.memory_space<vmem>>
        tpu.wait_dma2 semaphore(%run_scoped3A : memref<!tpu.dma_semaphore, #tpu.memory_space<semaphore_mem>>) src(%dma_wait3A_272 : memref<64xf32, #tpu.memory_space<vmem>>) dst(%dma_wait3A_270 : memref<64xf32, #tpu.memory_space<hbm>>)
        tpu.yield
      }) : () -> ()
    } else {
    }
    %eq3A_45 = arith.constant 0 : i32
    %eq3A_46 = arith.cmpi eq, %arg1, %eq3A_45 : i32
    %convert_element_type3A_47 = arith.extui %eq3A_46 : i1 to i32
    %cond3A_48 = arith.constant 0 : i32
    %cond3A_49 = arith.cmpi ne, %convert_element_type3A_47, %cond3A_48 : i32
    scf.if %cond3A_49 {
      %jit3A = arith.constant 0.000000e+00 : f32
      %jit3A_50 = arith.constant 0x7F800000 : f32
      %broadcast_in_dim3A_51 = vector.broadcast %jit3A : f32 to vector<16xf32>
      %broadcast_in_dim3A_52 = vector.broadcast %jit3A_50 : f32 to vector<16xf32>
      %select_n3A = arith.select %eq3A_17, %broadcast_in_dim3A_51, %broadcast_in_dim3A_52 : vector<16xi1>, vector<16xf32>
      %sub3A_53 = arith.constant 0 : i32
      %sub3A_54 = vector.broadcast %sub3A_53 : i32 to vector<16xi32>
      %sub3A_55 = arith.subi %sub3A_54, %add3A_1 : vector<16xi32>
      %mul3A = arith.constant 64 : i32
      %mul3A_56 = vector.broadcast %mul3A : i32 to vector<16xi32>
      %mul3A_57 = arith.muli %sub3A_55, %mul3A_56 : vector<16xi32>
      %add3A_58 = arith.addi %mul3A_57, %add3A_1 : vector<16xi32>
      %jit3A_59 = arith.constant 0 : i32
      %jit3A_60 = arith.constant 4095 : i32
      %max3A_61 = vector.broadcast %jit3A_59 : i32 to vector<16xi32>
      %max3A_62 = arith.maxsi %max3A_61, %add3A_58 : vector<16xi32>
      %min3A_63 = vector.broadcast %jit3A_60 : i32 to vector<16xi32>
      %min3A_64 = arith.minsi %min3A_63, %max3A_62 : vector<16xi32>
      %gather3A = tpu.vector_load_idx %arg5[%min3A_64] : memref<4096xf32, #tpu.memory_space<vmem>>[vector<16xi32>], vector<16xf32>,
      %ge3A_65 = arith.constant 0 : i32
      %ge3A_66 = vector.broadcast %ge3A_65 : i32 to vector<16xi32>
      %ge3A_67 = arith.cmpi sge, %sub3A_55, %ge3A_66 : vector<16xi32>
      %le3A_68 = arith.constant 63 : i32
      %le3A_69 = vector.broadcast %le3A_68 : i32 to vector<16xi32>
      %le3A_70 = arith.cmpi sle, %sub3A_55, %le3A_69 : vector<16xi32>
      %and3A_71 = arith.andi %ge3A_67, %le3A_70 : vector<16xi1>
      %neg3A = arith.constant 0.000000e+00 : f32
      %neg3A_72 = vector.broadcast %neg3A : f32 to vector<16xf32>
      %neg3A_73 = arith.subf %neg3A_72, %gather3A : vector<16xf32>
      %exp3A = math.exp %neg3A_73 : vector<16xf32>
      %jit3A_74 = arith.constant 0x7F800000 : f32
      %broadcast_in_dim3A_75 = vector.broadcast %jit3A_74 : f32 to vector<16xf32>
      %select_n3A_76 = arith.select %and3A_71, %exp3A, %broadcast_in_dim3A_75 : vector<16xi1>, vector<16xf32>
      %sub3A_77 = arith.constant 0 : i32
      %sub3A_78 = vector.broadcast %sub3A_77 : i32 to vector<16xi32>
      %sub3A_79 = arith.subi %sub3A_78, %add3A_4 : vector<16xi32>
      %mul3A_80 = arith.constant 64 : i32
      %mul3A_81 = vector.broadcast %mul3A_80 : i32 to vector<16xi32>
      %mul3A_82 = arith.muli %sub3A_79, %mul3A_81 : vector<16xi32>
      %add3A_83 = arith.addi %mul3A_82, %add3A_4 : vector<16xi32>
      %jit3A_84 = arith.constant 0 : i32
      %jit3A_85 = arith.constant 4095 : i32
      %max3A_86 = vector.broadcast %jit3A_84 : i32 to vector<16xi32>
      %max3A_87 = arith.maxsi %max3A_86, %add3A_83 : vector<16xi32>
      %min3A_88 = vector.broadcast %jit3A_85 : i32 to vector<16xi32>
      %min3A_89 = arith.minsi %min3A_88, %max3A_87 : vector<16xi32>
      %gather3A_90 = tpu.vector_load_idx %arg5[%min3A_89] : memref<4096xf32, #tpu.memory_space<vmem>>[vector<16xi32>], vector<16xf32>,
      %ge3A_91 = arith.constant 0 : i32
      %ge3A_92 = vector.broadcast %ge3A_91 : i32 to vector<16xi32>
      %ge3A_93 = arith.cmpi sge, %sub3A_79, %ge3A_92 : vector<16xi32>
      %le3A_94 = arith.constant 63 : i32
      %le3A_95 = vector.broadcast %le3A_94 : i32 to vector<16xi32>
      %le3A_96 = arith.cmpi sle, %sub3A_79, %le3A_95 : vector<16xi32>
      %and3A_97 = arith.andi %ge3A_93, %le3A_96 : vector<16xi1>
      %neg3A_98 = arith.constant 0.000000e+00 : f32
      %neg3A_99 = vector.broadcast %neg3A_98 : f32 to vector<16xf32>
      %neg3A_100 = arith.subf %neg3A_99, %gather3A_90 : vector<16xf32>
      %exp3A_101 = math.exp %neg3A_100 : vector<16xf32>
      %jit3A_102 = arith.constant 0x7F800000 : f32
      %broadcast_in_dim3A_103 = vector.broadcast %jit3A_102 : f32 to vector<16xf32>
      %select_n3A_104 = arith.select %and3A_97, %exp3A_101, %broadcast_in_dim3A_103 : vector<16xi1>, vector<16xf32>
      %sub3A_105 = arith.constant 0 : i32
      %sub3A_106 = vector.broadcast %sub3A_105 : i32 to vector<16xi32>
      %sub3A_107 = arith.subi %sub3A_106, %add3A_7 : vector<16xi32>
      %mul3A_108 = arith.constant 64 : i32
      %mul3A_109 = vector.broadcast %mul3A_108 : i32 to vector<16xi32>
      %mul3A_110 = arith.muli %sub3A_107, %mul3A_109 : vector<16xi32>
      %add3A_111 = arith.addi %mul3A_110, %add3A_7 : vector<16xi32>
      %jit3A_112 = arith.constant 0 : i32
      %jit3A_113 = arith.constant 4095 : i32
      %max3A_114 = vector.broadcast %jit3A_112 : i32 to vector<16xi32>
      %max3A_115 = arith.maxsi %max3A_114, %add3A_111 : vector<16xi32>
      %min3A_116 = vector.broadcast %jit3A_113 : i32 to vector<16xi32>
      %min3A_117 = arith.minsi %min3A_116, %max3A_115 : vector<16xi32>
      %gather3A_118 = tpu.vector_load_idx %arg5[%min3A_117] : memref<4096xf32, #tpu.memory_space<vmem>>[vector<16xi32>], vector<16xf32>,
      %ge3A_119 = arith.constant 0 : i32
      %ge3A_120 = vector.broadcast %ge3A_119 : i32 to vector<16xi32>
      %ge3A_121 = arith.cmpi sge, %sub3A_107, %ge3A_120 : vector<16xi32>
      %le3A_122 = arith.constant 63 : i32
      %le3A_123 = vector.broadcast %le3A_122 : i32 to vector<16xi32>
      %le3A_124 = arith.cmpi sle, %sub3A_107, %le3A_123 : vector<16xi32>
      %and3A_125 = arith.andi %ge3A_121, %le3A_124 : vector<16xi1>
      %neg3A_126 = arith.constant 0.000000e+00 : f32
      %neg3A_127 = vector.broadcast %neg3A_126 : f32 to vector<16xf32>
      %neg3A_128 = arith.subf %neg3A_127, %gather3A_118 : vector<16xf32>
      %exp3A_129 = math.exp %neg3A_128 : vector<16xf32>
      %jit3A_130 = arith.constant 0x7F800000 : f32
      %broadcast_in_dim3A_131 = vector.broadcast %jit3A_130 : f32 to vector<16xf32>
      %select_n3A_132 = arith.select %and3A_125, %exp3A_129, %broadcast_in_dim3A_131 : vector<16xi1>, vector<16xf32>
      %sub3A_133 = arith.constant 0 : i32
      %sub3A_134 = vector.broadcast %sub3A_133 : i32 to vector<16xi32>
      %sub3A_135 = arith.subi %sub3A_134, %add3A_10 : vector<16xi32>
      %mul3A_136 = arith.constant 64 : i32
      %mul3A_137 = vector.broadcast %mul3A_136 : i32 to vector<16xi32>
      %mul3A_138 = arith.muli %sub3A_135, %mul3A_137 : vector<16xi32>
      %add3A_139 = arith.addi %mul3A_138, %add3A_10 : vector<16xi32>
      %jit3A_140 = arith.constant 0 : i32
      %jit3A_141 = arith.constant 4095 : i32
      %max3A_142 = vector.broadcast %jit3A_140 : i32 to vector<16xi32>
      %max3A_143 = arith.maxsi %max3A_142, %add3A_139 : vector<16xi32>
      %min3A_144 = vector.broadcast %jit3A_141 : i32 to vector<16xi32>
      %min3A_145 = arith.minsi %min3A_144, %max3A_143 : vector<16xi32>
      %gather3A_146 = tpu.vector_load_idx %arg5[%min3A_145] : memref<4096xf32, #tpu.memory_space<vmem>>[vector<16xi32>], vector<16xf32>,
      %ge3A_147 = arith.constant 0 : i32
      %ge3A_148 = vector.broadcast %ge3A_147 : i32 to vector<16xi32>
      %ge3A_149 = arith.cmpi sge, %sub3A_135, %ge3A_148 : vector<16xi32>
      %le3A_150 = arith.constant 63 : i32
      %le3A_151 = vector.broadcast %le3A_150 : i32 to vector<16xi32>
      %le3A_152 = arith.cmpi sle, %sub3A_135, %le3A_151 : vector<16xi32>
      %and3A_153 = arith.andi %ge3A_149, %le3A_152 : vector<16xi1>
      %neg3A_154 = arith.constant 0.000000e+00 : f32
      %neg3A_155 = vector.broadcast %neg3A_154 : f32 to vector<16xf32>
      %neg3A_156 = arith.subf %neg3A_155, %gather3A_146 : vector<16xf32>
      %exp3A_157 = math.exp %neg3A_156 : vector<16xf32>
      %jit3A_158 = arith.constant 0x7F800000 : f32
      %broadcast_in_dim3A_159 = vector.broadcast %jit3A_158 : f32 to vector<16xf32>
      %select_n3A_160 = arith.select %and3A_153, %exp3A_157, %broadcast_in_dim3A_159 : vector<16xi1>, vector<16xf32>
      %lt3A = arith.constant 0 : i32
      %lt3A_161 = vector.broadcast %lt3A : i32 to vector<16xi32>
      %lt3A_162 = arith.cmpi slt, %max3A_14, %lt3A_161 : vector<16xi32>
      %add3A_163 = arith.constant 16 : i32
      %add3A_164 = vector.broadcast %add3A_163 : i32 to vector<16xi32>
      %add3A_165 = arith.addi %max3A_14, %add3A_164 : vector<16xi32>
      %select_n3A_166 = arith.select %lt3A_162, %add3A_165, %max3A_14 : vector<16xi1>, vector<16xi32>
      %reshape3A = vector.shape_cast %select_n3A_166 : vector<16xi32> to vector<16x1xi32>
      %gather3A_167 = vector.shape_cast %reshape3A : vector<16x1xi32> to vector<16xi32>
      %gather3A_168 = tpu.dynamic_gather %broadcast_in_dim3A_19[%gather3A_167] in [0] : vector<16xf32>, vector<16xi32> -> vector<16xf32>
      %select_n3A_169 = arith.select %eq3A_17, %select_n3A, %gather3A_168 : vector<16xi1>, vector<16xf32>
      %lt3A_170 = arith.constant 0 : i32
      %lt3A_171 = vector.broadcast %lt3A_170 : i32 to vector<16xi32>
      %lt3A_172 = arith.cmpi slt, %broadcast_in_dim3A_15, %lt3A_171 : vector<16xi32>
      %add3A_173 = arith.constant 16 : i32
      %add3A_174 = vector.broadcast %add3A_173 : i32 to vector<16xi32>
      %add3A_175 = arith.addi %broadcast_in_dim3A_15, %add3A_174 : vector<16xi32>
      %select_n3A_176 = arith.select %lt3A_172, %add3A_175, %broadcast_in_dim3A_15 : vector<16xi1>, vector<16xi32>
      %reshape3A_177 = vector.shape_cast %select_n3A_176 : vector<16xi32> to vector<16x1xi32>
      %gather3A_178 = vector.shape_cast %reshape3A_177 : vector<16x1xi32> to vector<16xi32>
      %gather3A_179 = tpu.dynamic_gather %broadcast_in_dim3A_19[%gather3A_178] in [0] : vector<16xf32>, vector<16xi32> -> vector<16xf32>
      %lt3A_180 = arith.constant 0 : i32
      %lt3A_181 = vector.broadcast %lt3A_180 : i32 to vector<16xi32>
      %lt3A_182 = arith.cmpi slt, %max3A_14, %lt3A_181 : vector<16xi32>
      %add3A_183 = arith.constant 16 : i32
      %add3A_184 = vector.broadcast %add3A_183 : i32 to vector<16xi32>
      %add3A_185 = arith.addi %max3A_14, %add3A_184 : vector<16xi32>
      %select_n3A_186 = arith.select %lt3A_182, %add3A_185, %max3A_14 : vector<16xi1>, vector<16xi32>
      %reshape3A_187 = vector.shape_cast %select_n3A_186 : vector<16xi32> to vector<16x1xi32>
      %gather3A_188 = vector.shape_cast %reshape3A_187 : vector<16x1xi32> to vector<16xi32>
      %gather3A_189 = tpu.dynamic_gather %broadcast_in_dim3A_19[%gather3A_188] in [0] : vector<16xf32>, vector<16xi32> -> vector<16xf32>
      %select_n3A_190 = arith.select %eq3A_17, %gather3A_179, %gather3A_189 : vector<16xi1>, vector<16xf32>
      %lt3A_191 = arith.constant 0 : i32
      %lt3A_192 = vector.broadcast %lt3A_191 : i32 to vector<16xi32>
      %lt3A_193 = arith.cmpi slt, %broadcast_in_dim3A_15, %lt3A_192 : vector<16xi32>
      %add3A_194 = arith.constant 16 : i32
      %add3A_195 = vector.broadcast %add3A_194 : i32 to vector<16xi32>
      %add3A_196 = arith.addi %broadcast_in_dim3A_15, %add3A_195 : vector<16xi32>
      %select_n3A_197 = arith.select %lt3A_193, %add3A_196, %broadcast_in_dim3A_15 : vector<16xi1>, vector<16xi32>
      %reshape3A_198 = vector.shape_cast %select_n3A_197 : vector<16xi32> to vector<16x1xi32>
      %gather3A_199 = vector.shape_cast %reshape3A_198 : vector<16x1xi32> to vector<16xi32>
      %gather3A_200 = tpu.dynamic_gather %broadcast_in_dim3A_19[%gather3A_199] in [0] : vector<16xf32>, vector<16xi32> -> vector<16xf32>
      %lt3A_201 = arith.constant 0 : i32
      %lt3A_202 = vector.broadcast %lt3A_201 : i32 to vector<16xi32>
      %lt3A_203 = arith.cmpi slt, %max3A_14, %lt3A_202 : vector<16xi32>
      %add3A_204 = arith.constant 16 : i32
      %add3A_205 = vector.broadcast %add3A_204 : i32 to vector<16xi32>
      %add3A_206 = arith.addi %max3A_14, %add3A_205 : vector<16xi32>
      %select_n3A_207 = arith.select %lt3A_203, %add3A_206, %max3A_14 : vector<16xi1>, vector<16xi32>
      %reshape3A_208 = vector.shape_cast %select_n3A_207 : vector<16xi32> to vector<16x1xi32>
      %gather3A_209 = vector.shape_cast %reshape3A_208 : vector<16x1xi32> to vector<16xi32>
      %gather3A_210 = tpu.dynamic_gather %broadcast_in_dim3A_19[%gather3A_209] in [0] : vector<16xf32>, vector<16xi32> -> vector<16xf32>
      %select_n3A_211 = arith.select %eq3A_17, %gather3A_200, %gather3A_210 : vector<16xi1>, vector<16xf32>
      %lt3A_212 = arith.constant 0 : i32
      %lt3A_213 = vector.broadcast %lt3A_212 : i32 to vector<16xi32>
      %lt3A_214 = arith.cmpi slt, %broadcast_in_dim3A_15, %lt3A_213 : vector<16xi32>
      %add3A_215 = arith.constant 16 : i32
      %add3A_216 = vector.broadcast %add3A_215 : i32 to vector<16xi32>
      %add3A_217 = arith.addi %broadcast_in_dim3A_15, %add3A_216 : vector<16xi32>
      %select_n3A_218 = arith.select %lt3A_214, %add3A_217, %broadcast_in_dim3A_15 : vector<16xi1>, vector<16xi32>
      %reshape3A_219 = vector.shape_cast %select_n3A_218 : vector<16xi32> to vector<16x1xi32>
      %gather3A_220 = vector.shape_cast %reshape3A_219 : vector<16x1xi32> to vector<16xi32>
      %gather3A_221 = tpu.dynamic_gather %broadcast_in_dim3A_19[%gather3A_220] in [0] : vector<16xf32>, vector<16xi32> -> vector<16xf32>
      %lt3A_222 = arith.constant 0 : i32
      %lt3A_223 = vector.broadcast %lt3A_222 : i32 to vector<16xi32>
      %lt3A_224 = arith.cmpi slt, %max3A_14, %lt3A_223 : vector<16xi32>
      %add3A_225 = arith.constant 16 : i32
      %add3A_226 = vector.broadcast %add3A_225 : i32 to vector<16xi32>
      %add3A_227 = arith.addi %max3A_14, %add3A_226 : vector<16xi32>
      %select_n3A_228 = arith.select %lt3A_224, %add3A_227, %max3A_14 : vector<16xi1>, vector<16xi32>
      %reshape3A_229 = vector.shape_cast %select_n3A_228 : vector<16xi32> to vector<16x1xi32>
      %gather3A_230 = vector.shape_cast %reshape3A_229 : vector<16x1xi32> to vector<16xi32>
      %gather3A_231 = tpu.dynamic_gather %broadcast_in_dim3A_19[%gather3A_230] in [0] : vector<16xf32>, vector<16xi32> -> vector<16xf32>
      %select_n3A_232 = arith.select %eq3A_17, %gather3A_221, %gather3A_231 : vector<16xi1>, vector<16xf32>
      %lt3A_233 = arith.constant 0 : i32
      %lt3A_234 = vector.broadcast %lt3A_233 : i32 to vector<16xi32>
      %lt3A_235 = arith.cmpi slt, %broadcast_in_dim3A_15, %lt3A_234 : vector<16xi32>
      %add3A_236 = arith.constant 16 : i32
      %add3A_237 = vector.broadcast %add3A_236 : i32 to vector<16xi32>
      %add3A_238 = arith.addi %broadcast_in_dim3A_15, %add3A_237 : vector<16xi32>
      %select_n3A_239 = arith.select %lt3A_235, %add3A_238, %broadcast_in_dim3A_15 : vector<16xi1>, vector<16xi32>
      %reshape3A_240 = vector.shape_cast %select_n3A_239 : vector<16xi32> to vector<16x1xi32>
      %gather3A_241 = vector.shape_cast %reshape3A_240 : vector<16x1xi32> to vector<16xi32>
      %gather3A_242 = tpu.dynamic_gather %broadcast_in_dim3A_19[%gather3A_241] in [0] : vector<16xf32>, vector<16xi32> -> vector<16xf32>
      %lt3A_243 = arith.constant 0 : i32
      %lt3A_244 = vector.broadcast %lt3A_243 : i32 to vector<16xi32>
      %lt3A_245 = arith.cmpi slt, %max3A_14, %lt3A_244 : vector<16xi32>
      %add3A_246 = arith.constant 16 : i32
      %add3A_247 = vector.broadcast %add3A_246 : i32 to vector<16xi32>
      %add3A_248 = arith.addi %max3A_14, %add3A_247 : vector<16xi32>
      %select_n3A_249 = arith.select %lt3A_245, %add3A_248, %max3A_14 : vector<16xi1>, vector<16xi32>
      %reshape3A_250 = vector.shape_cast %select_n3A_249 : vector<16xi32> to vector<16x1xi32>
      %gather3A_251 = vector.shape_cast %reshape3A_250 : vector<16x1xi32> to vector<16xi32>
      %gather3A_252 = tpu.dynamic_gather %broadcast_in_dim3A_19[%gather3A_251] in [0] : vector<16xf32>, vector<16xi32> -> vector<16xf32>
      %select_n3A_253 = arith.select %eq3A_17, %broadcast_in_dim3A_19, %gather3A_252 : vector<16xi1>, vector<16xf32>
      %lt3A_254 = arith.constant 0 : i32
      %lt3A_255 = vector.broadcast %lt3A_254 : i32 to vector<16xi32>
      %lt3A_256 = arith.cmpi slt, %broadcast_in_dim3A_15, %lt3A_255 : vector<16xi32>
      %add3A_257 = arith.constant 16 : i32
      %add3A_258 = vector.broadcast %add3A_257 : i32 to vector<16xi32>
      %add3A_259 = arith.addi %broadcast_in_dim3A_15, %add3A_258 : vector<16xi32>
      %select_n3A_260 = arith.select %lt3A_256, %add3A_259, %broadcast_in_dim3A_15 : vector<16xi1>, vector<16xi32>
      %reshape3A_261 = vector.shape_cast %select_n3A_260 : vector<16xi32> to vector<16x1xi32>
      %gather3A_262 = vector.shape_cast %reshape3A_261 : vector<16x1xi32> to vector<16xi32>
      %gather3A_263 = tpu.dynamic_gather %broadcast_in_dim3A_19[%gather3A_262] in [0] : vector<16xf32>, vector<16xi32> -> vector<16xf32>
      %lt3A_264 = arith.constant 0 : i32
      %lt3A_265 = vector.broadcast %lt3A_264 : i32 to vector<16xi32>
      %lt3A_266 = arith.cmpi slt, %max3A_14, %lt3A_265 : vector<16xi32>
      %add3A_267 = arith.constant 16 : i32
      %add3A_268 = vector.broadcast %add3A_267 : i32 to vector<16xi32>
      %add3A_269 = arith.addi %max3A_14, %add3A_268 : vector<16xi32>
      %select_n3A_270 = arith.select %lt3A_266, %add3A_269, %max3A_14 : vector<16xi1>, vector<16xi32>
      %reshape3A_271 = vector.shape_cast %select_n3A_270 : vector<16xi32> to vector<16x1xi32>
      %gather3A_272 = vector.shape_cast %reshape3A_271 : vector<16x1xi32> to vector<16xi32>
      %gather3A_273 = tpu.dynamic_gather %broadcast_in_dim3A_19[%gather3A_272] in [0] : vector<16xf32>, vector<16xi32> -> vector<16xf32>
      %select_n3A_274 = arith.select %eq3A_17, %gather3A_263, %gather3A_273 : vector<16xi1>, vector<16xf32>
      %lt3A_275 = arith.constant 0 : i32
      %lt3A_276 = vector.broadcast %lt3A_275 : i32 to vector<16xi32>
      %lt3A_277 = arith.cmpi slt, %broadcast_in_dim3A_15, %lt3A_276 : vector<16xi32>
      %add3A_278 = arith.constant 16 : i32
      %add3A_279 = vector.broadcast %add3A_278 : i32 to vector<16xi32>
      %add3A_280 = arith.addi %broadcast_in_dim3A_15, %add3A_279 : vector<16xi32>
      %select_n3A_281 = arith.select %lt3A_277, %add3A_280, %broadcast_in_dim3A_15 : vector<16xi1>, vector<16xi32>
      %reshape3A_282 = vector.shape_cast %select_n3A_281 : vector<16xi32> to vector<16x1xi32>
      %gather3A_283 = vector.shape_cast %reshape3A_282 : vector<16x1xi32> to vector<16xi32>
      %gather3A_284 = tpu.dynamic_gather %broadcast_in_dim3A_19[%gather3A_283] in [0] : vector<16xf32>, vector<16xi32> -> vector<16xf32>
      %lt3A_285 = arith.constant 0 : i32
      %lt3A_286 = vector.broadcast %lt3A_285 : i32 to vector<16xi32>
      %lt3A_287 = arith.cmpi slt, %max3A_14, %lt3A_286 : vector<16xi32>
      %add3A_288 = arith.constant 16 : i32
      %add3A_289 = vector.broadcast %add3A_288 : i32 to vector<16xi32>
      %add3A_290 = arith.addi %max3A_14, %add3A_289 : vector<16xi32>
      %select_n3A_291 = arith.select %lt3A_287, %add3A_290, %max3A_14 : vector<16xi1>, vector<16xi32>
      %reshape3A_292 = vector.shape_cast %select_n3A_291 : vector<16xi32> to vector<16x1xi32>
      %gather3A_293 = vector.shape_cast %reshape3A_292 : vector<16x1xi32> to vector<16xi32>
      %gather3A_294 = tpu.dynamic_gather %broadcast_in_dim3A_19[%gather3A_293] in [0] : vector<16xf32>, vector<16xi32> -> vector<16xf32>
      %select_n3A_295 = arith.select %eq3A_17, %gather3A_284, %gather3A_294 : vector<16xi1>, vector<16xf32>
      %lt3A_296 = arith.constant 0 : i32
      %lt3A_297 = vector.broadcast %lt3A_296 : i32 to vector<16xi32>
      %lt3A_298 = arith.cmpi slt, %broadcast_in_dim3A_15, %lt3A_297 : vector<16xi32>
      %add3A_299 = arith.constant 16 : i32
      %add3A_300 = vector.broadcast %add3A_299 : i32 to vector<16xi32>
      %add3A_301 = arith.addi %broadcast_in_dim3A_15, %add3A_300 : vector<16xi32>
      %select_n3A_302 = arith.select %lt3A_298, %add3A_301, %broadcast_in_dim3A_15 : vector<16xi1>, vector<16xi32>
      %reshape3A_303 = vector.shape_cast %select_n3A_302 : vector<16xi32> to vector<16x1xi32>
      %gather3A_304 = vector.shape_cast %reshape3A_303 : vector<16x1xi32> to vector<16xi32>
      %gather3A_305 = tpu.dynamic_gather %broadcast_in_dim3A_19[%gather3A_304] in [0] : vector<16xf32>, vector<16xi32> -> vector<16xf32>
      %lt3A_306 = arith.constant 0 : i32
      %lt3A_307 = vector.broadcast %lt3A_306 : i32 to vector<16xi32>
      %lt3A_308 = arith.cmpi slt, %max3A_14, %lt3A_307 : vector<16xi32>
      %add3A_309 = arith.constant 16 : i32
      %add3A_310 = vector.broadcast %add3A_309 : i32 to vector<16xi32>
      %add3A_311 = arith.addi %max3A_14, %add3A_310 : vector<16xi32>
      %select_n3A_312 = arith.select %lt3A_308, %add3A_311, %max3A_14 : vector<16xi1>, vector<16xi32>
      %reshape3A_313 = vector.shape_cast %select_n3A_312 : vector<16xi32> to vector<16x1xi32>
      %gather3A_314 = vector.shape_cast %reshape3A_313 : vector<16x1xi32> to vector<16xi32>
      %gather3A_315 = tpu.dynamic_gather %broadcast_in_dim3A_19[%gather3A_314] in [0] : vector<16xf32>, vector<16xi32> -> vector<16xf32>
      %select_n3A_316 = arith.select %eq3A_17, %gather3A_305, %gather3A_315 : vector<16xi1>, vector<16xf32>
      %lt3A_317 = arith.constant 0 : i32
      %lt3A_318 = vector.broadcast %lt3A_317 : i32 to vector<16xi32>
      %lt3A_319 = arith.cmpi slt, %broadcast_in_dim3A_15, %lt3A_318 : vector<16xi32>
      %add3A_320 = arith.constant 16 : i32
      %add3A_321 = vector.broadcast %add3A_320 : i32 to vector<16xi32>
      %add3A_322 = arith.addi %broadcast_in_dim3A_15, %add3A_321 : vector<16xi32>
      %select_n3A_323 = arith.select %lt3A_319, %add3A_322, %broadcast_in_dim3A_15 : vector<16xi1>, vector<16xi32>
      %reshape3A_324 = vector.shape_cast %select_n3A_323 : vector<16xi32> to vector<16x1xi32>
      %gather3A_325 = vector.shape_cast %reshape3A_324 : vector<16x1xi32> to vector<16xi32>
      %gather3A_326 = tpu.dynamic_gather %broadcast_in_dim3A_19[%gather3A_325] in [0] : vector<16xf32>, vector<16xi32> -> vector<16xf32>
      %min3A_327 = arith.minimumf %broadcast_in_dim3A_19, %select_n3A_169 : vector<16xf32>
      %min3A_328 = arith.minimumf %min3A_327, %select_n3A_253 : vector<16xf32>
      %add3A_329 = arith.addf %min3A_328, %select_n3A_76 : vector<16xf32>
      %min3A_330 = arith.minimumf %broadcast_in_dim3A_19, %select_n3A_190 : vector<16xf32>
      %min3A_331 = arith.minimumf %min3A_330, %select_n3A_274 : vector<16xf32>
      %add3A_332 = arith.addf %min3A_331, %select_n3A_104 : vector<16xf32>
      %min3A_333 = arith.minimumf %broadcast_in_dim3A_19, %select_n3A_211 : vector<16xf32>
      %min3A_334 = arith.minimumf %min3A_333, %select_n3A_295 : vector<16xf32>
      %add3A_335 = arith.addf %min3A_334, %select_n3A_132 : vector<16xf32>
      %min3A_336 = arith.minimumf %broadcast_in_dim3A_19, %select_n3A_232 : vector<16xf32>
      %min3A_337 = arith.minimumf %min3A_336, %select_n3A_316 : vector<16xf32>
      %add3A_338 = arith.addf %min3A_337, %select_n3A_160 : vector<16xf32>
      %sub3A_339 = arith.constant 1 : i32
      %sub3A_340 = vector.broadcast %sub3A_339 : i32 to vector<16xi32>
      %sub3A_341 = arith.subi %sub3A_340, %add3A_1 : vector<16xi32>
      %mul3A_342 = arith.constant 64 : i32
      %mul3A_343 = vector.broadcast %mul3A_342 : i32 to vector<16xi32>
      %mul3A_344 = arith.muli %sub3A_341, %mul3A_343 : vector<16xi32>
      %add3A_345 = arith.addi %mul3A_344, %add3A_1 : vector<16xi32>
      %jit3A_346 = arith.constant 0 : i32
      %jit3A_347 = arith.constant 4095 : i32
      %max3A_348 = vector.broadcast %jit3A_346 : i32 to vector<16xi32>
      %max3A_349 = arith.maxsi %max3A_348, %add3A_345 : vector<16xi32>
      %min3A_350 = vector.broadcast %jit3A_347 : i32 to vector<16xi32>
      %min3A_351 = arith.minsi %min3A_350, %max3A_349 : vector<16xi32>
      %gather3A_352 = tpu.vector_load_idx %arg5[%min3A_351] : memref<4096xf32, #tpu.memory_space<vmem>>[vector<16xi32>], vector<16xf32>,
      %ge3A_353 = arith.constant 0 : i32
      %ge3A_354 = vector.broadcast %ge3A_353 : i32 to vector<16xi32>
      %ge3A_355 = arith.cmpi sge, %sub3A_341, %ge3A_354 : vector<16xi32>
      %le3A_356 = arith.constant 63 : i32
      %le3A_357 = vector.broadcast %le3A_356 : i32 to vector<16xi32>
      %le3A_358 = arith.cmpi sle, %sub3A_341, %le3A_357 : vector<16xi32>
      %and3A_359 = arith.andi %ge3A_355, %le3A_358 : vector<16xi1>
      %neg3A_360 = arith.constant 0.000000e+00 : f32
      %neg3A_361 = vector.broadcast %neg3A_360 : f32 to vector<16xf32>
      %neg3A_362 = arith.subf %neg3A_361, %gather3A_352 : vector<16xf32>
      %exp3A_363 = math.exp %neg3A_362 : vector<16xf32>
      %jit3A_364 = arith.constant 0x7F800000 : f32
      %broadcast_in_dim3A_365 = vector.broadcast %jit3A_364 : f32 to vector<16xf32>
      %select_n3A_366 = arith.select %and3A_359, %exp3A_363, %broadcast_in_dim3A_365 : vector<16xi1>, vector<16xf32>
      %sub3A_367 = arith.constant 1 : i32
      %sub3A_368 = vector.broadcast %sub3A_367 : i32 to vector<16xi32>
      %sub3A_369 = arith.subi %sub3A_368, %add3A_4 : vector<16xi32>
      %mul3A_370 = arith.constant 64 : i32
      %mul3A_371 = vector.broadcast %mul3A_370 : i32 to vector<16xi32>
      %mul3A_372 = arith.muli %sub3A_369, %mul3A_371 : vector<16xi32>
      %add3A_373 = arith.addi %mul3A_372, %add3A_4 : vector<16xi32>
      %jit3A_374 = arith.constant 0 : i32
      %jit3A_375 = arith.constant 4095 : i32
      %max3A_376 = vector.broadcast %jit3A_374 : i32 to vector<16xi32>
      %max3A_377 = arith.maxsi %max3A_376, %add3A_373 : vector<16xi32>
      %min3A_378 = vector.broadcast %jit3A_375 : i32 to vector<16xi32>
      %min3A_379 = arith.minsi %min3A_378, %max3A_377 : vector<16xi32>
      %gather3A_380 = tpu.vector_load_idx %arg5[%min3A_379] : memref<4096xf32, #tpu.memory_space<vmem>>[vector<16xi32>], vector<16xf32>,
      %ge3A_381 = arith.constant 0 : i32
      %ge3A_382 = vector.broadcast %ge3A_381 : i32 to vector<16xi32>
      %ge3A_383 = arith.cmpi sge, %sub3A_369, %ge3A_382 : vector<16xi32>
      %le3A_384 = arith.constant 63 : i32
      %le3A_385 = vector.broadcast %le3A_384 : i32 to vector<16xi32>
      %le3A_386 = arith.cmpi sle, %sub3A_369, %le3A_385 : vector<16xi32>
      %and3A_387 = arith.andi %ge3A_383, %le3A_386 : vector<16xi1>
      %neg3A_388 = arith.constant 0.000000e+00 : f32
      %neg3A_389 = vector.broadcast %neg3A_388 : f32 to vector<16xf32>
      %neg3A_390 = arith.subf %neg3A_389, %gather3A_380 : vector<16xf32>
      %exp3A_391 = math.exp %neg3A_390 : vector<16xf32>
      %jit3A_392 = arith.constant 0x7F800000 : f32
      %broadcast_in_dim3A_393 = vector.broadcast %jit3A_392 : f32 to vector<16xf32>
      %select_n3A_394 = arith.select %and3A_387, %exp3A_391, %broadcast_in_dim3A_393 : vector<16xi1>, vector<16xf32>
      %sub3A_395 = arith.constant 1 : i32
      %sub3A_396 = vector.broadcast %sub3A_395 : i32 to vector<16xi32>
      %sub3A_397 = arith.subi %sub3A_396, %add3A_7 : vector<16xi32>
      %mul3A_398 = arith.constant 64 : i32
      %mul3A_399 = vector.broadcast %mul3A_398 : i32 to vector<16xi32>
      %mul3A_400 = arith.muli %sub3A_397, %mul3A_399 : vector<16xi32>
      %add3A_401 = arith.addi %mul3A_400, %add3A_7 : vector<16xi32>
      %jit3A_402 = arith.constant 0 : i32
      %jit3A_403 = arith.constant 4095 : i32
      %max3A_404 = vector.broadcast %jit3A_402 : i32 to vector<16xi32>
      %max3A_405 = arith.maxsi %max3A_404, %add3A_401 : vector<16xi32>
      %min3A_406 = vector.broadcast %jit3A_403 : i32 to vector<16xi32>
      %min3A_407 = arith.minsi %min3A_406, %max3A_405 : vector<16xi32>
      %gather3A_408 = tpu.vector_load_idx %arg5[%min3A_407] : memref<4096xf32, #tpu.memory_space<vmem>>[vector<16xi32>], vector<16xf32>,
      %ge3A_409 = arith.constant 0 : i32
      %ge3A_410 = vector.broadcast %ge3A_409 : i32 to vector<16xi32>
      %ge3A_411 = arith.cmpi sge, %sub3A_397, %ge3A_410 : vector<16xi32>
      %le3A_412 = arith.constant 63 : i32
      %le3A_413 = vector.broadcast %le3A_412 : i32 to vector<16xi32>
      %le3A_414 = arith.cmpi sle, %sub3A_397, %le3A_413 : vector<16xi32>
      %and3A_415 = arith.andi %ge3A_411, %le3A_414 : vector<16xi1>
      %neg3A_416 = arith.constant 0.000000e+00 : f32
      %neg3A_417 = vector.broadcast %neg3A_416 : f32 to vector<16xf32>
      %neg3A_418 = arith.subf %neg3A_417, %gather3A_408 : vector<16xf32>
      %exp3A_419 = math.exp %neg3A_418 : vector<16xf32>
      %jit3A_420 = arith.constant 0x7F800000 : f32
      %broadcast_in_dim3A_421 = vector.broadcast %jit3A_420 : f32 to vector<16xf32>
      %select_n3A_422 = arith.select %and3A_415, %exp3A_419, %broadcast_in_dim3A_421 : vector<16xi1>, vector<16xf32>
      %sub3A_423 = arith.constant 1 : i32
      %sub3A_424 = vector.broadcast %sub3A_423 : i32 to vector<16xi32>
      %sub3A_425 = arith.subi %sub3A_424, %add3A_10 : vector<16xi32>
      %mul3A_426 = arith.constant 64 : i32
      %mul3A_427 = vector.broadcast %mul3A_426 : i32 to vector<16xi32>
      %mul3A_428 = arith.muli %sub3A_425, %mul3A_427 : vector<16xi32>
      %add3A_429 = arith.addi %mul3A_428, %add3A_10 : vector<16xi32>
      %jit3A_430 = arith.constant 0 : i32
      %jit3A_431 = arith.constant 4095 : i32
      %max3A_432 = vector.broadcast %jit3A_430 : i32 to vector<16xi32>
      %max3A_433 = arith.maxsi %max3A_432, %add3A_429 : vector<16xi32>
      %min3A_434 = vector.broadcast %jit3A_431 : i32 to vector<16xi32>
      %min3A_435 = arith.minsi %min3A_434, %max3A_433 : vector<16xi32>
      %gather3A_436 = tpu.vector_load_idx %arg5[%min3A_435] : memref<4096xf32, #tpu.memory_space<vmem>>[vector<16xi32>], vector<16xf32>,
      %ge3A_437 = arith.constant 0 : i32
      %ge3A_438 = vector.broadcast %ge3A_437 : i32 to vector<16xi32>
      %ge3A_439 = arith.cmpi sge, %sub3A_425, %ge3A_438 : vector<16xi32>
      %le3A_440 = arith.constant 63 : i32
      %le3A_441 = vector.broadcast %le3A_440 : i32 to vector<16xi32>
      %le3A_442 = arith.cmpi sle, %sub3A_425, %le3A_441 : vector<16xi32>
      %and3A_443 = arith.andi %ge3A_439, %le3A_442 : vector<16xi1>
      %neg3A_444 = arith.constant 0.000000e+00 : f32
      %neg3A_445 = vector.broadcast %neg3A_444 : f32 to vector<16xf32>
      %neg3A_446 = arith.subf %neg3A_445, %gather3A_436 : vector<16xf32>
      %exp3A_447 = math.exp %neg3A_446 : vector<16xf32>
      %jit3A_448 = arith.constant 0x7F800000 : f32
      %broadcast_in_dim3A_449 = vector.broadcast %jit3A_448 : f32 to vector<16xf32>
      %select_n3A_450 = arith.select %and3A_443, %exp3A_447, %broadcast_in_dim3A_449 : vector<16xi1>, vector<16xf32>
      %lt3A_451 = arith.constant 0 : i32
      %lt3A_452 = vector.broadcast %lt3A_451 : i32 to vector<16xi32>
      %lt3A_453 = arith.cmpi slt, %max3A_14, %lt3A_452 : vector<16xi32>
      %add3A_454 = arith.constant 16 : i32
      %add3A_455 = vector.broadcast %add3A_454 : i32 to vector<16xi32>
      %add3A_456 = arith.addi %max3A_14, %add3A_455 : vector<16xi32>
      %select_n3A_457 = arith.select %lt3A_453, %add3A_456, %max3A_14 : vector<16xi1>, vector<16xi32>
      %reshape3A_458 = vector.shape_cast %select_n3A_457 : vector<16xi32> to vector<16x1xi32>
      %gather3A_459 = vector.shape_cast %reshape3A_458 : vector<16x1xi32> to vector<16xi32>
      %gather3A_460 = tpu.dynamic_gather %add3A_329[%gather3A_459] in [0] : vector<16xf32>, vector<16xi32> -> vector<16xf32>
      %select_n3A_461 = arith.select %eq3A_17, %broadcast_in_dim3A_19, %gather3A_460 : vector<16xi1>, vector<16xf32>
      %lt3A_462 = arith.constant 0 : i32
      %lt3A_463 = vector.broadcast %lt3A_462 : i32 to vector<16xi32>
      %lt3A_464 = arith.cmpi slt, %broadcast_in_dim3A_15, %lt3A_463 : vector<16xi32>
      %add3A_465 = arith.constant 16 : i32
      %add3A_466 = vector.broadcast %add3A_465 : i32 to vector<16xi32>
      %add3A_467 = arith.addi %broadcast_in_dim3A_15, %add3A_466 : vector<16xi32>
      %select_n3A_468 = arith.select %lt3A_464, %add3A_467, %broadcast_in_dim3A_15 : vector<16xi1>, vector<16xi32>
      %reshape3A_469 = vector.shape_cast %select_n3A_468 : vector<16xi32> to vector<16x1xi32>
      %gather3A_470 = vector.shape_cast %reshape3A_469 : vector<16x1xi32> to vector<16xi32>
      %gather3A_471 = tpu.dynamic_gather %add3A_329[%gather3A_470] in [0] : vector<16xf32>, vector<16xi32> -> vector<16xf32>
      %lt3A_472 = arith.constant 0 : i32
      %lt3A_473 = vector.broadcast %lt3A_472 : i32 to vector<16xi32>
      %lt3A_474 = arith.cmpi slt, %max3A_14, %lt3A_473 : vector<16xi32>
      %add3A_475 = arith.constant 16 : i32
      %add3A_476 = vector.broadcast %add3A_475 : i32 to vector<16xi32>
      %add3A_477 = arith.addi %max3A_14, %add3A_476 : vector<16xi32>
      %select_n3A_478 = arith.select %lt3A_474, %add3A_477, %max3A_14 : vector<16xi1>, vector<16xi32>
      %reshape3A_479 = vector.shape_cast %select_n3A_478 : vector<16xi32> to vector<16x1xi32>
      %gather3A_480 = vector.shape_cast %reshape3A_479 : vector<16x1xi32> to vector<16xi32>
      %gather3A_481 = tpu.dynamic_gather %add3A_332[%gather3A_480] in [0] : vector<16xf32>, vector<16xi32> -> vector<16xf32>
      %select_n3A_482 = arith.select %eq3A_17, %gather3A_471, %gather3A_481 : vector<16xi1>, vector<16xf32>
      %lt3A_483 = arith.constant 0 : i32
      %lt3A_484 = vector.broadcast %lt3A_483 : i32 to vector<16xi32>
      %lt3A_485 = arith.cmpi slt, %broadcast_in_dim3A_15, %lt3A_484 : vector<16xi32>
      %add3A_486 = arith.constant 16 : i32
      %add3A_487 = vector.broadcast %add3A_486 : i32 to vector<16xi32>
      %add3A_488 = arith.addi %broadcast_in_dim3A_15, %add3A_487 : vector<16xi32>
      %select_n3A_489 = arith.select %lt3A_485, %add3A_488, %broadcast_in_dim3A_15 : vector<16xi1>, vector<16xi32>
      %reshape3A_490 = vector.shape_cast %select_n3A_489 : vector<16xi32> to vector<16x1xi32>
      %gather3A_491 = vector.shape_cast %reshape3A_490 : vector<16x1xi32> to vector<16xi32>
      %gather3A_492 = tpu.dynamic_gather %add3A_332[%gather3A_491] in [0] : vector<16xf32>, vector<16xi32> -> vector<16xf32>
      %lt3A_493 = arith.constant 0 : i32
      %lt3A_494 = vector.broadcast %lt3A_493 : i32 to vector<16xi32>
      %lt3A_495 = arith.cmpi slt, %max3A_14, %lt3A_494 : vector<16xi32>
      %add3A_496 = arith.constant 16 : i32
      %add3A_497 = vector.broadcast %add3A_496 : i32 to vector<16xi32>
      %add3A_498 = arith.addi %max3A_14, %add3A_497 : vector<16xi32>
      %select_n3A_499 = arith.select %lt3A_495, %add3A_498, %max3A_14 : vector<16xi1>, vector<16xi32>
      %reshape3A_500 = vector.shape_cast %select_n3A_499 : vector<16xi32> to vector<16x1xi32>
      %gather3A_501 = vector.shape_cast %reshape3A_500 : vector<16x1xi32> to vector<16xi32>
      %gather3A_502 = tpu.dynamic_gather %add3A_335[%gather3A_501] in [0] : vector<16xf32>, vector<16xi32> -> vector<16xf32>
      %select_n3A_503 = arith.select %eq3A_17, %gather3A_492, %gather3A_502 : vector<16xi1>, vector<16xf32>
      %lt3A_504 = arith.constant 0 : i32
      %lt3A_505 = vector.broadcast %lt3A_504 : i32 to vector<16xi32>
      %lt3A_506 = arith.cmpi slt, %broadcast_in_dim3A_15, %lt3A_505 : vector<16xi32>
      %add3A_507 = arith.constant 16 : i32
      %add3A_508 = vector.broadcast %add3A_507 : i32 to vector<16xi32>
      %add3A_509 = arith.addi %broadcast_in_dim3A_15, %add3A_508 : vector<16xi32>
      %select_n3A_510 = arith.select %lt3A_506, %add3A_509, %broadcast_in_dim3A_15 : vector<16xi1>, vector<16xi32>
      %reshape3A_511 = vector.shape_cast %select_n3A_510 : vector<16xi32> to vector<16x1xi32>
      %gather3A_512 = vector.shape_cast %reshape3A_511 : vector<16x1xi32> to vector<16xi32>
      %gather3A_513 = tpu.dynamic_gather %add3A_335[%gather3A_512] in [0] : vector<16xf32>, vector<16xi32> -> vector<16xf32>
      %lt3A_514 = arith.constant 0 : i32
      %lt3A_515 = vector.broadcast %lt3A_514 : i32 to vector<16xi32>
      %lt3A_516 = arith.cmpi slt, %max3A_14, %lt3A_515 : vector<16xi32>
      %add3A_517 = arith.constant 16 : i32
      %add3A_518 = vector.broadcast %add3A_517 : i32 to vector<16xi32>
      %add3A_519 = arith.addi %max3A_14, %add3A_518 : vector<16xi32>
      %select_n3A_520 = arith.select %lt3A_516, %add3A_519, %max3A_14 : vector<16xi1>, vector<16xi32>
      %reshape3A_521 = vector.shape_cast %select_n3A_520 : vector<16xi32> to vector<16x1xi32>
      %gather3A_522 = vector.shape_cast %reshape3A_521 : vector<16x1xi32> to vector<16xi32>
      %gather3A_523 = tpu.dynamic_gather %add3A_338[%gather3A_522] in [0] : vector<16xf32>, vector<16xi32> -> vector<16xf32>
      %select_n3A_524 = arith.select %eq3A_17, %gather3A_513, %gather3A_523 : vector<16xi1>, vector<16xf32>
      %lt3A_525 = arith.constant 0 : i32
      %lt3A_526 = vector.broadcast %lt3A_525 : i32 to vector<16xi32>
      %lt3A_527 = arith.cmpi slt, %broadcast_in_dim3A_15, %lt3A_526 : vector<16xi32>
      %add3A_528 = arith.constant 16 : i32
      %add3A_529 = vector.broadcast %add3A_528 : i32 to vector<16xi32>
      %add3A_530 = arith.addi %broadcast_in_dim3A_15, %add3A_529 : vector<16xi32>
      %select_n3A_531 = arith.select %lt3A_527, %add3A_530, %broadcast_in_dim3A_15 : vector<16xi1>, vector<16xi32>
      %reshape3A_532 = vector.shape_cast %select_n3A_531 : vector<16xi32> to vector<16x1xi32>
      %gather3A_533 = vector.shape_cast %reshape3A_532 : vector<16x1xi32> to vector<16xi32>
      %gather3A_534 = tpu.dynamic_gather %add3A_338[%gather3A_533] in [0] : vector<16xf32>, vector<16xi32> -> vector<16xf32>
      %lt3A_535 = arith.constant 0 : i32
      %lt3A_536 = vector.broadcast %lt3A_535 : i32 to vector<16xi32>
      %lt3A_537 = arith.cmpi slt, %max3A_14, %lt3A_536 : vector<16xi32>
      %add3A_538 = arith.constant 16 : i32
      %add3A_539 = vector.broadcast %add3A_538 : i32 to vector<16xi32>
      %add3A_540 = arith.addi %max3A_14, %add3A_539 : vector<16xi32>
      %select_n3A_541 = arith.select %lt3A_537, %add3A_540, %max3A_14 : vector<16xi1>, vector<16xi32>
      %reshape3A_542 = vector.shape_cast %select_n3A_541 : vector<16xi32> to vector<16x1xi32>
      %gather3A_543 = vector.shape_cast %reshape3A_542 : vector<16x1xi32> to vector<16xi32>
      %gather3A_544 = tpu.dynamic_gather %broadcast_in_dim3A_19[%gather3A_543] in [0] : vector<16xf32>, vector<16xi32> -> vector<16xf32>
      %select_n3A_545 = arith.select %eq3A_17, %broadcast_in_dim3A_19, %gather3A_544 : vector<16xi1>, vector<16xf32>
      %lt3A_546 = arith.constant 0 : i32
      %lt3A_547 = vector.broadcast %lt3A_546 : i32 to vector<16xi32>
      %lt3A_548 = arith.cmpi slt, %broadcast_in_dim3A_15, %lt3A_547 : vector<16xi32>
      %add3A_549 = arith.constant 16 : i32
      %add3A_550 = vector.broadcast %add3A_549 : i32 to vector<16xi32>
      %add3A_551 = arith.addi %broadcast_in_dim3A_15, %add3A_550 : vector<16xi32>
      %select_n3A_552 = arith.select %lt3A_548, %add3A_551, %broadcast_in_dim3A_15 : vector<16xi1>, vector<16xi32>
      %reshape3A_553 = vector.shape_cast %select_n3A_552 : vector<16xi32> to vector<16x1xi32>
      %gather3A_554 = vector.shape_cast %reshape3A_553 : vector<16x1xi32> to vector<16xi32>
      %gather3A_555 = tpu.dynamic_gather %broadcast_in_dim3A_19[%gather3A_554] in [0] : vector<16xf32>, vector<16xi32> -> vector<16xf32>
      %lt3A_556 = arith.constant 0 : i32
      %lt3A_557 = vector.broadcast %lt3A_556 : i32 to vector<16xi32>
      %lt3A_558 = arith.cmpi slt, %max3A_14, %lt3A_557 : vector<16xi32>
      %add3A_559 = arith.constant 16 : i32
      %add3A_560 = vector.broadcast %add3A_559 : i32 to vector<16xi32>
      %add3A_561 = arith.addi %max3A_14, %add3A_560 : vector<16xi32>
      %select_n3A_562 = arith.select %lt3A_558, %add3A_561, %max3A_14 : vector<16xi1>, vector<16xi32>
      %reshape3A_563 = vector.shape_cast %select_n3A_562 : vector<16xi32> to vector<16x1xi32>
      %gather3A_564 = vector.shape_cast %reshape3A_563 : vector<16x1xi32> to vector<16xi32>
      %gather3A_565 = tpu.dynamic_gather %broadcast_in_dim3A_19[%gather3A_564] in [0] : vector<16xf32>, vector<16xi32> -> vector<16xf32>
      %select_n3A_566 = arith.select %eq3A_17, %gather3A_555, %gather3A_565 : vector<16xi1>, vector<16xf32>
      %lt3A_567 = arith.constant 0 : i32
      %lt3A_568 = vector.broadcast %lt3A_567 : i32 to vector<16xi32>
      %lt3A_569 = arith.cmpi slt, %broadcast_in_dim3A_15, %lt3A_568 : vector<16xi32>
      %add3A_570 = arith.constant 16 : i32
      %add3A_571 = vector.broadcast %add3A_570 : i32 to vector<16xi32>
      %add3A_572 = arith.addi %broadcast_in_dim3A_15, %add3A_571 : vector<16xi32>
      %select_n3A_573 = arith.select %lt3A_569, %add3A_572, %broadcast_in_dim3A_15 : vector<16xi1>, vector<16xi32>
      %reshape3A_574 = vector.shape_cast %select_n3A_573 : vector<16xi32> to vector<16x1xi32>
      %gather3A_575 = vector.shape_cast %reshape3A_574 : vector<16x1xi32> to vector<16xi32>
      %gather3A_576 = tpu.dynamic_gather %broadcast_in_dim3A_19[%gather3A_575] in [0] : vector<16xf32>, vector<16xi32> -> vector<16xf32>
      %lt3A_577 = arith.constant 0 : i32
      %lt3A_578 = vector.broadcast %lt3A_577 : i32 to vector<16xi32>
      %lt3A_579 = arith.cmpi slt, %max3A_14, %lt3A_578 : vector<16xi32>
      %add3A_580 = arith.constant 16 : i32
      %add3A_581 = vector.broadcast %add3A_580 : i32 to vector<16xi32>
      %add3A_582 = arith.addi %max3A_14, %add3A_581 : vector<16xi32>
      %select_n3A_583 = arith.select %lt3A_579, %add3A_582, %max3A_14 : vector<16xi1>, vector<16xi32>
      %reshape3A_584 = vector.shape_cast %select_n3A_583 : vector<16xi32> to vector<16x1xi32>
      %gather3A_585 = vector.shape_cast %reshape3A_584 : vector<16x1xi32> to vector<16xi32>
      %gather3A_586 = tpu.dynamic_gather %broadcast_in_dim3A_19[%gather3A_585] in [0] : vector<16xf32>, vector<16xi32> -> vector<16xf32>
      %select_n3A_587 = arith.select %eq3A_17, %gather3A_576, %gather3A_586 : vector<16xi1>, vector<16xf32>
      %lt3A_588 = arith.constant 0 : i32
      %lt3A_589 = vector.broadcast %lt3A_588 : i32 to vector<16xi32>
      %lt3A_590 = arith.cmpi slt, %broadcast_in_dim3A_15, %lt3A_589 : vector<16xi32>
      %add3A_591 = arith.constant 16 : i32
      %add3A_592 = vector.broadcast %add3A_591 : i32 to vector<16xi32>
      %add3A_593 = arith.addi %broadcast_in_dim3A_15, %add3A_592 : vector<16xi32>
      %select_n3A_594 = arith.select %lt3A_590, %add3A_593, %broadcast_in_dim3A_15 : vector<16xi1>, vector<16xi32>
      %reshape3A_595 = vector.shape_cast %select_n3A_594 : vector<16xi32> to vector<16x1xi32>
      %gather3A_596 = vector.shape_cast %reshape3A_595 : vector<16x1xi32> to vector<16xi32>
      %gather3A_597 = tpu.dynamic_gather %broadcast_in_dim3A_19[%gather3A_596] in [0] : vector<16xf32>, vector<16xi32> -> vector<16xf32>
      %lt3A_598 = arith.constant 0 : i32
      %lt3A_599 = vector.broadcast %lt3A_598 : i32 to vector<16xi32>
      %lt3A_600 = arith.cmpi slt, %max3A_14, %lt3A_599 : vector<16xi32>
      %add3A_601 = arith.constant 16 : i32
      %add3A_602 = vector.broadcast %add3A_601 : i32 to vector<16xi32>
      %add3A_603 = arith.addi %max3A_14, %add3A_602 : vector<16xi32>
      %select_n3A_604 = arith.select %lt3A_600, %add3A_603, %max3A_14 : vector<16xi1>, vector<16xi32>
      %reshape3A_605 = vector.shape_cast %select_n3A_604 : vector<16xi32> to vector<16x1xi32>
      %gather3A_606 = vector.shape_cast %reshape3A_605 : vector<16x1xi32> to vector<16xi32>
      %gather3A_607 = tpu.dynamic_gather %broadcast_in_dim3A_19[%gather3A_606] in [0] : vector<16xf32>, vector<16xi32> -> vector<16xf32>
      %select_n3A_608 = arith.select %eq3A_17, %gather3A_597, %gather3A_607 : vector<16xi1>, vector<16xf32>
      %lt3A_609 = arith.constant 0 : i32
      %lt3A_610 = vector.broadcast %lt3A_609 : i32 to vector<16xi32>
      %lt3A_611 = arith.cmpi slt, %broadcast_in_dim3A_15, %lt3A_610 : vector<16xi32>
      %add3A_612 = arith.constant 16 : i32
      %add3A_613 = vector.broadcast %add3A_612 : i32 to vector<16xi32>
      %add3A_614 = arith.addi %broadcast_in_dim3A_15, %add3A_613 : vector<16xi32>
      %select_n3A_615 = arith.select %lt3A_611, %add3A_614, %broadcast_in_dim3A_15 : vector<16xi1>, vector<16xi32>
      %reshape3A_616 = vector.shape_cast %select_n3A_615 : vector<16xi32> to vector<16x1xi32>
      %gather3A_617 = vector.shape_cast %reshape3A_616 : vector<16x1xi32> to vector<16xi32>
      %gather3A_618 = tpu.dynamic_gather %broadcast_in_dim3A_19[%gather3A_617] in [0] : vector<16xf32>, vector<16xi32> -> vector<16xf32>
      %min3A_619 = arith.minimumf %add3A_329, %select_n3A_461 : vector<16xf32>
      %min3A_620 = arith.minimumf %min3A_619, %select_n3A_545 : vector<16xf32>
      %add3A_621 = arith.addf %min3A_620, %select_n3A_366 : vector<16xf32>
      %min3A_622 = arith.minimumf %add3A_332, %select_n3A_482 : vector<16xf32>
      %min3A_623 = arith.minimumf %min3A_622, %select_n3A_566 : vector<16xf32>
      %add3A_624 = arith.addf %min3A_623, %select_n3A_394 : vector<16xf32>
      %min3A_625 = arith.minimumf %add3A_335, %select_n3A_503 : vector<16xf32>
      %min3A_626 = arith.minimumf %min3A_625, %select_n3A_587 : vector<16xf32>
      %add3A_627 = arith.addf %min3A_626, %select_n3A_422 : vector<16xf32>
      %min3A_628 = arith.minimumf %add3A_338, %select_n3A_524 : vector<16xf32>
      %min3A_629 = arith.minimumf %min3A_628, %select_n3A_608 : vector<16xf32>
      %add3A_630 = arith.addf %min3A_629, %select_n3A_450 : vector<16xf32>
      %sub3A_631 = arith.constant 2 : i32
      %sub3A_632 = vector.broadcast %sub3A_631 : i32 to vector<16xi32>
      %sub3A_633 = arith.subi %sub3A_632, %add3A_1 : vector<16xi32>
      %mul3A_634 = arith.constant 64 : i32
      %mul3A_635 = vector.broadcast %mul3A_634 : i32 to vector<16xi32>
      %mul3A_636 = arith.muli %sub3A_633, %mul3A_635 : vector<16xi32>
      %add3A_637 = arith.addi %mul3A_636, %add3A_1 : vector<16xi32>
      %jit3A_638 = arith.constant 0 : i32
      %jit3A_639 = arith.constant 4095 : i32
      %max3A_640 = vector.broadcast %jit3A_638 : i32 to vector<16xi32>
      %max3A_641 = arith.maxsi %max3A_640, %add3A_637 : vector<16xi32>
      %min3A_642 = vector.broadcast %jit3A_639 : i32 to vector<16xi32>
      %min3A_643 = arith.minsi %min3A_642, %max3A_641 : vector<16xi32>
      %gather3A_644 = tpu.vector_load_idx %arg5[%min3A_643] : memref<4096xf32, #tpu.memory_space<vmem>>[vector<16xi32>], vector<16xf32>,
      %ge3A_645 = arith.constant 0 : i32
      %ge3A_646 = vector.broadcast %ge3A_645 : i32 to vector<16xi32>
      %ge3A_647 = arith.cmpi sge, %sub3A_633, %ge3A_646 : vector<16xi32>
      %le3A_648 = arith.constant 63 : i32
      %le3A_649 = vector.broadcast %le3A_648 : i32 to vector<16xi32>
      %le3A_650 = arith.cmpi sle, %sub3A_633, %le3A_649 : vector<16xi32>
      %and3A_651 = arith.andi %ge3A_647, %le3A_650 : vector<16xi1>
      %neg3A_652 = arith.constant 0.000000e+00 : f32
      %neg3A_653 = vector.broadcast %neg3A_652 : f32 to vector<16xf32>
      %neg3A_654 = arith.subf %neg3A_653, %gather3A_644 : vector<16xf32>
      %exp3A_655 = math.exp %neg3A_654 : vector<16xf32>
      %jit3A_656 = arith.constant 0x7F800000 : f32
      %broadcast_in_dim3A_657 = vector.broadcast %jit3A_656 : f32 to vector<16xf32>
      %select_n3A_658 = arith.select %and3A_651, %exp3A_655, %broadcast_in_dim3A_657 : vector<16xi1>, vector<16xf32>
      %sub3A_659 = arith.constant 2 : i32
      %sub3A_660 = vector.broadcast %sub3A_659 : i32 to vector<16xi32>
      %sub3A_661 = arith.subi %sub3A_660, %add3A_4 : vector<16xi32>
      %mul3A_662 = arith.constant 64 : i32
      %mul3A_663 = vector.broadcast %mul3A_662 : i32 to vector<16xi32>
      %mul3A_664 = arith.muli %sub3A_661, %mul3A_663 : vector<16xi32>
      %add3A_665 = arith.addi %mul3A_664, %add3A_4 : vector<16xi32>
      %jit3A_666 = arith.constant 0 : i32
      %jit3A_667 = arith.constant 4095 : i32
      %max3A_668 = vector.broadcast %jit3A_666 : i32 to vector<16xi32>
      %max3A_669 = arith.maxsi %max3A_668, %add3A_665 : vector<16xi32>
      %min3A_670 = vector.broadcast %jit3A_667 : i32 to vector<16xi32>
      %min3A_671 = arith.minsi %min3A_670, %max3A_669 : vector<16xi32>
      %gather3A_672 = tpu.vector_load_idx %arg5[%min3A_671] : memref<4096xf32, #tpu.memory_space<vmem>>[vector<16xi32>], vector<16xf32>,
      %ge3A_673 = arith.constant 0 : i32
      %ge3A_674 = vector.broadcast %ge3A_673 : i32 to vector<16xi32>
      %ge3A_675 = arith.cmpi sge, %sub3A_661, %ge3A_674 : vector<16xi32>
      %le3A_676 = arith.constant 63 : i32
      %le3A_677 = vector.broadcast %le3A_676 : i32 to vector<16xi32>
      %le3A_678 = arith.cmpi sle, %sub3A_661, %le3A_677 : vector<16xi32>
      %and3A_679 = arith.andi %ge3A_675, %le3A_678 : vector<16xi1>
      %neg3A_680 = arith.constant 0.000000e+00 : f32
      %neg3A_681 = vector.broadcast %neg3A_680 : f32 to vector<16xf32>
      %neg3A_682 = arith.subf %neg3A_681, %gather3A_672 : vector<16xf32>
      %exp3A_683 = math.exp %neg3A_682 : vector<16xf32>
      %jit3A_684 = arith.constant 0x7F800000 : f32
      %broadcast_in_dim3A_685 = vector.broadcast %jit3A_684 : f32 to vector<16xf32>
      %select_n3A_686 = arith.select %and3A_679, %exp3A_683, %broadcast_in_dim3A_685 : vector<16xi1>, vector<16xf32>
      %sub3A_687 = arith.constant 2 : i32
      %sub3A_688 = vector.broadcast %sub3A_687 : i32 to vector<16xi32>
      %sub3A_689 = arith.subi %sub3A_688, %add3A_7 : vector<16xi32>
      %mul3A_690 = arith.constant 64 : i32
      %mul3A_691 = vector.broadcast %mul3A_690 : i32 to vector<16xi32>
      %mul3A_692 = arith.muli %sub3A_689, %mul3A_691 : vector<16xi32>
      %add3A_693 = arith.addi %mul3A_692, %add3A_7 : vector<16xi32>
      %jit3A_694 = arith.constant 0 : i32
      %jit3A_695 = arith.constant 4095 : i32
      %max3A_696 = vector.broadcast %jit3A_694 : i32 to vector<16xi32>
      %max3A_697 = arith.maxsi %max3A_696, %add3A_693 : vector<16xi32>
      %min3A_698 = vector.broadcast %jit3A_695 : i32 to vector<16xi32>
      %min3A_699 = arith.minsi %min3A_698, %max3A_697 : vector<16xi32>
      %gather3A_700 = tpu.vector_load_idx %arg5[%min3A_699] : memref<4096xf32, #tpu.memory_space<vmem>>[vector<16xi32>], vector<16xf32>,
      %ge3A_701 = arith.constant 0 : i32
      %ge3A_702 = vector.broadcast %ge3A_701 : i32 to vector<16xi32>
      %ge3A_703 = arith.cmpi sge, %sub3A_689, %ge3A_702 : vector<16xi32>
      %le3A_704 = arith.constant 63 : i32
      %le3A_705 = vector.broadcast %le3A_704 : i32 to vector<16xi32>
      %le3A_706 = arith.cmpi sle, %sub3A_689, %le3A_705 : vector<16xi32>
      %and3A_707 = arith.andi %ge3A_703, %le3A_706 : vector<16xi1>
      %neg3A_708 = arith.constant 0.000000e+00 : f32
      %neg3A_709 = vector.broadcast %neg3A_708 : f32 to vector<16xf32>
      %neg3A_710 = arith.subf %neg3A_709, %gather3A_700 : vector<16xf32>
      %exp3A_711 = math.exp %neg3A_710 : vector<16xf32>
      %jit3A_712 = arith.constant 0x7F800000 : f32
      %broadcast_in_dim3A_713 = vector.broadcast %jit3A_712 : f32 to vector<16xf32>
      %select_n3A_714 = arith.select %and3A_707, %exp3A_711, %broadcast_in_dim3A_713 : vector<16xi1>, vector<16xf32>
      %sub3A_715 = arith.constant 2 : i32
      %sub3A_716 = vector.broadcast %sub3A_715 : i32 to vector<16xi32>
      %sub3A_717 = arith.subi %sub3A_716, %add3A_10 : vector<16xi32>
      %mul3A_718 = arith.constant 64 : i32
      %mul3A_719 = vector.broadcast %mul3A_718 : i32 to vector<16xi32>
      %mul3A_720 = arith.muli %sub3A_717, %mul3A_719 : vector<16xi32>
      %add3A_721 = arith.addi %mul3A_720, %add3A_10 : vector<16xi32>
      %jit3A_722 = arith.constant 0 : i32
      %jit3A_723 = arith.constant 4095 : i32
      %max3A_724 = vector.broadcast %jit3A_722 : i32 to vector<16xi32>
      %max3A_725 = arith.maxsi %max3A_724, %add3A_721 : vector<16xi32>
      %min3A_726 = vector.broadcast %jit3A_723 : i32 to vector<16xi32>
      %min3A_727 = arith.minsi %min3A_726, %max3A_725 : vector<16xi32>
      %gather3A_728 = tpu.vector_load_idx %arg5[%min3A_727] : memref<4096xf32, #tpu.memory_space<vmem>>[vector<16xi32>], vector<16xf32>,
      %ge3A_729 = arith.constant 0 : i32
      %ge3A_730 = vector.broadcast %ge3A_729 : i32 to vector<16xi32>
      %ge3A_731 = arith.cmpi sge, %sub3A_717, %ge3A_730 : vector<16xi32>
      %le3A_732 = arith.constant 63 : i32
      %le3A_733 = vector.broadcast %le3A_732 : i32 to vector<16xi32>
      %le3A_734 = arith.cmpi sle, %sub3A_717, %le3A_733 : vector<16xi32>
      %and3A_735 = arith.andi %ge3A_731, %le3A_734 : vector<16xi1>
      %neg3A_736 = arith.constant 0.000000e+00 : f32
      %neg3A_737 = vector.broadcast %neg3A_736 : f32 to vector<16xf32>
      %neg3A_738 = arith.subf %neg3A_737, %gather3A_728 : vector<16xf32>
      %exp3A_739 = math.exp %neg3A_738 : vector<16xf32>
      %jit3A_740 = arith.constant 0x7F800000 : f32
      %broadcast_in_dim3A_741 = vector.broadcast %jit3A_740 : f32 to vector<16xf32>
      %select_n3A_742 = arith.select %and3A_735, %exp3A_739, %broadcast_in_dim3A_741 : vector<16xi1>, vector<16xf32>
      %lt3A_743 = arith.constant 0 : i32
      %lt3A_744 = vector.broadcast %lt3A_743 : i32 to vector<16xi32>
      %lt3A_745 = arith.cmpi slt, %max3A_14, %lt3A_744 : vector<16xi32>
      %add3A_746 = arith.constant 16 : i32
      %add3A_747 = vector.broadcast %add3A_746 : i32 to vector<16xi32>
      %add3A_748 = arith.addi %max3A_14, %add3A_747 : vector<16xi32>
      %select_n3A_749 = arith.select %lt3A_745, %add3A_748, %max3A_14 : vector<16xi1>, vector<16xi32>
      %reshape3A_750 = vector.shape_cast %select_n3A_749 : vector<16xi32> to vector<16x1xi32>
      %gather3A_751 = vector.shape_cast %reshape3A_750 : vector<16x1xi32> to vector<16xi32>
      %gather3A_752 = tpu.dynamic_gather %add3A_621[%gather3A_751] in [0] : vector<16xf32>, vector<16xi32> -> vector<16xf32>
      %select_n3A_753 = arith.select %eq3A_17, %broadcast_in_dim3A_19, %gather3A_752 : vector<16xi1>, vector<16xf32>
      %lt3A_754 = arith.constant 0 : i32
      %lt3A_755 = vector.broadcast %lt3A_754 : i32 to vector<16xi32>
      %lt3A_756 = arith.cmpi slt, %broadcast_in_dim3A_15, %lt3A_755 : vector<16xi32>
      %add3A_757 = arith.constant 16 : i32
      %add3A_758 = vector.broadcast %add3A_757 : i32 to vector<16xi32>
      %add3A_759 = arith.addi %broadcast_in_dim3A_15, %add3A_758 : vector<16xi32>
      %select_n3A_760 = arith.select %lt3A_756, %add3A_759, %broadcast_in_dim3A_15 : vector<16xi1>, vector<16xi32>
      %reshape3A_761 = vector.shape_cast %select_n3A_760 : vector<16xi32> to vector<16x1xi32>
      %gather3A_762 = vector.shape_cast %reshape3A_761 : vector<16x1xi32> to vector<16xi32>
      %gather3A_763 = tpu.dynamic_gather %add3A_621[%gather3A_762] in [0] : vector<16xf32>, vector<16xi32> -> vector<16xf32>
      %lt3A_764 = arith.constant 0 : i32
      %lt3A_765 = vector.broadcast %lt3A_764 : i32 to vector<16xi32>
      %lt3A_766 = arith.cmpi slt, %max3A_14, %lt3A_765 : vector<16xi32>
      %add3A_767 = arith.constant 16 : i32
      %add3A_768 = vector.broadcast %add3A_767 : i32 to vector<16xi32>
      %add3A_769 = arith.addi %max3A_14, %add3A_768 : vector<16xi32>
      %select_n3A_770 = arith.select %lt3A_766, %add3A_769, %max3A_14 : vector<16xi1>, vector<16xi32>
      %reshape3A_771 = vector.shape_cast %select_n3A_770 : vector<16xi32> to vector<16x1xi32>
      %gather3A_772 = vector.shape_cast %reshape3A_771 : vector<16x1xi32> to vector<16xi32>
      %gather3A_773 = tpu.dynamic_gather %add3A_624[%gather3A_772] in [0] : vector<16xf32>, vector<16xi32> -> vector<16xf32>
      %select_n3A_774 = arith.select %eq3A_17, %gather3A_763, %gather3A_773 : vector<16xi1>, vector<16xf32>
      %lt3A_775 = arith.constant 0 : i32
      %lt3A_776 = vector.broadcast %lt3A_775 : i32 to vector<16xi32>
      %lt3A_777 = arith.cmpi slt, %broadcast_in_dim3A_15, %lt3A_776 : vector<16xi32>
      %add3A_778 = arith.constant 16 : i32
      %add3A_779 = vector.broadcast %add3A_778 : i32 to vector<16xi32>
      %add3A_780 = arith.addi %broadcast_in_dim3A_15, %add3A_779 : vector<16xi32>
      %select_n3A_781 = arith.select %lt3A_777, %add3A_780, %broadcast_in_dim3A_15 : vector<16xi1>, vector<16xi32>
      %reshape3A_782 = vector.shape_cast %select_n3A_781 : vector<16xi32> to vector<16x1xi32>
      %gather3A_783 = vector.shape_cast %reshape3A_782 : vector<16x1xi32> to vector<16xi32>
      %gather3A_784 = tpu.dynamic_gather %add3A_624[%gather3A_783] in [0] : vector<16xf32>, vector<16xi32> -> vector<16xf32>
      %lt3A_785 = arith.constant 0 : i32
      %lt3A_786 = vector.broadcast %lt3A_785 : i32 to vector<16xi32>
      %lt3A_787 = arith.cmpi slt, %max3A_14, %lt3A_786 : vector<16xi32>
      %add3A_788 = arith.constant 16 : i32
      %add3A_789 = vector.broadcast %add3A_788 : i32 to vector<16xi32>
      %add3A_790 = arith.addi %max3A_14, %add3A_789 : vector<16xi32>
      %select_n3A_791 = arith.select %lt3A_787, %add3A_790, %max3A_14 : vector<16xi1>, vector<16xi32>
      %reshape3A_792 = vector.shape_cast %select_n3A_791 : vector<16xi32> to vector<16x1xi32>
      %gather3A_793 = vector.shape_cast %reshape3A_792 : vector<16x1xi32> to vector<16xi32>
      %gather3A_794 = tpu.dynamic_gather %add3A_627[%gather3A_793] in [0] : vector<16xf32>, vector<16xi32> -> vector<16xf32>
      %select_n3A_795 = arith.select %eq3A_17, %gather3A_784, %gather3A_794 : vector<16xi1>, vector<16xf32>
      %lt3A_796 = arith.constant 0 : i32
      %lt3A_797 = vector.broadcast %lt3A_796 : i32 to vector<16xi32>
      %lt3A_798 = arith.cmpi slt, %broadcast_in_dim3A_15, %lt3A_797 : vector<16xi32>
      %add3A_799 = arith.constant 16 : i32
      %add3A_800 = vector.broadcast %add3A_799 : i32 to vector<16xi32>
      %add3A_801 = arith.addi %broadcast_in_dim3A_15, %add3A_800 : vector<16xi32>
      %select_n3A_802 = arith.select %lt3A_798, %add3A_801, %broadcast_in_dim3A_15 : vector<16xi1>, vector<16xi32>
      %reshape3A_803 = vector.shape_cast %select_n3A_802 : vector<16xi32> to vector<16x1xi32>
      %gather3A_804 = vector.shape_cast %reshape3A_803 : vector<16x1xi32> to vector<16xi32>
      %gather3A_805 = tpu.dynamic_gather %add3A_627[%gather3A_804] in [0] : vector<16xf32>, vector<16xi32> -> vector<16xf32>
      %lt3A_806 = arith.constant 0 : i32
      %lt3A_807 = vector.broadcast %lt3A_806 : i32 to vector<16xi32>
      %lt3A_808 = arith.cmpi slt, %max3A_14, %lt3A_807 : vector<16xi32>
      %add3A_809 = arith.constant 16 : i32
      %add3A_810 = vector.broadcast %add3A_809 : i32 to vector<16xi32>
      %add3A_811 = arith.addi %max3A_14, %add3A_810 : vector<16xi32>
      %select_n3A_812 = arith.select %lt3A_808, %add3A_811, %max3A_14 : vector<16xi1>, vector<16xi32>
      %reshape3A_813 = vector.shape_cast %select_n3A_812 : vector<16xi32> to vector<16x1xi32>
      %gather3A_814 = vector.shape_cast %reshape3A_813 : vector<16x1xi32> to vector<16xi32>
      %gather3A_815 = tpu.dynamic_gather %add3A_630[%gather3A_814] in [0] : vector<16xf32>, vector<16xi32> -> vector<16xf32>
      %select_n3A_816 = arith.select %eq3A_17, %gather3A_805, %gather3A_815 : vector<16xi1>, vector<16xf32>
      %lt3A_817 = arith.constant 0 : i32
      %lt3A_818 = vector.broadcast %lt3A_817 : i32 to vector<16xi32>
      %lt3A_819 = arith.cmpi slt, %broadcast_in_dim3A_15, %lt3A_818 : vector<16xi32>
      %add3A_820 = arith.constant 16 : i32
      %add3A_821 = vector.broadcast %add3A_820 : i32 to vector<16xi32>
      %add3A_822 = arith.addi %broadcast_in_dim3A_15, %add3A_821 : vector<16xi32>
      %select_n3A_823 = arith.select %lt3A_819, %add3A_822, %broadcast_in_dim3A_15 : vector<16xi1>, vector<16xi32>
      %reshape3A_824 = vector.shape_cast %select_n3A_823 : vector<16xi32> to vector<16x1xi32>
      %gather3A_825 = vector.shape_cast %reshape3A_824 : vector<16x1xi32> to vector<16xi32>
      %gather3A_826 = tpu.dynamic_gather %add3A_630[%gather3A_825] in [0] : vector<16xf32>, vector<16xi32> -> vector<16xf32>
      %lt3A_827 = arith.constant 0 : i32
      %lt3A_828 = vector.broadcast %lt3A_827 : i32 to vector<16xi32>
      %lt3A_829 = arith.cmpi slt, %max3A_14, %lt3A_828 : vector<16xi32>
      %add3A_830 = arith.constant 16 : i32
      %add3A_831 = vector.broadcast %add3A_830 : i32 to vector<16xi32>
      %add3A_832 = arith.addi %max3A_14, %add3A_831 : vector<16xi32>
      %select_n3A_833 = arith.select %lt3A_829, %add3A_832, %max3A_14 : vector<16xi1>, vector<16xi32>
      %reshape3A_834 = vector.shape_cast %select_n3A_833 : vector<16xi32> to vector<16x1xi32>
      %gather3A_835 = vector.shape_cast %reshape3A_834 : vector<16x1xi32> to vector<16xi32>
      %gather3A_836 = tpu.dynamic_gather %add3A_329[%gather3A_835] in [0] : vector<16xf32>, vector<16xi32> -> vector<16xf32>
      %select_n3A_837 = arith.select %eq3A_17, %broadcast_in_dim3A_19, %gather3A_836 : vector<16xi1>, vector<16xf32>
      %lt3A_838 = arith.constant 0 : i32
      %lt3A_839 = vector.broadcast %lt3A_838 : i32 to vector<16xi32>
      %lt3A_840 = arith.cmpi slt, %broadcast_in_dim3A_15, %lt3A_839 : vector<16xi32>
      %add3A_841 = arith.constant 16 : i32
      %add3A_842 = vector.broadcast %add3A_841 : i32 to vector<16xi32>
      %add3A_843 = arith.addi %broadcast_in_dim3A_15, %add3A_842 : vector<16xi32>
      %select_n3A_844 = arith.select %lt3A_840, %add3A_843, %broadcast_in_dim3A_15 : vector<16xi1>, vector<16xi32>
      %reshape3A_845 = vector.shape_cast %select_n3A_844 : vector<16xi32> to vector<16x1xi32>
      %gather3A_846 = vector.shape_cast %reshape3A_845 : vector<16x1xi32> to vector<16xi32>
      %gather3A_847 = tpu.dynamic_gather %add3A_329[%gather3A_846] in [0] : vector<16xf32>, vector<16xi32> -> vector<16xf32>
      %lt3A_848 = arith.constant 0 : i32
      %lt3A_849 = vector.broadcast %lt3A_848 : i32 to vector<16xi32>
      %lt3A_850 = arith.cmpi slt, %max3A_14, %lt3A_849 : vector<16xi32>
      %add3A_851 = arith.constant 16 : i32
      %add3A_852 = vector.broadcast %add3A_851 : i32 to vector<16xi32>
      %add3A_853 = arith.addi %max3A_14, %add3A_852 : vector<16xi32>
      %select_n3A_854 = arith.select %lt3A_850, %add3A_853, %max3A_14 : vector<16xi1>, vector<16xi32>
      %reshape3A_855 = vector.shape_cast %select_n3A_854 : vector<16xi32> to vector<16x1xi32>
      %gather3A_856 = vector.shape_cast %reshape3A_855 : vector<16x1xi32> to vector<16xi32>
      %gather3A_857 = tpu.dynamic_gather %add3A_332[%gather3A_856] in [0] : vector<16xf32>, vector<16xi32> -> vector<16xf32>
      %select_n3A_858 = arith.select %eq3A_17, %gather3A_847, %gather3A_857 : vector<16xi1>, vector<16xf32>
      %lt3A_859 = arith.constant 0 : i32
      %lt3A_860 = vector.broadcast %lt3A_859 : i32 to vector<16xi32>
      %lt3A_861 = arith.cmpi slt, %broadcast_in_dim3A_15, %lt3A_860 : vector<16xi32>
      %add3A_862 = arith.constant 16 : i32
      %add3A_863 = vector.broadcast %add3A_862 : i32 to vector<16xi32>
      %add3A_864 = arith.addi %broadcast_in_dim3A_15, %add3A_863 : vector<16xi32>
      %select_n3A_865 = arith.select %lt3A_861, %add3A_864, %broadcast_in_dim3A_15 : vector<16xi1>, vector<16xi32>
      %reshape3A_866 = vector.shape_cast %select_n3A_865 : vector<16xi32> to vector<16x1xi32>
      %gather3A_867 = vector.shape_cast %reshape3A_866 : vector<16x1xi32> to vector<16xi32>
      %gather3A_868 = tpu.dynamic_gather %add3A_332[%gather3A_867] in [0] : vector<16xf32>, vector<16xi32> -> vector<16xf32>
      %lt3A_869 = arith.constant 0 : i32
      %lt3A_870 = vector.broadcast %lt3A_869 : i32 to vector<16xi32>
      %lt3A_871 = arith.cmpi slt, %max3A_14, %lt3A_870 : vector<16xi32>
      %add3A_872 = arith.constant 16 : i32
      %add3A_873 = vector.broadcast %add3A_872 : i32 to vector<16xi32>
      %add3A_874 = arith.addi %max3A_14, %add3A_873 : vector<16xi32>
      %select_n3A_875 = arith.select %lt3A_871, %add3A_874, %max3A_14 : vector<16xi1>, vector<16xi32>
      %reshape3A_876 = vector.shape_cast %select_n3A_875 : vector<16xi32> to vector<16x1xi32>
      %gather3A_877 = vector.shape_cast %reshape3A_876 : vector<16x1xi32> to vector<16xi32>
      %gather3A_878 = tpu.dynamic_gather %add3A_335[%gather3A_877] in [0] : vector<16xf32>, vector<16xi32> -> vector<16xf32>
      %select_n3A_879 = arith.select %eq3A_17, %gather3A_868, %gather3A_878 : vector<16xi1>, vector<16xf32>
      %lt3A_880 = arith.constant 0 : i32
      %lt3A_881 = vector.broadcast %lt3A_880 : i32 to vector<16xi32>
      %lt3A_882 = arith.cmpi slt, %broadcast_in_dim3A_15, %lt3A_881 : vector<16xi32>
      %add3A_883 = arith.constant 16 : i32
      %add3A_884 = vector.broadcast %add3A_883 : i32 to vector<16xi32>
      %add3A_885 = arith.addi %broadcast_in_dim3A_15, %add3A_884 : vector<16xi32>
      %select_n3A_886 = arith.select %lt3A_882, %add3A_885, %broadcast_in_dim3A_15 : vector<16xi1>, vector<16xi32>
      %reshape3A_887 = vector.shape_cast %select_n3A_886 : vector<16xi32> to vector<16x1xi32>
      %gather3A_888 = vector.shape_cast %reshape3A_887 : vector<16x1xi32> to vector<16xi32>
      %gather3A_889 = tpu.dynamic_gather %add3A_335[%gather3A_888] in [0] : vector<16xf32>, vector<16xi32> -> vector<16xf32>
      %lt3A_890 = arith.constant 0 : i32
      %lt3A_891 = vector.broadcast %lt3A_890 : i32 to vector<16xi32>
      %lt3A_892 = arith.cmpi slt, %max3A_14, %lt3A_891 : vector<16xi32>
      %add3A_893 = arith.constant 16 : i32
      %add3A_894 = vector.broadcast %add3A_893 : i32 to vector<16xi32>
      %add3A_895 = arith.addi %max3A_14, %add3A_894 : vector<16xi32>
      %select_n3A_896 = arith.select %lt3A_892, %add3A_895, %max3A_14 : vector<16xi1>, vector<16xi32>
      %reshape3A_897 = vector.shape_cast %select_n3A_896 : vector<16xi32> to vector<16x1xi32>
      %gather3A_898 = vector.shape_cast %reshape3A_897 : vector<16x1xi32> to vector<16xi32>
      %gather3A_899 = tpu.dynamic_gather %add3A_338[%gather3A_898] in [0] : vector<16xf32>, vector<16xi32> -> vector<16xf32>
      %select_n3A_900 = arith.select %eq3A_17, %gather3A_889, %gather3A_899 : vector<16xi1>, vector<16xf32>
      %lt3A_901 = arith.constant 0 : i32
      %lt3A_902 = vector.broadcast %lt3A_901 : i32 to vector<16xi32>
      %lt3A_903 = arith.cmpi slt, %broadcast_in_dim3A_15, %lt3A_902 : vector<16xi32>
      %add3A_904 = arith.constant 16 : i32
      %add3A_905 = vector.broadcast %add3A_904 : i32 to vector<16xi32>
      %add3A_906 = arith.addi %broadcast_in_dim3A_15, %add3A_905 : vector<16xi32>
      %select_n3A_907 = arith.select %lt3A_903, %add3A_906, %broadcast_in_dim3A_15 : vector<16xi1>, vector<16xi32>
      %reshape3A_908 = vector.shape_cast %select_n3A_907 : vector<16xi32> to vector<16x1xi32>
      %gather3A_909 = vector.shape_cast %reshape3A_908 : vector<16x1xi32> to vector<16xi32>
      %gather3A_910 = tpu.dynamic_gather %add3A_338[%gather3A_909] in [0] : vector<16xf32>, vector<16xi32> -> vector<16xf32>
      %min3A_911 = arith.minimumf %add3A_621, %select_n3A_753 : vector<16xf32>
      %min3A_912 = arith.minimumf %min3A_911, %select_n3A_837 : vector<16xf32>
      %add3A_913 = arith.addf %min3A_912, %select_n3A_658 : vector<16xf32>
      %min3A_914 = arith.minimumf %add3A_624, %select_n3A_774 : vector<16xf32>
      %min3A_915 = arith.minimumf %min3A_914, %select_n3A_858 : vector<16xf32>
      %add3A_916 = arith.addf %min3A_915, %select_n3A_686 : vector<16xf32>
      %min3A_917 = arith.minimumf %add3A_627, %select_n3A_795 : vector<16xf32>
      %min3A_918 = arith.minimumf %min3A_917, %select_n3A_879 : vector<16xf32>
      %add3A_919 = arith.addf %min3A_918, %select_n3A_714 : vector<16xf32>
      %min3A_920 = arith.minimumf %add3A_630, %select_n3A_816 : vector<16xf32>
      %min3A_921 = arith.minimumf %min3A_920, %select_n3A_900 : vector<16xf32>
      %add3A_922 = arith.addf %min3A_921, %select_n3A_742 : vector<16xf32>
      %scan3A = arith.constant 0 : i32
      %scan3A_923 = arith.constant 31 : i32
      %scan3A_924 = arith.addi %scan3A, %scan3A_923 : i32
      %scan3A_925 = arith.constant 1 : i32
      %scan3A_926:8 = scf.for %scan3A_929 = %scan3A to %scan3A_924 step %scan3A_925 iter_args(%scan3A_930 = %add3A_913, %scan3A_931 = %add3A_916, %scan3A_932 = %add3A_919, %scan3A_933 = %add3A_922, %scan3A_934 = %add3A_621, %scan3A_935 = %add3A_624, %scan3A_936 = %add3A_627, %scan3A_937 = %add3A_630) -> (vector<16xf32>, vector<16xf32>, vector<16xf32>, vector<16xf32>, vector<16xf32>, vector<16xf32>, vector<16xf32>, vector<16xf32>)  : i32 {
        %mul3A_938 = arith.constant 4 : i32
        %mul3A_939 = arith.muli %mul3A_938, %scan3A_929 : i32
        %add3A_940 = arith.constant 3 : i32
        %add3A_941 = arith.addi %mul3A_939, %add3A_940 : i32
        %add3A_942 = arith.constant 0 : i32
        %add3A_943 = arith.addi %add3A_941, %add3A_942 : i32
        %sub3A_944 = vector.broadcast %add3A_943 : i32 to vector<16xi32>
        %sub3A_945 = arith.subi %sub3A_944, %add3A_1 : vector<16xi32>
        %mul3A_946 = arith.constant 64 : i32
        %mul3A_947 = vector.broadcast %mul3A_946 : i32 to vector<16xi32>
        %mul3A_948 = arith.muli %sub3A_945, %mul3A_947 : vector<16xi32>
        %add3A_949 = arith.addi %mul3A_948, %add3A_1 : vector<16xi32>
        %jit3A_950 = arith.constant 0 : i32
        %jit3A_951 = arith.constant 4095 : i32
        %max3A_952 = vector.broadcast %jit3A_950 : i32 to vector<16xi32>
        %max3A_953 = arith.maxsi %max3A_952, %add3A_949 : vector<16xi32>
        %min3A_954 = vector.broadcast %jit3A_951 : i32 to vector<16xi32>
        %min3A_955 = arith.minsi %min3A_954, %max3A_953 : vector<16xi32>
        %gather3A_956 = tpu.vector_load_idx %arg5[%min3A_955] : memref<4096xf32, #tpu.memory_space<vmem>>[vector<16xi32>], vector<16xf32>,
        %ge3A_957 = arith.constant 0 : i32
        %ge3A_958 = vector.broadcast %ge3A_957 : i32 to vector<16xi32>
        %ge3A_959 = arith.cmpi sge, %sub3A_945, %ge3A_958 : vector<16xi32>
        %le3A_960 = arith.constant 63 : i32
        %le3A_961 = vector.broadcast %le3A_960 : i32 to vector<16xi32>
        %le3A_962 = arith.cmpi sle, %sub3A_945, %le3A_961 : vector<16xi32>
        %and3A_963 = arith.andi %ge3A_959, %le3A_962 : vector<16xi1>
        %neg3A_964 = arith.constant 0.000000e+00 : f32
        %neg3A_965 = vector.broadcast %neg3A_964 : f32 to vector<16xf32>
        %neg3A_966 = arith.subf %neg3A_965, %gather3A_956 : vector<16xf32>
        %exp3A_967 = math.exp %neg3A_966 : vector<16xf32>
        %jit3A_968 = arith.constant 0x7F800000 : f32
        %broadcast_in_dim3A_969 = vector.broadcast %jit3A_968 : f32 to vector<16xf32>
        %select_n3A_970 = arith.select %and3A_963, %exp3A_967, %broadcast_in_dim3A_969 : vector<16xi1>, vector<16xf32>
        %sub3A_971 = vector.broadcast %add3A_943 : i32 to vector<16xi32>
        %sub3A_972 = arith.subi %sub3A_971, %add3A_4 : vector<16xi32>
        %mul3A_973 = arith.constant 64 : i32
        %mul3A_974 = vector.broadcast %mul3A_973 : i32 to vector<16xi32>
        %mul3A_975 = arith.muli %sub3A_972, %mul3A_974 : vector<16xi32>
        %add3A_976 = arith.addi %mul3A_975, %add3A_4 : vector<16xi32>
        %jit3A_977 = arith.constant 0 : i32
        %jit3A_978 = arith.constant 4095 : i32
        %max3A_979 = vector.broadcast %jit3A_977 : i32 to vector<16xi32>
        %max3A_980 = arith.maxsi %max3A_979, %add3A_976 : vector<16xi32>
        %min3A_981 = vector.broadcast %jit3A_978 : i32 to vector<16xi32>
        %min3A_982 = arith.minsi %min3A_981, %max3A_980 : vector<16xi32>
        %gather3A_983 = tpu.vector_load_idx %arg5[%min3A_982] : memref<4096xf32, #tpu.memory_space<vmem>>[vector<16xi32>], vector<16xf32>,
        %ge3A_984 = arith.constant 0 : i32
        %ge3A_985 = vector.broadcast %ge3A_984 : i32 to vector<16xi32>
        %ge3A_986 = arith.cmpi sge, %sub3A_972, %ge3A_985 : vector<16xi32>
        %le3A_987 = arith.constant 63 : i32
        %le3A_988 = vector.broadcast %le3A_987 : i32 to vector<16xi32>
        %le3A_989 = arith.cmpi sle, %sub3A_972, %le3A_988 : vector<16xi32>
        %and3A_990 = arith.andi %ge3A_986, %le3A_989 : vector<16xi1>
        %neg3A_991 = arith.constant 0.000000e+00 : f32
        %neg3A_992 = vector.broadcast %neg3A_991 : f32 to vector<16xf32>
        %neg3A_993 = arith.subf %neg3A_992, %gather3A_983 : vector<16xf32>
        %exp3A_994 = math.exp %neg3A_993 : vector<16xf32>
        %jit3A_995 = arith.constant 0x7F800000 : f32
        %broadcast_in_dim3A_996 = vector.broadcast %jit3A_995 : f32 to vector<16xf32>
        %select_n3A_997 = arith.select %and3A_990, %exp3A_994, %broadcast_in_dim3A_996 : vector<16xi1>, vector<16xf32>
        %sub3A_998 = vector.broadcast %add3A_943 : i32 to vector<16xi32>
        %sub3A_999 = arith.subi %sub3A_998, %add3A_7 : vector<16xi32>
        %mul3A_1000 = arith.constant 64 : i32
        %mul3A_1001 = vector.broadcast %mul3A_1000 : i32 to vector<16xi32>
        %mul3A_1002 = arith.muli %sub3A_999, %mul3A_1001 : vector<16xi32>
        %add3A_1003 = arith.addi %mul3A_1002, %add3A_7 : vector<16xi32>
        %jit3A_1004 = arith.constant 0 : i32
        %jit3A_1005 = arith.constant 4095 : i32
        %max3A_1006 = vector.broadcast %jit3A_1004 : i32 to vector<16xi32>
        %max3A_1007 = arith.maxsi %max3A_1006, %add3A_1003 : vector<16xi32>
        %min3A_1008 = vector.broadcast %jit3A_1005 : i32 to vector<16xi32>
        %min3A_1009 = arith.minsi %min3A_1008, %max3A_1007 : vector<16xi32>
        %gather3A_1010 = tpu.vector_load_idx %arg5[%min3A_1009] : memref<4096xf32, #tpu.memory_space<vmem>>[vector<16xi32>], vector<16xf32>,
        %ge3A_1011 = arith.constant 0 : i32
        %ge3A_1012 = vector.broadcast %ge3A_1011 : i32 to vector<16xi32>
        %ge3A_1013 = arith.cmpi sge, %sub3A_999, %ge3A_1012 : vector<16xi32>
        %le3A_1014 = arith.constant 63 : i32
        %le3A_1015 = vector.broadcast %le3A_1014 : i32 to vector<16xi32>
        %le3A_1016 = arith.cmpi sle, %sub3A_999, %le3A_1015 : vector<16xi32>
        %and3A_1017 = arith.andi %ge3A_1013, %le3A_1016 : vector<16xi1>
        %neg3A_1018 = arith.constant 0.000000e+00 : f32
        %neg3A_1019 = vector.broadcast %neg3A_1018 : f32 to vector<16xf32>
        %neg3A_1020 = arith.subf %neg3A_1019, %gather3A_1010 : vector<16xf32>
        %exp3A_1021 = math.exp %neg3A_1020 : vector<16xf32>
        %jit3A_1022 = arith.constant 0x7F800000 : f32
        %broadcast_in_dim3A_1023 = vector.broadcast %jit3A_1022 : f32 to vector<16xf32>
        %select_n3A_1024 = arith.select %and3A_1017, %exp3A_1021, %broadcast_in_dim3A_1023 : vector<16xi1>, vector<16xf32>
        %sub3A_1025 = vector.broadcast %add3A_943 : i32 to vector<16xi32>
        %sub3A_1026 = arith.subi %sub3A_1025, %add3A_10 : vector<16xi32>
        %mul3A_1027 = arith.constant 64 : i32
        %mul3A_1028 = vector.broadcast %mul3A_1027 : i32 to vector<16xi32>
        %mul3A_1029 = arith.muli %sub3A_1026, %mul3A_1028 : vector<16xi32>
        %add3A_1030 = arith.addi %mul3A_1029, %add3A_10 : vector<16xi32>
        %jit3A_1031 = arith.constant 0 : i32
        %jit3A_1032 = arith.constant 4095 : i32
        %max3A_1033 = vector.broadcast %jit3A_1031 : i32 to vector<16xi32>
        %max3A_1034 = arith.maxsi %max3A_1033, %add3A_1030 : vector<16xi32>
        %min3A_1035 = vector.broadcast %jit3A_1032 : i32 to vector<16xi32>
        %min3A_1036 = arith.minsi %min3A_1035, %max3A_1034 : vector<16xi32>
        %gather3A_1037 = tpu.vector_load_idx %arg5[%min3A_1036] : memref<4096xf32, #tpu.memory_space<vmem>>[vector<16xi32>], vector<16xf32>,
        %ge3A_1038 = arith.constant 0 : i32
        %ge3A_1039 = vector.broadcast %ge3A_1038 : i32 to vector<16xi32>
        %ge3A_1040 = arith.cmpi sge, %sub3A_1026, %ge3A_1039 : vector<16xi32>
        %le3A_1041 = arith.constant 63 : i32
        %le3A_1042 = vector.broadcast %le3A_1041 : i32 to vector<16xi32>
        %le3A_1043 = arith.cmpi sle, %sub3A_1026, %le3A_1042 : vector<16xi32>
        %and3A_1044 = arith.andi %ge3A_1040, %le3A_1043 : vector<16xi1>
        %neg3A_1045 = arith.constant 0.000000e+00 : f32
        %neg3A_1046 = vector.broadcast %neg3A_1045 : f32 to vector<16xf32>
        %neg3A_1047 = arith.subf %neg3A_1046, %gather3A_1037 : vector<16xf32>
        %exp3A_1048 = math.exp %neg3A_1047 : vector<16xf32>
        %jit3A_1049 = arith.constant 0x7F800000 : f32
        %broadcast_in_dim3A_1050 = vector.broadcast %jit3A_1049 : f32 to vector<16xf32>
        %select_n3A_1051 = arith.select %and3A_1044, %exp3A_1048, %broadcast_in_dim3A_1050 : vector<16xi1>, vector<16xf32>
        %add3A_1052 = arith.constant 1 : i32
        %add3A_1053 = arith.addi %add3A_941, %add3A_1052 : i32
        %sub3A_1054 = vector.broadcast %add3A_1053 : i32 to vector<16xi32>
        %sub3A_1055 = arith.subi %sub3A_1054, %add3A_1 : vector<16xi32>
        %mul3A_1056 = arith.constant 64 : i32
        %mul3A_1057 = vector.broadcast %mul3A_1056 : i32 to vector<16xi32>
        %mul3A_1058 = arith.muli %sub3A_1055, %mul3A_1057 : vector<16xi32>
        %add3A_1059 = arith.addi %mul3A_1058, %add3A_1 : vector<16xi32>
        %jit3A_1060 = arith.constant 0 : i32
        %jit3A_1061 = arith.constant 4095 : i32
        %max3A_1062 = vector.broadcast %jit3A_1060 : i32 to vector<16xi32>
        %max3A_1063 = arith.maxsi %max3A_1062, %add3A_1059 : vector<16xi32>
        %min3A_1064 = vector.broadcast %jit3A_1061 : i32 to vector<16xi32>
        %min3A_1065 = arith.minsi %min3A_1064, %max3A_1063 : vector<16xi32>
        %gather3A_1066 = tpu.vector_load_idx %arg5[%min3A_1065] : memref<4096xf32, #tpu.memory_space<vmem>>[vector<16xi32>], vector<16xf32>,
        %ge3A_1067 = arith.constant 0 : i32
        %ge3A_1068 = vector.broadcast %ge3A_1067 : i32 to vector<16xi32>
        %ge3A_1069 = arith.cmpi sge, %sub3A_1055, %ge3A_1068 : vector<16xi32>
        %le3A_1070 = arith.constant 63 : i32
        %le3A_1071 = vector.broadcast %le3A_1070 : i32 to vector<16xi32>
        %le3A_1072 = arith.cmpi sle, %sub3A_1055, %le3A_1071 : vector<16xi32>
        %and3A_1073 = arith.andi %ge3A_1069, %le3A_1072 : vector<16xi1>
        %neg3A_1074 = arith.constant 0.000000e+00 : f32
        %neg3A_1075 = vector.broadcast %neg3A_1074 : f32 to vector<16xf32>
        %neg3A_1076 = arith.subf %neg3A_1075, %gather3A_1066 : vector<16xf32>
        %exp3A_1077 = math.exp %neg3A_1076 : vector<16xf32>
        %jit3A_1078 = arith.constant 0x7F800000 : f32
        %broadcast_in_dim3A_1079 = vector.broadcast %jit3A_1078 : f32 to vector<16xf32>
        %select_n3A_1080 = arith.select %and3A_1073, %exp3A_1077, %broadcast_in_dim3A_1079 : vector<16xi1>, vector<16xf32>
        %sub3A_1081 = vector.broadcast %add3A_1053 : i32 to vector<16xi32>
        %sub3A_1082 = arith.subi %sub3A_1081, %add3A_4 : vector<16xi32>
        %mul3A_1083 = arith.constant 64 : i32
        %mul3A_1084 = vector.broadcast %mul3A_1083 : i32 to vector<16xi32>
        %mul3A_1085 = arith.muli %sub3A_1082, %mul3A_1084 : vector<16xi32>
        %add3A_1086 = arith.addi %mul3A_1085, %add3A_4 : vector<16xi32>
        %jit3A_1087 = arith.constant 0 : i32
        %jit3A_1088 = arith.constant 4095 : i32
        %max3A_1089 = vector.broadcast %jit3A_1087 : i32 to vector<16xi32>
        %max3A_1090 = arith.maxsi %max3A_1089, %add3A_1086 : vector<16xi32>
        %min3A_1091 = vector.broadcast %jit3A_1088 : i32 to vector<16xi32>
        %min3A_1092 = arith.minsi %min3A_1091, %max3A_1090 : vector<16xi32>
        %gather3A_1093 = tpu.vector_load_idx %arg5[%min3A_1092] : memref<4096xf32, #tpu.memory_space<vmem>>[vector<16xi32>], vector<16xf32>,
        %ge3A_1094 = arith.constant 0 : i32
        %ge3A_1095 = vector.broadcast %ge3A_1094 : i32 to vector<16xi32>
        %ge3A_1096 = arith.cmpi sge, %sub3A_1082, %ge3A_1095 : vector<16xi32>
        %le3A_1097 = arith.constant 63 : i32
        %le3A_1098 = vector.broadcast %le3A_1097 : i32 to vector<16xi32>
        %le3A_1099 = arith.cmpi sle, %sub3A_1082, %le3A_1098 : vector<16xi32>
        %and3A_1100 = arith.andi %ge3A_1096, %le3A_1099 : vector<16xi1>
        %neg3A_1101 = arith.constant 0.000000e+00 : f32
        %neg3A_1102 = vector.broadcast %neg3A_1101 : f32 to vector<16xf32>
        %neg3A_1103 = arith.subf %neg3A_1102, %gather3A_1093 : vector<16xf32>
        %exp3A_1104 = math.exp %neg3A_1103 : vector<16xf32>
        %jit3A_1105 = arith.constant 0x7F800000 : f32
        %broadcast_in_dim3A_1106 = vector.broadcast %jit3A_1105 : f32 to vector<16xf32>
        %select_n3A_1107 = arith.select %and3A_1100, %exp3A_1104, %broadcast_in_dim3A_1106 : vector<16xi1>, vector<16xf32>
        %sub3A_1108 = vector.broadcast %add3A_1053 : i32 to vector<16xi32>
        %sub3A_1109 = arith.subi %sub3A_1108, %add3A_7 : vector<16xi32>
        %mul3A_1110 = arith.constant 64 : i32
        %mul3A_1111 = vector.broadcast %mul3A_1110 : i32 to vector<16xi32>
        %mul3A_1112 = arith.muli %sub3A_1109, %mul3A_1111 : vector<16xi32>
        %add3A_1113 = arith.addi %mul3A_1112, %add3A_7 : vector<16xi32>
        %jit3A_1114 = arith.constant 0 : i32
        %jit3A_1115 = arith.constant 4095 : i32
        %max3A_1116 = vector.broadcast %jit3A_1114 : i32 to vector<16xi32>
        %max3A_1117 = arith.maxsi %max3A_1116, %add3A_1113 : vector<16xi32>
        %min3A_1118 = vector.broadcast %jit3A_1115 : i32 to vector<16xi32>
        %min3A_1119 = arith.minsi %min3A_1118, %max3A_1117 : vector<16xi32>
        %gather3A_1120 = tpu.vector_load_idx %arg5[%min3A_1119] : memref<4096xf32, #tpu.memory_space<vmem>>[vector<16xi32>], vector<16xf32>,
        %ge3A_1121 = arith.constant 0 : i32
        %ge3A_1122 = vector.broadcast %ge3A_1121 : i32 to vector<16xi32>
        %ge3A_1123 = arith.cmpi sge, %sub3A_1109, %ge3A_1122 : vector<16xi32>
        %le3A_1124 = arith.constant 63 : i32
        %le3A_1125 = vector.broadcast %le3A_1124 : i32 to vector<16xi32>
        %le3A_1126 = arith.cmpi sle, %sub3A_1109, %le3A_1125 : vector<16xi32>
        %and3A_1127 = arith.andi %ge3A_1123, %le3A_1126 : vector<16xi1>
        %neg3A_1128 = arith.constant 0.000000e+00 : f32
        %neg3A_1129 = vector.broadcast %neg3A_1128 : f32 to vector<16xf32>
        %neg3A_1130 = arith.subf %neg3A_1129, %gather3A_1120 : vector<16xf32>
        %exp3A_1131 = math.exp %neg3A_1130 : vector<16xf32>
        %jit3A_1132 = arith.constant 0x7F800000 : f32
        %broadcast_in_dim3A_1133 = vector.broadcast %jit3A_1132 : f32 to vector<16xf32>
        %select_n3A_1134 = arith.select %and3A_1127, %exp3A_1131, %broadcast_in_dim3A_1133 : vector<16xi1>, vector<16xf32>
        %sub3A_1135 = vector.broadcast %add3A_1053 : i32 to vector<16xi32>
        %sub3A_1136 = arith.subi %sub3A_1135, %add3A_10 : vector<16xi32>
        %mul3A_1137 = arith.constant 64 : i32
        %mul3A_1138 = vector.broadcast %mul3A_1137 : i32 to vector<16xi32>
        %mul3A_1139 = arith.muli %sub3A_1136, %mul3A_1138 : vector<16xi32>
        %add3A_1140 = arith.addi %mul3A_1139, %add3A_10 : vector<16xi32>
        %jit3A_1141 = arith.constant 0 : i32
        %jit3A_1142 = arith.constant 4095 : i32
        %max3A_1143 = vector.broadcast %jit3A_1141 : i32 to vector<16xi32>
        %max3A_1144 = arith.maxsi %max3A_1143, %add3A_1140 : vector<16xi32>
        %min3A_1145 = vector.broadcast %jit3A_1142 : i32 to vector<16xi32>
        %min3A_1146 = arith.minsi %min3A_1145, %max3A_1144 : vector<16xi32>
        %gather3A_1147 = tpu.vector_load_idx %arg5[%min3A_1146] : memref<4096xf32, #tpu.memory_space<vmem>>[vector<16xi32>], vector<16xf32>,
        %ge3A_1148 = arith.constant 0 : i32
        %ge3A_1149 = vector.broadcast %ge3A_1148 : i32 to vector<16xi32>
        %ge3A_1150 = arith.cmpi sge, %sub3A_1136, %ge3A_1149 : vector<16xi32>
        %le3A_1151 = arith.constant 63 : i32
        %le3A_1152 = vector.broadcast %le3A_1151 : i32 to vector<16xi32>
        %le3A_1153 = arith.cmpi sle, %sub3A_1136, %le3A_1152 : vector<16xi32>
        %and3A_1154 = arith.andi %ge3A_1150, %le3A_1153 : vector<16xi1>
        %neg3A_1155 = arith.constant 0.000000e+00 : f32
        %neg3A_1156 = vector.broadcast %neg3A_1155 : f32 to vector<16xf32>
        %neg3A_1157 = arith.subf %neg3A_1156, %gather3A_1147 : vector<16xf32>
        %exp3A_1158 = math.exp %neg3A_1157 : vector<16xf32>
        %jit3A_1159 = arith.constant 0x7F800000 : f32
        %broadcast_in_dim3A_1160 = vector.broadcast %jit3A_1159 : f32 to vector<16xf32>
        %select_n3A_1161 = arith.select %and3A_1154, %exp3A_1158, %broadcast_in_dim3A_1160 : vector<16xi1>, vector<16xf32>
        %add3A_1162 = arith.constant 2 : i32
        %add3A_1163 = arith.addi %add3A_941, %add3A_1162 : i32
        %sub3A_1164 = vector.broadcast %add3A_1163 : i32 to vector<16xi32>
        %sub3A_1165 = arith.subi %sub3A_1164, %add3A_1 : vector<16xi32>
        %mul3A_1166 = arith.constant 64 : i32
        %mul3A_1167 = vector.broadcast %mul3A_1166 : i32 to vector<16xi32>
        %mul3A_1168 = arith.muli %sub3A_1165, %mul3A_1167 : vector<16xi32>
        %add3A_1169 = arith.addi %mul3A_1168, %add3A_1 : vector<16xi32>
        %jit3A_1170 = arith.constant 0 : i32
        %jit3A_1171 = arith.constant 4095 : i32
        %max3A_1172 = vector.broadcast %jit3A_1170 : i32 to vector<16xi32>
        %max3A_1173 = arith.maxsi %max3A_1172, %add3A_1169 : vector<16xi32>
        %min3A_1174 = vector.broadcast %jit3A_1171 : i32 to vector<16xi32>
        %min3A_1175 = arith.minsi %min3A_1174, %max3A_1173 : vector<16xi32>
        %gather3A_1176 = tpu.vector_load_idx %arg5[%min3A_1175] : memref<4096xf32, #tpu.memory_space<vmem>>[vector<16xi32>], vector<16xf32>,
        %ge3A_1177 = arith.constant 0 : i32
        %ge3A_1178 = vector.broadcast %ge3A_1177 : i32 to vector<16xi32>
        %ge3A_1179 = arith.cmpi sge, %sub3A_1165, %ge3A_1178 : vector<16xi32>
        %le3A_1180 = arith.constant 63 : i32
        %le3A_1181 = vector.broadcast %le3A_1180 : i32 to vector<16xi32>
        %le3A_1182 = arith.cmpi sle, %sub3A_1165, %le3A_1181 : vector<16xi32>
        %and3A_1183 = arith.andi %ge3A_1179, %le3A_1182 : vector<16xi1>
        %neg3A_1184 = arith.constant 0.000000e+00 : f32
        %neg3A_1185 = vector.broadcast %neg3A_1184 : f32 to vector<16xf32>
        %neg3A_1186 = arith.subf %neg3A_1185, %gather3A_1176 : vector<16xf32>
        %exp3A_1187 = math.exp %neg3A_1186 : vector<16xf32>
        %jit3A_1188 = arith.constant 0x7F800000 : f32
        %broadcast_in_dim3A_1189 = vector.broadcast %jit3A_1188 : f32 to vector<16xf32>
        %select_n3A_1190 = arith.select %and3A_1183, %exp3A_1187, %broadcast_in_dim3A_1189 : vector<16xi1>, vector<16xf32>
        %sub3A_1191 = vector.broadcast %add3A_1163 : i32 to vector<16xi32>
        %sub3A_1192 = arith.subi %sub3A_1191, %add3A_4 : vector<16xi32>
        %mul3A_1193 = arith.constant 64 : i32
        %mul3A_1194 = vector.broadcast %mul3A_1193 : i32 to vector<16xi32>
        %mul3A_1195 = arith.muli %sub3A_1192, %mul3A_1194 : vector<16xi32>
        %add3A_1196 = arith.addi %mul3A_1195, %add3A_4 : vector<16xi32>
        %jit3A_1197 = arith.constant 0 : i32
        %jit3A_1198 = arith.constant 4095 : i32
        %max3A_1199 = vector.broadcast %jit3A_1197 : i32 to vector<16xi32>
        %max3A_1200 = arith.maxsi %max3A_1199, %add3A_1196 : vector<16xi32>
        %min3A_1201 = vector.broadcast %jit3A_1198 : i32 to vector<16xi32>
        %min3A_1202 = arith.minsi %min3A_1201, %max3A_1200 : vector<16xi32>
        %gather3A_1203 = tpu.vector_load_idx %arg5[%min3A_1202] : memref<4096xf32, #tpu.memory_space<vmem>>[vector<16xi32>], vector<16xf32>,
        %ge3A_1204 = arith.constant 0 : i32
        %ge3A_1205 = vector.broadcast %ge3A_1204 : i32 to vector<16xi32>
        %ge3A_1206 = arith.cmpi sge, %sub3A_1192, %ge3A_1205 : vector<16xi32>
        %le3A_1207 = arith.constant 63 : i32
        %le3A_1208 = vector.broadcast %le3A_1207 : i32 to vector<16xi32>
        %le3A_1209 = arith.cmpi sle, %sub3A_1192, %le3A_1208 : vector<16xi32>
        %and3A_1210 = arith.andi %ge3A_1206, %le3A_1209 : vector<16xi1>
        %neg3A_1211 = arith.constant 0.000000e+00 : f32
        %neg3A_1212 = vector.broadcast %neg3A_1211 : f32 to vector<16xf32>
        %neg3A_1213 = arith.subf %neg3A_1212, %gather3A_1203 : vector<16xf32>
        %exp3A_1214 = math.exp %neg3A_1213 : vector<16xf32>
        %jit3A_1215 = arith.constant 0x7F800000 : f32
        %broadcast_in_dim3A_1216 = vector.broadcast %jit3A_1215 : f32 to vector<16xf32>
        %select_n3A_1217 = arith.select %and3A_1210, %exp3A_1214, %broadcast_in_dim3A_1216 : vector<16xi1>, vector<16xf32>
        %sub3A_1218 = vector.broadcast %add3A_1163 : i32 to vector<16xi32>
        %sub3A_1219 = arith.subi %sub3A_1218, %add3A_7 : vector<16xi32>
        %mul3A_1220 = arith.constant 64 : i32
        %mul3A_1221 = vector.broadcast %mul3A_1220 : i32 to vector<16xi32>
        %mul3A_1222 = arith.muli %sub3A_1219, %mul3A_1221 : vector<16xi32>
        %add3A_1223 = arith.addi %mul3A_1222, %add3A_7 : vector<16xi32>
        %jit3A_1224 = arith.constant 0 : i32
        %jit3A_1225 = arith.constant 4095 : i32
        %max3A_1226 = vector.broadcast %jit3A_1224 : i32 to vector<16xi32>
        %max3A_1227 = arith.maxsi %max3A_1226, %add3A_1223 : vector<16xi32>
        %min3A_1228 = vector.broadcast %jit3A_1225 : i32 to vector<16xi32>
        %min3A_1229 = arith.minsi %min3A_1228, %max3A_1227 : vector<16xi32>
        %gather3A_1230 = tpu.vector_load_idx %arg5[%min3A_1229] : memref<4096xf32, #tpu.memory_space<vmem>>[vector<16xi32>], vector<16xf32>,
        %ge3A_1231 = arith.constant 0 : i32
        %ge3A_1232 = vector.broadcast %ge3A_1231 : i32 to vector<16xi32>
        %ge3A_1233 = arith.cmpi sge, %sub3A_1219, %ge3A_1232 : vector<16xi32>
        %le3A_1234 = arith.constant 63 : i32
        %le3A_1235 = vector.broadcast %le3A_1234 : i32 to vector<16xi32>
        %le3A_1236 = arith.cmpi sle, %sub3A_1219, %le3A_1235 : vector<16xi32>
        %and3A_1237 = arith.andi %ge3A_1233, %le3A_1236 : vector<16xi1>
        %neg3A_1238 = arith.constant 0.000000e+00 : f32
        %neg3A_1239 = vector.broadcast %neg3A_1238 : f32 to vector<16xf32>
        %neg3A_1240 = arith.subf %neg3A_1239, %gather3A_1230 : vector<16xf32>
        %exp3A_1241 = math.exp %neg3A_1240 : vector<16xf32>
        %jit3A_1242 = arith.constant 0x7F800000 : f32
        %broadcast_in_dim3A_1243 = vector.broadcast %jit3A_1242 : f32 to vector<16xf32>
        %select_n3A_1244 = arith.select %and3A_1237, %exp3A_1241, %broadcast_in_dim3A_1243 : vector<16xi1>, vector<16xf32>
        %sub3A_1245 = vector.broadcast %add3A_1163 : i32 to vector<16xi32>
        %sub3A_1246 = arith.subi %sub3A_1245, %add3A_10 : vector<16xi32>
        %mul3A_1247 = arith.constant 64 : i32
        %mul3A_1248 = vector.broadcast %mul3A_1247 : i32 to vector<16xi32>
        %mul3A_1249 = arith.muli %sub3A_1246, %mul3A_1248 : vector<16xi32>
        %add3A_1250 = arith.addi %mul3A_1249, %add3A_10 : vector<16xi32>
        %jit3A_1251 = arith.constant 0 : i32
        %jit3A_1252 = arith.constant 4095 : i32
        %max3A_1253 = vector.broadcast %jit3A_1251 : i32 to vector<16xi32>
        %max3A_1254 = arith.maxsi %max3A_1253, %add3A_1250 : vector<16xi32>
        %min3A_1255 = vector.broadcast %jit3A_1252 : i32 to vector<16xi32>
        %min3A_1256 = arith.minsi %min3A_1255, %max3A_1254 : vector<16xi32>
        %gather3A_1257 = tpu.vector_load_idx %arg5[%min3A_1256] : memref<4096xf32, #tpu.memory_space<vmem>>[vector<16xi32>], vector<16xf32>,
        %ge3A_1258 = arith.constant 0 : i32
        %ge3A_1259 = vector.broadcast %ge3A_1258 : i32 to vector<16xi32>
        %ge3A_1260 = arith.cmpi sge, %sub3A_1246, %ge3A_1259 : vector<16xi32>
        %le3A_1261 = arith.constant 63 : i32
        %le3A_1262 = vector.broadcast %le3A_1261 : i32 to vector<16xi32>
        %le3A_1263 = arith.cmpi sle, %sub3A_1246, %le3A_1262 : vector<16xi32>
        %and3A_1264 = arith.andi %ge3A_1260, %le3A_1263 : vector<16xi1>
        %neg3A_1265 = arith.constant 0.000000e+00 : f32
        %neg3A_1266 = vector.broadcast %neg3A_1265 : f32 to vector<16xf32>
        %neg3A_1267 = arith.subf %neg3A_1266, %gather3A_1257 : vector<16xf32>
        %exp3A_1268 = math.exp %neg3A_1267 : vector<16xf32>
        %jit3A_1269 = arith.constant 0x7F800000 : f32
        %broadcast_in_dim3A_1270 = vector.broadcast %jit3A_1269 : f32 to vector<16xf32>
        %select_n3A_1271 = arith.select %and3A_1264, %exp3A_1268, %broadcast_in_dim3A_1270 : vector<16xi1>, vector<16xf32>
        %add3A_1272 = arith.constant 3 : i32
        %add3A_1273 = arith.addi %add3A_941, %add3A_1272 : i32
        %sub3A_1274 = vector.broadcast %add3A_1273 : i32 to vector<16xi32>
        %sub3A_1275 = arith.subi %sub3A_1274, %add3A_1 : vector<16xi32>
        %mul3A_1276 = arith.constant 64 : i32
        %mul3A_1277 = vector.broadcast %mul3A_1276 : i32 to vector<16xi32>
        %mul3A_1278 = arith.muli %sub3A_1275, %mul3A_1277 : vector<16xi32>
        %add3A_1279 = arith.addi %mul3A_1278, %add3A_1 : vector<16xi32>
        %jit3A_1280 = arith.constant 0 : i32
        %jit3A_1281 = arith.constant 4095 : i32
        %max3A_1282 = vector.broadcast %jit3A_1280 : i32 to vector<16xi32>
        %max3A_1283 = arith.maxsi %max3A_1282, %add3A_1279 : vector<16xi32>
        %min3A_1284 = vector.broadcast %jit3A_1281 : i32 to vector<16xi32>
        %min3A_1285 = arith.minsi %min3A_1284, %max3A_1283 : vector<16xi32>
        %gather3A_1286 = tpu.vector_load_idx %arg5[%min3A_1285] : memref<4096xf32, #tpu.memory_space<vmem>>[vector<16xi32>], vector<16xf32>,
        %ge3A_1287 = arith.constant 0 : i32
        %ge3A_1288 = vector.broadcast %ge3A_1287 : i32 to vector<16xi32>
        %ge3A_1289 = arith.cmpi sge, %sub3A_1275, %ge3A_1288 : vector<16xi32>
        %le3A_1290 = arith.constant 63 : i32
        %le3A_1291 = vector.broadcast %le3A_1290 : i32 to vector<16xi32>
        %le3A_1292 = arith.cmpi sle, %sub3A_1275, %le3A_1291 : vector<16xi32>
        %and3A_1293 = arith.andi %ge3A_1289, %le3A_1292 : vector<16xi1>
        %neg3A_1294 = arith.constant 0.000000e+00 : f32
        %neg3A_1295 = vector.broadcast %neg3A_1294 : f32 to vector<16xf32>
        %neg3A_1296 = arith.subf %neg3A_1295, %gather3A_1286 : vector<16xf32>
        %exp3A_1297 = math.exp %neg3A_1296 : vector<16xf32>
        %jit3A_1298 = arith.constant 0x7F800000 : f32
        %broadcast_in_dim3A_1299 = vector.broadcast %jit3A_1298 : f32 to vector<16xf32>
        %select_n3A_1300 = arith.select %and3A_1293, %exp3A_1297, %broadcast_in_dim3A_1299 : vector<16xi1>, vector<16xf32>
        %sub3A_1301 = vector.broadcast %add3A_1273 : i32 to vector<16xi32>
        %sub3A_1302 = arith.subi %sub3A_1301, %add3A_4 : vector<16xi32>
        %mul3A_1303 = arith.constant 64 : i32
        %mul3A_1304 = vector.broadcast %mul3A_1303 : i32 to vector<16xi32>
        %mul3A_1305 = arith.muli %sub3A_1302, %mul3A_1304 : vector<16xi32>
        %add3A_1306 = arith.addi %mul3A_1305, %add3A_4 : vector<16xi32>
        %jit3A_1307 = arith.constant 0 : i32
        %jit3A_1308 = arith.constant 4095 : i32
        %max3A_1309 = vector.broadcast %jit3A_1307 : i32 to vector<16xi32>
        %max3A_1310 = arith.maxsi %max3A_1309, %add3A_1306 : vector<16xi32>
        %min3A_1311 = vector.broadcast %jit3A_1308 : i32 to vector<16xi32>
        %min3A_1312 = arith.minsi %min3A_1311, %max3A_1310 : vector<16xi32>
        %gather3A_1313 = tpu.vector_load_idx %arg5[%min3A_1312] : memref<4096xf32, #tpu.memory_space<vmem>>[vector<16xi32>], vector<16xf32>,
        %ge3A_1314 = arith.constant 0 : i32
        %ge3A_1315 = vector.broadcast %ge3A_1314 : i32 to vector<16xi32>
        %ge3A_1316 = arith.cmpi sge, %sub3A_1302, %ge3A_1315 : vector<16xi32>
        %le3A_1317 = arith.constant 63 : i32
        %le3A_1318 = vector.broadcast %le3A_1317 : i32 to vector<16xi32>
        %le3A_1319 = arith.cmpi sle, %sub3A_1302, %le3A_1318 : vector<16xi32>
        %and3A_1320 = arith.andi %ge3A_1316, %le3A_1319 : vector<16xi1>
        %neg3A_1321 = arith.constant 0.000000e+00 : f32
        %neg3A_1322 = vector.broadcast %neg3A_1321 : f32 to vector<16xf32>
        %neg3A_1323 = arith.subf %neg3A_1322, %gather3A_1313 : vector<16xf32>
        %exp3A_1324 = math.exp %neg3A_1323 : vector<16xf32>
        %jit3A_1325 = arith.constant 0x7F800000 : f32
        %broadcast_in_dim3A_1326 = vector.broadcast %jit3A_1325 : f32 to vector<16xf32>
        %select_n3A_1327 = arith.select %and3A_1320, %exp3A_1324, %broadcast_in_dim3A_1326 : vector<16xi1>, vector<16xf32>
        %sub3A_1328 = vector.broadcast %add3A_1273 : i32 to vector<16xi32>
        %sub3A_1329 = arith.subi %sub3A_1328, %add3A_7 : vector<16xi32>
        %mul3A_1330 = arith.constant 64 : i32
        %mul3A_1331 = vector.broadcast %mul3A_1330 : i32 to vector<16xi32>
        %mul3A_1332 = arith.muli %sub3A_1329, %mul3A_1331 : vector<16xi32>
        %add3A_1333 = arith.addi %mul3A_1332, %add3A_7 : vector<16xi32>
        %jit3A_1334 = arith.constant 0 : i32
        %jit3A_1335 = arith.constant 4095 : i32
        %max3A_1336 = vector.broadcast %jit3A_1334 : i32 to vector<16xi32>
        %max3A_1337 = arith.maxsi %max3A_1336, %add3A_1333 : vector<16xi32>
        %min3A_1338 = vector.broadcast %jit3A_1335 : i32 to vector<16xi32>
        %min3A_1339 = arith.minsi %min3A_1338, %max3A_1337 : vector<16xi32>
        %gather3A_1340 = tpu.vector_load_idx %arg5[%min3A_1339] : memref<4096xf32, #tpu.memory_space<vmem>>[vector<16xi32>], vector<16xf32>,
        %ge3A_1341 = arith.constant 0 : i32
        %ge3A_1342 = vector.broadcast %ge3A_1341 : i32 to vector<16xi32>
        %ge3A_1343 = arith.cmpi sge, %sub3A_1329, %ge3A_1342 : vector<16xi32>
        %le3A_1344 = arith.constant 63 : i32
        %le3A_1345 = vector.broadcast %le3A_1344 : i32 to vector<16xi32>
        %le3A_1346 = arith.cmpi sle, %sub3A_1329, %le3A_1345 : vector<16xi32>
        %and3A_1347 = arith.andi %ge3A_1343, %le3A_1346 : vector<16xi1>
        %neg3A_1348 = arith.constant 0.000000e+00 : f32
        %neg3A_1349 = vector.broadcast %neg3A_1348 : f32 to vector<16xf32>
        %neg3A_1350 = arith.subf %neg3A_1349, %gather3A_1340 : vector<16xf32>
        %exp3A_1351 = math.exp %neg3A_1350 : vector<16xf32>
        %jit3A_1352 = arith.constant 0x7F800000 : f32
        %broadcast_in_dim3A_1353 = vector.broadcast %jit3A_1352 : f32 to vector<16xf32>
        %select_n3A_1354 = arith.select %and3A_1347, %exp3A_1351, %broadcast_in_dim3A_1353 : vector<16xi1>, vector<16xf32>
        %sub3A_1355 = vector.broadcast %add3A_1273 : i32 to vector<16xi32>
        %sub3A_1356 = arith.subi %sub3A_1355, %add3A_10 : vector<16xi32>
        %mul3A_1357 = arith.constant 64 : i32
        %mul3A_1358 = vector.broadcast %mul3A_1357 : i32 to vector<16xi32>
        %mul3A_1359 = arith.muli %sub3A_1356, %mul3A_1358 : vector<16xi32>
        %add3A_1360 = arith.addi %mul3A_1359, %add3A_10 : vector<16xi32>
        %jit3A_1361 = arith.constant 0 : i32
        %jit3A_1362 = arith.constant 4095 : i32
        %max3A_1363 = vector.broadcast %jit3A_1361 : i32 to vector<16xi32>
        %max3A_1364 = arith.maxsi %max3A_1363, %add3A_1360 : vector<16xi32>
        %min3A_1365 = vector.broadcast %jit3A_1362 : i32 to vector<16xi32>
        %min3A_1366 = arith.minsi %min3A_1365, %max3A_1364 : vector<16xi32>
        %gather3A_1367 = tpu.vector_load_idx %arg5[%min3A_1366] : memref<4096xf32, #tpu.memory_space<vmem>>[vector<16xi32>], vector<16xf32>,
        %ge3A_1368 = arith.constant 0 : i32
        %ge3A_1369 = vector.broadcast %ge3A_1368 : i32 to vector<16xi32>
        %ge3A_1370 = arith.cmpi sge, %sub3A_1356, %ge3A_1369 : vector<16xi32>
        %le3A_1371 = arith.constant 63 : i32
        %le3A_1372 = vector.broadcast %le3A_1371 : i32 to vector<16xi32>
        %le3A_1373 = arith.cmpi sle, %sub3A_1356, %le3A_1372 : vector<16xi32>
        %and3A_1374 = arith.andi %ge3A_1370, %le3A_1373 : vector<16xi1>
        %neg3A_1375 = arith.constant 0.000000e+00 : f32
        %neg3A_1376 = vector.broadcast %neg3A_1375 : f32 to vector<16xf32>
        %neg3A_1377 = arith.subf %neg3A_1376, %gather3A_1367 : vector<16xf32>
        %exp3A_1378 = math.exp %neg3A_1377 : vector<16xf32>
        %jit3A_1379 = arith.constant 0x7F800000 : f32
        %broadcast_in_dim3A_1380 = vector.broadcast %jit3A_1379 : f32 to vector<16xf32>
        %select_n3A_1381 = arith.select %and3A_1374, %exp3A_1378, %broadcast_in_dim3A_1380 : vector<16xi1>, vector<16xf32>
        %lt3A_1382 = arith.constant 0 : i32
        %lt3A_1383 = vector.broadcast %lt3A_1382 : i32 to vector<16xi32>
        %lt3A_1384 = arith.cmpi slt, %max3A_14, %lt3A_1383 : vector<16xi32>
        %add3A_1385 = arith.constant 16 : i32
        %add3A_1386 = vector.broadcast %add3A_1385 : i32 to vector<16xi32>
        %add3A_1387 = arith.addi %max3A_14, %add3A_1386 : vector<16xi32>
        %select_n3A_1388 = arith.select %lt3A_1384, %add3A_1387, %max3A_14 : vector<16xi1>, vector<16xi32>
        %reshape3A_1389 = vector.shape_cast %select_n3A_1388 : vector<16xi32> to vector<16x1xi32>
        %gather3A_1390 = vector.shape_cast %reshape3A_1389 : vector<16x1xi32> to vector<16xi32>
        %gather3A_1391 = tpu.dynamic_gather %scan3A_930[%gather3A_1390] in [0] : vector<16xf32>, vector<16xi32> -> vector<16xf32>
        %select_n3A_1392 = arith.select %eq3A_17, %broadcast_in_dim3A_19, %gather3A_1391 : vector<16xi1>, vector<16xf32>
        %lt3A_1393 = arith.constant 0 : i32
        %lt3A_1394 = vector.broadcast %lt3A_1393 : i32 to vector<16xi32>
        %lt3A_1395 = arith.cmpi slt, %broadcast_in_dim3A_15, %lt3A_1394 : vector<16xi32>
        %add3A_1396 = arith.constant 16 : i32
        %add3A_1397 = vector.broadcast %add3A_1396 : i32 to vector<16xi32>
        %add3A_1398 = arith.addi %broadcast_in_dim3A_15, %add3A_1397 : vector<16xi32>
        %select_n3A_1399 = arith.select %lt3A_1395, %add3A_1398, %broadcast_in_dim3A_15 : vector<16xi1>, vector<16xi32>
        %reshape3A_1400 = vector.shape_cast %select_n3A_1399 : vector<16xi32> to vector<16x1xi32>
        %gather3A_1401 = vector.shape_cast %reshape3A_1400 : vector<16x1xi32> to vector<16xi32>
        %gather3A_1402 = tpu.dynamic_gather %scan3A_930[%gather3A_1401] in [0] : vector<16xf32>, vector<16xi32> -> vector<16xf32>
        %lt3A_1403 = arith.constant 0 : i32
        %lt3A_1404 = vector.broadcast %lt3A_1403 : i32 to vector<16xi32>
        %lt3A_1405 = arith.cmpi slt, %max3A_14, %lt3A_1404 : vector<16xi32>
        %add3A_1406 = arith.constant 16 : i32
        %add3A_1407 = vector.broadcast %add3A_1406 : i32 to vector<16xi32>
        %add3A_1408 = arith.addi %max3A_14, %add3A_1407 : vector<16xi32>
        %select_n3A_1409 = arith.select %lt3A_1405, %add3A_1408, %max3A_14 : vector<16xi1>, vector<16xi32>
        %reshape3A_1410 = vector.shape_cast %select_n3A_1409 : vector<16xi32> to vector<16x1xi32>
        %gather3A_1411 = vector.shape_cast %reshape3A_1410 : vector<16x1xi32> to vector<16xi32>
        %gather3A_1412 = tpu.dynamic_gather %scan3A_931[%gather3A_1411] in [0] : vector<16xf32>, vector<16xi32> -> vector<16xf32>
        %select_n3A_1413 = arith.select %eq3A_17, %gather3A_1402, %gather3A_1412 : vector<16xi1>, vector<16xf32>
        %lt3A_1414 = arith.constant 0 : i32
        %lt3A_1415 = vector.broadcast %lt3A_1414 : i32 to vector<16xi32>
        %lt3A_1416 = arith.cmpi slt, %broadcast_in_dim3A_15, %lt3A_1415 : vector<16xi32>
        %add3A_1417 = arith.constant 16 : i32
        %add3A_1418 = vector.broadcast %add3A_1417 : i32 to vector<16xi32>
        %add3A_1419 = arith.addi %broadcast_in_dim3A_15, %add3A_1418 : vector<16xi32>
        %select_n3A_1420 = arith.select %lt3A_1416, %add3A_1419, %broadcast_in_dim3A_15 : vector<16xi1>, vector<16xi32>
        %reshape3A_1421 = vector.shape_cast %select_n3A_1420 : vector<16xi32> to vector<16x1xi32>
        %gather3A_1422 = vector.shape_cast %reshape3A_1421 : vector<16x1xi32> to vector<16xi32>
        %gather3A_1423 = tpu.dynamic_gather %scan3A_931[%gather3A_1422] in [0] : vector<16xf32>, vector<16xi32> -> vector<16xf32>
        %lt3A_1424 = arith.constant 0 : i32
        %lt3A_1425 = vector.broadcast %lt3A_1424 : i32 to vector<16xi32>
        %lt3A_1426 = arith.cmpi slt, %max3A_14, %lt3A_1425 : vector<16xi32>
        %add3A_1427 = arith.constant 16 : i32
        %add3A_1428 = vector.broadcast %add3A_1427 : i32 to vector<16xi32>
        %add3A_1429 = arith.addi %max3A_14, %add3A_1428 : vector<16xi32>
        %select_n3A_1430 = arith.select %lt3A_1426, %add3A_1429, %max3A_14 : vector<16xi1>, vector<16xi32>
        %reshape3A_1431 = vector.shape_cast %select_n3A_1430 : vector<16xi32> to vector<16x1xi32>
        %gather3A_1432 = vector.shape_cast %reshape3A_1431 : vector<16x1xi32> to vector<16xi32>
        %gather3A_1433 = tpu.dynamic_gather %scan3A_932[%gather3A_1432] in [0] : vector<16xf32>, vector<16xi32> -> vector<16xf32>
        %select_n3A_1434 = arith.select %eq3A_17, %gather3A_1423, %gather3A_1433 : vector<16xi1>, vector<16xf32>
        %lt3A_1435 = arith.constant 0 : i32
        %lt3A_1436 = vector.broadcast %lt3A_1435 : i32 to vector<16xi32>
        %lt3A_1437 = arith.cmpi slt, %broadcast_in_dim3A_15, %lt3A_1436 : vector<16xi32>
        %add3A_1438 = arith.constant 16 : i32
        %add3A_1439 = vector.broadcast %add3A_1438 : i32 to vector<16xi32>
        %add3A_1440 = arith.addi %broadcast_in_dim3A_15, %add3A_1439 : vector<16xi32>
        %select_n3A_1441 = arith.select %lt3A_1437, %add3A_1440, %broadcast_in_dim3A_15 : vector<16xi1>, vector<16xi32>
        %reshape3A_1442 = vector.shape_cast %select_n3A_1441 : vector<16xi32> to vector<16x1xi32>
        %gather3A_1443 = vector.shape_cast %reshape3A_1442 : vector<16x1xi32> to vector<16xi32>
        %gather3A_1444 = tpu.dynamic_gather %scan3A_932[%gather3A_1443] in [0] : vector<16xf32>, vector<16xi32> -> vector<16xf32>
        %lt3A_1445 = arith.constant 0 : i32
        %lt3A_1446 = vector.broadcast %lt3A_1445 : i32 to vector<16xi32>
        %lt3A_1447 = arith.cmpi slt, %max3A_14, %lt3A_1446 : vector<16xi32>
        %add3A_1448 = arith.constant 16 : i32
        %add3A_1449 = vector.broadcast %add3A_1448 : i32 to vector<16xi32>
        %add3A_1450 = arith.addi %max3A_14, %add3A_1449 : vector<16xi32>
        %select_n3A_1451 = arith.select %lt3A_1447, %add3A_1450, %max3A_14 : vector<16xi1>, vector<16xi32>
        %reshape3A_1452 = vector.shape_cast %select_n3A_1451 : vector<16xi32> to vector<16x1xi32>
        %gather3A_1453 = vector.shape_cast %reshape3A_1452 : vector<16x1xi32> to vector<16xi32>
        %gather3A_1454 = tpu.dynamic_gather %scan3A_933[%gather3A_1453] in [0] : vector<16xf32>, vector<16xi32> -> vector<16xf32>
        %select_n3A_1455 = arith.select %eq3A_17, %gather3A_1444, %gather3A_1454 : vector<16xi1>, vector<16xf32>
        %lt3A_1456 = arith.constant 0 : i32
        %lt3A_1457 = vector.broadcast %lt3A_1456 : i32 to vector<16xi32>
        %lt3A_1458 = arith.cmpi slt, %broadcast_in_dim3A_15, %lt3A_1457 : vector<16xi32>
        %add3A_1459 = arith.constant 16 : i32
        %add3A_1460 = vector.broadcast %add3A_1459 : i32 to vector<16xi32>
        %add3A_1461 = arith.addi %broadcast_in_dim3A_15, %add3A_1460 : vector<16xi32>
        %select_n3A_1462 = arith.select %lt3A_1458, %add3A_1461, %broadcast_in_dim3A_15 : vector<16xi1>, vector<16xi32>
        %reshape3A_1463 = vector.shape_cast %select_n3A_1462 : vector<16xi32> to vector<16x1xi32>
        %gather3A_1464 = vector.shape_cast %reshape3A_1463 : vector<16x1xi32> to vector<16xi32>
        %gather3A_1465 = tpu.dynamic_gather %scan3A_933[%gather3A_1464] in [0] : vector<16xf32>, vector<16xi32> -> vector<16xf32>
        %lt3A_1466 = arith.constant 0 : i32
        %lt3A_1467 = vector.broadcast %lt3A_1466 : i32 to vector<16xi32>
        %lt3A_1468 = arith.cmpi slt, %max3A_14, %lt3A_1467 : vector<16xi32>
        %add3A_1469 = arith.constant 16 : i32
        %add3A_1470 = vector.broadcast %add3A_1469 : i32 to vector<16xi32>
        %add3A_1471 = arith.addi %max3A_14, %add3A_1470 : vector<16xi32>
        %select_n3A_1472 = arith.select %lt3A_1468, %add3A_1471, %max3A_14 : vector<16xi1>, vector<16xi32>
        %reshape3A_1473 = vector.shape_cast %select_n3A_1472 : vector<16xi32> to vector<16x1xi32>
        %gather3A_1474 = vector.shape_cast %reshape3A_1473 : vector<16x1xi32> to vector<16xi32>
        %gather3A_1475 = tpu.dynamic_gather %scan3A_934[%gather3A_1474] in [0] : vector<16xf32>, vector<16xi32> -> vector<16xf32>
        %select_n3A_1476 = arith.select %eq3A_17, %broadcast_in_dim3A_19, %gather3A_1475 : vector<16xi1>, vector<16xf32>
        %lt3A_1477 = arith.constant 0 : i32
        %lt3A_1478 = vector.broadcast %lt3A_1477 : i32 to vector<16xi32>
        %lt3A_1479 = arith.cmpi slt, %broadcast_in_dim3A_15, %lt3A_1478 : vector<16xi32>
        %add3A_1480 = arith.constant 16 : i32
        %add3A_1481 = vector.broadcast %add3A_1480 : i32 to vector<16xi32>
        %add3A_1482 = arith.addi %broadcast_in_dim3A_15, %add3A_1481 : vector<16xi32>
        %select_n3A_1483 = arith.select %lt3A_1479, %add3A_1482, %broadcast_in_dim3A_15 : vector<16xi1>, vector<16xi32>
        %reshape3A_1484 = vector.shape_cast %select_n3A_1483 : vector<16xi32> to vector<16x1xi32>
        %gather3A_1485 = vector.shape_cast %reshape3A_1484 : vector<16x1xi32> to vector<16xi32>
        %gather3A_1486 = tpu.dynamic_gather %scan3A_934[%gather3A_1485] in [0] : vector<16xf32>, vector<16xi32> -> vector<16xf32>
        %lt3A_1487 = arith.constant 0 : i32
        %lt3A_1488 = vector.broadcast %lt3A_1487 : i32 to vector<16xi32>
        %lt3A_1489 = arith.cmpi slt, %max3A_14, %lt3A_1488 : vector<16xi32>
        %add3A_1490 = arith.constant 16 : i32
        %add3A_1491 = vector.broadcast %add3A_1490 : i32 to vector<16xi32>
        %add3A_1492 = arith.addi %max3A_14, %add3A_1491 : vector<16xi32>
        %select_n3A_1493 = arith.select %lt3A_1489, %add3A_1492, %max3A_14 : vector<16xi1>, vector<16xi32>
        %reshape3A_1494 = vector.shape_cast %select_n3A_1493 : vector<16xi32> to vector<16x1xi32>
        %gather3A_1495 = vector.shape_cast %reshape3A_1494 : vector<16x1xi32> to vector<16xi32>
        %gather3A_1496 = tpu.dynamic_gather %scan3A_935[%gather3A_1495] in [0] : vector<16xf32>, vector<16xi32> -> vector<16xf32>
        %select_n3A_1497 = arith.select %eq3A_17, %gather3A_1486, %gather3A_1496 : vector<16xi1>, vector<16xf32>
        %lt3A_1498 = arith.constant 0 : i32
        %lt3A_1499 = vector.broadcast %lt3A_1498 : i32 to vector<16xi32>
        %lt3A_1500 = arith.cmpi slt, %broadcast_in_dim3A_15, %lt3A_1499 : vector<16xi32>
        %add3A_1501 = arith.constant 16 : i32
        %add3A_1502 = vector.broadcast %add3A_1501 : i32 to vector<16xi32>
        %add3A_1503 = arith.addi %broadcast_in_dim3A_15, %add3A_1502 : vector<16xi32>
        %select_n3A_1504 = arith.select %lt3A_1500, %add3A_1503, %broadcast_in_dim3A_15 : vector<16xi1>, vector<16xi32>
        %reshape3A_1505 = vector.shape_cast %select_n3A_1504 : vector<16xi32> to vector<16x1xi32>
        %gather3A_1506 = vector.shape_cast %reshape3A_1505 : vector<16x1xi32> to vector<16xi32>
        %gather3A_1507 = tpu.dynamic_gather %scan3A_935[%gather3A_1506] in [0] : vector<16xf32>, vector<16xi32> -> vector<16xf32>
        %lt3A_1508 = arith.constant 0 : i32
        %lt3A_1509 = vector.broadcast %lt3A_1508 : i32 to vector<16xi32>
        %lt3A_1510 = arith.cmpi slt, %max3A_14, %lt3A_1509 : vector<16xi32>
        %add3A_1511 = arith.constant 16 : i32
        %add3A_1512 = vector.broadcast %add3A_1511 : i32 to vector<16xi32>
        %add3A_1513 = arith.addi %max3A_14, %add3A_1512 : vector<16xi32>
        %select_n3A_1514 = arith.select %lt3A_1510, %add3A_1513, %max3A_14 : vector<16xi1>, vector<16xi32>
        %reshape3A_1515 = vector.shape_cast %select_n3A_1514 : vector<16xi32> to vector<16x1xi32>
        %gather3A_1516 = vector.shape_cast %reshape3A_1515 : vector<16x1xi32> to vector<16xi32>
        %gather3A_1517 = tpu.dynamic_gather %scan3A_936[%gather3A_1516] in [0] : vector<16xf32>, vector<16xi32> -> vector<16xf32>
        %select_n3A_1518 = arith.select %eq3A_17, %gather3A_1507, %gather3A_1517 : vector<16xi1>, vector<16xf32>
        %lt3A_1519 = arith.constant 0 : i32
        %lt3A_1520 = vector.broadcast %lt3A_1519 : i32 to vector<16xi32>
        %lt3A_1521 = arith.cmpi slt, %broadcast_in_dim3A_15, %lt3A_1520 : vector<16xi32>
        %add3A_1522 = arith.constant 16 : i32
        %add3A_1523 = vector.broadcast %add3A_1522 : i32 to vector<16xi32>
        %add3A_1524 = arith.addi %broadcast_in_dim3A_15, %add3A_1523 : vector<16xi32>
        %select_n3A_1525 = arith.select %lt3A_1521, %add3A_1524, %broadcast_in_dim3A_15 : vector<16xi1>, vector<16xi32>
        %reshape3A_1526 = vector.shape_cast %select_n3A_1525 : vector<16xi32> to vector<16x1xi32>
        %gather3A_1527 = vector.shape_cast %reshape3A_1526 : vector<16x1xi32> to vector<16xi32>
        %gather3A_1528 = tpu.dynamic_gather %scan3A_936[%gather3A_1527] in [0] : vector<16xf32>, vector<16xi32> -> vector<16xf32>
        %lt3A_1529 = arith.constant 0 : i32
        %lt3A_1530 = vector.broadcast %lt3A_1529 : i32 to vector<16xi32>
        %lt3A_1531 = arith.cmpi slt, %max3A_14, %lt3A_1530 : vector<16xi32>
        %add3A_1532 = arith.constant 16 : i32
        %add3A_1533 = vector.broadcast %add3A_1532 : i32 to vector<16xi32>
        %add3A_1534 = arith.addi %max3A_14, %add3A_1533 : vector<16xi32>
        %select_n3A_1535 = arith.select %lt3A_1531, %add3A_1534, %max3A_14 : vector<16xi1>, vector<16xi32>
        %reshape3A_1536 = vector.shape_cast %select_n3A_1535 : vector<16xi32> to vector<16x1xi32>
        %gather3A_1537 = vector.shape_cast %reshape3A_1536 : vector<16x1xi32> to vector<16xi32>
        %gather3A_1538 = tpu.dynamic_gather %scan3A_937[%gather3A_1537] in [0] : vector<16xf32>, vector<16xi32> -> vector<16xf32>
        %select_n3A_1539 = arith.select %eq3A_17, %gather3A_1528, %gather3A_1538 : vector<16xi1>, vector<16xf32>
        %lt3A_1540 = arith.constant 0 : i32
        %lt3A_1541 = vector.broadcast %lt3A_1540 : i32 to vector<16xi32>
        %lt3A_1542 = arith.cmpi slt, %broadcast_in_dim3A_15, %lt3A_1541 : vector<16xi32>
        %add3A_1543 = arith.constant 16 : i32
        %add3A_1544 = vector.broadcast %add3A_1543 : i32 to vector<16xi32>
        %add3A_1545 = arith.addi %broadcast_in_dim3A_15, %add3A_1544 : vector<16xi32>
        %select_n3A_1546 = arith.select %lt3A_1542, %add3A_1545, %broadcast_in_dim3A_15 : vector<16xi1>, vector<16xi32>
        %reshape3A_1547 = vector.shape_cast %select_n3A_1546 : vector<16xi32> to vector<16x1xi32>
        %gather3A_1548 = vector.shape_cast %reshape3A_1547 : vector<16x1xi32> to vector<16xi32>
        %gather3A_1549 = tpu.dynamic_gather %scan3A_937[%gather3A_1548] in [0] : vector<16xf32>, vector<16xi32> -> vector<16xf32>
        %min3A_1550 = arith.minimumf %scan3A_930, %select_n3A_1392 : vector<16xf32>
        %min3A_1551 = arith.minimumf %min3A_1550, %select_n3A_1476 : vector<16xf32>
        %add3A_1552 = arith.addf %min3A_1551, %select_n3A_970 : vector<16xf32>
        %min3A_1553 = arith.minimumf %scan3A_931, %select_n3A_1413 : vector<16xf32>
        %min3A_1554 = arith.minimumf %min3A_1553, %select_n3A_1497 : vector<16xf32>
        %add3A_1555 = arith.addf %min3A_1554, %select_n3A_997 : vector<16xf32>
        %min3A_1556 = arith.minimumf %scan3A_932, %select_n3A_1434 : vector<16xf32>
        %min3A_1557 = arith.minimumf %min3A_1556, %select_n3A_1518 : vector<16xf32>
        %add3A_1558 = arith.addf %min3A_1557, %select_n3A_1024 : vector<16xf32>
        %min3A_1559 = arith.minimumf %scan3A_933, %select_n3A_1455 : vector<16xf32>
        %min3A_1560 = arith.minimumf %min3A_1559, %select_n3A_1539 : vector<16xf32>
        %add3A_1561 = arith.addf %min3A_1560, %select_n3A_1051 : vector<16xf32>
        %lt3A_1562 = arith.constant 0 : i32
        %lt3A_1563 = vector.broadcast %lt3A_1562 : i32 to vector<16xi32>
        %lt3A_1564 = arith.cmpi slt, %max3A_14, %lt3A_1563 : vector<16xi32>
        %add3A_1565 = arith.constant 16 : i32
        %add3A_1566 = vector.broadcast %add3A_1565 : i32 to vector<16xi32>
        %add3A_1567 = arith.addi %max3A_14, %add3A_1566 : vector<16xi32>
        %select_n3A_1568 = arith.select %lt3A_1564, %add3A_1567, %max3A_14 : vector<16xi1>, vector<16xi32>
        %reshape3A_1569 = vector.shape_cast %select_n3A_1568 : vector<16xi32> to vector<16x1xi32>
        %gather3A_1570 = vector.shape_cast %reshape3A_1569 : vector<16x1xi32> to vector<16xi32>
        %gather3A_1571 = tpu.dynamic_gather %add3A_1552[%gather3A_1570] in [0] : vector<16xf32>, vector<16xi32> -> vector<16xf32>
        %select_n3A_1572 = arith.select %eq3A_17, %broadcast_in_dim3A_19, %gather3A_1571 : vector<16xi1>, vector<16xf32>
        %lt3A_1573 = arith.constant 0 : i32
        %lt3A_1574 = vector.broadcast %lt3A_1573 : i32 to vector<16xi32>
        %lt3A_1575 = arith.cmpi slt, %broadcast_in_dim3A_15, %lt3A_1574 : vector<16xi32>
        %add3A_1576 = arith.constant 16 : i32
        %add3A_1577 = vector.broadcast %add3A_1576 : i32 to vector<16xi32>
        %add3A_1578 = arith.addi %broadcast_in_dim3A_15, %add3A_1577 : vector<16xi32>
        %select_n3A_1579 = arith.select %lt3A_1575, %add3A_1578, %broadcast_in_dim3A_15 : vector<16xi1>, vector<16xi32>
        %reshape3A_1580 = vector.shape_cast %select_n3A_1579 : vector<16xi32> to vector<16x1xi32>
        %gather3A_1581 = vector.shape_cast %reshape3A_1580 : vector<16x1xi32> to vector<16xi32>
        %gather3A_1582 = tpu.dynamic_gather %add3A_1552[%gather3A_1581] in [0] : vector<16xf32>, vector<16xi32> -> vector<16xf32>
        %lt3A_1583 = arith.constant 0 : i32
        %lt3A_1584 = vector.broadcast %lt3A_1583 : i32 to vector<16xi32>
        %lt3A_1585 = arith.cmpi slt, %max3A_14, %lt3A_1584 : vector<16xi32>
        %add3A_1586 = arith.constant 16 : i32
        %add3A_1587 = vector.broadcast %add3A_1586 : i32 to vector<16xi32>
        %add3A_1588 = arith.addi %max3A_14, %add3A_1587 : vector<16xi32>
        %select_n3A_1589 = arith.select %lt3A_1585, %add3A_1588, %max3A_14 : vector<16xi1>, vector<16xi32>
        %reshape3A_1590 = vector.shape_cast %select_n3A_1589 : vector<16xi32> to vector<16x1xi32>
        %gather3A_1591 = vector.shape_cast %reshape3A_1590 : vector<16x1xi32> to vector<16xi32>
        %gather3A_1592 = tpu.dynamic_gather %add3A_1555[%gather3A_1591] in [0] : vector<16xf32>, vector<16xi32> -> vector<16xf32>
        %select_n3A_1593 = arith.select %eq3A_17, %gather3A_1582, %gather3A_1592 : vector<16xi1>, vector<16xf32>
        %lt3A_1594 = arith.constant 0 : i32
        %lt3A_1595 = vector.broadcast %lt3A_1594 : i32 to vector<16xi32>
        %lt3A_1596 = arith.cmpi slt, %broadcast_in_dim3A_15, %lt3A_1595 : vector<16xi32>
        %add3A_1597 = arith.constant 16 : i32
        %add3A_1598 = vector.broadcast %add3A_1597 : i32 to vector<16xi32>
        %add3A_1599 = arith.addi %broadcast_in_dim3A_15, %add3A_1598 : vector<16xi32>
        %select_n3A_1600 = arith.select %lt3A_1596, %add3A_1599, %broadcast_in_dim3A_15 : vector<16xi1>, vector<16xi32>
        %reshape3A_1601 = vector.shape_cast %select_n3A_1600 : vector<16xi32> to vector<16x1xi32>
        %gather3A_1602 = vector.shape_cast %reshape3A_1601 : vector<16x1xi32> to vector<16xi32>
        %gather3A_1603 = tpu.dynamic_gather %add3A_1555[%gather3A_1602] in [0] : vector<16xf32>, vector<16xi32> -> vector<16xf32>
        %lt3A_1604 = arith.constant 0 : i32
        %lt3A_1605 = vector.broadcast %lt3A_1604 : i32 to vector<16xi32>
        %lt3A_1606 = arith.cmpi slt, %max3A_14, %lt3A_1605 : vector<16xi32>
        %add3A_1607 = arith.constant 16 : i32
        %add3A_1608 = vector.broadcast %add3A_1607 : i32 to vector<16xi32>
        %add3A_1609 = arith.addi %max3A_14, %add3A_1608 : vector<16xi32>
        %select_n3A_1610 = arith.select %lt3A_1606, %add3A_1609, %max3A_14 : vector<16xi1>, vector<16xi32>
        %reshape3A_1611 = vector.shape_cast %select_n3A_1610 : vector<16xi32> to vector<16x1xi32>
        %gather3A_1612 = vector.shape_cast %reshape3A_1611 : vector<16x1xi32> to vector<16xi32>
        %gather3A_1613 = tpu.dynamic_gather %add3A_1558[%gather3A_1612] in [0] : vector<16xf32>, vector<16xi32> -> vector<16xf32>
        %select_n3A_1614 = arith.select %eq3A_17, %gather3A_1603, %gather3A_1613 : vector<16xi1>, vector<16xf32>
        %lt3A_1615 = arith.constant 0 : i32
        %lt3A_1616 = vector.broadcast %lt3A_1615 : i32 to vector<16xi32>
        %lt3A_1617 = arith.cmpi slt, %broadcast_in_dim3A_15, %lt3A_1616 : vector<16xi32>
        %add3A_1618 = arith.constant 16 : i32
        %add3A_1619 = vector.broadcast %add3A_1618 : i32 to vector<16xi32>
        %add3A_1620 = arith.addi %broadcast_in_dim3A_15, %add3A_1619 : vector<16xi32>
        %select_n3A_1621 = arith.select %lt3A_1617, %add3A_1620, %broadcast_in_dim3A_15 : vector<16xi1>, vector<16xi32>
        %reshape3A_1622 = vector.shape_cast %select_n3A_1621 : vector<16xi32> to vector<16x1xi32>
        %gather3A_1623 = vector.shape_cast %reshape3A_1622 : vector<16x1xi32> to vector<16xi32>
        %gather3A_1624 = tpu.dynamic_gather %add3A_1558[%gather3A_1623] in [0] : vector<16xf32>, vector<16xi32> -> vector<16xf32>
        %lt3A_1625 = arith.constant 0 : i32
        %lt3A_1626 = vector.broadcast %lt3A_1625 : i32 to vector<16xi32>
        %lt3A_1627 = arith.cmpi slt, %max3A_14, %lt3A_1626 : vector<16xi32>
        %add3A_1628 = arith.constant 16 : i32
        %add3A_1629 = vector.broadcast %add3A_1628 : i32 to vector<16xi32>
        %add3A_1630 = arith.addi %max3A_14, %add3A_1629 : vector<16xi32>
        %select_n3A_1631 = arith.select %lt3A_1627, %add3A_1630, %max3A_14 : vector<16xi1>, vector<16xi32>
        %reshape3A_1632 = vector.shape_cast %select_n3A_1631 : vector<16xi32> to vector<16x1xi32>
        %gather3A_1633 = vector.shape_cast %reshape3A_1632 : vector<16x1xi32> to vector<16xi32>
        %gather3A_1634 = tpu.dynamic_gather %add3A_1561[%gather3A_1633] in [0] : vector<16xf32>, vector<16xi32> -> vector<16xf32>
        %select_n3A_1635 = arith.select %eq3A_17, %gather3A_1624, %gather3A_1634 : vector<16xi1>, vector<16xf32>
        %lt3A_1636 = arith.constant 0 : i32
        %lt3A_1637 = vector.broadcast %lt3A_1636 : i32 to vector<16xi32>
        %lt3A_1638 = arith.cmpi slt, %broadcast_in_dim3A_15, %lt3A_1637 : vector<16xi32>
        %add3A_1639 = arith.constant 16 : i32
        %add3A_1640 = vector.broadcast %add3A_1639 : i32 to vector<16xi32>
        %add3A_1641 = arith.addi %broadcast_in_dim3A_15, %add3A_1640 : vector<16xi32>
        %select_n3A_1642 = arith.select %lt3A_1638, %add3A_1641, %broadcast_in_dim3A_15 : vector<16xi1>, vector<16xi32>
        %reshape3A_1643 = vector.shape_cast %select_n3A_1642 : vector<16xi32> to vector<16x1xi32>
        %gather3A_1644 = vector.shape_cast %reshape3A_1643 : vector<16x1xi32> to vector<16xi32>
        %gather3A_1645 = tpu.dynamic_gather %add3A_1561[%gather3A_1644] in [0] : vector<16xf32>, vector<16xi32> -> vector<16xf32>
        %lt3A_1646 = arith.constant 0 : i32
        %lt3A_1647 = vector.broadcast %lt3A_1646 : i32 to vector<16xi32>
        %lt3A_1648 = arith.cmpi slt, %max3A_14, %lt3A_1647 : vector<16xi32>
        %add3A_1649 = arith.constant 16 : i32
        %add3A_1650 = vector.broadcast %add3A_1649 : i32 to vector<16xi32>
        %add3A_1651 = arith.addi %max3A_14, %add3A_1650 : vector<16xi32>
        %select_n3A_1652 = arith.select %lt3A_1648, %add3A_1651, %max3A_14 : vector<16xi1>, vector<16xi32>
        %reshape3A_1653 = vector.shape_cast %select_n3A_1652 : vector<16xi32> to vector<16x1xi32>
        %gather3A_1654 = vector.shape_cast %reshape3A_1653 : vector<16x1xi32> to vector<16xi32>
        %gather3A_1655 = tpu.dynamic_gather %scan3A_930[%gather3A_1654] in [0] : vector<16xf32>, vector<16xi32> -> vector<16xf32>
        %select_n3A_1656 = arith.select %eq3A_17, %broadcast_in_dim3A_19, %gather3A_1655 : vector<16xi1>, vector<16xf32>
        %lt3A_1657 = arith.constant 0 : i32
        %lt3A_1658 = vector.broadcast %lt3A_1657 : i32 to vector<16xi32>
        %lt3A_1659 = arith.cmpi slt, %broadcast_in_dim3A_15, %lt3A_1658 : vector<16xi32>
        %add3A_1660 = arith.constant 16 : i32
        %add3A_1661 = vector.broadcast %add3A_1660 : i32 to vector<16xi32>
        %add3A_1662 = arith.addi %broadcast_in_dim3A_15, %add3A_1661 : vector<16xi32>
        %select_n3A_1663 = arith.select %lt3A_1659, %add3A_1662, %broadcast_in_dim3A_15 : vector<16xi1>, vector<16xi32>
        %reshape3A_1664 = vector.shape_cast %select_n3A_1663 : vector<16xi32> to vector<16x1xi32>
        %gather3A_1665 = vector.shape_cast %reshape3A_1664 : vector<16x1xi32> to vector<16xi32>
        %gather3A_1666 = tpu.dynamic_gather %scan3A_930[%gather3A_1665] in [0] : vector<16xf32>, vector<16xi32> -> vector<16xf32>
        %lt3A_1667 = arith.constant 0 : i32
        %lt3A_1668 = vector.broadcast %lt3A_1667 : i32 to vector<16xi32>
        %lt3A_1669 = arith.cmpi slt, %max3A_14, %lt3A_1668 : vector<16xi32>
        %add3A_1670 = arith.constant 16 : i32
        %add3A_1671 = vector.broadcast %add3A_1670 : i32 to vector<16xi32>
        %add3A_1672 = arith.addi %max3A_14, %add3A_1671 : vector<16xi32>
        %select_n3A_1673 = arith.select %lt3A_1669, %add3A_1672, %max3A_14 : vector<16xi1>, vector<16xi32>
        %reshape3A_1674 = vector.shape_cast %select_n3A_1673 : vector<16xi32> to vector<16x1xi32>
        %gather3A_1675 = vector.shape_cast %reshape3A_1674 : vector<16x1xi32> to vector<16xi32>
        %gather3A_1676 = tpu.dynamic_gather %scan3A_931[%gather3A_1675] in [0] : vector<16xf32>, vector<16xi32> -> vector<16xf32>
        %select_n3A_1677 = arith.select %eq3A_17, %gather3A_1666, %gather3A_1676 : vector<16xi1>, vector<16xf32>
        %lt3A_1678 = arith.constant 0 : i32
        %lt3A_1679 = vector.broadcast %lt3A_1678 : i32 to vector<16xi32>
        %lt3A_1680 = arith.cmpi slt, %broadcast_in_dim3A_15, %lt3A_1679 : vector<16xi32>
        %add3A_1681 = arith.constant 16 : i32
        %add3A_1682 = vector.broadcast %add3A_1681 : i32 to vector<16xi32>
        %add3A_1683 = arith.addi %broadcast_in_dim3A_15, %add3A_1682 : vector<16xi32>
        %select_n3A_1684 = arith.select %lt3A_1680, %add3A_1683, %broadcast_in_dim3A_15 : vector<16xi1>, vector<16xi32>
        %reshape3A_1685 = vector.shape_cast %select_n3A_1684 : vector<16xi32> to vector<16x1xi32>
        %gather3A_1686 = vector.shape_cast %reshape3A_1685 : vector<16x1xi32> to vector<16xi32>
        %gather3A_1687 = tpu.dynamic_gather %scan3A_931[%gather3A_1686] in [0] : vector<16xf32>, vector<16xi32> -> vector<16xf32>
        %lt3A_1688 = arith.constant 0 : i32
        %lt3A_1689 = vector.broadcast %lt3A_1688 : i32 to vector<16xi32>
        %lt3A_1690 = arith.cmpi slt, %max3A_14, %lt3A_1689 : vector<16xi32>
        %add3A_1691 = arith.constant 16 : i32
        %add3A_1692 = vector.broadcast %add3A_1691 : i32 to vector<16xi32>
        %add3A_1693 = arith.addi %max3A_14, %add3A_1692 : vector<16xi32>
        %select_n3A_1694 = arith.select %lt3A_1690, %add3A_1693, %max3A_14 : vector<16xi1>, vector<16xi32>
        %reshape3A_1695 = vector.shape_cast %select_n3A_1694 : vector<16xi32> to vector<16x1xi32>
        %gather3A_1696 = vector.shape_cast %reshape3A_1695 : vector<16x1xi32> to vector<16xi32>
        %gather3A_1697 = tpu.dynamic_gather %scan3A_932[%gather3A_1696] in [0] : vector<16xf32>, vector<16xi32> -> vector<16xf32>
        %select_n3A_1698 = arith.select %eq3A_17, %gather3A_1687, %gather3A_1697 : vector<16xi1>, vector<16xf32>
        %lt3A_1699 = arith.constant 0 : i32
        %lt3A_1700 = vector.broadcast %lt3A_1699 : i32 to vector<16xi32>
        %lt3A_1701 = arith.cmpi slt, %broadcast_in_dim3A_15, %lt3A_1700 : vector<16xi32>
        %add3A_1702 = arith.constant 16 : i32
        %add3A_1703 = vector.broadcast %add3A_1702 : i32 to vector<16xi32>
        %add3A_1704 = arith.addi %broadcast_in_dim3A_15, %add3A_1703 : vector<16xi32>
        %select_n3A_1705 = arith.select %lt3A_1701, %add3A_1704, %broadcast_in_dim3A_15 : vector<16xi1>, vector<16xi32>
        %reshape3A_1706 = vector.shape_cast %select_n3A_1705 : vector<16xi32> to vector<16x1xi32>
        %gather3A_1707 = vector.shape_cast %reshape3A_1706 : vector<16x1xi32> to vector<16xi32>
        %gather3A_1708 = tpu.dynamic_gather %scan3A_932[%gather3A_1707] in [0] : vector<16xf32>, vector<16xi32> -> vector<16xf32>
        %lt3A_1709 = arith.constant 0 : i32
        %lt3A_1710 = vector.broadcast %lt3A_1709 : i32 to vector<16xi32>
        %lt3A_1711 = arith.cmpi slt, %max3A_14, %lt3A_1710 : vector<16xi32>
        %add3A_1712 = arith.constant 16 : i32
        %add3A_1713 = vector.broadcast %add3A_1712 : i32 to vector<16xi32>
        %add3A_1714 = arith.addi %max3A_14, %add3A_1713 : vector<16xi32>
        %select_n3A_1715 = arith.select %lt3A_1711, %add3A_1714, %max3A_14 : vector<16xi1>, vector<16xi32>
        %reshape3A_1716 = vector.shape_cast %select_n3A_1715 : vector<16xi32> to vector<16x1xi32>
        %gather3A_1717 = vector.shape_cast %reshape3A_1716 : vector<16x1xi32> to vector<16xi32>
        %gather3A_1718 = tpu.dynamic_gather %scan3A_933[%gather3A_1717] in [0] : vector<16xf32>, vector<16xi32> -> vector<16xf32>
        %select_n3A_1719 = arith.select %eq3A_17, %gather3A_1708, %gather3A_1718 : vector<16xi1>, vector<16xf32>
        %lt3A_1720 = arith.constant 0 : i32
        %lt3A_1721 = vector.broadcast %lt3A_1720 : i32 to vector<16xi32>
        %lt3A_1722 = arith.cmpi slt, %broadcast_in_dim3A_15, %lt3A_1721 : vector<16xi32>
        %add3A_1723 = arith.constant 16 : i32
        %add3A_1724 = vector.broadcast %add3A_1723 : i32 to vector<16xi32>
        %add3A_1725 = arith.addi %broadcast_in_dim3A_15, %add3A_1724 : vector<16xi32>
        %select_n3A_1726 = arith.select %lt3A_1722, %add3A_1725, %broadcast_in_dim3A_15 : vector<16xi1>, vector<16xi32>
        %reshape3A_1727 = vector.shape_cast %select_n3A_1726 : vector<16xi32> to vector<16x1xi32>
        %gather3A_1728 = vector.shape_cast %reshape3A_1727 : vector<16x1xi32> to vector<16xi32>
        %gather3A_1729 = tpu.dynamic_gather %scan3A_933[%gather3A_1728] in [0] : vector<16xf32>, vector<16xi32> -> vector<16xf32>
        %min3A_1730 = arith.minimumf %add3A_1552, %select_n3A_1572 : vector<16xf32>
        %min3A_1731 = arith.minimumf %min3A_1730, %select_n3A_1656 : vector<16xf32>
        %add3A_1732 = arith.addf %min3A_1731, %select_n3A_1080 : vector<16xf32>
        %min3A_1733 = arith.minimumf %add3A_1555, %select_n3A_1593 : vector<16xf32>
        %min3A_1734 = arith.minimumf %min3A_1733, %select_n3A_1677 : vector<16xf32>
        %add3A_1735 = arith.addf %min3A_1734, %select_n3A_1107 : vector<16xf32>
        %min3A_1736 = arith.minimumf %add3A_1558, %select_n3A_1614 : vector<16xf32>
        %min3A_1737 = arith.minimumf %min3A_1736, %select_n3A_1698 : vector<16xf32>
        %add3A_1738 = arith.addf %min3A_1737, %select_n3A_1134 : vector<16xf32>
        %min3A_1739 = arith.minimumf %add3A_1561, %select_n3A_1635 : vector<16xf32>
        %min3A_1740 = arith.minimumf %min3A_1739, %select_n3A_1719 : vector<16xf32>
        %add3A_1741 = arith.addf %min3A_1740, %select_n3A_1161 : vector<16xf32>
        %lt3A_1742 = arith.constant 0 : i32
        %lt3A_1743 = vector.broadcast %lt3A_1742 : i32 to vector<16xi32>
        %lt3A_1744 = arith.cmpi slt, %max3A_14, %lt3A_1743 : vector<16xi32>
        %add3A_1745 = arith.constant 16 : i32
        %add3A_1746 = vector.broadcast %add3A_1745 : i32 to vector<16xi32>
        %add3A_1747 = arith.addi %max3A_14, %add3A_1746 : vector<16xi32>
        %select_n3A_1748 = arith.select %lt3A_1744, %add3A_1747, %max3A_14 : vector<16xi1>, vector<16xi32>
        %reshape3A_1749 = vector.shape_cast %select_n3A_1748 : vector<16xi32> to vector<16x1xi32>
        %gather3A_1750 = vector.shape_cast %reshape3A_1749 : vector<16x1xi32> to vector<16xi32>
        %gather3A_1751 = tpu.dynamic_gather %add3A_1732[%gather3A_1750] in [0] : vector<16xf32>, vector<16xi32> -> vector<16xf32>
        %select_n3A_1752 = arith.select %eq3A_17, %broadcast_in_dim3A_19, %gather3A_1751 : vector<16xi1>, vector<16xf32>
        %lt3A_1753 = arith.constant 0 : i32
        %lt3A_1754 = vector.broadcast %lt3A_1753 : i32 to vector<16xi32>
        %lt3A_1755 = arith.cmpi slt, %broadcast_in_dim3A_15, %lt3A_1754 : vector<16xi32>
        %add3A_1756 = arith.constant 16 : i32
        %add3A_1757 = vector.broadcast %add3A_1756 : i32 to vector<16xi32>
        %add3A_1758 = arith.addi %broadcast_in_dim3A_15, %add3A_1757 : vector<16xi32>
        %select_n3A_1759 = arith.select %lt3A_1755, %add3A_1758, %broadcast_in_dim3A_15 : vector<16xi1>, vector<16xi32>
        %reshape3A_1760 = vector.shape_cast %select_n3A_1759 : vector<16xi32> to vector<16x1xi32>
        %gather3A_1761 = vector.shape_cast %reshape3A_1760 : vector<16x1xi32> to vector<16xi32>
        %gather3A_1762 = tpu.dynamic_gather %add3A_1732[%gather3A_1761] in [0] : vector<16xf32>, vector<16xi32> -> vector<16xf32>
        %lt3A_1763 = arith.constant 0 : i32
        %lt3A_1764 = vector.broadcast %lt3A_1763 : i32 to vector<16xi32>
        %lt3A_1765 = arith.cmpi slt, %max3A_14, %lt3A_1764 : vector<16xi32>
        %add3A_1766 = arith.constant 16 : i32
        %add3A_1767 = vector.broadcast %add3A_1766 : i32 to vector<16xi32>
        %add3A_1768 = arith.addi %max3A_14, %add3A_1767 : vector<16xi32>
        %select_n3A_1769 = arith.select %lt3A_1765, %add3A_1768, %max3A_14 : vector<16xi1>, vector<16xi32>
        %reshape3A_1770 = vector.shape_cast %select_n3A_1769 : vector<16xi32> to vector<16x1xi32>
        %gather3A_1771 = vector.shape_cast %reshape3A_1770 : vector<16x1xi32> to vector<16xi32>
        %gather3A_1772 = tpu.dynamic_gather %add3A_1735[%gather3A_1771] in [0] : vector<16xf32>, vector<16xi32> -> vector<16xf32>
        %select_n3A_1773 = arith.select %eq3A_17, %gather3A_1762, %gather3A_1772 : vector<16xi1>, vector<16xf32>
        %lt3A_1774 = arith.constant 0 : i32
        %lt3A_1775 = vector.broadcast %lt3A_1774 : i32 to vector<16xi32>
        %lt3A_1776 = arith.cmpi slt, %broadcast_in_dim3A_15, %lt3A_1775 : vector<16xi32>
        %add3A_1777 = arith.constant 16 : i32
        %add3A_1778 = vector.broadcast %add3A_1777 : i32 to vector<16xi32>
        %add3A_1779 = arith.addi %broadcast_in_dim3A_15, %add3A_1778 : vector<16xi32>
        %select_n3A_1780 = arith.select %lt3A_1776, %add3A_1779, %broadcast_in_dim3A_15 : vector<16xi1>, vector<16xi32>
        %reshape3A_1781 = vector.shape_cast %select_n3A_1780 : vector<16xi32> to vector<16x1xi32>
        %gather3A_1782 = vector.shape_cast %reshape3A_1781 : vector<16x1xi32> to vector<16xi32>
        %gather3A_1783 = tpu.dynamic_gather %add3A_1735[%gather3A_1782] in [0] : vector<16xf32>, vector<16xi32> -> vector<16xf32>
        %lt3A_1784 = arith.constant 0 : i32
        %lt3A_1785 = vector.broadcast %lt3A_1784 : i32 to vector<16xi32>
        %lt3A_1786 = arith.cmpi slt, %max3A_14, %lt3A_1785 : vector<16xi32>
        %add3A_1787 = arith.constant 16 : i32
        %add3A_1788 = vector.broadcast %add3A_1787 : i32 to vector<16xi32>
        %add3A_1789 = arith.addi %max3A_14, %add3A_1788 : vector<16xi32>
        %select_n3A_1790 = arith.select %lt3A_1786, %add3A_1789, %max3A_14 : vector<16xi1>, vector<16xi32>
        %reshape3A_1791 = vector.shape_cast %select_n3A_1790 : vector<16xi32> to vector<16x1xi32>
        %gather3A_1792 = vector.shape_cast %reshape3A_1791 : vector<16x1xi32> to vector<16xi32>
        %gather3A_1793 = tpu.dynamic_gather %add3A_1738[%gather3A_1792] in [0] : vector<16xf32>, vector<16xi32> -> vector<16xf32>
        %select_n3A_1794 = arith.select %eq3A_17, %gather3A_1783, %gather3A_1793 : vector<16xi1>, vector<16xf32>
        %lt3A_1795 = arith.constant 0 : i32
        %lt3A_1796 = vector.broadcast %lt3A_1795 : i32 to vector<16xi32>
        %lt3A_1797 = arith.cmpi slt, %broadcast_in_dim3A_15, %lt3A_1796 : vector<16xi32>
        %add3A_1798 = arith.constant 16 : i32
        %add3A_1799 = vector.broadcast %add3A_1798 : i32 to vector<16xi32>
        %add3A_1800 = arith.addi %broadcast_in_dim3A_15, %add3A_1799 : vector<16xi32>
        %select_n3A_1801 = arith.select %lt3A_1797, %add3A_1800, %broadcast_in_dim3A_15 : vector<16xi1>, vector<16xi32>
        %reshape3A_1802 = vector.shape_cast %select_n3A_1801 : vector<16xi32> to vector<16x1xi32>
        %gather3A_1803 = vector.shape_cast %reshape3A_1802 : vector<16x1xi32> to vector<16xi32>
        %gather3A_1804 = tpu.dynamic_gather %add3A_1738[%gather3A_1803] in [0] : vector<16xf32>, vector<16xi32> -> vector<16xf32>
        %lt3A_1805 = arith.constant 0 : i32
        %lt3A_1806 = vector.broadcast %lt3A_1805 : i32 to vector<16xi32>
        %lt3A_1807 = arith.cmpi slt, %max3A_14, %lt3A_1806 : vector<16xi32>
        %add3A_1808 = arith.constant 16 : i32
        %add3A_1809 = vector.broadcast %add3A_1808 : i32 to vector<16xi32>
        %add3A_1810 = arith.addi %max3A_14, %add3A_1809 : vector<16xi32>
        %select_n3A_1811 = arith.select %lt3A_1807, %add3A_1810, %max3A_14 : vector<16xi1>, vector<16xi32>
        %reshape3A_1812 = vector.shape_cast %select_n3A_1811 : vector<16xi32> to vector<16x1xi32>
        %gather3A_1813 = vector.shape_cast %reshape3A_1812 : vector<16x1xi32> to vector<16xi32>
        %gather3A_1814 = tpu.dynamic_gather %add3A_1741[%gather3A_1813] in [0] : vector<16xf32>, vector<16xi32> -> vector<16xf32>
        %select_n3A_1815 = arith.select %eq3A_17, %gather3A_1804, %gather3A_1814 : vector<16xi1>, vector<16xf32>
        %lt3A_1816 = arith.constant 0 : i32
        %lt3A_1817 = vector.broadcast %lt3A_1816 : i32 to vector<16xi32>
        %lt3A_1818 = arith.cmpi slt, %broadcast_in_dim3A_15, %lt3A_1817 : vector<16xi32>
        %add3A_1819 = arith.constant 16 : i32
        %add3A_1820 = vector.broadcast %add3A_1819 : i32 to vector<16xi32>
        %add3A_1821 = arith.addi %broadcast_in_dim3A_15, %add3A_1820 : vector<16xi32>
        %select_n3A_1822 = arith.select %lt3A_1818, %add3A_1821, %broadcast_in_dim3A_15 : vector<16xi1>, vector<16xi32>
        %reshape3A_1823 = vector.shape_cast %select_n3A_1822 : vector<16xi32> to vector<16x1xi32>
        %gather3A_1824 = vector.shape_cast %reshape3A_1823 : vector<16x1xi32> to vector<16xi32>
        %gather3A_1825 = tpu.dynamic_gather %add3A_1741[%gather3A_1824] in [0] : vector<16xf32>, vector<16xi32> -> vector<16xf32>
        %lt3A_1826 = arith.constant 0 : i32
        %lt3A_1827 = vector.broadcast %lt3A_1826 : i32 to vector<16xi32>
        %lt3A_1828 = arith.cmpi slt, %max3A_14, %lt3A_1827 : vector<16xi32>
        %add3A_1829 = arith.constant 16 : i32
        %add3A_1830 = vector.broadcast %add3A_1829 : i32 to vector<16xi32>
        %add3A_1831 = arith.addi %max3A_14, %add3A_1830 : vector<16xi32>
        %select_n3A_1832 = arith.select %lt3A_1828, %add3A_1831, %max3A_14 : vector<16xi1>, vector<16xi32>
        %reshape3A_1833 = vector.shape_cast %select_n3A_1832 : vector<16xi32> to vector<16x1xi32>
        %gather3A_1834 = vector.shape_cast %reshape3A_1833 : vector<16x1xi32> to vector<16xi32>
        %gather3A_1835 = tpu.dynamic_gather %add3A_1552[%gather3A_1834] in [0] : vector<16xf32>, vector<16xi32> -> vector<16xf32>
        %select_n3A_1836 = arith.select %eq3A_17, %broadcast_in_dim3A_19, %gather3A_1835 : vector<16xi1>, vector<16xf32>
        %lt3A_1837 = arith.constant 0 : i32
        %lt3A_1838 = vector.broadcast %lt3A_1837 : i32 to vector<16xi32>
        %lt3A_1839 = arith.cmpi slt, %broadcast_in_dim3A_15, %lt3A_1838 : vector<16xi32>
        %add3A_1840 = arith.constant 16 : i32
        %add3A_1841 = vector.broadcast %add3A_1840 : i32 to vector<16xi32>
        %add3A_1842 = arith.addi %broadcast_in_dim3A_15, %add3A_1841 : vector<16xi32>
        %select_n3A_1843 = arith.select %lt3A_1839, %add3A_1842, %broadcast_in_dim3A_15 : vector<16xi1>, vector<16xi32>
        %reshape3A_1844 = vector.shape_cast %select_n3A_1843 : vector<16xi32> to vector<16x1xi32>
        %gather3A_1845 = vector.shape_cast %reshape3A_1844 : vector<16x1xi32> to vector<16xi32>
        %gather3A_1846 = tpu.dynamic_gather %add3A_1552[%gather3A_1845] in [0] : vector<16xf32>, vector<16xi32> -> vector<16xf32>
        %lt3A_1847 = arith.constant 0 : i32
        %lt3A_1848 = vector.broadcast %lt3A_1847 : i32 to vector<16xi32>
        %lt3A_1849 = arith.cmpi slt, %max3A_14, %lt3A_1848 : vector<16xi32>
        %add3A_1850 = arith.constant 16 : i32
        %add3A_1851 = vector.broadcast %add3A_1850 : i32 to vector<16xi32>
        %add3A_1852 = arith.addi %max3A_14, %add3A_1851 : vector<16xi32>
        %select_n3A_1853 = arith.select %lt3A_1849, %add3A_1852, %max3A_14 : vector<16xi1>, vector<16xi32>
        %reshape3A_1854 = vector.shape_cast %select_n3A_1853 : vector<16xi32> to vector<16x1xi32>
        %gather3A_1855 = vector.shape_cast %reshape3A_1854 : vector<16x1xi32> to vector<16xi32>
        %gather3A_1856 = tpu.dynamic_gather %add3A_1555[%gather3A_1855] in [0] : vector<16xf32>, vector<16xi32> -> vector<16xf32>
        %select_n3A_1857 = arith.select %eq3A_17, %gather3A_1846, %gather3A_1856 : vector<16xi1>, vector<16xf32>
        %lt3A_1858 = arith.constant 0 : i32
        %lt3A_1859 = vector.broadcast %lt3A_1858 : i32 to vector<16xi32>
        %lt3A_1860 = arith.cmpi slt, %broadcast_in_dim3A_15, %lt3A_1859 : vector<16xi32>
        %add3A_1861 = arith.constant 16 : i32
        %add3A_1862 = vector.broadcast %add3A_1861 : i32 to vector<16xi32>
        %add3A_1863 = arith.addi %broadcast_in_dim3A_15, %add3A_1862 : vector<16xi32>
        %select_n3A_1864 = arith.select %lt3A_1860, %add3A_1863, %broadcast_in_dim3A_15 : vector<16xi1>, vector<16xi32>
        %reshape3A_1865 = vector.shape_cast %select_n3A_1864 : vector<16xi32> to vector<16x1xi32>
        %gather3A_1866 = vector.shape_cast %reshape3A_1865 : vector<16x1xi32> to vector<16xi32>
        %gather3A_1867 = tpu.dynamic_gather %add3A_1555[%gather3A_1866] in [0] : vector<16xf32>, vector<16xi32> -> vector<16xf32>
        %lt3A_1868 = arith.constant 0 : i32
        %lt3A_1869 = vector.broadcast %lt3A_1868 : i32 to vector<16xi32>
        %lt3A_1870 = arith.cmpi slt, %max3A_14, %lt3A_1869 : vector<16xi32>
        %add3A_1871 = arith.constant 16 : i32
        %add3A_1872 = vector.broadcast %add3A_1871 : i32 to vector<16xi32>
        %add3A_1873 = arith.addi %max3A_14, %add3A_1872 : vector<16xi32>
        %select_n3A_1874 = arith.select %lt3A_1870, %add3A_1873, %max3A_14 : vector<16xi1>, vector<16xi32>
        %reshape3A_1875 = vector.shape_cast %select_n3A_1874 : vector<16xi32> to vector<16x1xi32>
        %gather3A_1876 = vector.shape_cast %reshape3A_1875 : vector<16x1xi32> to vector<16xi32>
        %gather3A_1877 = tpu.dynamic_gather %add3A_1558[%gather3A_1876] in [0] : vector<16xf32>, vector<16xi32> -> vector<16xf32>
        %select_n3A_1878 = arith.select %eq3A_17, %gather3A_1867, %gather3A_1877 : vector<16xi1>, vector<16xf32>
        %lt3A_1879 = arith.constant 0 : i32
        %lt3A_1880 = vector.broadcast %lt3A_1879 : i32 to vector<16xi32>
        %lt3A_1881 = arith.cmpi slt, %broadcast_in_dim3A_15, %lt3A_1880 : vector<16xi32>
        %add3A_1882 = arith.constant 16 : i32
        %add3A_1883 = vector.broadcast %add3A_1882 : i32 to vector<16xi32>
        %add3A_1884 = arith.addi %broadcast_in_dim3A_15, %add3A_1883 : vector<16xi32>
        %select_n3A_1885 = arith.select %lt3A_1881, %add3A_1884, %broadcast_in_dim3A_15 : vector<16xi1>, vector<16xi32>
        %reshape3A_1886 = vector.shape_cast %select_n3A_1885 : vector<16xi32> to vector<16x1xi32>
        %gather3A_1887 = vector.shape_cast %reshape3A_1886 : vector<16x1xi32> to vector<16xi32>
        %gather3A_1888 = tpu.dynamic_gather %add3A_1558[%gather3A_1887] in [0] : vector<16xf32>, vector<16xi32> -> vector<16xf32>
        %lt3A_1889 = arith.constant 0 : i32
        %lt3A_1890 = vector.broadcast %lt3A_1889 : i32 to vector<16xi32>
        %lt3A_1891 = arith.cmpi slt, %max3A_14, %lt3A_1890 : vector<16xi32>
        %add3A_1892 = arith.constant 16 : i32
        %add3A_1893 = vector.broadcast %add3A_1892 : i32 to vector<16xi32>
        %add3A_1894 = arith.addi %max3A_14, %add3A_1893 : vector<16xi32>
        %select_n3A_1895 = arith.select %lt3A_1891, %add3A_1894, %max3A_14 : vector<16xi1>, vector<16xi32>
        %reshape3A_1896 = vector.shape_cast %select_n3A_1895 : vector<16xi32> to vector<16x1xi32>
        %gather3A_1897 = vector.shape_cast %reshape3A_1896 : vector<16x1xi32> to vector<16xi32>
        %gather3A_1898 = tpu.dynamic_gather %add3A_1561[%gather3A_1897] in [0] : vector<16xf32>, vector<16xi32> -> vector<16xf32>
        %select_n3A_1899 = arith.select %eq3A_17, %gather3A_1888, %gather3A_1898 : vector<16xi1>, vector<16xf32>
        %lt3A_1900 = arith.constant 0 : i32
        %lt3A_1901 = vector.broadcast %lt3A_1900 : i32 to vector<16xi32>
        %lt3A_1902 = arith.cmpi slt, %broadcast_in_dim3A_15, %lt3A_1901 : vector<16xi32>
        %add3A_1903 = arith.constant 16 : i32
        %add3A_1904 = vector.broadcast %add3A_1903 : i32 to vector<16xi32>
        %add3A_1905 = arith.addi %broadcast_in_dim3A_15, %add3A_1904 : vector<16xi32>
        %select_n3A_1906 = arith.select %lt3A_1902, %add3A_1905, %broadcast_in_dim3A_15 : vector<16xi1>, vector<16xi32>
        %reshape3A_1907 = vector.shape_cast %select_n3A_1906 : vector<16xi32> to vector<16x1xi32>
        %gather3A_1908 = vector.shape_cast %reshape3A_1907 : vector<16x1xi32> to vector<16xi32>
        %gather3A_1909 = tpu.dynamic_gather %add3A_1561[%gather3A_1908] in [0] : vector<16xf32>, vector<16xi32> -> vector<16xf32>
        %min3A_1910 = arith.minimumf %add3A_1732, %select_n3A_1752 : vector<16xf32>
        %min3A_1911 = arith.minimumf %min3A_1910, %select_n3A_1836 : vector<16xf32>
        %add3A_1912 = arith.addf %min3A_1911, %select_n3A_1190 : vector<16xf32>
        %min3A_1913 = arith.minimumf %add3A_1735, %select_n3A_1773 : vector<16xf32>
        %min3A_1914 = arith.minimumf %min3A_1913, %select_n3A_1857 : vector<16xf32>
        %add3A_1915 = arith.addf %min3A_1914, %select_n3A_1217 : vector<16xf32>
        %min3A_1916 = arith.minimumf %add3A_1738, %select_n3A_1794 : vector<16xf32>
        %min3A_1917 = arith.minimumf %min3A_1916, %select_n3A_1878 : vector<16xf32>
        %add3A_1918 = arith.addf %min3A_1917, %select_n3A_1244 : vector<16xf32>
        %min3A_1919 = arith.minimumf %add3A_1741, %select_n3A_1815 : vector<16xf32>
        %min3A_1920 = arith.minimumf %min3A_1919, %select_n3A_1899 : vector<16xf32>
        %add3A_1921 = arith.addf %min3A_1920, %select_n3A_1271 : vector<16xf32>
        %lt3A_1922 = arith.constant 0 : i32
        %lt3A_1923 = vector.broadcast %lt3A_1922 : i32 to vector<16xi32>
        %lt3A_1924 = arith.cmpi slt, %max3A_14, %lt3A_1923 : vector<16xi32>
        %add3A_1925 = arith.constant 16 : i32
        %add3A_1926 = vector.broadcast %add3A_1925 : i32 to vector<16xi32>
        %add3A_1927 = arith.addi %max3A_14, %add3A_1926 : vector<16xi32>
        %select_n3A_1928 = arith.select %lt3A_1924, %add3A_1927, %max3A_14 : vector<16xi1>, vector<16xi32>
        %reshape3A_1929 = vector.shape_cast %select_n3A_1928 : vector<16xi32> to vector<16x1xi32>
        %gather3A_1930 = vector.shape_cast %reshape3A_1929 : vector<16x1xi32> to vector<16xi32>
        %gather3A_1931 = tpu.dynamic_gather %add3A_1912[%gather3A_1930] in [0] : vector<16xf32>, vector<16xi32> -> vector<16xf32>
        %select_n3A_1932 = arith.select %eq3A_17, %broadcast_in_dim3A_19, %gather3A_1931 : vector<16xi1>, vector<16xf32>
        %lt3A_1933 = arith.constant 0 : i32
        %lt3A_1934 = vector.broadcast %lt3A_1933 : i32 to vector<16xi32>
        %lt3A_1935 = arith.cmpi slt, %broadcast_in_dim3A_15, %lt3A_1934 : vector<16xi32>
        %add3A_1936 = arith.constant 16 : i32
        %add3A_1937 = vector.broadcast %add3A_1936 : i32 to vector<16xi32>
        %add3A_1938 = arith.addi %broadcast_in_dim3A_15, %add3A_1937 : vector<16xi32>
        %select_n3A_1939 = arith.select %lt3A_1935, %add3A_1938, %broadcast_in_dim3A_15 : vector<16xi1>, vector<16xi32>
        %reshape3A_1940 = vector.shape_cast %select_n3A_1939 : vector<16xi32> to vector<16x1xi32>
        %gather3A_1941 = vector.shape_cast %reshape3A_1940 : vector<16x1xi32> to vector<16xi32>
        %gather3A_1942 = tpu.dynamic_gather %add3A_1912[%gather3A_1941] in [0] : vector<16xf32>, vector<16xi32> -> vector<16xf32>
        %lt3A_1943 = arith.constant 0 : i32
        %lt3A_1944 = vector.broadcast %lt3A_1943 : i32 to vector<16xi32>
        %lt3A_1945 = arith.cmpi slt, %max3A_14, %lt3A_1944 : vector<16xi32>
        %add3A_1946 = arith.constant 16 : i32
        %add3A_1947 = vector.broadcast %add3A_1946 : i32 to vector<16xi32>
        %add3A_1948 = arith.addi %max3A_14, %add3A_1947 : vector<16xi32>
        %select_n3A_1949 = arith.select %lt3A_1945, %add3A_1948, %max3A_14 : vector<16xi1>, vector<16xi32>
        %reshape3A_1950 = vector.shape_cast %select_n3A_1949 : vector<16xi32> to vector<16x1xi32>
        %gather3A_1951 = vector.shape_cast %reshape3A_1950 : vector<16x1xi32> to vector<16xi32>
        %gather3A_1952 = tpu.dynamic_gather %add3A_1915[%gather3A_1951] in [0] : vector<16xf32>, vector<16xi32> -> vector<16xf32>
        %select_n3A_1953 = arith.select %eq3A_17, %gather3A_1942, %gather3A_1952 : vector<16xi1>, vector<16xf32>
        %lt3A_1954 = arith.constant 0 : i32
        %lt3A_1955 = vector.broadcast %lt3A_1954 : i32 to vector<16xi32>
        %lt3A_1956 = arith.cmpi slt, %broadcast_in_dim3A_15, %lt3A_1955 : vector<16xi32>
        %add3A_1957 = arith.constant 16 : i32
        %add3A_1958 = vector.broadcast %add3A_1957 : i32 to vector<16xi32>
        %add3A_1959 = arith.addi %broadcast_in_dim3A_15, %add3A_1958 : vector<16xi32>
        %select_n3A_1960 = arith.select %lt3A_1956, %add3A_1959, %broadcast_in_dim3A_15 : vector<16xi1>, vector<16xi32>
        %reshape3A_1961 = vector.shape_cast %select_n3A_1960 : vector<16xi32> to vector<16x1xi32>
        %gather3A_1962 = vector.shape_cast %reshape3A_1961 : vector<16x1xi32> to vector<16xi32>
        %gather3A_1963 = tpu.dynamic_gather %add3A_1915[%gather3A_1962] in [0] : vector<16xf32>, vector<16xi32> -> vector<16xf32>
        %lt3A_1964 = arith.constant 0 : i32
        %lt3A_1965 = vector.broadcast %lt3A_1964 : i32 to vector<16xi32>
        %lt3A_1966 = arith.cmpi slt, %max3A_14, %lt3A_1965 : vector<16xi32>
        %add3A_1967 = arith.constant 16 : i32
        %add3A_1968 = vector.broadcast %add3A_1967 : i32 to vector<16xi32>
        %add3A_1969 = arith.addi %max3A_14, %add3A_1968 : vector<16xi32>
        %select_n3A_1970 = arith.select %lt3A_1966, %add3A_1969, %max3A_14 : vector<16xi1>, vector<16xi32>
        %reshape3A_1971 = vector.shape_cast %select_n3A_1970 : vector<16xi32> to vector<16x1xi32>
        %gather3A_1972 = vector.shape_cast %reshape3A_1971 : vector<16x1xi32> to vector<16xi32>
        %gather3A_1973 = tpu.dynamic_gather %add3A_1918[%gather3A_1972] in [0] : vector<16xf32>, vector<16xi32> -> vector<16xf32>
        %select_n3A_1974 = arith.select %eq3A_17, %gather3A_1963, %gather3A_1973 : vector<16xi1>, vector<16xf32>
        %lt3A_1975 = arith.constant 0 : i32
        %lt3A_1976 = vector.broadcast %lt3A_1975 : i32 to vector<16xi32>
        %lt3A_1977 = arith.cmpi slt, %broadcast_in_dim3A_15, %lt3A_1976 : vector<16xi32>
        %add3A_1978 = arith.constant 16 : i32
        %add3A_1979 = vector.broadcast %add3A_1978 : i32 to vector<16xi32>
        %add3A_1980 = arith.addi %broadcast_in_dim3A_15, %add3A_1979 : vector<16xi32>
        %select_n3A_1981 = arith.select %lt3A_1977, %add3A_1980, %broadcast_in_dim3A_15 : vector<16xi1>, vector<16xi32>
        %reshape3A_1982 = vector.shape_cast %select_n3A_1981 : vector<16xi32> to vector<16x1xi32>
        %gather3A_1983 = vector.shape_cast %reshape3A_1982 : vector<16x1xi32> to vector<16xi32>
        %gather3A_1984 = tpu.dynamic_gather %add3A_1918[%gather3A_1983] in [0] : vector<16xf32>, vector<16xi32> -> vector<16xf32>
        %lt3A_1985 = arith.constant 0 : i32
        %lt3A_1986 = vector.broadcast %lt3A_1985 : i32 to vector<16xi32>
        %lt3A_1987 = arith.cmpi slt, %max3A_14, %lt3A_1986 : vector<16xi32>
        %add3A_1988 = arith.constant 16 : i32
        %add3A_1989 = vector.broadcast %add3A_1988 : i32 to vector<16xi32>
        %add3A_1990 = arith.addi %max3A_14, %add3A_1989 : vector<16xi32>
        %select_n3A_1991 = arith.select %lt3A_1987, %add3A_1990, %max3A_14 : vector<16xi1>, vector<16xi32>
        %reshape3A_1992 = vector.shape_cast %select_n3A_1991 : vector<16xi32> to vector<16x1xi32>
        %gather3A_1993 = vector.shape_cast %reshape3A_1992 : vector<16x1xi32> to vector<16xi32>
        %gather3A_1994 = tpu.dynamic_gather %add3A_1921[%gather3A_1993] in [0] : vector<16xf32>, vector<16xi32> -> vector<16xf32>
        %select_n3A_1995 = arith.select %eq3A_17, %gather3A_1984, %gather3A_1994 : vector<16xi1>, vector<16xf32>
        %lt3A_1996 = arith.constant 0 : i32
        %lt3A_1997 = vector.broadcast %lt3A_1996 : i32 to vector<16xi32>
        %lt3A_1998 = arith.cmpi slt, %broadcast_in_dim3A_15, %lt3A_1997 : vector<16xi32>
        %add3A_1999 = arith.constant 16 : i32
        %add3A_2000 = vector.broadcast %add3A_1999 : i32 to vector<16xi32>
        %add3A_2001 = arith.addi %broadcast_in_dim3A_15, %add3A_2000 : vector<16xi32>
        %select_n3A_2002 = arith.select %lt3A_1998, %add3A_2001, %broadcast_in_dim3A_15 : vector<16xi1>, vector<16xi32>
        %reshape3A_2003 = vector.shape_cast %select_n3A_2002 : vector<16xi32> to vector<16x1xi32>
        %gather3A_2004 = vector.shape_cast %reshape3A_2003 : vector<16x1xi32> to vector<16xi32>
        %gather3A_2005 = tpu.dynamic_gather %add3A_1921[%gather3A_2004] in [0] : vector<16xf32>, vector<16xi32> -> vector<16xf32>
        %lt3A_2006 = arith.constant 0 : i32
        %lt3A_2007 = vector.broadcast %lt3A_2006 : i32 to vector<16xi32>
        %lt3A_2008 = arith.cmpi slt, %max3A_14, %lt3A_2007 : vector<16xi32>
        %add3A_2009 = arith.constant 16 : i32
        %add3A_2010 = vector.broadcast %add3A_2009 : i32 to vector<16xi32>
        %add3A_2011 = arith.addi %max3A_14, %add3A_2010 : vector<16xi32>
        %select_n3A_2012 = arith.select %lt3A_2008, %add3A_2011, %max3A_14 : vector<16xi1>, vector<16xi32>
        %reshape3A_2013 = vector.shape_cast %select_n3A_2012 : vector<16xi32> to vector<16x1xi32>
        %gather3A_2014 = vector.shape_cast %reshape3A_2013 : vector<16x1xi32> to vector<16xi32>
        %gather3A_2015 = tpu.dynamic_gather %add3A_1732[%gather3A_2014] in [0] : vector<16xf32>, vector<16xi32> -> vector<16xf32>
        %select_n3A_2016 = arith.select %eq3A_17, %broadcast_in_dim3A_19, %gather3A_2015 : vector<16xi1>, vector<16xf32>
        %lt3A_2017 = arith.constant 0 : i32
        %lt3A_2018 = vector.broadcast %lt3A_2017 : i32 to vector<16xi32>
        %lt3A_2019 = arith.cmpi slt, %broadcast_in_dim3A_15, %lt3A_2018 : vector<16xi32>
        %add3A_2020 = arith.constant 16 : i32
        %add3A_2021 = vector.broadcast %add3A_2020 : i32 to vector<16xi32>
        %add3A_2022 = arith.addi %broadcast_in_dim3A_15, %add3A_2021 : vector<16xi32>
        %select_n3A_2023 = arith.select %lt3A_2019, %add3A_2022, %broadcast_in_dim3A_15 : vector<16xi1>, vector<16xi32>
        %reshape3A_2024 = vector.shape_cast %select_n3A_2023 : vector<16xi32> to vector<16x1xi32>
        %gather3A_2025 = vector.shape_cast %reshape3A_2024 : vector<16x1xi32> to vector<16xi32>
        %gather3A_2026 = tpu.dynamic_gather %add3A_1732[%gather3A_2025] in [0] : vector<16xf32>, vector<16xi32> -> vector<16xf32>
        %lt3A_2027 = arith.constant 0 : i32
        %lt3A_2028 = vector.broadcast %lt3A_2027 : i32 to vector<16xi32>
        %lt3A_2029 = arith.cmpi slt, %max3A_14, %lt3A_2028 : vector<16xi32>
        %add3A_2030 = arith.constant 16 : i32
        %add3A_2031 = vector.broadcast %add3A_2030 : i32 to vector<16xi32>
        %add3A_2032 = arith.addi %max3A_14, %add3A_2031 : vector<16xi32>
        %select_n3A_2033 = arith.select %lt3A_2029, %add3A_2032, %max3A_14 : vector<16xi1>, vector<16xi32>
        %reshape3A_2034 = vector.shape_cast %select_n3A_2033 : vector<16xi32> to vector<16x1xi32>
        %gather3A_2035 = vector.shape_cast %reshape3A_2034 : vector<16x1xi32> to vector<16xi32>
        %gather3A_2036 = tpu.dynamic_gather %add3A_1735[%gather3A_2035] in [0] : vector<16xf32>, vector<16xi32> -> vector<16xf32>
        %select_n3A_2037 = arith.select %eq3A_17, %gather3A_2026, %gather3A_2036 : vector<16xi1>, vector<16xf32>
        %lt3A_2038 = arith.constant 0 : i32
        %lt3A_2039 = vector.broadcast %lt3A_2038 : i32 to vector<16xi32>
        %lt3A_2040 = arith.cmpi slt, %broadcast_in_dim3A_15, %lt3A_2039 : vector<16xi32>
        %add3A_2041 = arith.constant 16 : i32
        %add3A_2042 = vector.broadcast %add3A_2041 : i32 to vector<16xi32>
        %add3A_2043 = arith.addi %broadcast_in_dim3A_15, %add3A_2042 : vector<16xi32>
        %select_n3A_2044 = arith.select %lt3A_2040, %add3A_2043, %broadcast_in_dim3A_15 : vector<16xi1>, vector<16xi32>
        %reshape3A_2045 = vector.shape_cast %select_n3A_2044 : vector<16xi32> to vector<16x1xi32>
        %gather3A_2046 = vector.shape_cast %reshape3A_2045 : vector<16x1xi32> to vector<16xi32>
        %gather3A_2047 = tpu.dynamic_gather %add3A_1735[%gather3A_2046] in [0] : vector<16xf32>, vector<16xi32> -> vector<16xf32>
        %lt3A_2048 = arith.constant 0 : i32
        %lt3A_2049 = vector.broadcast %lt3A_2048 : i32 to vector<16xi32>
        %lt3A_2050 = arith.cmpi slt, %max3A_14, %lt3A_2049 : vector<16xi32>
        %add3A_2051 = arith.constant 16 : i32
        %add3A_2052 = vector.broadcast %add3A_2051 : i32 to vector<16xi32>
        %add3A_2053 = arith.addi %max3A_14, %add3A_2052 : vector<16xi32>
        %select_n3A_2054 = arith.select %lt3A_2050, %add3A_2053, %max3A_14 : vector<16xi1>, vector<16xi32>
        %reshape3A_2055 = vector.shape_cast %select_n3A_2054 : vector<16xi32> to vector<16x1xi32>
        %gather3A_2056 = vector.shape_cast %reshape3A_2055 : vector<16x1xi32> to vector<16xi32>
        %gather3A_2057 = tpu.dynamic_gather %add3A_1738[%gather3A_2056] in [0] : vector<16xf32>, vector<16xi32> -> vector<16xf32>
        %select_n3A_2058 = arith.select %eq3A_17, %gather3A_2047, %gather3A_2057 : vector<16xi1>, vector<16xf32>
        %lt3A_2059 = arith.constant 0 : i32
        %lt3A_2060 = vector.broadcast %lt3A_2059 : i32 to vector<16xi32>
        %lt3A_2061 = arith.cmpi slt, %broadcast_in_dim3A_15, %lt3A_2060 : vector<16xi32>
        %add3A_2062 = arith.constant 16 : i32
        %add3A_2063 = vector.broadcast %add3A_2062 : i32 to vector<16xi32>
        %add3A_2064 = arith.addi %broadcast_in_dim3A_15, %add3A_2063 : vector<16xi32>
        %select_n3A_2065 = arith.select %lt3A_2061, %add3A_2064, %broadcast_in_dim3A_15 : vector<16xi1>, vector<16xi32>
        %reshape3A_2066 = vector.shape_cast %select_n3A_2065 : vector<16xi32> to vector<16x1xi32>
        %gather3A_2067 = vector.shape_cast %reshape3A_2066 : vector<16x1xi32> to vector<16xi32>
        %gather3A_2068 = tpu.dynamic_gather %add3A_1738[%gather3A_2067] in [0] : vector<16xf32>, vector<16xi32> -> vector<16xf32>
        %lt3A_2069 = arith.constant 0 : i32
        %lt3A_2070 = vector.broadcast %lt3A_2069 : i32 to vector<16xi32>
        %lt3A_2071 = arith.cmpi slt, %max3A_14, %lt3A_2070 : vector<16xi32>
        %add3A_2072 = arith.constant 16 : i32
        %add3A_2073 = vector.broadcast %add3A_2072 : i32 to vector<16xi32>
        %add3A_2074 = arith.addi %max3A_14, %add3A_2073 : vector<16xi32>
        %select_n3A_2075 = arith.select %lt3A_2071, %add3A_2074, %max3A_14 : vector<16xi1>, vector<16xi32>
        %reshape3A_2076 = vector.shape_cast %select_n3A_2075 : vector<16xi32> to vector<16x1xi32>
        %gather3A_2077 = vector.shape_cast %reshape3A_2076 : vector<16x1xi32> to vector<16xi32>
        %gather3A_2078 = tpu.dynamic_gather %add3A_1741[%gather3A_2077] in [0] : vector<16xf32>, vector<16xi32> -> vector<16xf32>
        %select_n3A_2079 = arith.select %eq3A_17, %gather3A_2068, %gather3A_2078 : vector<16xi1>, vector<16xf32>
        %lt3A_2080 = arith.constant 0 : i32
        %lt3A_2081 = vector.broadcast %lt3A_2080 : i32 to vector<16xi32>
        %lt3A_2082 = arith.cmpi slt, %broadcast_in_dim3A_15, %lt3A_2081 : vector<16xi32>
        %add3A_2083 = arith.constant 16 : i32
        %add3A_2084 = vector.broadcast %add3A_2083 : i32 to vector<16xi32>
        %add3A_2085 = arith.addi %broadcast_in_dim3A_15, %add3A_2084 : vector<16xi32>
        %select_n3A_2086 = arith.select %lt3A_2082, %add3A_2085, %broadcast_in_dim3A_15 : vector<16xi1>, vector<16xi32>
        %reshape3A_2087 = vector.shape_cast %select_n3A_2086 : vector<16xi32> to vector<16x1xi32>
        %gather3A_2088 = vector.shape_cast %reshape3A_2087 : vector<16x1xi32> to vector<16xi32>
        %gather3A_2089 = tpu.dynamic_gather %add3A_1741[%gather3A_2088] in [0] : vector<16xf32>, vector<16xi32> -> vector<16xf32>
        %min3A_2090 = arith.minimumf %add3A_1912, %select_n3A_1932 : vector<16xf32>
        %min3A_2091 = arith.minimumf %min3A_2090, %select_n3A_2016 : vector<16xf32>
        %add3A_2092 = arith.addf %min3A_2091, %select_n3A_1300 : vector<16xf32>
        %min3A_2093 = arith.minimumf %add3A_1915, %select_n3A_1953 : vector<16xf32>
        %min3A_2094 = arith.minimumf %min3A_2093, %select_n3A_2037 : vector<16xf32>
        %add3A_2095 = arith.addf %min3A_2094, %select_n3A_1327 : vector<16xf32>
        %min3A_2096 = arith.minimumf %add3A_1918, %select_n3A_1974 : vector<16xf32>
        %min3A_2097 = arith.minimumf %min3A_2096, %select_n3A_2058 : vector<16xf32>
        %add3A_2098 = arith.addf %min3A_2097, %select_n3A_1354 : vector<16xf32>
        %min3A_2099 = arith.minimumf %add3A_1921, %select_n3A_1995 : vector<16xf32>
        %min3A_2100 = arith.minimumf %min3A_2099, %select_n3A_2079 : vector<16xf32>
        %add3A_2101 = arith.addf %min3A_2100, %select_n3A_1381 : vector<16xf32>
        scf.yield %add3A_2092, %add3A_2095, %add3A_2098, %add3A_2101, %add3A_1912, %add3A_1915, %add3A_1918, %add3A_1921 : vector<16xf32>, vector<16xf32>, vector<16xf32>, vector<16xf32>, vector<16xf32>, vector<16xf32>, vector<16xf32>, vector<16xf32>
      }
      %scan3A_927 = arith.constant 31 : i32
      %swap3A = arith.constant 0 : index
      %swap3A_928 = tpu.vector_load %arg7[%swap3A] {strides = array<i32>} : memref<16xf32, #tpu.memory_space<vmem>>, vector<16xf32>,
      tpu.vector_store %arg7[%swap3A], %scan3A_926#3 {strides = array<i32>} : memref<16xf32, #tpu.memory_space<vmem>>, vector<16xf32>,
      "tpu.region"() ({
        %run_scoped3A = tpu.sem_alloc : memref<!tpu.dma_semaphore, #tpu.memory_space<semaphore_mem>>
        tpu.enqueue_dma source(%arg7 : memref<16xf32, #tpu.memory_space<vmem>>) target(%arg3 : memref<16xf32, #tpu.memory_space<hbm>>) target_semaphore(%run_scoped3A : memref<!tpu.dma_semaphore, #tpu.memory_space<semaphore_mem>>)
        tpu.wait_dma2 semaphore(%run_scoped3A : memref<!tpu.dma_semaphore, #tpu.memory_space<semaphore_mem>>) src(%arg7 : memref<16xf32, #tpu.memory_space<vmem>>) dst(%arg3 : memref<16xf32, #tpu.memory_space<hbm>>)
        tpu.yield
      }) : () -> ()
    } else {
    }
    return
  }
}

</mosaic_0001>

<sc_bundles>
// kernel: kernel.3.cloned.1.call-start
scs
__scs_entry_jumppad:
0x0: {  	(pc) =	sbr.rel $0x88, $3  }
0x1: {  	(tag) =	ssettag $0x0;
	lr =	simm.s32 $0x1  }
0x2: {  	[smem:$0x3FA0] =	sst lr;
	_ =	strace $0xD0000000  }
0x3: {  	_ = 	snop  }
0x4: {  	_ = 	snop  }
0x5: {  	_ = 	snop  }
0x6: {  	_ = 	snop  }
0x7: {  	_ = 	snop  }
__scs_overlays_trampoline_lowered:
0x8: {  	[smem:$0x3FAF] =	sst s0  }
0x9: {  	[smem:$0x3FB0] =	sst s1  }
0xa: {  	[smem:$0x3FB1] =	sst s2  }
0xb: {  	[smem:$0x3FB2] =	sst s3  }
0xc: {  	[smem:$0x3FB3] =	sst s4  }
0xd: {  	[smem:$0x3FB4] =	sst s5  }
0xe: {  	[smem:$0x3FB5] =	sst s6  }
0xf: {  	[smem:$0x3FB6] =	sst s7  }
0x10: {  	[smem:$0x3FB7] =	sst s8  }
0x11: {  	[smem:$0x3FB8] =	sst s9;
	s0 =	simm.s32 @!p0 $0x0  }
0x12: {  	s1 =	sld [smem:$0x3F9E];
	s0 =	simm.s32 @p0 $0x1  }
0x13: {  	[smem:$0x3FB9] =	sst s0;
	s0 =	simm.s32 @!p1 $0x0  }
0x14: {  	s2 =	sld [smem:$0x3F9D];
	s0 =	simm.s32 @p1 $0x1  }
0x15: {  	[smem:$0x3FBA] =	sst s0;
	s0 =	simm.s32 @!p2 $0x0  }
0x16: {  	s3 =	sld [smem:$0x3FDB];
	s0 =	simm.s32 @p2 $0x1  }
0x17: {  	s4 =	simm.s32 $0x1BF5;
	[smem:$0x3FBC] =	sst s0  }
0x18: {  	s0 =	sld [smem:$0x3F9F];
	_ =	swait.ge [sflag:s4], $0x0  }
0x19: {  	s7 =	sld [smem:$0x3FA0]  }
0x1a: {  	s8 =	sadd.s32 $0xFFFFE003, lr  }
0x1b: {  	s9 =	sadd.s32 $0xFFFFFEF7, lr;
	s5 =	simm.s32 $0xFFFFFFFF;
	p2 =	slt.u32 s8, $0xFFFFF086  }
0x1c: {  	p1 =	slt.u32 s9, $0xF7A;
	s5 =	simm.s32 @!p2 $0x0  }
0x1d: {  	s5 =	simm.s32 @p1 $0x1;
	p0 =	seq.s32 s7, s2  }
0x1e: {  	s7 =	smul.u32 @!p0 $0xF7A, s2;
	p2 =	seq.s32 @!p0 s5, $0x0  }
0x1f: {  	s9 =	smul.u32 $0xF7A, s1;
	s8 =	simm.s32 @!p0 $0x1BF5;
	p2 =	por !p2, p0  }
0x20: {  	[sflag:s8] =	ssyncset.s32 @!p0 $0xFFFFF086;
	s6 =	sadd.s32 @!p0 s3, s7;
	s7 =	simm.s32 @!p0 $0x108  }
0x21: {  	s3 =	sadd.s32 s3, s9;
	s6 =	sadd.s32 @!p0 $0x88, s6;
	s7 =	simm.s32 @p2 $0x1082  }
0x22: {  	[simem:s7], [sflag:s8] =	dma.local @!p0 [hbm:s6], $0xF7A  }
0x23: {  	s9 =	sor.u32 $0xD0000000, s2;
	s6 =	simm.s32 $0x108;
	_ =	swait.ge @!p0 [sflag:s8], $0x0  }
0x24: {  	s3 =	sadd.s32 $0x88, s3;
	s6 =	simm.s32 @!p1 $0x1082;
	[sflag:s4] =	ssyncset.s32 $0xFFFFF086  }
0x25: {  	[simem:s6], [sflag:s4] =	dma.local [hbm:s3], $0xF7A  }
0x26: {  	[smem:$0x3FA0] =	sst s1;
	(tag) =	ssettag s2;
	_ =	strace s9  }
0x27: {  	s1 =	sld [smem:$0x3FB0]  }
0x28: {  	s2 =	sld [smem:$0x3FB1]  }
0x29: {  	s4 =	sld [smem:$0x3FB3]  }
0x2a: {  	p0 =	seq.s32 s5, $0x0;
	s5 =	sld [smem:$0x3FB4]  }
0x2b: {  	s6 =	sld [smem:$0x3FB5]  }
0x2c: {  	s7 =	sld [smem:$0x3FB6]  }
0x2d: {  	s3 =	simm.s32 $0x108;
	s8 =	sld [smem:$0x3FB7]  }
0x2e: {  	s3 =	simm.s32 @!p0 $0x1082;
	s9 =	sld [smem:$0x3FB8]  }
0x2f: {  	lr =	sadd.s32 s0, s3;
	s0 =	sld [smem:$0x3FAF]  }
0x30: {  	s3 =	sld [smem:$0x3FB2]  }
0x31: {  	[smem:$0x3FBB] =	sst s10  }
0x32: {  	s10 =	sld [smem:$0x3FB9];
	_ =	sdelay $0x3  }
0x33: {  	p0 =	seq.s32 s10, $0x1;
	s10 =	sld [smem:$0x3FBB];
	_ =	sdelay $0x3  }
0x34: {  	[smem:$0x3FBB] =	sst s10  }
0x35: {  	s10 =	sld [smem:$0x3FBA];
	_ =	sdelay $0x3  }
0x36: {  	p1 =	seq.s32 s10, $0x1;
	s10 =	sld [smem:$0x3FBB];
	_ =	sdelay $0x3  }
0x37: {  	[smem:$0x3FBB] =	sst s10  }
0x38: {  	s10 =	sld [smem:$0x3FBC]  }
0x39: {  	_ = 	snop;
	(pc) =	sbr.ind lr, $3  }
0x3a: {  	_ = 	snop  }
0x3b: {  	_ = 	snop  }
0x3c: {  	p2 =	seq.s32 s10, $0x1;
	s10 =	sld [smem:$0x3FBB]  }
0x3d: {  	_ =	shalt  }
0x3e: {  	_ =	shalt  }
0x3f: {  	_ =	shalt  }
0x40: {  	_ =	shalt  }
0x41: {  	_ =	shalt  }
0x42: {  	_ =	shalt  }
0x43: {  	_ =	shalt  }
0x44: {  	_ =	shalt  }
0x45: {  	_ =	shalt  }
0x46: {  	_ =	shalt  }
0x47: {  	_ =	shalt  }
0x48: {  	_ =	shalt  }
0x49: {  	_ =	shalt  }
0x4a: {  	_ =	shalt  }
0x4b: {  	_ =	shalt  }
0x4c: {  	_ =	shalt  }
0x4d: {  	_ =	shalt  }
0x4e: {  	_ =	shalt  }
0x4f: {  	_ =	shalt  }
0x50: {  	_ =	shalt  }
0x51: {  	_ =	shalt  }
0x52: {  	_ =	shalt  }
0x53: {  	_ =	shalt  }
0x54: {  	_ =	shalt  }
0x55: {  	_ =	shalt  }
0x56: {  	_ =	shalt  }
0x57: {  	_ =	shalt  }
0x58: {  	_ =	shalt  }
0x59: {  	_ =	shalt  }
0x5a: {  	_ =	shalt  }
0x5b: {  	_ =	shalt  }
0x5c: {  	_ =	shalt  }
0x5d: {  	_ =	shalt  }
0x5e: {  	_ =	shalt  }
0x5f: {  	_ =	shalt  }
0x60: {  	_ =	shalt  }
0x61: {  	_ =	shalt  }
0x62: {  	_ =	shalt  }
0x63: {  	_ =	shalt  }
0x64: {  	_ =	shalt  }
0x65: {  	_ =	shalt  }
0x66: {  	_ =	shalt  }
0x67: {  	_ =	shalt  }
0x68: {  	_ =	shalt  }
0x69: {  	_ =	shalt  }
0x6a: {  	_ =	shalt  }
0x6b: {  	_ =	shalt  }
0x6c: {  	_ =	shalt  }
0x6d: {  	_ =	shalt  }
0x6e: {  	_ =	shalt  }
0x6f: {  	_ =	shalt  }
0x70: {  	_ =	shalt  }
0x71: {  	_ =	shalt  }
0x72: {  	_ =	shalt  }
0x73: {  	_ =	shalt  }
0x74: {  	_ =	shalt  }
0x75: {  	_ =	shalt  }
0x76: {  	_ =	shalt  }
0x77: {  	_ =	shalt  }
0x78: {  	_ =	shalt  }
0x79: {  	_ =	shalt  }
0x7a: {  	_ =	shalt  }
0x7b: {  	_ =	shalt  }
0x7c: {  	_ =	shalt  }
0x7d: {  	_ =	shalt  }
0x7e: {  	_ =	shalt  }
0x7f: {  	_ =	shalt  }
0x80: {  	_ =	shalt  }
0x81: {  	_ =	shalt  }
0x82: {  	_ =	shalt  }
0x83: {  	_ =	shalt  }
0x84: {  	_ =	shalt  }
0x85: {  	_ =	shalt  }
0x86: {  	_ =	shalt  }
0x87: {  	_ =	shalt  }
.Lfunc_end0:
.L_simem_size_0:
called_computation_lowered:
.L_overlay_start_0:
0x88: {  	s0 =	sld [smem:$0x3FD9]  }
0x89: {  	s1 =	sld [smem:$0x3FFE];
	_ =	sdelay $0x3  }
0x8a: {  	s0 =	sadd.s32 s1, s0  }
0x8b: {  	[smem:$0x3FC7] =	sst s0  }
0x8c: {  	_ = 	snop  }
0x8d: {  	s0 =	sld [smem:$0x3FD0];
	_ =	sdelay $0x2  }
0x8e: {  	s13 =	simm.s32 $0xA;
	s2 =	simm.s32 $0x10  }
0x8f: {  	[smem:s2], [sflag:s13] =	dma.local [hbm:s0], $0x1  }
0x90: {  	_ =	swait.eq [sflag:s13], $0x1  }
0x91: {  	[sflag:s13] =	ssyncset.done $0x0  }
0x92: {  	s14 =	sld [smem:$0x10];
	[sflag:s13] =	ssyncadd.s32 $0xFFFFFFFF  }
0x93: {  	s15 =	sld [smem:$0x11];
	(tm) =	ssettm $0x1  }
0x94: {  	s16 =	sld [smem:$0x3FFB];
	_ =	sdelay $0x3  }
0x95: {  	_ =	strace s16  }
0x96: {  	s2 =	sld [smem:$0x3FFC];
	_ =	sdelay $0x3  }
0x97: {  	_ =	strace s2  }
0x98: {  	s2 =	sld [smem:$0x3FFD];
	_ =	sdelay $0x3  }
0x99: {  	_ =	strace s2  }
0x9a: {  	_ =	strace $0x8FFFFFFF  }
0x9b: {  	s17 =	sld [smem:$0x3FDB];
	_ =	sdelay $0x1  }
0x9c: {  	s3 =	simm.s32 $_scs_section_size  }
0x9d: {  	s4 =	simm.s32 $_size__tile_overlayer_lowered;
	s5 =	simm.s32 $_tile_overlayer_lowered  }
0x9e: {  	s20 =	simm.s32 $0x1BFF;
	s19 =	sshll.u32 s5, $0x1;
	s2 =	sadd.s32 s3, s17  }
0x9f: {  	s6 =	simm.s32 $0x0;
	s18 =	sshll.u32 s4, $0x1;
	s4 =	sadd.s32 s19, s2  }
0xa0: {  	[timem:s6], [sflag:s20] =	dma.local [hbm:s4], s18  }
0xa1: {  	_ =	swait.ge [sflag:s20], s18  }
0xa2: {  	s3 =	ssub.s32 $0x0, s18;
	[sflag:s20] =	ssyncset.done $0x0  }
0xa3: {  	[sflag:s20] =	ssyncadd.s32 s3;
	_ =	sdelay $0x1  }
0xa4: {  	s21 =	simm.s32 $0x1B8B  }
0xa5: {  	_ =	swait.ge [sflag:s21], $0x1  }
0xa6: {  	[sflag:s21] =	ssyncset.done $0x0  }
0xa7: {  	s23 =	simm.s32 $0x1B8E;
	s22 =	sld [smem:$0x3FFE];
	[sflag:s21] =	ssyncadd.s32 $0xFFFFFFFF  }
0xa8: {  	s24 =	simm.s32 $execute0_lowered;
	[smem:$0x3FD2] =	sst s23  }
0xa9: {  	s4 =	sshll.u32 s24, $0x1;
	_ =	strace $0x80000046;
	[dreg:$0x1] =	wrdreg $0xFFFFFFFF  }
0xaa: {  	s25 =	simm.s32 $_size_execute0_lowered;
	s2 =	sadd.s32 s2, s4;
	[dreg:$0x0] =	wrdreg $0x0  }
0xab: {  	s4 =	sshll.u32 s25, $0x1;
	[dreg:$0x2] =	wrdreg s2  }
0xac: {  	[dreg:$0x3] =	wrdreg s4  }
0xad: {  	[dreg:$0x4] =	wrdreg $0xC0  }
0xae: {  	_ =	task [dreg:s6], $0x5FFFF  }
0xaf: {  	[dreg:$0x1] =	wrdreg $0xFFFFFFFF  }
0xb0: {  	[dreg:$0x0] =	wrdreg $0x60  }
0xb1: {  	[dreg:$0x2] =	wrdreg s15  }
0xb2: {  	[dreg:$0x3] =	wrdreg s14  }
0xb3: {  	[dreg:$0x4] =	wrdreg s22  }
0xb4: {  	[dreg:$0x5] =	wrdreg $0x9  }
0xb5: {  	_ =	task.clear_ibuf [dreg:s6], $0x6FFFF;
	_ =	strace $0x90000046  }
0xb6: {  	s26 =	simm.s32 $0x9;
	_ =	strace $0x80000048  }
0xb7: {  	_ =	swait.ge [sflag:s26], $0x1  }
0xb8: {  	[sflag:s26] =	ssyncadd.s32 $0xFFFFFFFF  }
0xb9: {  	_ =	strace $0x90000048  }
0xba: {  	_ =	sfence  }
0xbb: {  	s28 =	sld [smem:$0x0];
	_ =	sdelay $0x1  }
0xbc: {  	s29 =	srdreg.scid  }
0xbd: {  	s30 =	sshll.u32 s29, $0xD;
	s31 =	sshrl.u32 s29, $0x2  }
0xbe: {  	s1 =	sand.u32 $0x1, s29;
	s2 =	sand.u32 $0x4000, s30;
	s0 =	sadd.s32 s31, s28  }
0xbf: {  	s1 =	sor.u32 s2, s1;
	s0 =	sshll.u32 s0, $0x11  }
0xc0: {  	s0 =	sor.u32 s0, s1  }
0xc1: {  	s0 =	sadd.s32 $0x8F2B, s0  }
0xc2: {  	[sflag:s0] =	ssyncadd.remote.s32 $0x1  }
0xc3: {  	_ =	sfence.sel $0xFFFF  }
0xc4: {  	[dreg:$0x0] =	wrdreg $0xFFFFFFFF;
	(pc) =	sbr.abs _section_cstart, $3  }
0xc5: {  	[dreg:$0x1] =	wrdreg $0xFFFFFFFF  }
0xc6: {  	_ =	task.clear_ibuf [dreg:s6], $0x2FFFF;
	_ =	strace $0x9FFFFFFF  }
0xc7: {  	(tm) =	ssettm $0x7FFFFFFF  }
tec
execute0_lowered:
.L_overlay_start_1:
0x0: {  	(tag) =	ssettag $0x1  }
0x1: {  	s1 =	rddreg [dreg:$0x0]  }
0x2: {  	s4 =	rddreg [dreg:$0x1]  }
0x3: {  	s3 =	rddreg [dreg:$0x2];
	s2 =	simm.s32 $0x0  }
0x4: {  	[smem:$0x7FF] =	sst s2  }
0x5: {  	s0 =	rddreg [dreg:$0x3];
	_ =	strace $0x80000047  }
0x6: {  	[tilespmem:s2], [sflag:$0x1] =	stream.linear.gather [hbm4b:s1+s2], $0x1000, $0x38;
	[tilespmem:$0x1200] =	vst v63  }
0x7: {  	s1 =	stileid.u32  }
0x8: {  	p0 =	seq.s32 s1, $0x0  }
.Ltmp0:
0x9: {  	_ = 	snop;
	(pc) =	sbr.rel @p0 .LBB2_5-.Ltmp0, $4  }
0xa: {  	s5 =	simm.s32 $0x1  }
0xb: {  	_ =	swait.ge [sflag:s5], $0x1000  }
0xc: {  	v2 =	vlaneseq.u32;
	[sflag:s5] =	ssyncset.done $0x0  }
0xd: {  	v3 =	vor.u32 $0x10, v2;
	v1 =	vor.u32 $0x20, v2;
	v0 =	vor.u32 $0x30, v2;
	[sflag:s5] =	ssyncadd.s32 $0xFFFFF000  }
0xe: {  	s4 =	sadd.s32 $0xFFFFFFFF, s1  }
0xf: {  	s6 =	sshll.u32 s4, $0x8  }
0x10: {  	v4 =	vor.u32 s6, v2  }
0x11: {  	v5 =	vor.u32 s6, v3  }
0x12: {  	v6 =	vor.u32 s6, v1  }
0x13: {  	v7 =	vor.u32 $0x40, v2;
	v8 =	vor.u32 s6, v0  }
0x14: {  	v9 =	vor.u32 $0x50, v2;
	v10 =	vor.u32 s6, v7  }
0x15: {  	v11 =	vor.u32 $0x60, v2;
	v12 =	vor.u32 s6, v9;
	v4 =	vld.idx.msk [tilespmem:v4+s2+$0x0], $0xffff  }
0x16: {  	v13 =	vor.u32 $0x70, v2;
	v14 =	vor.u32 s6, v11;
	v5 =	vld.idx.msk [tilespmem:v5+s2+$0x0], $0xffff  }
0x17: {  	s7 =	sadd.s32 $0x100, s6;
	s8 =	sor.u32 $0x80, s6;
	v15 =	vor.u32 s6, v13;
	v6 =	vld.idx.msk [tilespmem:v6+s2+$0x0], $0xffff  }
0x18: {  	v16 =	vor.u32 s7, v0;
	v17 =	vor.u32 s7, v1;
	v18 =	vor.u32 s8, v2;
	v8 =	vld.idx.msk [tilespmem:v8+s2+$0x0], $0xffff  }
0x19: {  	s6 =	sor.u32 $0xC0, s6;
	v19 =	vor.u32 s7, v3;
	v20 =	vor.u32 s7, v2;
	v21 =	vor.u32 s8, v3;
	v10 =	vld.idx.msk [tilespmem:v10+s2+$0x0], $0xffff  }
0x1a: {  	v13 =	vor.u32 s6, v13;
	v22 =	vor.u32 s8, v1;
	v12 =	vld.idx.msk [tilespmem:v12+s2+$0x0], $0xffff;
	v4 =	vsub.f32 $0.0e+00, v4  }
0x1b: {  	v11 =	vor.u32 s6, v11;
	v23 =	vor.u32 s8, v0;
	v14 =	vld.idx.msk [tilespmem:v14+s2+$0x0], $0xffff;
	v5 =	vsub.f32 $0.0e+00, v5  }
0x1c: {  	v7 =	vor.u32 s6, v7;
	v15 =	vld.idx.msk [tilespmem:v15+s2+$0x0], $0xffff;
	v6 =	vsub.f32 $0.0e+00, v6;
	v4 =	vmul.f32 $1.442695020e+00, v4  }
0x1d: {  	v9 =	vor.u32 s6, v9;
	v18 =	vld.idx.msk [tilespmem:v18+s2+$0x0], $0xffff;
	v8 =	vsub.f32 $0.0e+00, v8;
	v5 =	vmul.f32 $1.442695020e+00, v5  }
0x1e: {  	v21 =	vld.idx.msk [tilespmem:v21+s2+$0x0], $0xffff;
	(erf) = vpow2.f32 v4;
	v4 =	vmul.f32 $1.442695020e+00, v6;
	v6 =	vsub.f32 $0.0e+00, v10  }
0x1f: {  	v25 =	vld.idx.msk [tilespmem:v22+s2+$0x0], $0xffff;
	v24 =	vsub.f32 $0.0e+00, v12;
	(erf) = vpow2.f32 v5;
	v5 =	vmul.f32 $1.442695020e+00, v8  }
0x20: {  	v26 =	vld.idx.msk [tilespmem:v23+s2+$0x0], $0xffff;
	(erf) = vpow2.f32 v4;
	v4 =	vmul.f32 $1.442695020e+00, v6;
	v6 =	vsub.f32 $0.0e+00, v14  }
0x21: {  	v7 =	vld.idx.msk [tilespmem:v7+s2+$0x0], $0xffff;
	v27 =	vsub.f32 $0.0e+00, v15;
	(erf) = vpow2.f32 v5;
	v5 =	vmul.f32 $1.442695020e+00, v24  }
0x22: {  	v9 =	vld.idx.msk [tilespmem:v9+s2+$0x0], $0xffff;
	(erf) = vpow2.f32 v4;
	v4 =	vmul.f32 $1.442695020e+00, v6;
	v6 =	vsub.f32 $0.0e+00, v18  }
0x23: {  	v29 =	vld.idx.msk [tilespmem:v11+s2+$0x0], $0xffff;
	v28 =	vsub.f32 $0.0e+00, v21;
	(erf) = vpow2.f32 v5;
	v5 =	vmul.f32 $1.442695020e+00, v27  }
0x24: {  	v30 =	vld.idx.msk [tilespmem:v13+s2+$0x0], $0xffff;
	(erf) = vpow2.f32 v4;
	v4 =	vmul.f32 $1.442695020e+00, v6;
	v6 =	vsub.f32 $0.0e+00, v25  }
0x25: {  	v32 =	vld.idx.msk [tilespmem:v20+s2+$0x0], $0xffff;
	v31 =	vsub.f32 $0.0e+00, v26;
	(erf) = vpow2.f32 v5;
	v5 =	vmul.f32 $1.442695020e+00, v28  }
0x26: {  	(erf) = vpow2.f32 v4;
	v4 =	vmul.f32 $1.442695020e+00, v6;
	v6 =	vsub.f32 $0.0e+00, v7;
	v7 =	vld.idx.msk [tilespmem:v19+s2+$0x0], $0xffff  }
0x27: {  	v34 =	vld.idx.msk [tilespmem:v17+s2+$0x0], $0xffff;
	v33 =	vsub.f32 $0.0e+00, v9;
	(erf) = vpow2.f32 v5;
	v5 =	vmul.f32 $1.442695020e+00, v31  }
0x28: {  	v35 =	vld.idx.msk [tilespmem:v16+s2+$0x0], $0xffff;
	(erf) = vpow2.f32 v4;
	v4 =	vmul.f32 $1.442695020e+00, v6;
	v6 =	vsub.f32 $0.0e+00, v29  }
0x29: {  	v37 =	vsub.f32 $0.0e+00, v30;
	v36 =	vpop (erf);
	(erf) = vpow2.f32 v5;
	v5 =	vmul.f32 $1.442695020e+00, v33  }
0x2a: {  	v38 =	vpop (erf);
	(erf) = vpow2.f32 v4;
	v4 =	vmul.f32 $1.442695020e+00, v6;
	v6 =	vsub.f32 $0.0e+00, v32  }
0x2b: {  	v39 =	vpop (erf);
	(erf) = vpow2.f32 v5;
	v5 =	vmul.f32 $1.442695020e+00, v37;
	v7 =	vsub.f32 $0.0e+00, v7  }
0x2c: {  	v40 =	vpop (erf);
	(erf) = vpow2.f32 v4;
	v4 =	vmul.f32 $1.442695020e+00, v6;
	v6 =	vsub.f32 $0.0e+00, v34  }
0x2d: {  	v41 =	vpop (erf);
	(erf) = vpow2.f32 v5;
	v5 =	vmul.f32 $1.442695020e+00, v7;
	v7 =	vsub.f32 $0.0e+00, v35  }
0x2e: {  	v42 =	vpop (erf);
	(erf) = vpow2.f32 v4;
	v4 =	vmul.f32 $1.442695020e+00, v6;
	v6 =	vsub.f32 $0.0e+00, v36  }
0x2f: {  	v43 =	vpop (erf);
	(erf) = vpow2.f32 v5;
	v5 =	vmul.f32 $1.442695020e+00, v7;
	v7 =	vsub.f32 $0.0e+00, v38  }
0x30: {  	v44 =	vpop (erf);
	(erf) = vpow2.f32 v4;
	v4 =	vmul.f32 $1.442695020e+00, v6;
	v6 =	vsub.f32 $0.0e+00, v39  }
0x31: {  	v45 =	vpop (erf);
	(erf) = vpow2.f32 v5;
	v5 =	vmul.f32 $1.442695020e+00, v7;
	v7 =	vsub.f32 $0.0e+00, v40  }
0x32: {  	v46 =	vpop (erf);
	(erf) = vpow2.f32 v4;
	v4 =	vmul.f32 $1.442695020e+00, v6;
	v6 =	vsub.f32 $0.0e+00, v41  }
0x33: {  	v47 =	vpop (erf);
	(erf) = vpow2.f32 v5;
	v5 =	vmul.f32 $1.442695020e+00, v7;
	v7 =	vsub.f32 $0.0e+00, v42  }
0x34: {  	v48 =	vpop (erf);
	(erf) = vpow2.f32 v4;
	v4 =	vmul.f32 $1.442695020e+00, v6;
	v6 =	vsub.f32 $0.0e+00, v43  }
0x35: {  	v49 =	vpop (erf);
	(erf) = vpow2.f32 v5;
	v5 =	vmul.f32 $1.442695020e+00, v7;
	v7 =	vsub.f32 $0.0e+00, v44  }
0x36: {  	v50 =	vpop (erf);
	(erf) = vpow2.f32 v4;
	v4 =	vmul.f32 $1.442695020e+00, v6;
	v6 =	vsub.f32 $0.0e+00, v45  }
0x37: {  	v51 =	vpop (erf);
	(erf) = vpow2.f32 v5;
	v5 =	vmul.f32 $1.442695020e+00, v7;
	v7 =	vsub.f32 $0.0e+00, v46  }
0x38: {  	v52 =	vpop (erf);
	(erf) = vpow2.f32 v4;
	v4 =	vmul.f32 $1.442695020e+00, v6;
	v6 =	vsub.f32 $0.0e+00, v47  }
0x39: {  	v53 =	vpop (erf);
	(erf) = vpow2.f32 v5;
	v5 =	vmul.f32 $1.442695020e+00, v7;
	v7 =	vsub.f32 $0.0e+00, v48  }
0x3a: {  	v54 =	vpop (erf);
	(erf) = vpow2.f32 v4;
	v4 =	vmul.f32 $1.442695020e+00, v6;
	v6 =	vsub.f32 $0.0e+00, v49  }
0x3b: {  	(erf) = vpow2.f32 v5;
	v5 =	vmul.f32 $1.442695020e+00, v7;
	v7 =	vsub.f32 $0.0e+00, v50  }
0x3c: {  	v55 =	vpop (erf);
	(erf) = vpow2.f32 v4;
	v4 =	vmul.f32 $1.442695020e+00, v6  }
0x3d: {  	v56 =	vpop (erf);
	v6 =	vsub.f32 $0.0e+00, v51;
	(erf) = vpow2.f32 v5;
	v5 =	vmul.f32 $1.442695020e+00, v7  }
0x3e: {  	v57 =	vpop (erf);
	(erf) = vpow2.f32 v4  }
0x3f: {  	v4 =	vmul.f32 $1.442695020e+00, v6;
	v7 =	vpop (erf);
	(erf) = vpow2.f32 v5;
	v5 =	vsub.f32 $0.0e+00, v52  }
0x40: {  	v58 =	vsub.f32 $0.0e+00, v53  }
0x41: {  	v6 =	vpop (erf);
	(erf) = vpow2.f32 v4;
	v4 =	vmul.f32 $1.442695020e+00, v5  }
0x42: {  	v62 =	vimm.s32 $0x87654321;
	v60 =	vsub.f32 $0.0e+00, v54;
	v5 =	vmul.f32 $1.442695020e+00, v58  }
0x43: {  	v61 =	vimm.s32 $0xFFEDCBA9;
	v35 =	vunpack.c.l.s4.s8 v62;
	v59 =	vpop (erf);
	(erf) = vpow2.f32 v4  }
0x44: {  	v36 =	vsub.f32 $0.0e+00, v55;
	v63 =	vpop (erf);
	(erf) = vpow2.f32 v5;
	v5 =	vmul.f32 $1.442695020e+00, v60  }
0x45: {  	v10 =	vunpack.c.0.s8.s32 v35;
	v11 =	vsub.f32 $0.0e+00, v56;
	v4 =	vunpack.c.l.s4.s8 v61  }
0x46: {  	v13 =	vpop (erf);
	(erf) = vpow2.f32 v5;
	v5 =	vmul.f32 $1.442695020e+00, v36  }
0x47: {  	v11 =	vmul.f32 $1.442695020e+00, v11;
	v4 =	vunpack.c.0.s8.s32 v4  }
0x48: {  	v9 =	vpop (erf);
	(erf) = vpow2.f32 v5  }
0x49: {  	v4 =	vcombine.low v10, v4;
	v10 =	vpop (erf);
	v5 =	vimm.s32 $0x0;
	(erf) = vpow2.f32 v11  }
0x4a: {  	v38 =	vperm.xlane v7, v5;
	v40 =	vperm.xlane v6, v5  }
0x4b: {  	v42 =	vperm.xlane v59, v5;
	v45 =	vperm.xlane v13, v5  }
0x4c: {  	v4 =	vand.u32 $0xF, v4;
	v47 =	vperm.xlane v9, v5;
	v25 =	vperm.xlane v10, v5  }
0x4d: {  	v37 =	vperm.xlane v57, v4;
	v39 =	vperm.xlane v7, v4  }
0x4e: {  	v41 =	vperm.xlane v6, v4;
	v43 =	vperm.xlane v59, v4  }
0x4f: {  	v22 =	vpop (erf);
	v44 =	vperm.xlane v63, v4;
	v46 =	vperm.xlane v13, v4  }
0x50: {  	v24 =	vpop (erf);
	v48 =	vperm.xlane v9, v4;
	v26 =	vperm.xlane v10, v4  }
0x51: {  	vm0 =	vmmov $0x7fff;
	v27 =	vpop (erf);
	v49 =	vperm.xlane v22, v4;
	v28 =	vperm.xlane v24, v5  }
0x52: {  	vm1 =	veq.s32 v2, $0xF;
	v50 =	vperm.xlane v24, v4;
	v30 =	vperm.xlane v27, v5  }
0x53: {  	v51 =	vperm.xlane v27, v4;
	v11 =	vsel vm0, v37, v38;
	v16 =	vsel vm0, v39, v40  }
0x54: {  	v29 =	vpop (erf);
	v18 =	vsel vm0, v41, v42;
	v14 =	vsel vm1, $0x0, v43;
	v17 =	vsel vm0, v44, v45  }
0x55: {  	v19 =	vsel vm0, v46, v47;
	v23 =	vsel vm0, v48, v25;
	v31 =	vperm.xlane v29, v5  }
0x56: {  	v26 =	vsel vm1, $0x0, v26;
	v20 =	vsel vm0, v49, v28;
	v11 =	vadd.f32 v11, v63  }
0x57: {  	v52 =	vperm.xlane v29, v4;
	v32 =	vpop (erf);
	v16 =	vadd.f32 v16, v13;
	v18 =	vadd.f32 v18, v9  }
0x58: {  	v21 =	vsel vm0, v50, v30;
	v14 =	vadd.f32 v14, v10;
	v40 =	vadd.f32 v20, v32  }
0x59: {  	v53 =	vperm.xlane v32, v4;
	v11 =	vadd.f32 v17, v11;
	v16 =	vadd.f32 v19, v16  }
0x5a: {  	v25 =	vsel vm0, v51, v31;
	v54 =	vadd.f32 v23, v18;
	v14 =	vadd.f32 v26, v14  }
0x5b: {  	v28 =	vsel vm1, $0x0, v52;
	v30 =	vpop (erf);
	v23 =	vadd.f32 v23, v27;
	v26 =	vadd.f32 v26, v29  }
0x5c: {  	v33 =	vperm.xlane v30, v5;
	v42 =	vadd.f32 v21, v30;
	v11 =	vsub.f32 v11, v57  }
0x5d: {  	v34 =	vpop (erf);
	v35 =	vperm.xlane v30, v4;
	v7 =	vsub.f32 v16, v7;
	v6 =	vsub.f32 v54, v6  }
0x5e: {  	v36 =	vperm.xlane v34, v5;
	v57 =	vadd.f32 v17, v22;
	v8 =	vsub.f32 v14, v59  }
0x5f: {  	v58 =	vperm.xlane v34, v4;
	v59 =	vadd.f32 v19, v24;
	v62 =	vadd.f32 v25, v23  }
0x60: {  	v17 =	vpop (erf);
	v37 =	vadd.f32 v28, v26;
	v45 =	vadd.f32 v25, v34;
	v55 =	vsel vm0, v53, v33  }
0x61: {  	v60 =	vperm.xlane v17, v5;
	v48 =	vadd.f32 v28, v17;
	v12 =	vadd.f32 v20, v57  }
0x62: {  	v61 =	vperm.xlane v17, v4;
	v14 =	vadd.f32 v21, v59;
	v9 =	vsub.f32 v62, v9;
	[tilespmem:$0x1010] =	vst v7  }
0x63: {  	v56 =	vsel vm0, v35, v36;
	v7 =	vsub.f32 v37, v10;
	[tilespmem:$0x1020] =	vst v6;
	v6 =	vadd.f32 v55, v40  }
0x64: {  	v19 =	vsel vm0, v58, v60;
	v47 =	vadd.f32 v56, v42;
	v12 =	vsub.f32 v12, v63  }
0x65: {  	[tilespmem:$0x1000] =	vst v11;
	v36 =	vsel vm1, $0x0, v61;
	v63 =	vpop (erf);
	v13 =	vsub.f32 v14, v13;
	v6 =	vsub.f32 v6, v22  }
0x66: {  	[tilespmem:$0x1030] =	vst v8;
	v11 =	vadd.f32 v19, v45;
	v10 =	vadd.f32 v36, v48;
	v38 =	vpop (erf);
	v39 =	vperm.xlane v63, v4  }
0x67: {  	[tilespmem:$0x1060] =	vst v9;
	v8 =	vsub.f32 v47, v24;
	v53 =	vadd.f32 v55, v63;
	v41 =	vperm.xlane v38, v5  }
0x68: {  	[tilespmem:$0x1070] =	vst v7;
	v43 =	vpop (erf);
	v44 =	vperm.xlane v38, v4;
	v52 =	vsub.f32 v11, v27;
	v7 =	vsub.f32 v10, v29  }
0x69: {  	[tilespmem:$0x1040] =	vst v12;
	v55 =	vadd.f32 v56, v38;
	v46 =	vperm.xlane v43, v5;
	v50 =	vpop (erf);
	v51 =	vperm.xlane v43, v4  }
0x6a: {  	[tilespmem:$0x1050] =	vst v13;
	v57 =	vadd.f32 v19, v43;
	v15 =	vsel vm0, v39, v41;
	v54 =	vperm.xlane v50, v5  }
0x6b: {  	[tilespmem:$0x1080] =	vst v6;
	v56 =	vperm.xlane v50, v4;
	v49 =	vsel vm0, v44, v46;
	v6 =	vadd.f32 v15, v53  }
0x6c: {  	[tilespmem:$0x1090] =	vst v8;
	v60 =	vadd.f32 v36, v50;
	v58 =	vsel vm0, v51, v54;
	v59 =	vadd.f32 v49, v55  }
0x6d: {  	[tilespmem:$0x10A0] =	vst v52;
	v61 =	vsel vm1, $0x0, v56;
	v6 =	vsub.f32 v6, v32;
	v62 =	vadd.f32 v58, v57  }
0x6e: {  	[tilespmem:$0x10B0] =	vst v7;
	v63 =	vadd.f32 v61, v60;
	v7 =	vsub.f32 v59, v30  }
0x6f: {  	[tilespmem:$0x10C0] =	vst v6;
	v6 =	vsub.f32 v62, v34  }
0x70: {  	[tilespmem:$0x10D0] =	vst v7;
	v7 =	vsub.f32 v63, v17  }
0x71: {  	p0 =	sgt.u32 s1, $0x3;
	s4 =	sshll.u32 s4, $0x5;
	s6 =	sadd.s32 $0xA00, s3;
	[tilespmem:$0x10E0] =	vst v6  }
.Ltmp1:
0x72: {  	s31 =	sadd.s32 s6, s4;
	s4 =	simm.s32 $0x1000;
	[tilespmem:$0x10F0] =	vst v7;
	(pc) =	sbr.rel @p0 .LBB2_3-.Ltmp1, $4  }
0x73: {  	[hbm4b:s31+s2] =	stream.linear.scatter [tilespmem:s4], [sflag:$0x1], $0x100, $0x38;
	[tilespmem:$0x1200] =	vst v63  }
0x74: {  	_ =	swait.ge [sflag:s5], $0x100  }
0x75: {  	[sflag:s5] =	ssyncset.done $0x0  }
0x76: {  	[sflag:s5] =	ssyncadd.s32 $0xFFFFFF00  }
0x77: {  	s3 =	sshll.u32 s1, $0x6  }
0x78: {  	s2 =	sadd.s32 $0xEC0, s3  }
0x79: {  	v6 =	vor.u32 s2, v2;
	_ =	sdelay $0x1  }
0x7a: {  	v7 =	vor.u32 s2, v3  }
0x7b: {  	v8 =	vor.u32 s2, v1  }
0x7c: {  	s30 =	simm.s32 $0x0;
	s5 =	sor.u32 $0xF00, s3;
	v9 =	vor.u32 s2, v0  }
0x7d: {  	v20 =	vor.u32 s5, v2;
	v6 =	vld.idx.msk [tilespmem:v6+s30+$0x0], $0xffff  }
0x7e: {  	v21 =	vor.u32 s5, v3  }
0x7f: {  	v7 =	vld.idx.msk [tilespmem:v7+s30+$0x0], $0xffff  }
0x80: {  	v22 =	vor.u32 s5, v1;
	v8 =	vld.idx.msk [tilespmem:v8+s30+$0x0], $0xffff  }
0x81: {  	v23 =	vor.u32 s5, v0;
	v9 =	vld.idx.msk [tilespmem:v9+s30+$0x0], $0xffff  }
0x82: {  	v2 =	vld.idx.msk [tilespmem:v20+s30+$0x0], $0xffff;
	v6 =	vsub.f32 $0.0e+00, v6  }
0x83: {  	v3 =	vld.idx.msk [tilespmem:v21+s30+$0x0], $0xffff  }
0x84: {  	v7 =	vsub.f32 $0.0e+00, v7;
	v6 =	vmul.f32 $1.442695020e+00, v6  }
0x85: {  	v1 =	vld.idx.msk [tilespmem:v22+s30+$0x0], $0xffff;
	v8 =	vsub.f32 $0.0e+00, v8  }
0x86: {  	v0 =	vld.idx.msk [tilespmem:v23+s30+$0x0], $0xffff;
	v9 =	vsub.f32 $0.0e+00, v9;
	v7 =	vmul.f32 $1.442695020e+00, v7;
	(erf) = vpow2.f32 v6  }
0x87: {  	v2 =	vsub.f32 $0.0e+00, v2;
	v24 =	vmul.f32 $1.442695020e+00, v8  }
0x88: {  	v3 =	vsub.f32 $0.0e+00, v3;
	v25 =	vmul.f32 $1.442695020e+00, v9;
	(erf) = vpow2.f32 v7  }
0x89: {  	v2 =	vmul.f32 $1.442695020e+00, v2;
	(erf) = vpow2.f32 v24  }
0x8a: {  	v1 =	vsub.f32 $0.0e+00, v1;
	v3 =	vmul.f32 $1.442695020e+00, v3;
	(erf) = vpow2.f32 v25  }
0x8b: {  	v0 =	vsub.f32 $0.0e+00, v0;
	(erf) = vpow2.f32 v2  }
0x8c: {  	v1 =	vmul.f32 $1.442695020e+00, v1;
	(erf) = vpow2.f32 v3  }
0x8d: {  	v0 =	vmul.f32 $1.442695020e+00, v0  }
0x8e: {  	(erf) = vpow2.f32 v1  }
0x8f: {  	v26 =	vpop (erf);
	(erf) = vpow2.f32 v0  }
0x90: {  	v1 =	vsub.f32 $0.0e+00, v26  }
0x91: {  	v27 =	vpop (erf)  }
0x92: {  	v28 =	vpop (erf);
	v0 =	vsub.f32 $0.0e+00, v27;
	v1 =	vmul.f32 $1.442695020e+00, v1  }
0x93: {  	v29 =	vpop (erf);
	v2 =	vsub.f32 $0.0e+00, v28  }
0x94: {  	v30 =	vpop (erf);
	v0 =	vmul.f32 $1.442695020e+00, v0;
	v3 =	vsub.f32 $0.0e+00, v29;
	(erf) = vpow2.f32 v1  }
0x95: {  	v31 =	vpop (erf);
	v32 =	vmul.f32 $1.442695020e+00, v2;
	v33 =	vsub.f32 $0.0e+00, v30  }
0x96: {  	(erf) = vpow2.f32 v0;
	v35 =	vmul.f32 $1.442695020e+00, v3;
	v36 =	vsub.f32 $0.0e+00, v31  }
0x97: {  	v34 =	vpop (erf);
	(erf) = vpow2.f32 v32;
	v37 =	vmul.f32 $1.442695020e+00, v33  }
0x98: {  	v38 =	vsub.f32 $0.0e+00, v34;
	(erf) = vpow2.f32 v35;
	v39 =	vmul.f32 $1.442695020e+00, v36;
	v40 =	vpop (erf)  }
0x99: {  	(erf) = vpow2.f32 v37;
	v42 =	vsub.f32 $0.0e+00, v40  }
0x9a: {  	v41 =	vmul.f32 $1.442695020e+00, v38;
	(erf) = vpow2.f32 v39  }
0x9b: {  	v0 =	vmul.f32 $1.442695020e+00, v42  }
0x9c: {  	(erf) = vpow2.f32 v41  }
0x9d: {  	v43 =	vpop (erf);
	(erf) = vpow2.f32 v0;
	_ =	sdelay $0x1  }
0x9e: {  	v44 =	vpop (erf)  }
0x9f: {  	v46 =	vperm.xlane v43, v4;
	v45 =	vpop (erf);
	v48 =	vperm.xlane v44, v5  }
0xa0: {  	v17 =	vlaneseq.u32;
	v49 =	vperm.xlane v44, v4;
	v47 =	vpop (erf);
	v10 =	vperm.xlane v45, v5  }
0xa1: {  	vm1 =	veq.s32 v17, $0xF;
	v11 =	vperm.xlane v45, v4;
	v50 =	vpop (erf);
	v13 =	vperm.xlane v47, v5  }
0xa2: {  	v14 =	vperm.xlane v47, v4;
	v3 =	vsel vm0, v46, v48;
	v12 =	vpop (erf);
	v51 =	vperm.xlane v50, v4  }
0xa3: {  	v8 =	vsel vm0, v49, v10;
	v3 =	vadd.f32 v50, v3;
	v16 =	vperm.xlane v12, v5  }
0xa4: {  	v15 =	vpop (erf);
	v18 =	vperm.xlane v12, v4;
	v52 =	vsel vm0, v11, v13;
	v54 =	vsel vm1, $0x0, v14  }
0xa5: {  	v8 =	vadd.f32 v8, v12;
	v19 =	vperm.xlane v15, v5;
	v56 =	vperm.xlane v15, v4;
	v53 =	vpop (erf)  }
0xa6: {  	v59 =	vadd.f32 v52, v15;
	v7 =	vsel vm0, v51, v16;
	v57 =	vperm.xlane v53, v5  }
0xa7: {  	v55 =	vsel vm0, v18, v19;
	v3 =	vadd.f32 v7, v3;
	v58 =	vperm.xlane v53, v4  }
0xa8: {  	v8 =	vadd.f32 v55, v8;
	v60 =	vadd.f32 v54, v53;
	v5 =	vsel vm0, v56, v57  }
0xa9: {  	v1 =	vsub.f32 v3, v43;
	v4 =	vsel vm1, $0x0, v58;
	v61 =	vadd.f32 v5, v59  }
0xaa: {  	v0 =	vsub.f32 v8, v44;
	v4 =	vadd.f32 v4, v60  }
0xab: {  	[tilespmem:$0x1000] =	vst v1;
	v62 =	vsub.f32 v61, v45  }
0xac: {  	[tilespmem:$0x1010] =	vst v0;
	v63 =	vsub.f32 v4, v47  }
0xad: {  	s2 =	sshrl.u32 s2, $0x3;
	[tilespmem:$0x1020] =	vst v62  }
.Ltmp2:
0xae: {  	s31 =	simm.s32 $0x1;
	s2 =	sadd.s32 s6, s2;
	[tilespmem:$0x1030] =	vst v63;
	(pc) =	sbr.rel .LBB2_8-.Ltmp2, $4  }
0xaf: {  	[hbm4b:s2+s30] =	stream.linear.scatter [tilespmem:s4], [sflag:$0x1], $0x40, $0x38;
	[tilespmem:$0x1200] =	vst v63  }
0xb0: {  	_ =	swait.ge [sflag:s31], $0x40  }
0xb1: {  	[sflag:s31] =	ssyncset.done $0x0  }
0xb2: {  	[sflag:s31] =	ssyncadd.s32 $0xFFFFFFC0  }
.LBB2_5:
0xb3: {  	v4 =	vimm.s32 $0x140;
	v5 =	vld.msk [tilespmem:s2+$0x0], $0xffff  }
0xb4: {  	v4 =	vunpack.c.0.s8.s32 v4  }
0xb5: {  	vm0 =	vcmask $0xF00  }
0xb6: {  	v6 =	vimm.s32 $0x24180;
	v4 =	vnsel vm0, $0x0, v4  }
0xb7: {  	v6 =	vunpack.c.0.s8.s32 v6  }
0xb8: {  	v5 =	vsub.f32 $0.0e+00, v5  }
0xb9: {  	v6 =	vand.u32 $0xFF, v6  }
0xba: {  	v6 =	vnsel vm0, $0x0, v6;
	v5 =	vmul.f32 $1.442695020e+00, v5  }
0xbb: {  	v7 =	vimm.s32 $0xEDCBA987;
	v4 =	vld.idx.msk [tilespmem:v4+s2+$0x0], $0xffff  }
0xbc: {  	v8 =	vimm.s32 $0x65432100;
	v7 =	vunpack.c.l.s4.s8 v7;
	(erf) = vpow2.f32 v5  }
0xbd: {  	v5 =	vunpack.c.l.s4.s8 v8  }
0xbe: {  	v7 =	vunpack.c.0.s8.s32 v7  }
0xbf: {  	v6 =	vld.idx.msk [tilespmem:v6+s2+$0x0], $0xffff;
	v5 =	vunpack.c.0.s8.s32 v5  }
0xc0: {  	v8 =	vsub.f32 $0.0e+00, v4;
	v4 =	vand.u32 $0xF, v7  }
0xc1: {  	v4 =	vcombine.low v5, v4  }
0xc2: {  	v7 =	vimm.f32 $+Inf;
	v5 =	vmul.f32 $1.442695020e+00, v8  }
0xc3: {  	vm1 =	vmmov $0x1;
	vm0 =	veq.s32 v2, $0x0;
	v8 =	vperm.xlane v7, v4  }
0xc4: {  	v6 =	vsub.f32 $0.0e+00, v6;
	(erf) = vpow2.f32 v5;
	v5 =	vimm.s32 $0xF  }
0xc5: {  	v9 =	vsel vm0, $0x0, v8;
	v10 =	vpop (erf);
	v7 =	vperm.xlane v7, v5;
	v11 =	vsel vm0, $0x7F800000, v8  }
0xc6: {  	v10 =	vnsel vm1, $0x7F800000, v10;
	v9 =	vmin.f32 v9, v11  }
0xc7: {  	v6 =	vmul.f32 $1.442695020e+00, v6;
	v7 =	vsel vm1, v7, v8;
	v8 =	vadd.f32 v10, v9;
	_ =	sdelay $0x1  }
0xc8: {  	(erf) = vpow2.f32 v6;
	v6 =	vadd.f32 $+Inf, v7;
	v9 =	vperm.xlane v8, v4  }
0xc9: {  	v10 =	vperm.xlane v8, v5  }
0xca: {  	v12 =	vperm.xlane v6, v4;
	v14 =	vperm.xlane v6, v5;
	v9 =	vsel vm0, $0x7F800000, v9  }
0xcb: {  	vm2 =	vmmov $0x3;
	v8 =	vmin.f32 v8, v9  }
0xcc: {  	v15 =	vsel vm1, v10, v12;
	v14 =	vsel vm1, v14, v12;
	v13 =	vpop (erf);
	v8 =	vmin.f32 v8, v11  }
0xcd: {  	v11 =	vmin.f32 v6, v15;
	v6 =	vmin.f32 v6, v14;
	v13 =	vnsel vm2, $0x7F800000, v13  }
0xce: {  	v6 =	vmin.f32 v6, v7;
	v10 =	vadd.f32 v13, v8;
	v8 =	vmin.f32 v11, v7  }
0xcf: {  	v12 =	vadd.f32 $+Inf, v6;
	v11 =	vadd.f32 $+Inf, v8  }
0xd0: {  	v7 =	vperm.xlane v10, v4;
	v8 =	vperm.xlane v10, v5  }
0xd1: {  	vm2 =	vmmov $0x7;
	v6 =	vpop (erf);
	v17 =	vperm.xlane v12, v4;
	v13 =	vperm.xlane v11, v4  }
0xd2: {  	v6 =	vnsel vm2, $0x7F800000, v6;
	v16 =	vperm.xlane v11, v5;
	v7 =	vsel vm0, $0x7F800000, v7  }
0xd3: {  	v8 =	vsel vm1, v8, v13;
	v13 =	vperm.xlane v12, v5;
	v7 =	vmin.f32 v10, v7  }
0xd4: {  	v16 =	vsel vm1, v16, v17;
	v7 =	vmin.f32 v7, v9;
	v8 =	vmin.f32 v11, v8  }
0xd5: {  	v9 =	vsel vm1, v13, v17;
	v13 =	vadd.f32 v6, v7;
	v6 =	vmin.f32 v8, v15  }
0xd6: {  	v15 =	vadd.f32 $+Inf, v6;
	v6 =	vmin.f32 v12, v16;
	v7 =	vmin.f32 v12, v9  }
0xd7: {  	v8 =	vmin.f32 v6, v14;
	v7 =	vmin.f32 v7, v14;
	v6 =	vmul.u32 $0xFFFFFFFF, v2  }
0xd8: {  	v17 =	vadd.f32 $+Inf, v8;
	v16 =	vadd.f32 $+Inf, v7  }
0xd9: {  	s3 =	simm.s32 $0x6;
	v14 =	vmovc v12;
	v7 =	vadd.s32 $0xFFFFFFF0, v6;
	v8 =	vadd.s32 $0xFFFFFFE0, v6;
	v9 =	vadd.s32 $0xFFFFFFD0, v6  }
.LBB2_6:
0xda: {  	s5 =	sadd.s32 $0xFFFFFFFD, s3  }
0xdb: {  	v20 =	vadd.s32 s5, v6  }
0xdc: {  	v18 =	vshll.u32 v20, $0x6  }
0xdd: {  	v21 =	vadd.s32 s5, v7;
	v18 =	vor.u32 v2, v18  }
0xde: {  	v19 =	vshll.u32 v21, $0x6;
	vm2 =	vgt.s32 v18, $0x0  }
0xdf: {  	v22 =	vor.u32 v3, v19;
	v18 =	vnsel vm2, $0x0, v18  }
0xe0: {  	vm2 =	vgt.s32 v22, $0x0;
	v23 =	vmin.u32 v18, $0xFFF;
	v18 =	vadd.s32 s5, v8  }
0xe1: {  	v22 =	vnsel vm2, $0x0, v22;
	v24 =	vshll.u32 v18, $0x6  }
0xe2: {  	s30 =	sadd.s32 $0xFFFFFFFE, s3;
	v19 =	vadd.s32 s5, v9;
	v26 =	vmin.u32 v22, $0xFFF;
	v24 =	vor.u32 v1, v24  }
0xe3: {  	v25 =	vshll.u32 v19, $0x6;
	v22 =	vadd.s32 s30, v6;
	vm2 =	vgt.s32 v24, $0x0  }
0xe4: {  	v25 =	vor.u32 v0, v25;
	v27 =	vshll.u32 v22, $0x6;
	v50 =	vnsel vm2, $0x0, v24  }
0xe5: {  	v27 =	vor.u32 v2, v27;
	vm2 =	vgt.s32 v25, $0x0;
	v24 =	vmin.u32 v50, $0xFFF  }
0xe6: {  	v38 =	vadd.s32 s3, v6;
	v51 =	vnsel vm2, $0x0, v25;
	v23 =	vld.idx.msk [tilespmem:v23+s2+$0x0], $0xffff;
	vm2 =	vgt.s32 v27, $0x0  }
0xe7: {  	v40 =	vadd.s32 s3, v7;
	v25 =	vmin.u32 v51, $0xFFF;
	v26 =	vld.idx.msk [tilespmem:v26+s2+$0x0], $0xffff;
	v27 =	vnsel vm2, $0x0, v27  }
0xe8: {  	s31 =	sadd.s32 $0xFFFFFFFF, s3;
	v42 =	vadd.s32 s3, v8;
	v12 =	vperm.xlane v12, v4;
	v27 =	vmin.u32 v27, $0xFFF  }
0xe9: {  	v28 =	vadd.s32 s30, v9;
	v30 =	vadd.s32 s31, v6;
	v32 =	vadd.s32 s31, v7  }
0xea: {  	v34 =	vadd.s32 s31, v8;
	v36 =	vadd.s32 s31, v9;
	v39 =	vshll.u32 v38, $0x6;
	v24 =	vld.idx.msk [tilespmem:v24+s2+$0x0], $0xffff  }
0xeb: {  	v41 =	vshll.u32 v40, $0x6;
	v43 =	vshll.u32 v42, $0x6;
	v23 =	vsub.f32 $0.0e+00, v23  }
0xec: {  	v29 =	vshll.u32 v28, $0x6;
	v31 =	vshll.u32 v30, $0x6;
	v25 =	vld.idx.msk [tilespmem:v25+s2+$0x0], $0xffff;
	v26 =	vsub.f32 $0.0e+00, v26  }
0xed: {  	v33 =	vshll.u32 v32, $0x6;
	v35 =	vshll.u32 v34, $0x6;
	v23 =	vmul.f32 $1.442695020e+00, v23;
	v27 =	vld.idx.msk [tilespmem:v27+s2+$0x0], $0xffff  }
0xee: {  	v37 =	vshll.u32 v36, $0x6;
	v39 =	vor.u32 v2, v39;
	v26 =	vmul.f32 $1.442695020e+00, v26  }
0xef: {  	v41 =	vor.u32 v3, v41;
	(erf) = vpow2.f32 v23;
	v24 =	vsub.f32 $0.0e+00, v24  }
0xf0: {  	v29 =	vor.u32 v0, v29;
	v23 =	vadd.s32 s30, v7;
	(erf) = vpow2.f32 v26  }
0xf1: {  	v26 =	vadd.s32 s30, v8;
	v25 =	vsub.f32 $0.0e+00, v25;
	v24 =	vmul.f32 $1.442695020e+00, v24  }
0xf2: {  	v52 =	vshll.u32 v23, $0x6;
	v54 =	vshll.u32 v26, $0x6;
	v53 =	vsub.f32 $0.0e+00, v27  }
0xf3: {  	v25 =	vmul.f32 $1.442695020e+00, v25;
	(erf) = vpow2.f32 v24;
	v24 =	vor.u32 v3, v52  }
0xf4: {  	v31 =	vor.u32 v2, v31;
	v27 =	vor.u32 v1, v54;
	vm2 =	vgt.s32 v24, $0x0  }
0xf5: {  	(erf) = vpow2.f32 v25;
	v25 =	vmul.f32 $1.442695020e+00, v53;
	v24 =	vnsel vm2, $0x0, v24  }
0xf6: {  	v33 =	vor.u32 v3, v33;
	vm2 =	vgt.s32 v27, $0x0;
	v24 =	vmin.u32 v24, $0xFFF  }
0xf7: {  	v27 =	vnsel vm2, $0x0, v27;
	vm2 =	vgt.s32 v29, $0x0;
	(erf) = vpow2.f32 v25  }
0xf8: {  	v27 =	vmin.u32 v27, $0xFFF;
	v29 =	vnsel vm2, $0x0, v29;
	vm2 =	vgt.s32 v31, $0x0  }
0xf9: {  	v29 =	vmin.u32 v29, $0xFFF;
	v31 =	vnsel vm2, $0x0, v31;
	vm2 =	vgt.s32 v33, $0x0  }
0xfa: {  	v35 =	vor.u32 v1, v35;
	v31 =	vmin.u32 v31, $0xFFF;
	v33 =	vnsel vm2, $0x0, v33  }
0xfb: {  	v37 =	vor.u32 v0, v37;
	vm2 =	vgt.s32 v35, $0x0;
	v33 =	vmin.u32 v33, $0xFFF  }
0xfc: {  	v43 =	vor.u32 v1, v43;
	v35 =	vnsel vm2, $0x0, v35;
	vm2 =	vgt.s32 v37, $0x0;
	v24 =	vld.idx.msk [tilespmem:v24+s2+$0x0], $0xffff  }
0xfd: {  	v47 =	vpop (erf);
	v35 =	vmin.u32 v35, $0xFFF;
	v37 =	vnsel vm2, $0x0, v37;
	vm2 =	vgt.s32 v39, $0x0;
	v27 =	vld.idx.msk [tilespmem:v27+s2+$0x0], $0xffff  }
0xfe: {  	v48 =	vpop (erf);
	v37 =	vmin.u32 v37, $0xFFF;
	v39 =	vnsel vm2, $0x0, v39;
	vm2 =	vgt.s32 v41, $0x0;
	v29 =	vld.idx.msk [tilespmem:v29+s2+$0x0], $0xffff  }
0xff: {  	v50 =	vpop (erf);
	v39 =	vmin.u32 v39, $0xFFF;
	v41 =	vnsel vm2, $0x0, v41;
	vm2 =	vgt.s32 v43, $0x0;
	v31 =	vld.idx.msk [tilespmem:v31+s2+$0x0], $0xffff  }
0x100: {  	vm3 =	vlt.u32 v21, $0x40;
	vm15 =	vlt.u32 v28, $0x40;
	v53 =	vpop (erf);
	v43 =	vnsel vm2, $0x0, v43;
	v33 =	vld.idx.msk [tilespmem:v33+s2+$0x0], $0xffff  }
0x101: {  	vm4 =	vlt.u32 v22, $0x40;
	v43 =	vmin.u32 v43, $0xFFF;
	v54 =	vpop (erf);
	v24 =	vsub.f32 $0.0e+00, v24  }
0x102: {  	v41 =	vmin.u32 v41, $0xFFF;
	v35 =	vld.idx.msk [tilespmem:v35+s2+$0x0], $0xffff;
	v21 =	vnsel vm4, $0x7F800000, v54;
	v27 =	vsub.f32 $0.0e+00, v27  }
0x103: {  	v57 =	vld.idx.msk [tilespmem:v37+s2+$0x0], $0xffff;
	v37 =	vadd.s32 s3, v9;
	v24 =	vmul.f32 $1.442695020e+00, v24;
	v29 =	vsub.f32 $0.0e+00, v29  }
0x104: {  	v60 =	vld.idx.msk [tilespmem:v39+s2+$0x0], $0xffff;
	v39 =	vshll.u32 v37, $0x6;
	v55 =	vmul.f32 $1.442695020e+00, v27;
	v56 =	vsub.f32 $0.0e+00, v31  }
0x105: {  	(erf) = vpow2.f32 v24;
	v58 =	vmul.f32 $1.442695020e+00, v29;
	v59 =	vsub.f32 $0.0e+00, v33  }
0x106: {  	v44 =	vld.idx.msk [tilespmem:v43+s2+$0x0], $0xffff;
	v29 =	vor.u32 v0, v39;
	v43 =	vperm.xlane v15, v4;
	(erf) = vpow2.f32 v55  }
0x107: {  	v62 =	vld.idx.msk [tilespmem:v41+s2+$0x0], $0xffff;
	v61 =	vmul.f32 $1.442695020e+00, v56;
	v41 =	vsub.f32 $0.0e+00, v35;
	vm2 =	vgt.s32 v29, $0x0  }
0x108: {  	(erf) = vpow2.f32 v58;
	v63 =	vmul.f32 $1.442695020e+00, v59;
	v45 =	vsub.f32 $0.0e+00, v57  }
0x109: {  	v29 =	vnsel vm2, $0x0, v29;
	vm2 =	vlt.u32 v20, $0x40;
	v58 =	vnsel vm3, $0x7F800000, v48  }
0x10a: {  	vm3 =	vlt.u32 v19, $0x40;
	v48 =	vperm.xlane v10, v5;
	v10 =	vperm.xlane v10, v4  }
0x10b: {  	(erf) = vpow2.f32 v61;
	v25 =	vmul.f32 $1.442695020e+00, v41;
	v46 =	vsub.f32 $0.0e+00, v60  }
0x10c: {  	v29 =	vmin.u32 v29, $0xFFF;
	v57 =	vnsel vm2, $0x7F800000, v47;
	v47 =	vperm.xlane v16, v4  }
0x10d: {  	vm2 =	vlt.u32 v18, $0x40;
	(erf) = vpow2.f32 v63;
	v24 =	vmul.f32 $1.442695020e+00, v45  }
0x10e: {  	v60 =	vnsel vm2, $0x7F800000, v50;
	v45 =	vperm.xlane v17, v4;
	v50 =	vperm.xlane v13, v4  }
0x10f: {  	v27 =	vsub.f32 $0.0e+00, v62;
	(erf) = vpow2.f32 v25;
	v49 =	vmul.f32 $1.442695020e+00, v46  }
0x110: {  	v52 =	vsub.f32 $0.0e+00, v44;
	v44 =	vperm.xlane v15, v5;
	(erf) = vpow2.f32 v24  }
0x111: {  	v20 =	vnsel vm3, $0x7F800000, v53;
	v51 =	vmul.f32 $1.442695020e+00, v27;
	(erf) = vpow2.f32 v49  }
0x112: {  	vm3 =	vlt.u32 v26, $0x40;
	v55 =	vmul.f32 $1.442695020e+00, v52;
	v49 =	vperm.xlane v11, v4  }
0x113: {  	vm2 =	vlt.u32 v23, $0x40;
	v11 =	vperm.xlane v11, v5;
	(erf) = vpow2.f32 v51;
	v18 =	vld.idx.msk [tilespmem:v29+s2+$0x0], $0xffff  }
0x114: {  	v10 =	vsel vm0, $0x7F800000, v10;
	v51 =	vperm.xlane v14, v4;
	v14 =	vperm.xlane v14, v5;
	v56 =	vpop (erf)  }
0x115: {  	v46 =	vperm.xlane v17, v5;
	(erf) = vpow2.f32 v55;
	v19 =	vpop (erf);
	v23 =	vnsel vm2, $0x7F800000, v56  }
0x116: {  	vm2 =	vlt.u32 v30, $0x40;
	v11 =	vsel vm1, v11, v51;
	v12 =	vsel vm1, v14, v12;
	v59 =	vpop (erf)  }
0x117: {  	v19 =	vnsel vm3, $0x7F800000, v19;
	vm3 =	vlt.u32 v32, $0x40;
	v61 =	vpop (erf);
	v22 =	vnsel vm15, $0x7F800000, v59  }
0x118: {  	v62 =	vpop (erf);
	v18 =	vsub.f32 $0.0e+00, v18;
	v29 =	vnsel vm2, $0x7F800000, v61;
	vm2 =	vlt.u32 v34, $0x40  }
0x119: {  	v34 =	vsel vm1, v46, v47;
	v63 =	vpop (erf);
	v25 =	vnsel vm3, $0x7F800000, v62;
	vm3 =	vlt.u32 v40, $0x40  }
0x11a: {  	v35 =	vpop (erf);
	v26 =	vnsel vm2, $0x7F800000, v63;
	vm2 =	vlt.u32 v36, $0x40;
	v18 =	vmul.f32 $1.442695020e+00, v18  }
0x11b: {  	v36 =	vsel vm1, v48, v49;
	v39 =	vpop (erf);
	v28 =	vnsel vm2, $0x7F800000, v35;
	vm2 =	vlt.u32 v38, $0x40  }
0x11c: {  	v35 =	vsel vm1, v44, v45;
	v38 =	vsel vm0, $0x7F800000, v50;
	v30 =	vnsel vm2, $0x7F800000, v39  }
0x11d: {  	v41 =	vpop (erf);
	(erf) = vpow2.f32 v18;
	vm2 =	vlt.u32 v42, $0x40;
	v42 =	vperm.xlane v13, v5  }
0x11e: {  	v13 =	vmin.f32 v13, v38;
	v14 =	vmin.f32 v17, v35;
	v31 =	vnsel vm3, $0x7F800000, v41  }
0x11f: {  	v10 =	vmin.f32 v13, v10;
	v11 =	vmin.f32 v14, v11;
	v32 =	vsel vm1, v42, v43  }
0x120: {  	v14 =	vmin.f32 v16, v34;
	v10 =	vadd.f32 v10, v57;
	v13 =	vmin.f32 v15, v32  }
0x121: {  	v18 =	vpop (erf);
	v11 =	vadd.f32 v11, v60;
	v12 =	vmin.f32 v14, v12;
	v13 =	vmin.f32 v13, v36  }
0x122: {  	v18 =	vnsel vm2, $0x7F800000, v18;
	v14 =	vperm.xlane v10, v4;
	v13 =	vadd.f32 v13, v58  }
0x123: {  	v12 =	vadd.f32 v12, v20;
	v15 =	vperm.xlane v10, v5;
	v52 =	vperm.xlane v11, v4  }
0x124: {  	v24 =	vperm.xlane v11, v5;
	v14 =	vsel vm0, $0x7F800000, v14;
	v16 =	vperm.xlane v13, v4  }
0x125: {  	v53 =	vperm.xlane v12, v4;
	v17 =	vperm.xlane v13, v5;
	v10 =	vmin.f32 v10, v14  }
0x126: {  	vm2 =	vlt.u32 v37, $0x40;
	v10 =	vmin.f32 v10, v38;
	v15 =	vsel vm1, v15, v16  }
0x127: {  	v16 =	vsel vm1, v17, v52;
	v17 =	vsel vm1, v24, v53;
	v13 =	vmin.f32 v13, v15  }
0x128: {  	v10 =	vadd.f32 v10, v21;
	v11 =	vmin.f32 v11, v16;
	v13 =	vmin.f32 v13, v32  }
0x129: {  	v12 =	vmin.f32 v12, v17;
	v11 =	vmin.f32 v11, v35;
	v13 =	vadd.f32 v13, v23  }
0x12a: {  	v12 =	vmin.f32 v12, v34;
	v21 =	vperm.xlane v10, v5;
	v11 =	vadd.f32 v11, v19  }
0x12b: {  	v54 =	vpop (erf);
	v19 =	vperm.xlane v10, v4;
	v12 =	vadd.f32 v12, v22;
	v55 =	vperm.xlane v13, v4  }
0x12c: {  	v20 =	vnsel vm2, $0x7F800000, v54;
	v23 =	vperm.xlane v13, v5;
	v56 =	vperm.xlane v11, v4  }
0x12d: {  	v19 =	vsel vm0, $0x7F800000, v19;
	v57 =	vperm.xlane v11, v5;
	v58 =	vperm.xlane v12, v4  }
0x12e: {  	v10 =	vmin.f32 v10, v19;
	v21 =	vsel vm1, v21, v55;
	v59 =	vsel vm1, v23, v56  }
0x12f: {  	v60 =	vsel vm1, v57, v58;
	v10 =	vmin.f32 v10, v14;
	v13 =	vmin.f32 v13, v21  }
0x130: {  	v10 =	vadd.f32 v10, v29;
	v14 =	vmin.f32 v11, v59;
	v13 =	vmin.f32 v13, v15  }
0x131: {  	v12 =	vmin.f32 v12, v60;
	v11 =	vadd.f32 v13, v25;
	v13 =	vmin.f32 v14, v16  }
0x132: {  	v12 =	vmin.f32 v12, v17;
	v14 =	vadd.f32 v13, v26;
	v13 =	vperm.xlane v10, v4  }
0x133: {  	v12 =	vadd.f32 v12, v28;
	v15 =	vperm.xlane v10, v5;
	v16 =	vperm.xlane v11, v4  }
0x134: {  	v17 =	vperm.xlane v11, v5;
	v13 =	vsel vm0, $0x7F800000, v13;
	v61 =	vperm.xlane v14, v4  }
0x135: {  	p0 =	sne.s32 s3, $0x7E;
	v63 =	vperm.xlane v12, v4;
	v62 =	vperm.xlane v14, v5;
	v13 =	vmin.f32 v10, v13  }
.Ltmp3:
0x136: {  	v15 =	vsel vm1, v15, v16;
	v16 =	vsel vm1, v17, v61;
	v13 =	vmin.f32 v13, v19;
	(pc) =	sbr.rel @p0 .LBB2_6-.Ltmp3, $4  }
0x137: {  	v17 =	vsel vm1, v62, v63;
	v15 =	vmin.f32 v11, v15;
	v13 =	vadd.f32 v13, v30  }
0x138: {  	v15 =	vmin.f32 v15, v21;
	v16 =	vmin.f32 v14, v16;
	v17 =	vmin.f32 v12, v17  }
0x139: {  	v15 =	vadd.f32 v15, v31;
	v16 =	vmin.f32 v16, v59;
	v19 =	vmin.f32 v17, v60  }
0x13a: {  	s3 =	sadd.s32 $0x4, s3;
	v17 =	vadd.f32 v16, v18;
	v16 =	vadd.f32 v19, v20  }
0x13b: {  	s2 =	simm.s32 $0x0  }
.Ltmp4:
0x13c: {  	s3 =	simm.s32 $0x1180;
	s31 =	simm.s32 $0x1;
	[tilespmem:$0x1180] =	vst v16;
	(pc) =	sbr.rel .LBB2_8-.Ltmp4, $4  }
0x13d: {  	[hbm4b:s4+s2] =	stream.linear.scatter [tilespmem:s3], [sflag:$0x1], $0x80, $0x38;
	[tilespmem:$0x1200] =	vst v63  }
0x13e: {  	_ =	swait.ge [sflag:s31], $0x80  }
0x13f: {  	[sflag:s31] =	ssyncset.done $0x0  }
0x140: {  	[sflag:s31] =	ssyncadd.s32 $0xFFFFFF80  }
.LBB2_3:
0x141: {  	p0 =	sne.s32 s1, $0x4  }
.Ltmp5:
0x142: {  	_ = 	snop;
	(pc) =	sbr.rel @p0 .LBB2_8-.Ltmp5, $1  }
0x143: {  	_ =	sdelay $0x3  }
0x144: {  	v0 =	vlaneseq.u32  }
0x145: {  	v1 =	vor.u32 $0xFC0, v0  }
0x146: {  	v2 =	vor.u32 $0xFD0, v0  }
0x147: {  	v3 =	vor.u32 $0xFE0, v0  }
0x148: {  	v4 =	vor.u32 $0xFF0, v0  }
0x149: {  	s2 =	simm.s32 $0x0  }
0x14a: {  	v1 =	vld.idx.msk [tilespmem:v1+s2+$0x0], $0xffff  }
0x14b: {  	v2 =	vld.idx.msk [tilespmem:v2+s2+$0x0], $0xffff  }
0x14c: {  	v3 =	vld.idx.msk [tilespmem:v3+s2+$0x0], $0xffff  }
0x14d: {  	v4 =	vld.idx.msk [tilespmem:v4+s2+$0x0], $0xffff;
	_ =	sdelay $0x1  }
0x14e: {  	v1 =	vsub.f32 $0.0e+00, v1  }
0x14f: {  	v2 =	vsub.f32 $0.0e+00, v2  }
0x150: {  	v3 =	vsub.f32 $0.0e+00, v3;
	v1 =	vmul.f32 $1.442695020e+00, v1  }
0x151: {  	v4 =	vsub.f32 $0.0e+00, v4;
	v2 =	vmul.f32 $1.442695020e+00, v2  }
0x152: {  	v46 =	vmul.f32 $1.442695020e+00, v3;
	(erf) = vpow2.f32 v1  }
0x153: {  	v47 =	vmul.f32 $1.442695020e+00, v4;
	(erf) = vpow2.f32 v2  }
0x154: {  	(erf) = vpow2.f32 v46  }
0x155: {  	(erf) = vpow2.f32 v47;
	_ =	sdelay $0x5  }
0x156: {  	v48 =	vpop (erf)  }
0x157: {  	v49 =	vpop (erf);
	v1 =	vsub.f32 $0.0e+00, v48  }
0x158: {  	v50 =	vpop (erf);
	v2 =	vsub.f32 $0.0e+00, v49  }
0x159: {  	v51 =	vpop (erf);
	v1 =	vmul.f32 $1.442695020e+00, v1;
	v3 =	vsub.f32 $0.0e+00, v50  }
0x15a: {  	v2 =	vmul.f32 $1.442695020e+00, v2;
	v4 =	vsub.f32 $0.0e+00, v51  }
0x15b: {  	(erf) = vpow2.f32 v1;
	v52 =	vmul.f32 $1.442695020e+00, v3  }
0x15c: {  	(erf) = vpow2.f32 v2;
	v53 =	vmul.f32 $1.442695020e+00, v4  }
0x15d: {  	v54 =	vimm.s32 $0xFFEDCBA9;
	v55 =	vimm.s32 $0x87654321;
	(erf) = vpow2.f32 v52  }
0x15e: {  	v1 =	vunpack.c.l.s4.s8 v54;
	v2 =	vunpack.c.l.s4.s8 v55;
	(erf) = vpow2.f32 v53;
	_ =	sdelay $0x1  }
0x15f: {  	v1 =	vunpack.c.0.s8.s32 v1;
	v2 =	vunpack.c.0.s8.s32 v2;
	_ =	sdelay $0x1  }
0x160: {  	v1 =	vcombine.low v2, v1;
	_ =	sdelay $0x1  }
0x161: {  	v58 =	vimm.s32 $0x0;
	v13 =	vimm.f32 $0.0e+00;
	v1 =	vand.u32 $0xF, v1;
	v56 =	vpop (erf)  }
0x162: {  	v4 =	vperm.xlane v13, v58;
	v59 =	vperm.xlane v13, v1;
	v57 =	vpop (erf)  }
0x163: {  	v6 =	vperm.xlane v56, v1;
	v5 =	vpop (erf);
	v7 =	vperm.xlane v57, v58  }
0x164: {  	vm1 =	veq.s32 v0, $0xF;
	v9 =	vperm.xlane v57, v1;
	v8 =	vpop (erf);
	v10 =	vperm.xlane v5, v58  }
0x165: {  	v11 =	vperm.xlane v5, v1;
	v12 =	vperm.xlane v8, v58;
	v6 =	vsel vm0, v6, v7  }
0x166: {  	v1 =	vperm.xlane v8, v1;
	v9 =	vsel vm0, v9, v10;
	v6 =	vadd.f32 $0.0e+00, v6  }
0x167: {  	v61 =	vsel vm0, v59, v4;
	v60 =	vsel vm0, v11, v12;
	v62 =	vadd.f32 $0.0e+00, v9  }
0x168: {  	v1 =	vsel vm1, $0x0, v1;
	v6 =	vadd.f32 v61, v6;
	v63 =	vadd.f32 $0.0e+00, v60  }
0x169: {  	v1 =	vadd.f32 $0.0e+00, v1;
	v4 =	vadd.f32 v61, v62  }
0x16a: {  	v7 =	vsel vm1, $0x0, v59;
	v2 =	vsub.f32 v6, v56;
	v0 =	vadd.f32 v61, v63  }
0x16b: {  	v1 =	vadd.f32 v7, v1;
	v3 =	vsub.f32 v4, v57  }
0x16c: {  	[tilespmem:$0x1000] =	vst v2;
	v0 =	vsub.f32 v0, v5  }
0x16d: {  	v1 =	vsub.f32 v1, v8;
	[tilespmem:$0x1010] =	vst v3  }
0x16e: {  	[tilespmem:$0x1020] =	vst v0  }
0x16f: {  	s3 =	sadd.s32 $0xBF8, s3;
	s4 =	simm.s32 $0x1000;
	s31 =	simm.s32 $0x1;
	[tilespmem:$0x1030] =	vst v1  }
0x170: {  	[hbm4b:s3+s2] =	stream.linear.scatter [tilespmem:s4], [sflag:$0x1], $0x40, $0x38;
	[tilespmem:$0x1200] =	vst v63  }
0x171: {  	_ =	swait.ge [sflag:s31], $0x40  }
0x172: {  	[sflag:s31] =	ssyncset.done $0x0  }
0x173: {  	[sflag:s31] =	ssyncadd.s32 $0xFFFFFFC0  }
.LBB2_8:
0x174: {  	_ =	sfence.sel $0x180000  }
0x175: {  	[bflag:$0x0] =	sbarrier.arrive $0xFFFF  }
0x176: {  	p0 =	sne.s32 s1, $0x0;
	_ =	strace $0x90000047  }
0x177: {  	s0 =	sadd.s32 @!p0 $0x100000, s0;
	[bflag:$0x2] =	sbarrier.arrive $0xFFFF  }
0x178: {  	[sflag:s0] =	ssyncadd.tile.s32 @!p0 $0x1;
	_ =	shalt  }
.Lfunc_end2:
_tile_overlayer_lowered:
.L_overlay_start_2:
0x179: {  	(tag) =	ssettag $0x2  }
0x17a: {  	s0 =	rddreg [dreg:$0x0];
	s2 =	stileid.u32  }
0x17b: {  	s1 =	rddreg [dreg:$0x1];
	p0 =	sne.s32 s2, $0x0  }
0x17c: {  	s3 =	rddreg [dreg:$0x2];
	[bflag:$0x3] =	sbarrier.arrive $0xFFFF;
	s2 =	simm.s32 @!p0 $0x1C01  }
0x17d: {  	[timem:s3], [sflag:s2] =	dma.local @!p0 [hbm:s0], s1  }
0x17e: {  	s0 =	simm.s32 @!p0 $0x1  }
0x17f: {  	_ =	swait.ge @!p0 [sflag:s0], s1  }
0x180: {  	s1 =	ssub.s32 @!p0 $0x0, s1;
	[sflag:s0] =	ssyncset.done @!p0 $0x0  }
0x181: {  	[sflag:s0] =	ssyncadd.s32 @!p0 s1  }
0x182: {  	[bflag:$0x3] =	sbarrier.arrive $0xFFFF  }
0x183: {  	_ =	shalt  }

</sc_bundles>
